<compile_context>
chip_gen: v7x
topology: tpu7x:2x2x1
jax: 0.10.2.dev20260603
libtpu: 0.0.44.dev20260713+nightly
codegen_flags: <defaults>
</compile_context>

<pallas_src>
import functools

import jax
import jax.numpy as jnp
from jax import lax
from jax.experimental import pallas as pl
from jax.experimental.pallas import tpu as pltpu
from jax.experimental.pallas import tpu_sc as plsc

NC = 2
NS = 16
NW = NC * NS
CH = 128

_SC_PARAMS = pltpu.CompilerParams(use_tc_tiling_on_sc=False,
                                  needs_layout_passes=False)


def _mesh():
    return plsc.VectorSubcoreMesh(core_axis_name="c", subcore_axis_name="s",
                                  num_cores=NC, num_subcores=NS)


def _tc_prep(x_ref, a_ref, xnb16_ref, t_ref):
    xb = x_ref[...]
    ss = jnp.sum(xb * xb, axis=1, keepdims=True)
    inv = 1.0 / (jnp.sqrt(ss) + 1e-12)
    xnb = xb * inv
    xnb16_ref[...] = xnb.astype(jnp.bfloat16)
    t_ref[...] = lax.dot_general(a_ref[...], xnb, (((1,), (1,)), ((), ())),
                                 preferred_element_type=jnp.float32)


def _tc_sum2(p_ref, o_ref):
    o_ref[...] = p_ref[0] + p_ref[1]


def _tc_sumn(p_ref, o_ref):
    o_ref[...] = jnp.sum(p_ref[...], axis=0)


def _make_sc_pass_a(n_pad, e_pad, ept, nchunk):
    cha = CH
    nchunk_a = ept // cha
    assert nchunk_a % 2 == 0

    @functools.partial(
        pl.kernel,
        out_type=[jax.ShapeDtypeStruct((e_pad, 4), jnp.float32),
                  jax.ShapeDtypeStruct((NW, n_pad * 4), jnp.float32)],
        mesh=_mesh(),
        scratch_types=[
            pltpu.VMEM((8, n_pad), jnp.float32),
            pltpu.VMEM((n_pad * 4,), jnp.float32),
            pltpu.VMEM((CH,), jnp.int32),
            pltpu.VMEM((CH,), jnp.int32),
            pltpu.VMEM((CH,), jnp.int32),
            pltpu.VMEM((CH,), jnp.int32),
            pltpu.VMEM((CH,), jnp.float32),
            pltpu.VMEM((CH,), jnp.float32),
            pltpu.VMEM((CH, 4), jnp.float32),
            pltpu.VMEM((CH, 4), jnp.float32),
            pltpu.SemaphoreType.DMA,
            pltpu.SemaphoreType.DMA,
            pltpu.SemaphoreType.DMA,
            pltpu.SemaphoreType.DMA,
        ],
        compiler_params=_SC_PARAMS,
    )
    def pass_a(t_hbm, src_hbm, dst_hbm, rc_hbm, zz4_hbm, ee_hbm, rsp_hbm,
               t_v, rs_v, si0, si1, di0, di1, rc0, rc1, ee0, ee1,
               sf0, sf1, sw0, sw1):
        c = lax.axis_index("c")
        s = lax.axis_index("s")
        wid = c * NS + s
        si = (si0, si1)
        di = (di0, di1)
        rc = (rc0, rc1)
        ee = (ee0, ee1)
        sf = (sf0, sf1)
        sw = (sw0, sw1)
        pltpu.sync_copy(t_hbm, t_v)
        pltpu.sync_copy(zz4_hbm, rs_v)

        def fetch_idx(ch, p):
            base = wid * ept + ch * cha
            pltpu.async_copy(src_hbm.at[pl.ds(base, cha)], si[p], sf[p])
            pltpu.async_copy(dst_hbm.at[pl.ds(base, cha)], di[p], sf[p])
            pltpu.async_copy(rc_hbm.at[pl.ds(base, cha)], rc[p], sf[p])

        def wait_idx(ch, p):
            base = wid * ept + ch * cha
            pltpu.make_async_copy(
                src_hbm.at[pl.ds(base, cha)], si[p], sf[p]).wait()
            pltpu.make_async_copy(
                dst_hbm.at[pl.ds(base, cha)], di[p], sf[p]).wait()
            pltpu.make_async_copy(
                rc_hbm.at[pl.ds(base, cha)], rc[p], sf[p]).wait()

        def compute(ch, p):
            for g in range(cha // 16):
                sl = pl.ds(g * 16, 16)
                sv = si[p][sl]
                dv = di[p][sl]
                rc16 = rc[p][sl]
                j16 = lax.iota(jnp.int32, 16) + g * 16
                sv4 = sv * 4
                for i in range(4):
                    pp = plsc.load_gather(
                        t_v, [jnp.full((16,), i, jnp.int32), sv])
                    qq = plsc.load_gather(
                        t_v, [jnp.full((16,), 4 + i, jnp.int32), dv])
                    e = pp + qq
                    e = jnp.where(e > 0.0, e, jnp.float32(0.2) * e)
                    eei = jnp.exp(-e) * rc16
                    plsc.store_scatter(
                        ee[p], [j16, jnp.full((16,), i, jnp.int32)], eei)
                    plsc.addupdate_scatter(rs_v, [sv4 + i], eei)

        def issue_wb(ch, p):
            base = wid * ept + ch * cha
            pltpu.async_copy(ee[p], ee_hbm.at[pl.ds(base, cha)], sw[p])

        def wait_wb(ch, p):
            base = wid * ept + ch * cha
            pltpu.make_async_copy(
                ee[p], ee_hbm.at[pl.ds(base, cha)], sw[p]).wait()

        fetch_idx(0, 0)
        fetch_idx(1, 1)

        def body(i, carry):
            for p in range(2):
                ch = i * 2 + p

                @pl.when(ch >= 2)
                def _():
                    wait_wb(ch - 2, p)
                wait_idx(ch, p)
                compute(ch, p)
                issue_wb(ch, p)

                @pl.when(ch + 2 < nchunk_a)
                def _():
                    fetch_idx(ch + 2, p)
            return carry

        lax.fori_loop(0, nchunk_a // 2, body, 0)
        wait_wb(nchunk_a - 2, 0)
        wait_wb(nchunk_a - 1, 1)
        pltpu.sync_copy(rs_v, rsp_hbm.at[wid])

    return pass_a


def _make_sc_pass_b(n_pad, e_pad, ept, nchunk, d):
    rows_per_tile = n_pad // NS
    assert nchunk % 2 == 0

    @functools.partial(
        pl.kernel,
        out_type=jax.ShapeDtypeStruct((NC, n_pad, d), jnp.float32),
        mesh=_mesh(),
        scratch_types=[
            pltpu.VMEM((CH,), jnp.int32),
            pltpu.VMEM((CH,), jnp.int32),
            pltpu.VMEM((CH,), jnp.int32),
            pltpu.VMEM((CH,), jnp.int32),
            pltpu.VMEM((CH,), jnp.float32),
            pltpu.VMEM((CH,), jnp.float32),
            pltpu.VMEM((CH, 4), jnp.float32),
            pltpu.VMEM((CH, 4), jnp.float32),
            pltpu.VMEM((CH, 16), jnp.float32),
            pltpu.VMEM((CH, 16), jnp.float32),
            pltpu.VMEM((CH, d), jnp.bfloat16),
            pltpu.VMEM((CH, d), jnp.bfloat16),
            pltpu.VMEM((CH, d), jnp.float32),
            pltpu.VMEM_SHARED((n_pad, d), jnp.float32),
            pltpu.SemaphoreType.DMA,
            pltpu.SemaphoreType.DMA,
            pltpu.SemaphoreType.DMA,
            pltpu.SemaphoreType.DMA,
        ],
        compiler_params=_SC_PARAMS,
    )
    def pass_b(xn_hbm, src_hbm, dst_hbm, ee_hbm, rs_hbm, zzd_hbm, outp_hbm,
               si0, si1, di0, di1, s0, s1, ee0, ee1, rsr0, rsr1,
               rows0, rows1, rows_f, out_sh, sg0, sg1, sf0, sf1):
        c = lax.axis_index("c")
        s = lax.axis_index("s")
        wid = c * NS + s
        si = (si0, si1)
        di = (di0, di1)
        sv = (s0, s1)
        ee = (ee0, ee1)
        rsr = (rsr0, rsr1)
        rows = (rows0, rows1)
        sg = (sg0, sg1)
        sf = (sf0, sf1)

        def fetch_idx(ch, p, sem):
            base = wid * ept + ch * CH
            pltpu.async_copy(src_hbm.at[pl.ds(base, CH)], si[p], sem)
            pltpu.async_copy(dst_hbm.at[pl.ds(base, CH)], di[p], sem)
            pltpu.async_copy(ee_hbm.at[pl.ds(base, CH)], ee[p], sem)

        def wait_idx(ch, p, sem):
            base = wid * ept + ch * CH
            pltpu.make_async_copy(
                src_hbm.at[pl.ds(base, CH)], si[p], sem).wait()
            pltpu.make_async_copy(
                dst_hbm.at[pl.ds(base, CH)], di[p], sem).wait()
            pltpu.make_async_copy(
                ee_hbm.at[pl.ds(base, CH)], ee[p], sem).wait()

        def issue_gather(p, sem):
            pltpu.async_copy(xn_hbm.at[di[p]], rows[p], sem)
            pltpu.async_copy(rs_hbm.at[si[p]], rsr[p], sem)

        def wait_gather(p, sem):
            pltpu.make_async_copy(xn_hbm.at[di[p]], rows[p], sem).wait()
            pltpu.make_async_copy(rs_hbm.at[si[p]], rsr[p], sem).wait()

        def compute_s(p):
            for g in range(CH // 16):
                slg = pl.ds(g * 16, 16)
                j16 = lax.iota(jnp.int32, 16) + g * 16
                acc = jnp.zeros((16,), jnp.float32)
                for i in range(4):
                    ic = jnp.full((16,), i, jnp.int32)
                    eei = plsc.load_gather(ee[p], [j16, ic])
                    ri = plsc.load_gather(rsr[p], [j16, ic])
                    acc = acc + eei / (ri + 1e-10)
                sv[p][slg] = acc * jnp.float32(0.25)

        def scale_and_scatter(p):
            iota2 = lax.iota(jnp.int32, 16) * 2

            def jbody(r, carry):
                rv = jnp.full((16,), r, jnp.int32)
                b = plsc.load_gather(sv[p], [rv])
                for k in range(d // 32):
                    blk = rows[p][r, pl.ds(k * 32, 32)]
                    ev, od = plsc.unpack(
                        blk, format=plsc.PackFormat.INTERLEAVED)
                    ce = iota2 + (k * 32)
                    plsc.store_scatter(rows_f, [rv, ce], ev * b)
                    plsc.store_scatter(rows_f, [rv, ce + 1], od * b)
                return carry

            lax.fori_loop(0, CH, jbody, 0)
            pltpu.sync_copy(rows_f, out_sh.at[si[p]], add=True)

        rsl = pl.ds(s * rows_per_tile, rows_per_tile)
        pltpu.sync_copy(zzd_hbm.at[rsl], out_sh.at[rsl])
        plsc.subcore_barrier()

        fetch_idx(0, 0, sf0)
        wait_idx(0, 0, sf0)
        issue_gather(0, sg0)
        fetch_idx(1, 1, sf1)

        def body(i, carry):
            ch = i * 2
            wait_idx(ch + 1, 1, sf1)
            issue_gather(1, sg1)
            wait_gather(0, sg0)
            compute_s(0)
            scale_and_scatter(0)

            @pl.when(ch + 2 < nchunk)
            def _():
                fetch_idx(ch + 2, 0, sf0)

            @pl.when(ch + 2 < nchunk)
            def _():
                wait_idx(ch + 2, 0, sf0)
                issue_gather(0, sg0)
            wait_gather(1, sg1)
            compute_s(1)
            scale_and_scatter(1)

            @pl.when(ch + 3 < nchunk)
            def _():
                fetch_idx(ch + 3, 1, sf1)
            return carry

        lax.fori_loop(0, nchunk // 2, body, 0)
        plsc.subcore_barrier()
        pltpu.sync_copy(out_sh.at[rsl], outp_hbm.at[c, rsl])

    return pass_b


def kernel(x, edge_index, r_count, w, a_src, a_dst):
    n, d = x.shape
    e = edge_index.shape[1]
    n_pad = ((n + 255) // 256) * 256
    nchunk = ((e + NW * CH - 1) // (NW * CH) + 1) // 2 * 2
    ept = nchunk * CH
    e_pad = NW * ept

    x_pad = jnp.zeros((n_pad, d), jnp.float32).at[:n].set(x)
    a_cat = jnp.concatenate([w * a_src, w * a_dst], axis=0)
    pad_e = e_pad - e
    src = jnp.concatenate(
        [edge_index[0].astype(jnp.int32), jnp.full((pad_e,), n, jnp.int32)])
    dst = jnp.concatenate(
        [edge_index[1].astype(jnp.int32), jnp.full((pad_e,), n, jnp.int32)])
    rc = jnp.concatenate([r_count, jnp.zeros((pad_e,), jnp.float32)])
    zz4 = jnp.zeros((n_pad * 4,), jnp.float32)
    zzd = jnp.zeros((n_pad, d), jnp.float32)

    xn16, t = pl.pallas_call(
        _tc_prep,
        grid=(n_pad // 128,),
        in_specs=[pl.BlockSpec((128, d), lambda i: (i, 0)),
                  pl.BlockSpec((8, d), lambda i: (0, 0))],
        out_specs=[pl.BlockSpec((128, d), lambda i: (i, 0)),
                   pl.BlockSpec((8, 128), lambda i: (0, i))],
        out_shape=[jax.ShapeDtypeStruct((n_pad, d), jnp.bfloat16),
                   jax.ShapeDtypeStruct((8, n_pad), jnp.float32)],
    )(x_pad, a_cat)

    ee, rsp = _make_sc_pass_a(n_pad, e_pad, ept, nchunk)(
        t, src, dst, rc, zz4)

    rsp3 = rsp.reshape(NW, n_pad * 4 // 128, 128)
    nb = n_pad * 4 // 128
    rs_tot = pl.pallas_call(
        _tc_sumn,
        grid=(4,),
        in_specs=[pl.BlockSpec((NW, nb // 4, 128), lambda i: (0, i, 0))],
        out_specs=pl.BlockSpec((nb // 4, 128), lambda i: (i, 0)),
        out_shape=jax.ShapeDtypeStruct((nb, 128), jnp.float32),
    )(rsp3)

    rs16 = jnp.pad(rs_tot.reshape(n_pad, 4), ((0, 0), (0, 12)))
    outp = _make_sc_pass_b(n_pad, e_pad, ept, nchunk, d)(
        xn16, src, dst, ee, rs16, zzd)

    blk = 1000
    out = pl.pallas_call(
        _tc_sum2,
        grid=(n // blk,),
        in_specs=[pl.BlockSpec((NC, blk, d), lambda i: (0, i, 0))],
        out_specs=pl.BlockSpec((blk, d), lambda i: (i, 0)),
        out_shape=jax.ShapeDtypeStruct((n, d), jnp.float32),
    )(outp)
    return out

# --- scband reference (transcript-rebuilt; emitter-appended) ---
"""Pipeline reference for scband-rgat3-52716428591547 (READ-ONLY COPY).

The authoritative reference and input builder live on the scoring server;
editing this copy changes nothing except your own understanding.
"""

import jax, jax.numpy as jnp
import numpy as np

N = 10000
E = 320000
D = 128
H = 4
ALPHA = 0.2

def setup_inputs(seed: int = 0) -> dict:
    key = jax.random.key(seed)
    k1, k2, k3, k4, k5 = jax.random.split(key, 5)
    x = jax.random.normal(k1, (N, D), dtype=jnp.float32)
    edge_index = jax.random.randint(k2, (2, E), 0, N)
    r_count = jax.random.uniform(k3, (E,), dtype=jnp.float32)
    # diag weights, initialized with nn.init.ones_ per the module
    w = jnp.ones((H, D), dtype=jnp.float32)
    # attention vectors a = [a_src ; a_dst], xavier-like init
    a_src = jax.random.normal(k4, (H, D), dtype=jnp.float32) * 0.1
    a_dst = jax.random.normal(k5, (H, D), dtype=jnp.float32) * 0.1
    return {"x": x, "edge_index": edge_index, "r_count": r_count,
            "w": w, "a_src": a_src, "a_dst": a_dst}

def reference(x, edge_index, r_count, w, a_src, a_dst):
    # RGAT3 forward: inst_norm disabled, l2norm enabled, 1 layer, diag=True
    xn = x / (jnp.linalg.norm(x, axis=1, keepdims=True) + 1e-12)
    src = edge_index[0]
    dst = edge_index[1]
    outs = []
    for i in range(H):
        # diag multi-head weight: elementwise scale
        h = xn * w[i]
        # sparse attention logits over edges: a^T [h_src ; h_dst]
        e = h[src] @ a_src[i] + h[dst] @ a_dst[i]
        e = jnp.where(e > 0, e, ALPHA * e)  # leaky_relu(0.2)
        # relational weighting by per-edge relation count (Rmode)
        edge_e = jnp.exp(-e) * r_count
        # special_spmm(edge, edge_e, ones) -> per-row normalizer
        rowsum = jax.ops.segment_sum(edge_e, src, num_segments=N)
        # special_spmm(edge, edge_e, h) -> weighted neighbor aggregation
        h_prime = jax.ops.segment_sum(edge_e[:, None] * h[dst], src, num_segments=N)
        h_prime = h_prime / (rowsum[:, None] + 1e-10)
        outs.append(h_prime)
    out = jnp.stack(outs, axis=0)  # [H, N, D]
    # diag=True: mean over heads after the layer
    return out.mean(axis=0)

if __name__ == "__main__":
    import jax
    _d = setup_inputs()
    print(jax.jit(kernel)(*tuple(_d.values())))

</pallas_src>

<mosaic_0001>
#map = affine_map<(d0, d1) -> (0, 0)>
#map1 = affine_map<(d0, d1) -> (0)>
module attributes {stable_mosaic.version = 14 : i64} {
  func.func @pass_a(%arg0: i32, %arg1: i32, %arg2: memref<8x10240xf32, #tpu.memory_space<hbm>>, %arg3: memref<327680xi32, #tpu.memory_space<hbm>>, %arg4: memref<327680xi32, #tpu.memory_space<hbm>>, %arg5: memref<327680xf32, #tpu.memory_space<hbm>>, %arg6: memref<40960xf32, #tpu.memory_space<hbm>>, %arg7: memref<327680x4xf32, #tpu.memory_space<hbm>>, %arg8: memref<32x40960xf32, #tpu.memory_space<hbm>>, %arg9: memref<8x10240xf32, #tpu.memory_space<vmem>>, %arg10: memref<40960xf32, #tpu.memory_space<vmem>>, %arg11: memref<128xi32, #tpu.memory_space<vmem>>, %arg12: memref<128xi32, #tpu.memory_space<vmem>>, %arg13: memref<128xi32, #tpu.memory_space<vmem>>, %arg14: memref<128xi32, #tpu.memory_space<vmem>>, %arg15: memref<128xf32, #tpu.memory_space<vmem>>, %arg16: memref<128xf32, #tpu.memory_space<vmem>>, %arg17: memref<128x4xf32, #tpu.memory_space<vmem>>, %arg18: memref<128x4xf32, #tpu.memory_space<vmem>>, %arg19: memref<!tpu.dma_semaphore, #tpu.memory_space<semaphore_mem>>, %arg20: memref<!tpu.dma_semaphore, #tpu.memory_space<semaphore_mem>>, %arg21: memref<!tpu.dma_semaphore, #tpu.memory_space<semaphore_mem>>, %arg22: memref<!tpu.dma_semaphore, #tpu.memory_space<semaphore_mem>>) attributes {dimension_semantics = [#tpu.dimension_semantics<core_parallel>, #tpu.dimension_semantics<subcore_parallel>], iteration_bounds = array<i64: 2, 16>, scalar_prefetch = 0 : i64, scratch_operands = 14 : i64, tpu.core_type = #tpu.core_type<sc_vector_subcore>, window_params = [{transform_indices = #map}, {transform_indices = #map1}, {transform_indices = #map1}, {transform_indices = #map1}, {transform_indices = #map1}, {transform_indices = #map}, {transform_indices = #map}]} {
    %mul3A = arith.constant 16 : i32
    %mul3A_0 = arith.muli %arg0, %mul3A : i32
    %add3A = arith.addi %mul3A_0, %arg1 : i32
    "tpu.region"() ({
      %run_scoped3A = tpu.sem_alloc : memref<!tpu.dma_semaphore, #tpu.memory_space<semaphore_mem>>
      tpu.enqueue_dma source(%arg2 : memref<8x10240xf32, #tpu.memory_space<hbm>>) target(%arg9 : memref<8x10240xf32, #tpu.memory_space<vmem>>) target_semaphore(%run_scoped3A : memref<!tpu.dma_semaphore, #tpu.memory_space<semaphore_mem>>)
      tpu.wait_dma2 semaphore(%run_scoped3A : memref<!tpu.dma_semaphore, #tpu.memory_space<semaphore_mem>>) src(%arg2 : memref<8x10240xf32, #tpu.memory_space<hbm>>) dst(%arg9 : memref<8x10240xf32, #tpu.memory_space<vmem>>)
      tpu.yield
    }) : () -> ()
    "tpu.region"() ({
      %run_scoped3A = tpu.sem_alloc : memref<!tpu.dma_semaphore, #tpu.memory_space<semaphore_mem>>
      tpu.enqueue_dma source(%arg6 : memref<40960xf32, #tpu.memory_space<hbm>>) target(%arg10 : memref<40960xf32, #tpu.memory_space<vmem>>) target_semaphore(%run_scoped3A : memref<!tpu.dma_semaphore, #tpu.memory_space<semaphore_mem>>)
      tpu.wait_dma2 semaphore(%run_scoped3A : memref<!tpu.dma_semaphore, #tpu.memory_space<semaphore_mem>>) src(%arg6 : memref<40960xf32, #tpu.memory_space<hbm>>) dst(%arg10 : memref<40960xf32, #tpu.memory_space<vmem>>)
      tpu.yield
    }) : () -> ()
    %mul3A_1 = arith.constant 10240 : i32
    %mul3A_2 = arith.muli %add3A, %mul3A_1 : i32
    %add3A_3 = arith.constant 0 : i32
    %add3A_4 = arith.addi %mul3A_2, %add3A_3 : i32
    %dma_start3A = tpu.memref_slice %arg3[%add3A_4] : memref<327680xi32, #tpu.memory_space<hbm>> -> memref<128xi32, #tpu.memory_space<hbm>>
    %dma_start3A_5 = tpu.memref_slice %arg3[%add3A_4] : memref<327680xi32, #tpu.memory_space<hbm>> -> memref<128xi32, #tpu.memory_space<hbm>>
    tpu.enqueue_dma source(%dma_start3A_5 : memref<128xi32, #tpu.memory_space<hbm>>) target(%arg11 : memref<128xi32, #tpu.memory_space<vmem>>) target_semaphore(%arg19 : memref<!tpu.dma_semaphore, #tpu.memory_space<semaphore_mem>>)
    %dma_start3A_6 = tpu.memref_slice %arg4[%add3A_4] : memref<327680xi32, #tpu.memory_space<hbm>> -> memref<128xi32, #tpu.memory_space<hbm>>
    %dma_start3A_7 = tpu.memref_slice %arg4[%add3A_4] : memref<327680xi32, #tpu.memory_space<hbm>> -> memref<128xi32, #tpu.memory_space<hbm>>
    tpu.enqueue_dma source(%dma_start3A_7 : memref<128xi32, #tpu.memory_space<hbm>>) target(%arg13 : memref<128xi32, #tpu.memory_space<vmem>>) target_semaphore(%arg19 : memref<!tpu.dma_semaphore, #tpu.memory_space<semaphore_mem>>)
    %dma_start3A_8 = tpu.memref_slice %arg5[%add3A_4] : memref<327680xf32, #tpu.memory_space<hbm>> -> memref<128xf32, #tpu.memory_space<hbm>>
    %dma_start3A_9 = tpu.memref_slice %arg5[%add3A_4] : memref<327680xf32, #tpu.memory_space<hbm>> -> memref<128xf32, #tpu.memory_space<hbm>>
    tpu.enqueue_dma source(%dma_start3A_9 : memref<128xf32, #tpu.memory_space<hbm>>) target(%arg15 : memref<128xf32, #tpu.memory_space<vmem>>) target_semaphore(%arg19 : memref<!tpu.dma_semaphore, #tpu.memory_space<semaphore_mem>>)
    %mul3A_10 = arith.constant 10240 : i32
    %mul3A_11 = arith.muli %add3A, %mul3A_10 : i32
    %add3A_12 = arith.constant 128 : i32
    %add3A_13 = arith.addi %mul3A_11, %add3A_12 : i32
    %dma_start3A_14 = tpu.memref_slice %arg3[%add3A_13] : memref<327680xi32, #tpu.memory_space<hbm>> -> memref<128xi32, #tpu.memory_space<hbm>>
    %dma_start3A_15 = tpu.memref_slice %arg3[%add3A_13] : memref<327680xi32, #tpu.memory_space<hbm>> -> memref<128xi32, #tpu.memory_space<hbm>>
    tpu.enqueue_dma source(%dma_start3A_15 : memref<128xi32, #tpu.memory_space<hbm>>) target(%arg12 : memref<128xi32, #tpu.memory_space<vmem>>) target_semaphore(%arg20 : memref<!tpu.dma_semaphore, #tpu.memory_space<semaphore_mem>>)
    %dma_start3A_16 = tpu.memref_slice %arg4[%add3A_13] : memref<327680xi32, #tpu.memory_space<hbm>> -> memref<128xi32, #tpu.memory_space<hbm>>
    %dma_start3A_17 = tpu.memref_slice %arg4[%add3A_13] : memref<327680xi32, #tpu.memory_space<hbm>> -> memref<128xi32, #tpu.memory_space<hbm>>
    tpu.enqueue_dma source(%dma_start3A_17 : memref<128xi32, #tpu.memory_space<hbm>>) target(%arg14 : memref<128xi32, #tpu.memory_space<vmem>>) target_semaphore(%arg20 : memref<!tpu.dma_semaphore, #tpu.memory_space<semaphore_mem>>)
    %dma_start3A_18 = tpu.memref_slice %arg5[%add3A_13] : memref<327680xf32, #tpu.memory_space<hbm>> -> memref<128xf32, #tpu.memory_space<hbm>>
    %dma_start3A_19 = tpu.memref_slice %arg5[%add3A_13] : memref<327680xf32, #tpu.memory_space<hbm>> -> memref<128xf32, #tpu.memory_space<hbm>>
    tpu.enqueue_dma source(%dma_start3A_19 : memref<128xf32, #tpu.memory_space<hbm>>) target(%arg16 : memref<128xf32, #tpu.memory_space<vmem>>) target_semaphore(%arg20 : memref<!tpu.dma_semaphore, #tpu.memory_space<semaphore_mem>>)
    %scan3A = arith.constant 0 : i32
    %scan3A_20 = arith.constant 0 : i32
    %scan3A_21 = arith.constant 40 : i32
    %scan3A_22 = arith.addi %scan3A_20, %scan3A_21 : i32
    %scan3A_23 = arith.constant 1 : i32
    scf.for %scan3A_40 = %scan3A_20 to %scan3A_22 step %scan3A_23  : i32 {
      %mul3A_41 = arith.constant 2 : i32
      %mul3A_42 = arith.muli %scan3A_40, %mul3A_41 : i32
      %add3A_43 = arith.constant 0 : i32
      %add3A_44 = arith.addi %mul3A_42, %add3A_43 : i32
      %ge3A = arith.constant 2 : i32
      %ge3A_45 = arith.cmpi sge, %add3A_44, %ge3A : i32
      %convert_element_type3A = arith.extui %ge3A_45 : i1 to i32
      %cond3A = arith.constant 0 : i32
      %cond3A_46 = arith.cmpi ne, %convert_element_type3A, %cond3A : i32
      scf.if %cond3A_46 {
        %sub3A = arith.constant 2 : i32
        %sub3A_1845 = arith.subi %add3A_44, %sub3A : i32
        %mul3A_1846 = arith.constant 10240 : i32
        %mul3A_1847 = arith.muli %add3A, %mul3A_1846 : i32
        %mul3A_1848 = arith.constant 128 : i32
        %mul3A_1849 = arith.muli %sub3A_1845, %mul3A_1848 : i32
        %add3A_1850 = arith.addi %mul3A_1847, %mul3A_1849 : i32
        %dma_wait3A_1851 = arith.constant 0 : i32
        %dma_wait3A_1852 = tpu.memref_slice %arg7[%add3A_1850, %dma_wait3A_1851] : memref<327680x4xf32, #tpu.memory_space<hbm>> -> memref<128x4xf32, #tpu.memory_space<hbm>>
        %dma_wait3A_1853 = arith.constant 0 : i32
        %dma_wait3A_1854 = tpu.memref_slice %arg7[%add3A_1850, %dma_wait3A_1853] : memref<327680x4xf32, #tpu.memory_space<hbm>> -> memref<128x4xf32, #tpu.memory_space<hbm>>
        tpu.wait_dma2 semaphore(%arg21 : memref<!tpu.dma_semaphore, #tpu.memory_space<semaphore_mem>>) src(%arg17 : memref<128x4xf32, #tpu.memory_space<vmem>>) dst(%dma_wait3A_1854 : memref<128x4xf32, #tpu.memory_space<hbm>>)
      } else {
      }
      %mul3A_47 = arith.constant 10240 : i32
      %mul3A_48 = arith.muli %add3A, %mul3A_47 : i32
      %mul3A_49 = arith.constant 128 : i32
      %mul3A_50 = arith.muli %add3A_44, %mul3A_49 : i32
      %add3A_51 = arith.addi %mul3A_48, %mul3A_50 : i32
      %dma_wait3A_52 = tpu.memref_slice %arg3[%add3A_51] : memref<327680xi32, #tpu.memory_space<hbm>> -> memref<128xi32, #tpu.memory_space<hbm>>
      %dma_wait3A_53 = tpu.memref_slice %arg3[%add3A_51] : memref<327680xi32, #tpu.memory_space<hbm>> -> memref<128xi32, #tpu.memory_space<hbm>>
      tpu.wait_dma2 semaphore(%arg19 : memref<!tpu.dma_semaphore, #tpu.memory_space<semaphore_mem>>) src(%dma_wait3A_53 : memref<128xi32, #tpu.memory_space<hbm>>) dst(%arg11 : memref<128xi32, #tpu.memory_space<vmem>>)
      %dma_wait3A_54 = tpu.memref_slice %arg4[%add3A_51] : memref<327680xi32, #tpu.memory_space<hbm>> -> memref<128xi32, #tpu.memory_space<hbm>>
      %dma_wait3A_55 = tpu.memref_slice %arg4[%add3A_51] : memref<327680xi32, #tpu.memory_space<hbm>> -> memref<128xi32, #tpu.memory_space<hbm>>
      tpu.wait_dma2 semaphore(%arg19 : memref<!tpu.dma_semaphore, #tpu.memory_space<semaphore_mem>>) src(%dma_wait3A_55 : memref<128xi32, #tpu.memory_space<hbm>>) dst(%arg13 : memref<128xi32, #tpu.memory_space<vmem>>)
      %dma_wait3A_56 = tpu.memref_slice %arg5[%add3A_51] : memref<327680xf32, #tpu.memory_space<hbm>> -> memref<128xf32, #tpu.memory_space<hbm>>
      %dma_wait3A_57 = tpu.memref_slice %arg5[%add3A_51] : memref<327680xf32, #tpu.memory_space<hbm>> -> memref<128xf32, #tpu.memory_space<hbm>>
      tpu.wait_dma2 semaphore(%arg19 : memref<!tpu.dma_semaphore, #tpu.memory_space<semaphore_mem>>) src(%dma_wait3A_57 : memref<128xf32, #tpu.memory_space<hbm>>) dst(%arg15 : memref<128xf32, #tpu.memory_space<vmem>>)
      %get3A = arith.constant 0 : index
      %get3A_58 = tpu.vector_load %arg11[%get3A] {strides = array<i32>} : memref<128xi32, #tpu.memory_space<vmem>>, vector<16xi32>,
      %get3A_59 = arith.constant 0 : index
      %get3A_60 = tpu.vector_load %arg13[%get3A_59] {strides = array<i32>} : memref<128xi32, #tpu.memory_space<vmem>>, vector<16xi32>,
      %get3A_61 = arith.constant 0 : index
      %get3A_62 = tpu.vector_load %arg15[%get3A_61] {strides = array<i32>} : memref<128xf32, #tpu.memory_space<vmem>>, vector<16xf32>,
      %iota3A = tpu.iota {dimensions = array<i32: 0>} : vector<16xi32>
      %add3A_63 = arith.constant 0 : i32
      %add3A_64 = vector.broadcast %add3A_63 : i32 to vector<16xi32>
      %add3A_65 = arith.addi %iota3A, %add3A_64 : vector<16xi32>
      %mul3A_66 = arith.constant 4 : i32
      %mul3A_67 = vector.broadcast %mul3A_66 : i32 to vector<16xi32>
      %mul3A_68 = arith.muli %get3A_58, %mul3A_67 : vector<16xi32>
      %broadcast_in_dim3A = arith.constant 0 : i32
      %broadcast_in_dim3A_69 = vector.broadcast %broadcast_in_dim3A : i32 to vector<16xi32>
      %gather3A = tpu.vector_load_idx %arg9[%broadcast_in_dim3A_69, %get3A_58] : memref<8x10240xf32, #tpu.memory_space<vmem>>[vector<16xi32>, vector<16xi32>], vector<16xf32>,
      %broadcast_in_dim3A_70 = arith.constant 4 : i32
      %broadcast_in_dim3A_71 = vector.broadcast %broadcast_in_dim3A_70 : i32 to vector<16xi32>
      %gather3A_72 = tpu.vector_load_idx %arg9[%broadcast_in_dim3A_71, %get3A_60] : memref<8x10240xf32, #tpu.memory_space<vmem>>[vector<16xi32>, vector<16xi32>], vector<16xf32>,
      %add3A_73 = arith.addf %gather3A, %gather3A_72 : vector<16xf32>
      %gt3A = arith.constant 0.000000e+00 : f32
      %gt3A_74 = vector.broadcast %gt3A : f32 to vector<16xf32>
      %gt3A_75 = arith.cmpf ogt, %add3A_73, %gt3A_74 : vector<16xf32>
      %mul3A_76 = arith.constant 2.000000e-01 : f32
      %mul3A_77 = vector.broadcast %mul3A_76 : f32 to vector<16xf32>
      %mul3A_78 = arith.mulf %mul3A_77, %add3A_73 : vector<16xf32>
      %select_n3A = arith.select %gt3A_75, %add3A_73, %mul3A_78 : vector<16xi1>, vector<16xf32>
      %neg3A = arith.constant 0.000000e+00 : f32
      %neg3A_79 = vector.broadcast %neg3A : f32 to vector<16xf32>
      %neg3A_80 = arith.subf %neg3A_79, %select_n3A : vector<16xf32>
      %exp3A = math.exp %neg3A_80 : vector<16xf32>
      %mul3A_81 = arith.mulf %exp3A, %get3A_62 : vector<16xf32>
      %broadcast_in_dim3A_82 = arith.constant 0 : i32
      %broadcast_in_dim3A_83 = vector.broadcast %broadcast_in_dim3A_82 : i32 to vector<16xi32>
      tpu.vector_store_idx %arg17[%add3A_65, %broadcast_in_dim3A_83], %mul3A_81 : memref<128x4xf32, #tpu.memory_space<vmem>>[vector<16xi32>, vector<16xi32>], vector<16xf32>,
      %add3A_84 = arith.constant 0 : i32
      %add3A_85 = vector.broadcast %add3A_84 : i32 to vector<16xi32>
      %add3A_86 = arith.addi %mul3A_68, %add3A_85 : vector<16xi32>
      tpu.vector_store_idx %arg10[%add3A_86], %mul3A_81 {add = true} : memref<40960xf32, #tpu.memory_space<vmem>>[vector<16xi32>], vector<16xf32>,
      %broadcast_in_dim3A_87 = arith.constant 1 : i32
      %broadcast_in_dim3A_88 = vector.broadcast %broadcast_in_dim3A_87 : i32 to vector<16xi32>
      %gather3A_89 = tpu.vector_load_idx %arg9[%broadcast_in_dim3A_88, %get3A_58] : memref<8x10240xf32, #tpu.memory_space<vmem>>[vector<16xi32>, vector<16xi32>], vector<16xf32>,
      %broadcast_in_dim3A_90 = arith.constant 5 : i32
      %broadcast_in_dim3A_91 = vector.broadcast %broadcast_in_dim3A_90 : i32 to vector<16xi32>
      %gather3A_92 = tpu.vector_load_idx %arg9[%broadcast_in_dim3A_91, %get3A_60] : memref<8x10240xf32, #tpu.memory_space<vmem>>[vector<16xi32>, vector<16xi32>], vector<16xf32>,
      %add3A_93 = arith.addf %gather3A_89, %gather3A_92 : vector<16xf32>
      %gt3A_94 = arith.constant 0.000000e+00 : f32
      %gt3A_95 = vector.broadcast %gt3A_94 : f32 to vector<16xf32>
      %gt3A_96 = arith.cmpf ogt, %add3A_93, %gt3A_95 : vector<16xf32>
      %mul3A_97 = arith.constant 2.000000e-01 : f32
      %mul3A_98 = vector.broadcast %mul3A_97 : f32 to vector<16xf32>
      %mul3A_99 = arith.mulf %mul3A_98, %add3A_93 : vector<16xf32>
      %select_n3A_100 = arith.select %gt3A_96, %add3A_93, %mul3A_99 : vector<16xi1>, vector<16xf32>
      %neg3A_101 = arith.constant 0.000000e+00 : f32
      %neg3A_102 = vector.broadcast %neg3A_101 : f32 to vector<16xf32>
      %neg3A_103 = arith.subf %neg3A_102, %select_n3A_100 : vector<16xf32>
      %exp3A_104 = math.exp %neg3A_103 : vector<16xf32>
      %mul3A_105 = arith.mulf %exp3A_104, %get3A_62 : vector<16xf32>
      %broadcast_in_dim3A_106 = arith.constant 1 : i32
      %broadcast_in_dim3A_107 = vector.broadcast %broadcast_in_dim3A_106 : i32 to vector<16xi32>
      tpu.vector_store_idx %arg17[%add3A_65, %broadcast_in_dim3A_107], %mul3A_105 : memref<128x4xf32, #tpu.memory_space<vmem>>[vector<16xi32>, vector<16xi32>], vector<16xf32>,
      %add3A_108 = arith.constant 1 : i32
      %add3A_109 = vector.broadcast %add3A_108 : i32 to vector<16xi32>
      %add3A_110 = arith.addi %mul3A_68, %add3A_109 : vector<16xi32>
      tpu.vector_store_idx %arg10[%add3A_110], %mul3A_105 {add = true} : memref<40960xf32, #tpu.memory_space<vmem>>[vector<16xi32>], vector<16xf32>,
      %broadcast_in_dim3A_111 = arith.constant 2 : i32
      %broadcast_in_dim3A_112 = vector.broadcast %broadcast_in_dim3A_111 : i32 to vector<16xi32>
      %gather3A_113 = tpu.vector_load_idx %arg9[%broadcast_in_dim3A_112, %get3A_58] : memref<8x10240xf32, #tpu.memory_space<vmem>>[vector<16xi32>, vector<16xi32>], vector<16xf32>,
      %broadcast_in_dim3A_114 = arith.constant 6 : i32
      %broadcast_in_dim3A_115 = vector.broadcast %broadcast_in_dim3A_114 : i32 to vector<16xi32>
      %gather3A_116 = tpu.vector_load_idx %arg9[%broadcast_in_dim3A_115, %get3A_60] : memref<8x10240xf32, #tpu.memory_space<vmem>>[vector<16xi32>, vector<16xi32>], vector<16xf32>,
      %add3A_117 = arith.addf %gather3A_113, %gather3A_116 : vector<16xf32>
      %gt3A_118 = arith.constant 0.000000e+00 : f32
      %gt3A_119 = vector.broadcast %gt3A_118 : f32 to vector<16xf32>
      %gt3A_120 = arith.cmpf ogt, %add3A_117, %gt3A_119 : vector<16xf32>
      %mul3A_121 = arith.constant 2.000000e-01 : f32
      %mul3A_122 = vector.broadcast %mul3A_121 : f32 to vector<16xf32>
      %mul3A_123 = arith.mulf %mul3A_122, %add3A_117 : vector<16xf32>
      %select_n3A_124 = arith.select %gt3A_120, %add3A_117, %mul3A_123 : vector<16xi1>, vector<16xf32>
      %neg3A_125 = arith.constant 0.000000e+00 : f32
      %neg3A_126 = vector.broadcast %neg3A_125 : f32 to vector<16xf32>
      %neg3A_127 = arith.subf %neg3A_126, %select_n3A_124 : vector<16xf32>
      %exp3A_128 = math.exp %neg3A_127 : vector<16xf32>
      %mul3A_129 = arith.mulf %exp3A_128, %get3A_62 : vector<16xf32>
      %broadcast_in_dim3A_130 = arith.constant 2 : i32
      %broadcast_in_dim3A_131 = vector.broadcast %broadcast_in_dim3A_130 : i32 to vector<16xi32>
      tpu.vector_store_idx %arg17[%add3A_65, %broadcast_in_dim3A_131], %mul3A_129 : memref<128x4xf32, #tpu.memory_space<vmem>>[vector<16xi32>, vector<16xi32>], vector<16xf32>,
      %add3A_132 = arith.constant 2 : i32
      %add3A_133 = vector.broadcast %add3A_132 : i32 to vector<16xi32>
      %add3A_134 = arith.addi %mul3A_68, %add3A_133 : vector<16xi32>
      tpu.vector_store_idx %arg10[%add3A_134], %mul3A_129 {add = true} : memref<40960xf32, #tpu.memory_space<vmem>>[vector<16xi32>], vector<16xf32>,
      %broadcast_in_dim3A_135 = arith.constant 3 : i32
      %broadcast_in_dim3A_136 = vector.broadcast %broadcast_in_dim3A_135 : i32 to vector<16xi32>
      %gather3A_137 = tpu.vector_load_idx %arg9[%broadcast_in_dim3A_136, %get3A_58] : memref<8x10240xf32, #tpu.memory_space<vmem>>[vector<16xi32>, vector<16xi32>], vector<16xf32>,
      %broadcast_in_dim3A_138 = arith.constant 7 : i32
      %broadcast_in_dim3A_139 = vector.broadcast %broadcast_in_dim3A_138 : i32 to vector<16xi32>
      %gather3A_140 = tpu.vector_load_idx %arg9[%broadcast_in_dim3A_139, %get3A_60] : memref<8x10240xf32, #tpu.memory_space<vmem>>[vector<16xi32>, vector<16xi32>], vector<16xf32>,
      %add3A_141 = arith.addf %gather3A_137, %gather3A_140 : vector<16xf32>
      %gt3A_142 = arith.constant 0.000000e+00 : f32
      %gt3A_143 = vector.broadcast %gt3A_142 : f32 to vector<16xf32>
      %gt3A_144 = arith.cmpf ogt, %add3A_141, %gt3A_143 : vector<16xf32>
      %mul3A_145 = arith.constant 2.000000e-01 : f32
      %mul3A_146 = vector.broadcast %mul3A_145 : f32 to vector<16xf32>
      %mul3A_147 = arith.mulf %mul3A_146, %add3A_141 : vector<16xf32>
      %select_n3A_148 = arith.select %gt3A_144, %add3A_141, %mul3A_147 : vector<16xi1>, vector<16xf32>
      %neg3A_149 = arith.constant 0.000000e+00 : f32
      %neg3A_150 = vector.broadcast %neg3A_149 : f32 to vector<16xf32>
      %neg3A_151 = arith.subf %neg3A_150, %select_n3A_148 : vector<16xf32>
      %exp3A_152 = math.exp %neg3A_151 : vector<16xf32>
      %mul3A_153 = arith.mulf %exp3A_152, %get3A_62 : vector<16xf32>
      %broadcast_in_dim3A_154 = arith.constant 3 : i32
      %broadcast_in_dim3A_155 = vector.broadcast %broadcast_in_dim3A_154 : i32 to vector<16xi32>
      tpu.vector_store_idx %arg17[%add3A_65, %broadcast_in_dim3A_155], %mul3A_153 : memref<128x4xf32, #tpu.memory_space<vmem>>[vector<16xi32>, vector<16xi32>], vector<16xf32>,
      %add3A_156 = arith.constant 3 : i32
      %add3A_157 = vector.broadcast %add3A_156 : i32 to vector<16xi32>
      %add3A_158 = arith.addi %mul3A_68, %add3A_157 : vector<16xi32>
      tpu.vector_store_idx %arg10[%add3A_158], %mul3A_153 {add = true} : memref<40960xf32, #tpu.memory_space<vmem>>[vector<16xi32>], vector<16xf32>,
      %get3A_159 = arith.constant 16 : index
      %get3A_160 = tpu.vector_load %arg11[%get3A_159] {strides = array<i32>} : memref<128xi32, #tpu.memory_space<vmem>>, vector<16xi32>,
      %get3A_161 = arith.constant 16 : index
      %get3A_162 = tpu.vector_load %arg13[%get3A_161] {strides = array<i32>} : memref<128xi32, #tpu.memory_space<vmem>>, vector<16xi32>,
      %get3A_163 = arith.constant 16 : index
      %get3A_164 = tpu.vector_load %arg15[%get3A_163] {strides = array<i32>} : memref<128xf32, #tpu.memory_space<vmem>>, vector<16xf32>,
      %iota3A_165 = tpu.iota {dimensions = array<i32: 0>} : vector<16xi32>
      %add3A_166 = arith.constant 16 : i32
      %add3A_167 = vector.broadcast %add3A_166 : i32 to vector<16xi32>
      %add3A_168 = arith.addi %iota3A_165, %add3A_167 : vector<16xi32>
      %mul3A_169 = arith.constant 4 : i32
      %mul3A_170 = vector.broadcast %mul3A_169 : i32 to vector<16xi32>
      %mul3A_171 = arith.muli %get3A_160, %mul3A_170 : vector<16xi32>
      %broadcast_in_dim3A_172 = arith.constant 0 : i32
      %broadcast_in_dim3A_173 = vector.broadcast %broadcast_in_dim3A_172 : i32 to vector<16xi32>
      %gather3A_174 = tpu.vector_load_idx %arg9[%broadcast_in_dim3A_173, %get3A_160] : memref<8x10240xf32, #tpu.memory_space<vmem>>[vector<16xi32>, vector<16xi32>], vector<16xf32>,
      %broadcast_in_dim3A_175 = arith.constant 4 : i32
      %broadcast_in_dim3A_176 = vector.broadcast %broadcast_in_dim3A_175 : i32 to vector<16xi32>
      %gather3A_177 = tpu.vector_load_idx %arg9[%broadcast_in_dim3A_176, %get3A_162] : memref<8x10240xf32, #tpu.memory_space<vmem>>[vector<16xi32>, vector<16xi32>], vector<16xf32>,
      %add3A_178 = arith.addf %gather3A_174, %gather3A_177 : vector<16xf32>
      %gt3A_179 = arith.constant 0.000000e+00 : f32
      %gt3A_180 = vector.broadcast %gt3A_179 : f32 to vector<16xf32>
      %gt3A_181 = arith.cmpf ogt, %add3A_178, %gt3A_180 : vector<16xf32>
      %mul3A_182 = arith.constant 2.000000e-01 : f32
      %mul3A_183 = vector.broadcast %mul3A_182 : f32 to vector<16xf32>
      %mul3A_184 = arith.mulf %mul3A_183, %add3A_178 : vector<16xf32>
      %select_n3A_185 = arith.select %gt3A_181, %add3A_178, %mul3A_184 : vector<16xi1>, vector<16xf32>
      %neg3A_186 = arith.constant 0.000000e+00 : f32
      %neg3A_187 = vector.broadcast %neg3A_186 : f32 to vector<16xf32>
      %neg3A_188 = arith.subf %neg3A_187, %select_n3A_185 : vector<16xf32>
      %exp3A_189 = math.exp %neg3A_188 : vector<16xf32>
      %mul3A_190 = arith.mulf %exp3A_189, %get3A_164 : vector<16xf32>
      %broadcast_in_dim3A_191 = arith.constant 0 : i32
      %broadcast_in_dim3A_192 = vector.broadcast %broadcast_in_dim3A_191 : i32 to vector<16xi32>
      tpu.vector_store_idx %arg17[%add3A_168, %broadcast_in_dim3A_192], %mul3A_190 : memref<128x4xf32, #tpu.memory_space<vmem>>[vector<16xi32>, vector<16xi32>], vector<16xf32>,
      %add3A_193 = arith.constant 0 : i32
      %add3A_194 = vector.broadcast %add3A_193 : i32 to vector<16xi32>
      %add3A_195 = arith.addi %mul3A_171, %add3A_194 : vector<16xi32>
      tpu.vector_store_idx %arg10[%add3A_195], %mul3A_190 {add = true} : memref<40960xf32, #tpu.memory_space<vmem>>[vector<16xi32>], vector<16xf32>,
      %broadcast_in_dim3A_196 = arith.constant 1 : i32
      %broadcast_in_dim3A_197 = vector.broadcast %broadcast_in_dim3A_196 : i32 to vector<16xi32>
      %gather3A_198 = tpu.vector_load_idx %arg9[%broadcast_in_dim3A_197, %get3A_160] : memref<8x10240xf32, #tpu.memory_space<vmem>>[vector<16xi32>, vector<16xi32>], vector<16xf32>,
      %broadcast_in_dim3A_199 = arith.constant 5 : i32
      %broadcast_in_dim3A_200 = vector.broadcast %broadcast_in_dim3A_199 : i32 to vector<16xi32>
      %gather3A_201 = tpu.vector_load_idx %arg9[%broadcast_in_dim3A_200, %get3A_162] : memref<8x10240xf32, #tpu.memory_space<vmem>>[vector<16xi32>, vector<16xi32>], vector<16xf32>,
      %add3A_202 = arith.addf %gather3A_198, %gather3A_201 : vector<16xf32>
      %gt3A_203 = arith.constant 0.000000e+00 : f32
      %gt3A_204 = vector.broadcast %gt3A_203 : f32 to vector<16xf32>
      %gt3A_205 = arith.cmpf ogt, %add3A_202, %gt3A_204 : vector<16xf32>
      %mul3A_206 = arith.constant 2.000000e-01 : f32
      %mul3A_207 = vector.broadcast %mul3A_206 : f32 to vector<16xf32>
      %mul3A_208 = arith.mulf %mul3A_207, %add3A_202 : vector<16xf32>
      %select_n3A_209 = arith.select %gt3A_205, %add3A_202, %mul3A_208 : vector<16xi1>, vector<16xf32>
      %neg3A_210 = arith.constant 0.000000e+00 : f32
      %neg3A_211 = vector.broadcast %neg3A_210 : f32 to vector<16xf32>
      %neg3A_212 = arith.subf %neg3A_211, %select_n3A_209 : vector<16xf32>
      %exp3A_213 = math.exp %neg3A_212 : vector<16xf32>
      %mul3A_214 = arith.mulf %exp3A_213, %get3A_164 : vector<16xf32>
      %broadcast_in_dim3A_215 = arith.constant 1 : i32
      %broadcast_in_dim3A_216 = vector.broadcast %broadcast_in_dim3A_215 : i32 to vector<16xi32>
      tpu.vector_store_idx %arg17[%add3A_168, %broadcast_in_dim3A_216], %mul3A_214 : memref<128x4xf32, #tpu.memory_space<vmem>>[vector<16xi32>, vector<16xi32>], vector<16xf32>,
      %add3A_217 = arith.constant 1 : i32
      %add3A_218 = vector.broadcast %add3A_217 : i32 to vector<16xi32>
      %add3A_219 = arith.addi %mul3A_171, %add3A_218 : vector<16xi32>
      tpu.vector_store_idx %arg10[%add3A_219], %mul3A_214 {add = true} : memref<40960xf32, #tpu.memory_space<vmem>>[vector<16xi32>], vector<16xf32>,
      %broadcast_in_dim3A_220 = arith.constant 2 : i32
      %broadcast_in_dim3A_221 = vector.broadcast %broadcast_in_dim3A_220 : i32 to vector<16xi32>
      %gather3A_222 = tpu.vector_load_idx %arg9[%broadcast_in_dim3A_221, %get3A_160] : memref<8x10240xf32, #tpu.memory_space<vmem>>[vector<16xi32>, vector<16xi32>], vector<16xf32>,
      %broadcast_in_dim3A_223 = arith.constant 6 : i32
      %broadcast_in_dim3A_224 = vector.broadcast %broadcast_in_dim3A_223 : i32 to vector<16xi32>
      %gather3A_225 = tpu.vector_load_idx %arg9[%broadcast_in_dim3A_224, %get3A_162] : memref<8x10240xf32, #tpu.memory_space<vmem>>[vector<16xi32>, vector<16xi32>], vector<16xf32>,
      %add3A_226 = arith.addf %gather3A_222, %gather3A_225 : vector<16xf32>
      %gt3A_227 = arith.constant 0.000000e+00 : f32
      %gt3A_228 = vector.broadcast %gt3A_227 : f32 to vector<16xf32>
      %gt3A_229 = arith.cmpf ogt, %add3A_226, %gt3A_228 : vector<16xf32>
      %mul3A_230 = arith.constant 2.000000e-01 : f32
      %mul3A_231 = vector.broadcast %mul3A_230 : f32 to vector<16xf32>
      %mul3A_232 = arith.mulf %mul3A_231, %add3A_226 : vector<16xf32>
      %select_n3A_233 = arith.select %gt3A_229, %add3A_226, %mul3A_232 : vector<16xi1>, vector<16xf32>
      %neg3A_234 = arith.constant 0.000000e+00 : f32
      %neg3A_235 = vector.broadcast %neg3A_234 : f32 to vector<16xf32>
      %neg3A_236 = arith.subf %neg3A_235, %select_n3A_233 : vector<16xf32>
      %exp3A_237 = math.exp %neg3A_236 : vector<16xf32>
      %mul3A_238 = arith.mulf %exp3A_237, %get3A_164 : vector<16xf32>
      %broadcast_in_dim3A_239 = arith.constant 2 : i32
      %broadcast_in_dim3A_240 = vector.broadcast %broadcast_in_dim3A_239 : i32 to vector<16xi32>
      tpu.vector_store_idx %arg17[%add3A_168, %broadcast_in_dim3A_240], %mul3A_238 : memref<128x4xf32, #tpu.memory_space<vmem>>[vector<16xi32>, vector<16xi32>], vector<16xf32>,
      %add3A_241 = arith.constant 2 : i32
      %add3A_242 = vector.broadcast %add3A_241 : i32 to vector<16xi32>
      %add3A_243 = arith.addi %mul3A_171, %add3A_242 : vector<16xi32>
      tpu.vector_store_idx %arg10[%add3A_243], %mul3A_238 {add = true} : memref<40960xf32, #tpu.memory_space<vmem>>[vector<16xi32>], vector<16xf32>,
      %broadcast_in_dim3A_244 = arith.constant 3 : i32
      %broadcast_in_dim3A_245 = vector.broadcast %broadcast_in_dim3A_244 : i32 to vector<16xi32>
      %gather3A_246 = tpu.vector_load_idx %arg9[%broadcast_in_dim3A_245, %get3A_160] : memref<8x10240xf32, #tpu.memory_space<vmem>>[vector<16xi32>, vector<16xi32>], vector<16xf32>,
      %broadcast_in_dim3A_247 = arith.constant 7 : i32
      %broadcast_in_dim3A_248 = vector.broadcast %broadcast_in_dim3A_247 : i32 to vector<16xi32>
      %gather3A_249 = tpu.vector_load_idx %arg9[%broadcast_in_dim3A_248, %get3A_162] : memref<8x10240xf32, #tpu.memory_space<vmem>>[vector<16xi32>, vector<16xi32>], vector<16xf32>,
      %add3A_250 = arith.addf %gather3A_246, %gather3A_249 : vector<16xf32>
      %gt3A_251 = arith.constant 0.000000e+00 : f32
      %gt3A_252 = vector.broadcast %gt3A_251 : f32 to vector<16xf32>
      %gt3A_253 = arith.cmpf ogt, %add3A_250, %gt3A_252 : vector<16xf32>
      %mul3A_254 = arith.constant 2.000000e-01 : f32
      %mul3A_255 = vector.broadcast %mul3A_254 : f32 to vector<16xf32>
      %mul3A_256 = arith.mulf %mul3A_255, %add3A_250 : vector<16xf32>
      %select_n3A_257 = arith.select %gt3A_253, %add3A_250, %mul3A_256 : vector<16xi1>, vector<16xf32>
      %neg3A_258 = arith.constant 0.000000e+00 : f32
      %neg3A_259 = vector.broadcast %neg3A_258 : f32 to vector<16xf32>
      %neg3A_260 = arith.subf %neg3A_259, %select_n3A_257 : vector<16xf32>
      %exp3A_261 = math.exp %neg3A_260 : vector<16xf32>
      %mul3A_262 = arith.mulf %exp3A_261, %get3A_164 : vector<16xf32>
      %broadcast_in_dim3A_263 = arith.constant 3 : i32
      %broadcast_in_dim3A_264 = vector.broadcast %broadcast_in_dim3A_263 : i32 to vector<16xi32>
      tpu.vector_store_idx %arg17[%add3A_168, %broadcast_in_dim3A_264], %mul3A_262 : memref<128x4xf32, #tpu.memory_space<vmem>>[vector<16xi32>, vector<16xi32>], vector<16xf32>,
      %add3A_265 = arith.constant 3 : i32
      %add3A_266 = vector.broadcast %add3A_265 : i32 to vector<16xi32>
      %add3A_267 = arith.addi %mul3A_171, %add3A_266 : vector<16xi32>
      tpu.vector_store_idx %arg10[%add3A_267], %mul3A_262 {add = true} : memref<40960xf32, #tpu.memory_space<vmem>>[vector<16xi32>], vector<16xf32>,
      %get3A_268 = arith.constant 32 : index
      %get3A_269 = tpu.vector_load %arg11[%get3A_268] {strides = array<i32>} : memref<128xi32, #tpu.memory_space<vmem>>, vector<16xi32>,
      %get3A_270 = arith.constant 32 : index
      %get3A_271 = tpu.vector_load %arg13[%get3A_270] {strides = array<i32>} : memref<128xi32, #tpu.memory_space<vmem>>, vector<16xi32>,
      %get3A_272 = arith.constant 32 : index
      %get3A_273 = tpu.vector_load %arg15[%get3A_272] {strides = array<i32>} : memref<128xf32, #tpu.memory_space<vmem>>, vector<16xf32>,
      %iota3A_274 = tpu.iota {dimensions = array<i32: 0>} : vector<16xi32>
      %add3A_275 = arith.constant 32 : i32
      %add3A_276 = vector.broadcast %add3A_275 : i32 to vector<16xi32>
      %add3A_277 = arith.addi %iota3A_274, %add3A_276 : vector<16xi32>
      %mul3A_278 = arith.constant 4 : i32
      %mul3A_279 = vector.broadcast %mul3A_278 : i32 to vector<16xi32>
      %mul3A_280 = arith.muli %get3A_269, %mul3A_279 : vector<16xi32>
      %broadcast_in_dim3A_281 = arith.constant 0 : i32
      %broadcast_in_dim3A_282 = vector.broadcast %broadcast_in_dim3A_281 : i32 to vector<16xi32>
      %gather3A_283 = tpu.vector_load_idx %arg9[%broadcast_in_dim3A_282, %get3A_269] : memref<8x10240xf32, #tpu.memory_space<vmem>>[vector<16xi32>, vector<16xi32>], vector<16xf32>,
      %broadcast_in_dim3A_284 = arith.constant 4 : i32
      %broadcast_in_dim3A_285 = vector.broadcast %broadcast_in_dim3A_284 : i32 to vector<16xi32>
      %gather3A_286 = tpu.vector_load_idx %arg9[%broadcast_in_dim3A_285, %get3A_271] : memref<8x10240xf32, #tpu.memory_space<vmem>>[vector<16xi32>, vector<16xi32>], vector<16xf32>,
      %add3A_287 = arith.addf %gather3A_283, %gather3A_286 : vector<16xf32>
      %gt3A_288 = arith.constant 0.000000e+00 : f32
      %gt3A_289 = vector.broadcast %gt3A_288 : f32 to vector<16xf32>
      %gt3A_290 = arith.cmpf ogt, %add3A_287, %gt3A_289 : vector<16xf32>
      %mul3A_291 = arith.constant 2.000000e-01 : f32
      %mul3A_292 = vector.broadcast %mul3A_291 : f32 to vector<16xf32>
      %mul3A_293 = arith.mulf %mul3A_292, %add3A_287 : vector<16xf32>
      %select_n3A_294 = arith.select %gt3A_290, %add3A_287, %mul3A_293 : vector<16xi1>, vector<16xf32>
      %neg3A_295 = arith.constant 0.000000e+00 : f32
      %neg3A_296 = vector.broadcast %neg3A_295 : f32 to vector<16xf32>
      %neg3A_297 = arith.subf %neg3A_296, %select_n3A_294 : vector<16xf32>
      %exp3A_298 = math.exp %neg3A_297 : vector<16xf32>
      %mul3A_299 = arith.mulf %exp3A_298, %get3A_273 : vector<16xf32>
      %broadcast_in_dim3A_300 = arith.constant 0 : i32
      %broadcast_in_dim3A_301 = vector.broadcast %broadcast_in_dim3A_300 : i32 to vector<16xi32>
      tpu.vector_store_idx %arg17[%add3A_277, %broadcast_in_dim3A_301], %mul3A_299 : memref<128x4xf32, #tpu.memory_space<vmem>>[vector<16xi32>, vector<16xi32>], vector<16xf32>,
      %add3A_302 = arith.constant 0 : i32
      %add3A_303 = vector.broadcast %add3A_302 : i32 to vector<16xi32>
      %add3A_304 = arith.addi %mul3A_280, %add3A_303 : vector<16xi32>
      tpu.vector_store_idx %arg10[%add3A_304], %mul3A_299 {add = true} : memref<40960xf32, #tpu.memory_space<vmem>>[vector<16xi32>], vector<16xf32>,
      %broadcast_in_dim3A_305 = arith.constant 1 : i32
      %broadcast_in_dim3A_306 = vector.broadcast %broadcast_in_dim3A_305 : i32 to vector<16xi32>
      %gather3A_307 = tpu.vector_load_idx %arg9[%broadcast_in_dim3A_306, %get3A_269] : memref<8x10240xf32, #tpu.memory_space<vmem>>[vector<16xi32>, vector<16xi32>], vector<16xf32>,
      %broadcast_in_dim3A_308 = arith.constant 5 : i32
      %broadcast_in_dim3A_309 = vector.broadcast %broadcast_in_dim3A_308 : i32 to vector<16xi32>
      %gather3A_310 = tpu.vector_load_idx %arg9[%broadcast_in_dim3A_309, %get3A_271] : memref<8x10240xf32, #tpu.memory_space<vmem>>[vector<16xi32>, vector<16xi32>], vector<16xf32>,
      %add3A_311 = arith.addf %gather3A_307, %gather3A_310 : vector<16xf32>
      %gt3A_312 = arith.constant 0.000000e+00 : f32
      %gt3A_313 = vector.broadcast %gt3A_312 : f32 to vector<16xf32>
      %gt3A_314 = arith.cmpf ogt, %add3A_311, %gt3A_313 : vector<16xf32>
      %mul3A_315 = arith.constant 2.000000e-01 : f32
      %mul3A_316 = vector.broadcast %mul3A_315 : f32 to vector<16xf32>
      %mul3A_317 = arith.mulf %mul3A_316, %add3A_311 : vector<16xf32>
      %select_n3A_318 = arith.select %gt3A_314, %add3A_311, %mul3A_317 : vector<16xi1>, vector<16xf32>
      %neg3A_319 = arith.constant 0.000000e+00 : f32
      %neg3A_320 = vector.broadcast %neg3A_319 : f32 to vector<16xf32>
      %neg3A_321 = arith.subf %neg3A_320, %select_n3A_318 : vector<16xf32>
      %exp3A_322 = math.exp %neg3A_321 : vector<16xf32>
      %mul3A_323 = arith.mulf %exp3A_322, %get3A_273 : vector<16xf32>
      %broadcast_in_dim3A_324 = arith.constant 1 : i32
      %broadcast_in_dim3A_325 = vector.broadcast %broadcast_in_dim3A_324 : i32 to vector<16xi32>
      tpu.vector_store_idx %arg17[%add3A_277, %broadcast_in_dim3A_325], %mul3A_323 : memref<128x4xf32, #tpu.memory_space<vmem>>[vector<16xi32>, vector<16xi32>], vector<16xf32>,
      %add3A_326 = arith.constant 1 : i32
      %add3A_327 = vector.broadcast %add3A_326 : i32 to vector<16xi32>
      %add3A_328 = arith.addi %mul3A_280, %add3A_327 : vector<16xi32>
      tpu.vector_store_idx %arg10[%add3A_328], %mul3A_323 {add = true} : memref<40960xf32, #tpu.memory_space<vmem>>[vector<16xi32>], vector<16xf32>,
      %broadcast_in_dim3A_329 = arith.constant 2 : i32
      %broadcast_in_dim3A_330 = vector.broadcast %broadcast_in_dim3A_329 : i32 to vector<16xi32>
      %gather3A_331 = tpu.vector_load_idx %arg9[%broadcast_in_dim3A_330, %get3A_269] : memref<8x10240xf32, #tpu.memory_space<vmem>>[vector<16xi32>, vector<16xi32>], vector<16xf32>,
      %broadcast_in_dim3A_332 = arith.constant 6 : i32
      %broadcast_in_dim3A_333 = vector.broadcast %broadcast_in_dim3A_332 : i32 to vector<16xi32>
      %gather3A_334 = tpu.vector_load_idx %arg9[%broadcast_in_dim3A_333, %get3A_271] : memref<8x10240xf32, #tpu.memory_space<vmem>>[vector<16xi32>, vector<16xi32>], vector<16xf32>,
      %add3A_335 = arith.addf %gather3A_331, %gather3A_334 : vector<16xf32>
      %gt3A_336 = arith.constant 0.000000e+00 : f32
      %gt3A_337 = vector.broadcast %gt3A_336 : f32 to vector<16xf32>
      %gt3A_338 = arith.cmpf ogt, %add3A_335, %gt3A_337 : vector<16xf32>
      %mul3A_339 = arith.constant 2.000000e-01 : f32
      %mul3A_340 = vector.broadcast %mul3A_339 : f32 to vector<16xf32>
      %mul3A_341 = arith.mulf %mul3A_340, %add3A_335 : vector<16xf32>
      %select_n3A_342 = arith.select %gt3A_338, %add3A_335, %mul3A_341 : vector<16xi1>, vector<16xf32>
      %neg3A_343 = arith.constant 0.000000e+00 : f32
      %neg3A_344 = vector.broadcast %neg3A_343 : f32 to vector<16xf32>
      %neg3A_345 = arith.subf %neg3A_344, %select_n3A_342 : vector<16xf32>
      %exp3A_346 = math.exp %neg3A_345 : vector<16xf32>
      %mul3A_347 = arith.mulf %exp3A_346, %get3A_273 : vector<16xf32>
      %broadcast_in_dim3A_348 = arith.constant 2 : i32
      %broadcast_in_dim3A_349 = vector.broadcast %broadcast_in_dim3A_348 : i32 to vector<16xi32>
      tpu.vector_store_idx %arg17[%add3A_277, %broadcast_in_dim3A_349], %mul3A_347 : memref<128x4xf32, #tpu.memory_space<vmem>>[vector<16xi32>, vector<16xi32>], vector<16xf32>,
      %add3A_350 = arith.constant 2 : i32
      %add3A_351 = vector.broadcast %add3A_350 : i32 to vector<16xi32>
      %add3A_352 = arith.addi %mul3A_280, %add3A_351 : vector<16xi32>
      tpu.vector_store_idx %arg10[%add3A_352], %mul3A_347 {add = true} : memref<40960xf32, #tpu.memory_space<vmem>>[vector<16xi32>], vector<16xf32>,
      %broadcast_in_dim3A_353 = arith.constant 3 : i32
      %broadcast_in_dim3A_354 = vector.broadcast %broadcast_in_dim3A_353 : i32 to vector<16xi32>
      %gather3A_355 = tpu.vector_load_idx %arg9[%broadcast_in_dim3A_354, %get3A_269] : memref<8x10240xf32, #tpu.memory_space<vmem>>[vector<16xi32>, vector<16xi32>], vector<16xf32>,
      %broadcast_in_dim3A_356 = arith.constant 7 : i32
      %broadcast_in_dim3A_357 = vector.broadcast %broadcast_in_dim3A_356 : i32 to vector<16xi32>
      %gather3A_358 = tpu.vector_load_idx %arg9[%broadcast_in_dim3A_357, %get3A_271] : memref<8x10240xf32, #tpu.memory_space<vmem>>[vector<16xi32>, vector<16xi32>], vector<16xf32>,
      %add3A_359 = arith.addf %gather3A_355, %gather3A_358 : vector<16xf32>
      %gt3A_360 = arith.constant 0.000000e+00 : f32
      %gt3A_361 = vector.broadcast %gt3A_360 : f32 to vector<16xf32>
      %gt3A_362 = arith.cmpf ogt, %add3A_359, %gt3A_361 : vector<16xf32>
      %mul3A_363 = arith.constant 2.000000e-01 : f32
      %mul3A_364 = vector.broadcast %mul3A_363 : f32 to vector<16xf32>
      %mul3A_365 = arith.mulf %mul3A_364, %add3A_359 : vector<16xf32>
      %select_n3A_366 = arith.select %gt3A_362, %add3A_359, %mul3A_365 : vector<16xi1>, vector<16xf32>
      %neg3A_367 = arith.constant 0.000000e+00 : f32
      %neg3A_368 = vector.broadcast %neg3A_367 : f32 to vector<16xf32>
      %neg3A_369 = arith.subf %neg3A_368, %select_n3A_366 : vector<16xf32>
      %exp3A_370 = math.exp %neg3A_369 : vector<16xf32>
      %mul3A_371 = arith.mulf %exp3A_370, %get3A_273 : vector<16xf32>
      %broadcast_in_dim3A_372 = arith.constant 3 : i32
      %broadcast_in_dim3A_373 = vector.broadcast %broadcast_in_dim3A_372 : i32 to vector<16xi32>
      tpu.vector_store_idx %arg17[%add3A_277, %broadcast_in_dim3A_373], %mul3A_371 : memref<128x4xf32, #tpu.memory_space<vmem>>[vector<16xi32>, vector<16xi32>], vector<16xf32>,
      %add3A_374 = arith.constant 3 : i32
      %add3A_375 = vector.broadcast %add3A_374 : i32 to vector<16xi32>
      %add3A_376 = arith.addi %mul3A_280, %add3A_375 : vector<16xi32>
      tpu.vector_store_idx %arg10[%add3A_376], %mul3A_371 {add = true} : memref<40960xf32, #tpu.memory_space<vmem>>[vector<16xi32>], vector<16xf32>,
      %get3A_377 = arith.constant 48 : index
      %get3A_378 = tpu.vector_load %arg11[%get3A_377] {strides = array<i32>} : memref<128xi32, #tpu.memory_space<vmem>>, vector<16xi32>,
      %get3A_379 = arith.constant 48 : index
      %get3A_380 = tpu.vector_load %arg13[%get3A_379] {strides = array<i32>} : memref<128xi32, #tpu.memory_space<vmem>>, vector<16xi32>,
      %get3A_381 = arith.constant 48 : index
      %get3A_382 = tpu.vector_load %arg15[%get3A_381] {strides = array<i32>} : memref<128xf32, #tpu.memory_space<vmem>>, vector<16xf32>,
      %iota3A_383 = tpu.iota {dimensions = array<i32: 0>} : vector<16xi32>
      %add3A_384 = arith.constant 48 : i32
      %add3A_385 = vector.broadcast %add3A_384 : i32 to vector<16xi32>
      %add3A_386 = arith.addi %iota3A_383, %add3A_385 : vector<16xi32>
      %mul3A_387 = arith.constant 4 : i32
      %mul3A_388 = vector.broadcast %mul3A_387 : i32 to vector<16xi32>
      %mul3A_389 = arith.muli %get3A_378, %mul3A_388 : vector<16xi32>
      %broadcast_in_dim3A_390 = arith.constant 0 : i32
      %broadcast_in_dim3A_391 = vector.broadcast %broadcast_in_dim3A_390 : i32 to vector<16xi32>
      %gather3A_392 = tpu.vector_load_idx %arg9[%broadcast_in_dim3A_391, %get3A_378] : memref<8x10240xf32, #tpu.memory_space<vmem>>[vector<16xi32>, vector<16xi32>], vector<16xf32>,
      %broadcast_in_dim3A_393 = arith.constant 4 : i32
      %broadcast_in_dim3A_394 = vector.broadcast %broadcast_in_dim3A_393 : i32 to vector<16xi32>
      %gather3A_395 = tpu.vector_load_idx %arg9[%broadcast_in_dim3A_394, %get3A_380] : memref<8x10240xf32, #tpu.memory_space<vmem>>[vector<16xi32>, vector<16xi32>], vector<16xf32>,
      %add3A_396 = arith.addf %gather3A_392, %gather3A_395 : vector<16xf32>
      %gt3A_397 = arith.constant 0.000000e+00 : f32
      %gt3A_398 = vector.broadcast %gt3A_397 : f32 to vector<16xf32>
      %gt3A_399 = arith.cmpf ogt, %add3A_396, %gt3A_398 : vector<16xf32>
      %mul3A_400 = arith.constant 2.000000e-01 : f32
      %mul3A_401 = vector.broadcast %mul3A_400 : f32 to vector<16xf32>
      %mul3A_402 = arith.mulf %mul3A_401, %add3A_396 : vector<16xf32>
      %select_n3A_403 = arith.select %gt3A_399, %add3A_396, %mul3A_402 : vector<16xi1>, vector<16xf32>
      %neg3A_404 = arith.constant 0.000000e+00 : f32
      %neg3A_405 = vector.broadcast %neg3A_404 : f32 to vector<16xf32>
      %neg3A_406 = arith.subf %neg3A_405, %select_n3A_403 : vector<16xf32>
      %exp3A_407 = math.exp %neg3A_406 : vector<16xf32>
      %mul3A_408 = arith.mulf %exp3A_407, %get3A_382 : vector<16xf32>
      %broadcast_in_dim3A_409 = arith.constant 0 : i32
      %broadcast_in_dim3A_410 = vector.broadcast %broadcast_in_dim3A_409 : i32 to vector<16xi32>
      tpu.vector_store_idx %arg17[%add3A_386, %broadcast_in_dim3A_410], %mul3A_408 : memref<128x4xf32, #tpu.memory_space<vmem>>[vector<16xi32>, vector<16xi32>], vector<16xf32>,
      %add3A_411 = arith.constant 0 : i32
      %add3A_412 = vector.broadcast %add3A_411 : i32 to vector<16xi32>
      %add3A_413 = arith.addi %mul3A_389, %add3A_412 : vector<16xi32>
      tpu.vector_store_idx %arg10[%add3A_413], %mul3A_408 {add = true} : memref<40960xf32, #tpu.memory_space<vmem>>[vector<16xi32>], vector<16xf32>,
      %broadcast_in_dim3A_414 = arith.constant 1 : i32
      %broadcast_in_dim3A_415 = vector.broadcast %broadcast_in_dim3A_414 : i32 to vector<16xi32>
      %gather3A_416 = tpu.vector_load_idx %arg9[%broadcast_in_dim3A_415, %get3A_378] : memref<8x10240xf32, #tpu.memory_space<vmem>>[vector<16xi32>, vector<16xi32>], vector<16xf32>,
      %broadcast_in_dim3A_417 = arith.constant 5 : i32
      %broadcast_in_dim3A_418 = vector.broadcast %broadcast_in_dim3A_417 : i32 to vector<16xi32>
      %gather3A_419 = tpu.vector_load_idx %arg9[%broadcast_in_dim3A_418, %get3A_380] : memref<8x10240xf32, #tpu.memory_space<vmem>>[vector<16xi32>, vector<16xi32>], vector<16xf32>,
      %add3A_420 = arith.addf %gather3A_416, %gather3A_419 : vector<16xf32>
      %gt3A_421 = arith.constant 0.000000e+00 : f32
      %gt3A_422 = vector.broadcast %gt3A_421 : f32 to vector<16xf32>
      %gt3A_423 = arith.cmpf ogt, %add3A_420, %gt3A_422 : vector<16xf32>
      %mul3A_424 = arith.constant 2.000000e-01 : f32
      %mul3A_425 = vector.broadcast %mul3A_424 : f32 to vector<16xf32>
      %mul3A_426 = arith.mulf %mul3A_425, %add3A_420 : vector<16xf32>
      %select_n3A_427 = arith.select %gt3A_423, %add3A_420, %mul3A_426 : vector<16xi1>, vector<16xf32>
      %neg3A_428 = arith.constant 0.000000e+00 : f32
      %neg3A_429 = vector.broadcast %neg3A_428 : f32 to vector<16xf32>
      %neg3A_430 = arith.subf %neg3A_429, %select_n3A_427 : vector<16xf32>
      %exp3A_431 = math.exp %neg3A_430 : vector<16xf32>
      %mul3A_432 = arith.mulf %exp3A_431, %get3A_382 : vector<16xf32>
      %broadcast_in_dim3A_433 = arith.constant 1 : i32
      %broadcast_in_dim3A_434 = vector.broadcast %broadcast_in_dim3A_433 : i32 to vector<16xi32>
      tpu.vector_store_idx %arg17[%add3A_386, %broadcast_in_dim3A_434], %mul3A_432 : memref<128x4xf32, #tpu.memory_space<vmem>>[vector<16xi32>, vector<16xi32>], vector<16xf32>,
      %add3A_435 = arith.constant 1 : i32
      %add3A_436 = vector.broadcast %add3A_435 : i32 to vector<16xi32>
      %add3A_437 = arith.addi %mul3A_389, %add3A_436 : vector<16xi32>
      tpu.vector_store_idx %arg10[%add3A_437], %mul3A_432 {add = true} : memref<40960xf32, #tpu.memory_space<vmem>>[vector<16xi32>], vector<16xf32>,
      %broadcast_in_dim3A_438 = arith.constant 2 : i32
      %broadcast_in_dim3A_439 = vector.broadcast %broadcast_in_dim3A_438 : i32 to vector<16xi32>
      %gather3A_440 = tpu.vector_load_idx %arg9[%broadcast_in_dim3A_439, %get3A_378] : memref<8x10240xf32, #tpu.memory_space<vmem>>[vector<16xi32>, vector<16xi32>], vector<16xf32>,
      %broadcast_in_dim3A_441 = arith.constant 6 : i32
      %broadcast_in_dim3A_442 = vector.broadcast %broadcast_in_dim3A_441 : i32 to vector<16xi32>
      %gather3A_443 = tpu.vector_load_idx %arg9[%broadcast_in_dim3A_442, %get3A_380] : memref<8x10240xf32, #tpu.memory_space<vmem>>[vector<16xi32>, vector<16xi32>], vector<16xf32>,
      %add3A_444 = arith.addf %gather3A_440, %gather3A_443 : vector<16xf32>
      %gt3A_445 = arith.constant 0.000000e+00 : f32
      %gt3A_446 = vector.broadcast %gt3A_445 : f32 to vector<16xf32>
      %gt3A_447 = arith.cmpf ogt, %add3A_444, %gt3A_446 : vector<16xf32>
      %mul3A_448 = arith.constant 2.000000e-01 : f32
      %mul3A_449 = vector.broadcast %mul3A_448 : f32 to vector<16xf32>
      %mul3A_450 = arith.mulf %mul3A_449, %add3A_444 : vector<16xf32>
      %select_n3A_451 = arith.select %gt3A_447, %add3A_444, %mul3A_450 : vector<16xi1>, vector<16xf32>
      %neg3A_452 = arith.constant 0.000000e+00 : f32
      %neg3A_453 = vector.broadcast %neg3A_452 : f32 to vector<16xf32>
      %neg3A_454 = arith.subf %neg3A_453, %select_n3A_451 : vector<16xf32>
      %exp3A_455 = math.exp %neg3A_454 : vector<16xf32>
      %mul3A_456 = arith.mulf %exp3A_455, %get3A_382 : vector<16xf32>
      %broadcast_in_dim3A_457 = arith.constant 2 : i32
      %broadcast_in_dim3A_458 = vector.broadcast %broadcast_in_dim3A_457 : i32 to vector<16xi32>
      tpu.vector_store_idx %arg17[%add3A_386, %broadcast_in_dim3A_458], %mul3A_456 : memref<128x4xf32, #tpu.memory_space<vmem>>[vector<16xi32>, vector<16xi32>], vector<16xf32>,
      %add3A_459 = arith.constant 2 : i32
      %add3A_460 = vector.broadcast %add3A_459 : i32 to vector<16xi32>
      %add3A_461 = arith.addi %mul3A_389, %add3A_460 : vector<16xi32>
      tpu.vector_store_idx %arg10[%add3A_461], %mul3A_456 {add = true} : memref<40960xf32, #tpu.memory_space<vmem>>[vector<16xi32>], vector<16xf32>,
      %broadcast_in_dim3A_462 = arith.constant 3 : i32
      %broadcast_in_dim3A_463 = vector.broadcast %broadcast_in_dim3A_462 : i32 to vector<16xi32>
      %gather3A_464 = tpu.vector_load_idx %arg9[%broadcast_in_dim3A_463, %get3A_378] : memref<8x10240xf32, #tpu.memory_space<vmem>>[vector<16xi32>, vector<16xi32>], vector<16xf32>,
      %broadcast_in_dim3A_465 = arith.constant 7 : i32
      %broadcast_in_dim3A_466 = vector.broadcast %broadcast_in_dim3A_465 : i32 to vector<16xi32>
      %gather3A_467 = tpu.vector_load_idx %arg9[%broadcast_in_dim3A_466, %get3A_380] : memref<8x10240xf32, #tpu.memory_space<vmem>>[vector<16xi32>, vector<16xi32>], vector<16xf32>,
      %add3A_468 = arith.addf %gather3A_464, %gather3A_467 : vector<16xf32>
      %gt3A_469 = arith.constant 0.000000e+00 : f32
      %gt3A_470 = vector.broadcast %gt3A_469 : f32 to vector<16xf32>
      %gt3A_471 = arith.cmpf ogt, %add3A_468, %gt3A_470 : vector<16xf32>
      %mul3A_472 = arith.constant 2.000000e-01 : f32
      %mul3A_473 = vector.broadcast %mul3A_472 : f32 to vector<16xf32>
      %mul3A_474 = arith.mulf %mul3A_473, %add3A_468 : vector<16xf32>
      %select_n3A_475 = arith.select %gt3A_471, %add3A_468, %mul3A_474 : vector<16xi1>, vector<16xf32>
      %neg3A_476 = arith.constant 0.000000e+00 : f32
      %neg3A_477 = vector.broadcast %neg3A_476 : f32 to vector<16xf32>
      %neg3A_478 = arith.subf %neg3A_477, %select_n3A_475 : vector<16xf32>
      %exp3A_479 = math.exp %neg3A_478 : vector<16xf32>
      %mul3A_480 = arith.mulf %exp3A_479, %get3A_382 : vector<16xf32>
      %broadcast_in_dim3A_481 = arith.constant 3 : i32
      %broadcast_in_dim3A_482 = vector.broadcast %broadcast_in_dim3A_481 : i32 to vector<16xi32>
      tpu.vector_store_idx %arg17[%add3A_386, %broadcast_in_dim3A_482], %mul3A_480 : memref<128x4xf32, #tpu.memory_space<vmem>>[vector<16xi32>, vector<16xi32>], vector<16xf32>,
      %add3A_483 = arith.constant 3 : i32
      %add3A_484 = vector.broadcast %add3A_483 : i32 to vector<16xi32>
      %add3A_485 = arith.addi %mul3A_389, %add3A_484 : vector<16xi32>
      tpu.vector_store_idx %arg10[%add3A_485], %mul3A_480 {add = true} : memref<40960xf32, #tpu.memory_space<vmem>>[vector<16xi32>], vector<16xf32>,
      %get3A_486 = arith.constant 64 : index
      %get3A_487 = tpu.vector_load %arg11[%get3A_486] {strides = array<i32>} : memref<128xi32, #tpu.memory_space<vmem>>, vector<16xi32>,
      %get3A_488 = arith.constant 64 : index
      %get3A_489 = tpu.vector_load %arg13[%get3A_488] {strides = array<i32>} : memref<128xi32, #tpu.memory_space<vmem>>, vector<16xi32>,
      %get3A_490 = arith.constant 64 : index
      %get3A_491 = tpu.vector_load %arg15[%get3A_490] {strides = array<i32>} : memref<128xf32, #tpu.memory_space<vmem>>, vector<16xf32>,
      %iota3A_492 = tpu.iota {dimensions = array<i32: 0>} : vector<16xi32>
      %add3A_493 = arith.constant 64 : i32
      %add3A_494 = vector.broadcast %add3A_493 : i32 to vector<16xi32>
      %add3A_495 = arith.addi %iota3A_492, %add3A_494 : vector<16xi32>
      %mul3A_496 = arith.constant 4 : i32
      %mul3A_497 = vector.broadcast %mul3A_496 : i32 to vector<16xi32>
      %mul3A_498 = arith.muli %get3A_487, %mul3A_497 : vector<16xi32>
      %broadcast_in_dim3A_499 = arith.constant 0 : i32
      %broadcast_in_dim3A_500 = vector.broadcast %broadcast_in_dim3A_499 : i32 to vector<16xi32>
      %gather3A_501 = tpu.vector_load_idx %arg9[%broadcast_in_dim3A_500, %get3A_487] : memref<8x10240xf32, #tpu.memory_space<vmem>>[vector<16xi32>, vector<16xi32>], vector<16xf32>,
      %broadcast_in_dim3A_502 = arith.constant 4 : i32
      %broadcast_in_dim3A_503 = vector.broadcast %broadcast_in_dim3A_502 : i32 to vector<16xi32>
      %gather3A_504 = tpu.vector_load_idx %arg9[%broadcast_in_dim3A_503, %get3A_489] : memref<8x10240xf32, #tpu.memory_space<vmem>>[vector<16xi32>, vector<16xi32>], vector<16xf32>,
      %add3A_505 = arith.addf %gather3A_501, %gather3A_504 : vector<16xf32>
      %gt3A_506 = arith.constant 0.000000e+00 : f32
      %gt3A_507 = vector.broadcast %gt3A_506 : f32 to vector<16xf32>
      %gt3A_508 = arith.cmpf ogt, %add3A_505, %gt3A_507 : vector<16xf32>
      %mul3A_509 = arith.constant 2.000000e-01 : f32
      %mul3A_510 = vector.broadcast %mul3A_509 : f32 to vector<16xf32>
      %mul3A_511 = arith.mulf %mul3A_510, %add3A_505 : vector<16xf32>
      %select_n3A_512 = arith.select %gt3A_508, %add3A_505, %mul3A_511 : vector<16xi1>, vector<16xf32>
      %neg3A_513 = arith.constant 0.000000e+00 : f32
      %neg3A_514 = vector.broadcast %neg3A_513 : f32 to vector<16xf32>
      %neg3A_515 = arith.subf %neg3A_514, %select_n3A_512 : vector<16xf32>
      %exp3A_516 = math.exp %neg3A_515 : vector<16xf32>
      %mul3A_517 = arith.mulf %exp3A_516, %get3A_491 : vector<16xf32>
      %broadcast_in_dim3A_518 = arith.constant 0 : i32
      %broadcast_in_dim3A_519 = vector.broadcast %broadcast_in_dim3A_518 : i32 to vector<16xi32>
      tpu.vector_store_idx %arg17[%add3A_495, %broadcast_in_dim3A_519], %mul3A_517 : memref<128x4xf32, #tpu.memory_space<vmem>>[vector<16xi32>, vector<16xi32>], vector<16xf32>,
      %add3A_520 = arith.constant 0 : i32
      %add3A_521 = vector.broadcast %add3A_520 : i32 to vector<16xi32>
      %add3A_522 = arith.addi %mul3A_498, %add3A_521 : vector<16xi32>
      tpu.vector_store_idx %arg10[%add3A_522], %mul3A_517 {add = true} : memref<40960xf32, #tpu.memory_space<vmem>>[vector<16xi32>], vector<16xf32>,
      %broadcast_in_dim3A_523 = arith.constant 1 : i32
      %broadcast_in_dim3A_524 = vector.broadcast %broadcast_in_dim3A_523 : i32 to vector<16xi32>
      %gather3A_525 = tpu.vector_load_idx %arg9[%broadcast_in_dim3A_524, %get3A_487] : memref<8x10240xf32, #tpu.memory_space<vmem>>[vector<16xi32>, vector<16xi32>], vector<16xf32>,
      %broadcast_in_dim3A_526 = arith.constant 5 : i32
      %broadcast_in_dim3A_527 = vector.broadcast %broadcast_in_dim3A_526 : i32 to vector<16xi32>
      %gather3A_528 = tpu.vector_load_idx %arg9[%broadcast_in_dim3A_527, %get3A_489] : memref<8x10240xf32, #tpu.memory_space<vmem>>[vector<16xi32>, vector<16xi32>], vector<16xf32>,
      %add3A_529 = arith.addf %gather3A_525, %gather3A_528 : vector<16xf32>
      %gt3A_530 = arith.constant 0.000000e+00 : f32
      %gt3A_531 = vector.broadcast %gt3A_530 : f32 to vector<16xf32>
      %gt3A_532 = arith.cmpf ogt, %add3A_529, %gt3A_531 : vector<16xf32>
      %mul3A_533 = arith.constant 2.000000e-01 : f32
      %mul3A_534 = vector.broadcast %mul3A_533 : f32 to vector<16xf32>
      %mul3A_535 = arith.mulf %mul3A_534, %add3A_529 : vector<16xf32>
      %select_n3A_536 = arith.select %gt3A_532, %add3A_529, %mul3A_535 : vector<16xi1>, vector<16xf32>
      %neg3A_537 = arith.constant 0.000000e+00 : f32
      %neg3A_538 = vector.broadcast %neg3A_537 : f32 to vector<16xf32>
      %neg3A_539 = arith.subf %neg3A_538, %select_n3A_536 : vector<16xf32>
      %exp3A_540 = math.exp %neg3A_539 : vector<16xf32>
      %mul3A_541 = arith.mulf %exp3A_540, %get3A_491 : vector<16xf32>
      %broadcast_in_dim3A_542 = arith.constant 1 : i32
      %broadcast_in_dim3A_543 = vector.broadcast %broadcast_in_dim3A_542 : i32 to vector<16xi32>
      tpu.vector_store_idx %arg17[%add3A_495, %broadcast_in_dim3A_543], %mul3A_541 : memref<128x4xf32, #tpu.memory_space<vmem>>[vector<16xi32>, vector<16xi32>], vector<16xf32>,
      %add3A_544 = arith.constant 1 : i32
      %add3A_545 = vector.broadcast %add3A_544 : i32 to vector<16xi32>
      %add3A_546 = arith.addi %mul3A_498, %add3A_545 : vector<16xi32>
      tpu.vector_store_idx %arg10[%add3A_546], %mul3A_541 {add = true} : memref<40960xf32, #tpu.memory_space<vmem>>[vector<16xi32>], vector<16xf32>,
      %broadcast_in_dim3A_547 = arith.constant 2 : i32
      %broadcast_in_dim3A_548 = vector.broadcast %broadcast_in_dim3A_547 : i32 to vector<16xi32>
      %gather3A_549 = tpu.vector_load_idx %arg9[%broadcast_in_dim3A_548, %get3A_487] : memref<8x10240xf32, #tpu.memory_space<vmem>>[vector<16xi32>, vector<16xi32>], vector<16xf32>,
      %broadcast_in_dim3A_550 = arith.constant 6 : i32
      %broadcast_in_dim3A_551 = vector.broadcast %broadcast_in_dim3A_550 : i32 to vector<16xi32>
      %gather3A_552 = tpu.vector_load_idx %arg9[%broadcast_in_dim3A_551, %get3A_489] : memref<8x10240xf32, #tpu.memory_space<vmem>>[vector<16xi32>, vector<16xi32>], vector<16xf32>,
      %add3A_553 = arith.addf %gather3A_549, %gather3A_552 : vector<16xf32>
      %gt3A_554 = arith.constant 0.000000e+00 : f32
      %gt3A_555 = vector.broadcast %gt3A_554 : f32 to vector<16xf32>
      %gt3A_556 = arith.cmpf ogt, %add3A_553, %gt3A_555 : vector<16xf32>
      %mul3A_557 = arith.constant 2.000000e-01 : f32
      %mul3A_558 = vector.broadcast %mul3A_557 : f32 to vector<16xf32>
      %mul3A_559 = arith.mulf %mul3A_558, %add3A_553 : vector<16xf32>
      %select_n3A_560 = arith.select %gt3A_556, %add3A_553, %mul3A_559 : vector<16xi1>, vector<16xf32>
      %neg3A_561 = arith.constant 0.000000e+00 : f32
      %neg3A_562 = vector.broadcast %neg3A_561 : f32 to vector<16xf32>
      %neg3A_563 = arith.subf %neg3A_562, %select_n3A_560 : vector<16xf32>
      %exp3A_564 = math.exp %neg3A_563 : vector<16xf32>
      %mul3A_565 = arith.mulf %exp3A_564, %get3A_491 : vector<16xf32>
      %broadcast_in_dim3A_566 = arith.constant 2 : i32
      %broadcast_in_dim3A_567 = vector.broadcast %broadcast_in_dim3A_566 : i32 to vector<16xi32>
      tpu.vector_store_idx %arg17[%add3A_495, %broadcast_in_dim3A_567], %mul3A_565 : memref<128x4xf32, #tpu.memory_space<vmem>>[vector<16xi32>, vector<16xi32>], vector<16xf32>,
      %add3A_568 = arith.constant 2 : i32
      %add3A_569 = vector.broadcast %add3A_568 : i32 to vector<16xi32>
      %add3A_570 = arith.addi %mul3A_498, %add3A_569 : vector<16xi32>
      tpu.vector_store_idx %arg10[%add3A_570], %mul3A_565 {add = true} : memref<40960xf32, #tpu.memory_space<vmem>>[vector<16xi32>], vector<16xf32>,
      %broadcast_in_dim3A_571 = arith.constant 3 : i32
      %broadcast_in_dim3A_572 = vector.broadcast %broadcast_in_dim3A_571 : i32 to vector<16xi32>
      %gather3A_573 = tpu.vector_load_idx %arg9[%broadcast_in_dim3A_572, %get3A_487] : memref<8x10240xf32, #tpu.memory_space<vmem>>[vector<16xi32>, vector<16xi32>], vector<16xf32>,
      %broadcast_in_dim3A_574 = arith.constant 7 : i32
      %broadcast_in_dim3A_575 = vector.broadcast %broadcast_in_dim3A_574 : i32 to vector<16xi32>
      %gather3A_576 = tpu.vector_load_idx %arg9[%broadcast_in_dim3A_575, %get3A_489] : memref<8x10240xf32, #tpu.memory_space<vmem>>[vector<16xi32>, vector<16xi32>], vector<16xf32>,
      %add3A_577 = arith.addf %gather3A_573, %gather3A_576 : vector<16xf32>
      %gt3A_578 = arith.constant 0.000000e+00 : f32
      %gt3A_579 = vector.broadcast %gt3A_578 : f32 to vector<16xf32>
      %gt3A_580 = arith.cmpf ogt, %add3A_577, %gt3A_579 : vector<16xf32>
      %mul3A_581 = arith.constant 2.000000e-01 : f32
      %mul3A_582 = vector.broadcast %mul3A_581 : f32 to vector<16xf32>
      %mul3A_583 = arith.mulf %mul3A_582, %add3A_577 : vector<16xf32>
      %select_n3A_584 = arith.select %gt3A_580, %add3A_577, %mul3A_583 : vector<16xi1>, vector<16xf32>
      %neg3A_585 = arith.constant 0.000000e+00 : f32
      %neg3A_586 = vector.broadcast %neg3A_585 : f32 to vector<16xf32>
      %neg3A_587 = arith.subf %neg3A_586, %select_n3A_584 : vector<16xf32>
      %exp3A_588 = math.exp %neg3A_587 : vector<16xf32>
      %mul3A_589 = arith.mulf %exp3A_588, %get3A_491 : vector<16xf32>
      %broadcast_in_dim3A_590 = arith.constant 3 : i32
      %broadcast_in_dim3A_591 = vector.broadcast %broadcast_in_dim3A_590 : i32 to vector<16xi32>
      tpu.vector_store_idx %arg17[%add3A_495, %broadcast_in_dim3A_591], %mul3A_589 : memref<128x4xf32, #tpu.memory_space<vmem>>[vector<16xi32>, vector<16xi32>], vector<16xf32>,
      %add3A_592 = arith.constant 3 : i32
      %add3A_593 = vector.broadcast %add3A_592 : i32 to vector<16xi32>
      %add3A_594 = arith.addi %mul3A_498, %add3A_593 : vector<16xi32>
      tpu.vector_store_idx %arg10[%add3A_594], %mul3A_589 {add = true} : memref<40960xf32, #tpu.memory_space<vmem>>[vector<16xi32>], vector<16xf32>,
      %get3A_595 = arith.constant 80 : index
      %get3A_596 = tpu.vector_load %arg11[%get3A_595] {strides = array<i32>} : memref<128xi32, #tpu.memory_space<vmem>>, vector<16xi32>,
      %get3A_597 = arith.constant 80 : index
      %get3A_598 = tpu.vector_load %arg13[%get3A_597] {strides = array<i32>} : memref<128xi32, #tpu.memory_space<vmem>>, vector<16xi32>,
      %get3A_599 = arith.constant 80 : index
      %get3A_600 = tpu.vector_load %arg15[%get3A_599] {strides = array<i32>} : memref<128xf32, #tpu.memory_space<vmem>>, vector<16xf32>,
      %iota3A_601 = tpu.iota {dimensions = array<i32: 0>} : vector<16xi32>
      %add3A_602 = arith.constant 80 : i32
      %add3A_603 = vector.broadcast %add3A_602 : i32 to vector<16xi32>
      %add3A_604 = arith.addi %iota3A_601, %add3A_603 : vector<16xi32>
      %mul3A_605 = arith.constant 4 : i32
      %mul3A_606 = vector.broadcast %mul3A_605 : i32 to vector<16xi32>
      %mul3A_607 = arith.muli %get3A_596, %mul3A_606 : vector<16xi32>
      %broadcast_in_dim3A_608 = arith.constant 0 : i32
      %broadcast_in_dim3A_609 = vector.broadcast %broadcast_in_dim3A_608 : i32 to vector<16xi32>
      %gather3A_610 = tpu.vector_load_idx %arg9[%broadcast_in_dim3A_609, %get3A_596] : memref<8x10240xf32, #tpu.memory_space<vmem>>[vector<16xi32>, vector<16xi32>], vector<16xf32>,
      %broadcast_in_dim3A_611 = arith.constant 4 : i32
      %broadcast_in_dim3A_612 = vector.broadcast %broadcast_in_dim3A_611 : i32 to vector<16xi32>
      %gather3A_613 = tpu.vector_load_idx %arg9[%broadcast_in_dim3A_612, %get3A_598] : memref<8x10240xf32, #tpu.memory_space<vmem>>[vector<16xi32>, vector<16xi32>], vector<16xf32>,
      %add3A_614 = arith.addf %gather3A_610, %gather3A_613 : vector<16xf32>
      %gt3A_615 = arith.constant 0.000000e+00 : f32
      %gt3A_616 = vector.broadcast %gt3A_615 : f32 to vector<16xf32>
      %gt3A_617 = arith.cmpf ogt, %add3A_614, %gt3A_616 : vector<16xf32>
      %mul3A_618 = arith.constant 2.000000e-01 : f32
      %mul3A_619 = vector.broadcast %mul3A_618 : f32 to vector<16xf32>
      %mul3A_620 = arith.mulf %mul3A_619, %add3A_614 : vector<16xf32>
      %select_n3A_621 = arith.select %gt3A_617, %add3A_614, %mul3A_620 : vector<16xi1>, vector<16xf32>
      %neg3A_622 = arith.constant 0.000000e+00 : f32
      %neg3A_623 = vector.broadcast %neg3A_622 : f32 to vector<16xf32>
      %neg3A_624 = arith.subf %neg3A_623, %select_n3A_621 : vector<16xf32>
      %exp3A_625 = math.exp %neg3A_624 : vector<16xf32>
      %mul3A_626 = arith.mulf %exp3A_625, %get3A_600 : vector<16xf32>
      %broadcast_in_dim3A_627 = arith.constant 0 : i32
      %broadcast_in_dim3A_628 = vector.broadcast %broadcast_in_dim3A_627 : i32 to vector<16xi32>
      tpu.vector_store_idx %arg17[%add3A_604, %broadcast_in_dim3A_628], %mul3A_626 : memref<128x4xf32, #tpu.memory_space<vmem>>[vector<16xi32>, vector<16xi32>], vector<16xf32>,
      %add3A_629 = arith.constant 0 : i32
      %add3A_630 = vector.broadcast %add3A_629 : i32 to vector<16xi32>
      %add3A_631 = arith.addi %mul3A_607, %add3A_630 : vector<16xi32>
      tpu.vector_store_idx %arg10[%add3A_631], %mul3A_626 {add = true} : memref<40960xf32, #tpu.memory_space<vmem>>[vector<16xi32>], vector<16xf32>,
      %broadcast_in_dim3A_632 = arith.constant 1 : i32
      %broadcast_in_dim3A_633 = vector.broadcast %broadcast_in_dim3A_632 : i32 to vector<16xi32>
      %gather3A_634 = tpu.vector_load_idx %arg9[%broadcast_in_dim3A_633, %get3A_596] : memref<8x10240xf32, #tpu.memory_space<vmem>>[vector<16xi32>, vector<16xi32>], vector<16xf32>,
      %broadcast_in_dim3A_635 = arith.constant 5 : i32
      %broadcast_in_dim3A_636 = vector.broadcast %broadcast_in_dim3A_635 : i32 to vector<16xi32>
      %gather3A_637 = tpu.vector_load_idx %arg9[%broadcast_in_dim3A_636, %get3A_598] : memref<8x10240xf32, #tpu.memory_space<vmem>>[vector<16xi32>, vector<16xi32>], vector<16xf32>,
      %add3A_638 = arith.addf %gather3A_634, %gather3A_637 : vector<16xf32>
      %gt3A_639 = arith.constant 0.000000e+00 : f32
      %gt3A_640 = vector.broadcast %gt3A_639 : f32 to vector<16xf32>
      %gt3A_641 = arith.cmpf ogt, %add3A_638, %gt3A_640 : vector<16xf32>
      %mul3A_642 = arith.constant 2.000000e-01 : f32
      %mul3A_643 = vector.broadcast %mul3A_642 : f32 to vector<16xf32>
      %mul3A_644 = arith.mulf %mul3A_643, %add3A_638 : vector<16xf32>
      %select_n3A_645 = arith.select %gt3A_641, %add3A_638, %mul3A_644 : vector<16xi1>, vector<16xf32>
      %neg3A_646 = arith.constant 0.000000e+00 : f32
      %neg3A_647 = vector.broadcast %neg3A_646 : f32 to vector<16xf32>
      %neg3A_648 = arith.subf %neg3A_647, %select_n3A_645 : vector<16xf32>
      %exp3A_649 = math.exp %neg3A_648 : vector<16xf32>
      %mul3A_650 = arith.mulf %exp3A_649, %get3A_600 : vector<16xf32>
      %broadcast_in_dim3A_651 = arith.constant 1 : i32
      %broadcast_in_dim3A_652 = vector.broadcast %broadcast_in_dim3A_651 : i32 to vector<16xi32>
      tpu.vector_store_idx %arg17[%add3A_604, %broadcast_in_dim3A_652], %mul3A_650 : memref<128x4xf32, #tpu.memory_space<vmem>>[vector<16xi32>, vector<16xi32>], vector<16xf32>,
      %add3A_653 = arith.constant 1 : i32
      %add3A_654 = vector.broadcast %add3A_653 : i32 to vector<16xi32>
      %add3A_655 = arith.addi %mul3A_607, %add3A_654 : vector<16xi32>
      tpu.vector_store_idx %arg10[%add3A_655], %mul3A_650 {add = true} : memref<40960xf32, #tpu.memory_space<vmem>>[vector<16xi32>], vector<16xf32>,
      %broadcast_in_dim3A_656 = arith.constant 2 : i32
      %broadcast_in_dim3A_657 = vector.broadcast %broadcast_in_dim3A_656 : i32 to vector<16xi32>
      %gather3A_658 = tpu.vector_load_idx %arg9[%broadcast_in_dim3A_657, %get3A_596] : memref<8x10240xf32, #tpu.memory_space<vmem>>[vector<16xi32>, vector<16xi32>], vector<16xf32>,
      %broadcast_in_dim3A_659 = arith.constant 6 : i32
      %broadcast_in_dim3A_660 = vector.broadcast %broadcast_in_dim3A_659 : i32 to vector<16xi32>
      %gather3A_661 = tpu.vector_load_idx %arg9[%broadcast_in_dim3A_660, %get3A_598] : memref<8x10240xf32, #tpu.memory_space<vmem>>[vector<16xi32>, vector<16xi32>], vector<16xf32>,
      %add3A_662 = arith.addf %gather3A_658, %gather3A_661 : vector<16xf32>
      %gt3A_663 = arith.constant 0.000000e+00 : f32
      %gt3A_664 = vector.broadcast %gt3A_663 : f32 to vector<16xf32>
      %gt3A_665 = arith.cmpf ogt, %add3A_662, %gt3A_664 : vector<16xf32>
      %mul3A_666 = arith.constant 2.000000e-01 : f32
      %mul3A_667 = vector.broadcast %mul3A_666 : f32 to vector<16xf32>
      %mul3A_668 = arith.mulf %mul3A_667, %add3A_662 : vector<16xf32>
      %select_n3A_669 = arith.select %gt3A_665, %add3A_662, %mul3A_668 : vector<16xi1>, vector<16xf32>
      %neg3A_670 = arith.constant 0.000000e+00 : f32
      %neg3A_671 = vector.broadcast %neg3A_670 : f32 to vector<16xf32>
      %neg3A_672 = arith.subf %neg3A_671, %select_n3A_669 : vector<16xf32>
      %exp3A_673 = math.exp %neg3A_672 : vector<16xf32>
      %mul3A_674 = arith.mulf %exp3A_673, %get3A_600 : vector<16xf32>
      %broadcast_in_dim3A_675 = arith.constant 2 : i32
      %broadcast_in_dim3A_676 = vector.broadcast %broadcast_in_dim3A_675 : i32 to vector<16xi32>
      tpu.vector_store_idx %arg17[%add3A_604, %broadcast_in_dim3A_676], %mul3A_674 : memref<128x4xf32, #tpu.memory_space<vmem>>[vector<16xi32>, vector<16xi32>], vector<16xf32>,
      %add3A_677 = arith.constant 2 : i32
      %add3A_678 = vector.broadcast %add3A_677 : i32 to vector<16xi32>
      %add3A_679 = arith.addi %mul3A_607, %add3A_678 : vector<16xi32>
      tpu.vector_store_idx %arg10[%add3A_679], %mul3A_674 {add = true} : memref<40960xf32, #tpu.memory_space<vmem>>[vector<16xi32>], vector<16xf32>,
      %broadcast_in_dim3A_680 = arith.constant 3 : i32
      %broadcast_in_dim3A_681 = vector.broadcast %broadcast_in_dim3A_680 : i32 to vector<16xi32>
      %gather3A_682 = tpu.vector_load_idx %arg9[%broadcast_in_dim3A_681, %get3A_596] : memref<8x10240xf32, #tpu.memory_space<vmem>>[vector<16xi32>, vector<16xi32>], vector<16xf32>,
      %broadcast_in_dim3A_683 = arith.constant 7 : i32
      %broadcast_in_dim3A_684 = vector.broadcast %broadcast_in_dim3A_683 : i32 to vector<16xi32>
      %gather3A_685 = tpu.vector_load_idx %arg9[%broadcast_in_dim3A_684, %get3A_598] : memref<8x10240xf32, #tpu.memory_space<vmem>>[vector<16xi32>, vector<16xi32>], vector<16xf32>,
      %add3A_686 = arith.addf %gather3A_682, %gather3A_685 : vector<16xf32>
      %gt3A_687 = arith.constant 0.000000e+00 : f32
      %gt3A_688 = vector.broadcast %gt3A_687 : f32 to vector<16xf32>
      %gt3A_689 = arith.cmpf ogt, %add3A_686, %gt3A_688 : vector<16xf32>
      %mul3A_690 = arith.constant 2.000000e-01 : f32
      %mul3A_691 = vector.broadcast %mul3A_690 : f32 to vector<16xf32>
      %mul3A_692 = arith.mulf %mul3A_691, %add3A_686 : vector<16xf32>
      %select_n3A_693 = arith.select %gt3A_689, %add3A_686, %mul3A_692 : vector<16xi1>, vector<16xf32>
      %neg3A_694 = arith.constant 0.000000e+00 : f32
      %neg3A_695 = vector.broadcast %neg3A_694 : f32 to vector<16xf32>
      %neg3A_696 = arith.subf %neg3A_695, %select_n3A_693 : vector<16xf32>
      %exp3A_697 = math.exp %neg3A_696 : vector<16xf32>
      %mul3A_698 = arith.mulf %exp3A_697, %get3A_600 : vector<16xf32>
      %broadcast_in_dim3A_699 = arith.constant 3 : i32
      %broadcast_in_dim3A_700 = vector.broadcast %broadcast_in_dim3A_699 : i32 to vector<16xi32>
      tpu.vector_store_idx %arg17[%add3A_604, %broadcast_in_dim3A_700], %mul3A_698 : memref<128x4xf32, #tpu.memory_space<vmem>>[vector<16xi32>, vector<16xi32>], vector<16xf32>,
      %add3A_701 = arith.constant 3 : i32
      %add3A_702 = vector.broadcast %add3A_701 : i32 to vector<16xi32>
      %add3A_703 = arith.addi %mul3A_607, %add3A_702 : vector<16xi32>
      tpu.vector_store_idx %arg10[%add3A_703], %mul3A_698 {add = true} : memref<40960xf32, #tpu.memory_space<vmem>>[vector<16xi32>], vector<16xf32>,
      %get3A_704 = arith.constant 96 : index
      %get3A_705 = tpu.vector_load %arg11[%get3A_704] {strides = array<i32>} : memref<128xi32, #tpu.memory_space<vmem>>, vector<16xi32>,
      %get3A_706 = arith.constant 96 : index
      %get3A_707 = tpu.vector_load %arg13[%get3A_706] {strides = array<i32>} : memref<128xi32, #tpu.memory_space<vmem>>, vector<16xi32>,
      %get3A_708 = arith.constant 96 : index
      %get3A_709 = tpu.vector_load %arg15[%get3A_708] {strides = array<i32>} : memref<128xf32, #tpu.memory_space<vmem>>, vector<16xf32>,
      %iota3A_710 = tpu.iota {dimensions = array<i32: 0>} : vector<16xi32>
      %add3A_711 = arith.constant 96 : i32
      %add3A_712 = vector.broadcast %add3A_711 : i32 to vector<16xi32>
      %add3A_713 = arith.addi %iota3A_710, %add3A_712 : vector<16xi32>
      %mul3A_714 = arith.constant 4 : i32
      %mul3A_715 = vector.broadcast %mul3A_714 : i32 to vector<16xi32>
      %mul3A_716 = arith.muli %get3A_705, %mul3A_715 : vector<16xi32>
      %broadcast_in_dim3A_717 = arith.constant 0 : i32
      %broadcast_in_dim3A_718 = vector.broadcast %broadcast_in_dim3A_717 : i32 to vector<16xi32>
      %gather3A_719 = tpu.vector_load_idx %arg9[%broadcast_in_dim3A_718, %get3A_705] : memref<8x10240xf32, #tpu.memory_space<vmem>>[vector<16xi32>, vector<16xi32>], vector<16xf32>,
      %broadcast_in_dim3A_720 = arith.constant 4 : i32
      %broadcast_in_dim3A_721 = vector.broadcast %broadcast_in_dim3A_720 : i32 to vector<16xi32>
      %gather3A_722 = tpu.vector_load_idx %arg9[%broadcast_in_dim3A_721, %get3A_707] : memref<8x10240xf32, #tpu.memory_space<vmem>>[vector<16xi32>, vector<16xi32>], vector<16xf32>,
      %add3A_723 = arith.addf %gather3A_719, %gather3A_722 : vector<16xf32>
      %gt3A_724 = arith.constant 0.000000e+00 : f32
      %gt3A_725 = vector.broadcast %gt3A_724 : f32 to vector<16xf32>
      %gt3A_726 = arith.cmpf ogt, %add3A_723, %gt3A_725 : vector<16xf32>
      %mul3A_727 = arith.constant 2.000000e-01 : f32
      %mul3A_728 = vector.broadcast %mul3A_727 : f32 to vector<16xf32>
      %mul3A_729 = arith.mulf %mul3A_728, %add3A_723 : vector<16xf32>
      %select_n3A_730 = arith.select %gt3A_726, %add3A_723, %mul3A_729 : vector<16xi1>, vector<16xf32>
      %neg3A_731 = arith.constant 0.000000e+00 : f32
      %neg3A_732 = vector.broadcast %neg3A_731 : f32 to vector<16xf32>
      %neg3A_733 = arith.subf %neg3A_732, %select_n3A_730 : vector<16xf32>
      %exp3A_734 = math.exp %neg3A_733 : vector<16xf32>
      %mul3A_735 = arith.mulf %exp3A_734, %get3A_709 : vector<16xf32>
      %broadcast_in_dim3A_736 = arith.constant 0 : i32
      %broadcast_in_dim3A_737 = vector.broadcast %broadcast_in_dim3A_736 : i32 to vector<16xi32>
      tpu.vector_store_idx %arg17[%add3A_713, %broadcast_in_dim3A_737], %mul3A_735 : memref<128x4xf32, #tpu.memory_space<vmem>>[vector<16xi32>, vector<16xi32>], vector<16xf32>,
      %add3A_738 = arith.constant 0 : i32
      %add3A_739 = vector.broadcast %add3A_738 : i32 to vector<16xi32>
      %add3A_740 = arith.addi %mul3A_716, %add3A_739 : vector<16xi32>
      tpu.vector_store_idx %arg10[%add3A_740], %mul3A_735 {add = true} : memref<40960xf32, #tpu.memory_space<vmem>>[vector<16xi32>], vector<16xf32>,
      %broadcast_in_dim3A_741 = arith.constant 1 : i32
      %broadcast_in_dim3A_742 = vector.broadcast %broadcast_in_dim3A_741 : i32 to vector<16xi32>
      %gather3A_743 = tpu.vector_load_idx %arg9[%broadcast_in_dim3A_742, %get3A_705] : memref<8x10240xf32, #tpu.memory_space<vmem>>[vector<16xi32>, vector<16xi32>], vector<16xf32>,
      %broadcast_in_dim3A_744 = arith.constant 5 : i32
      %broadcast_in_dim3A_745 = vector.broadcast %broadcast_in_dim3A_744 : i32 to vector<16xi32>
      %gather3A_746 = tpu.vector_load_idx %arg9[%broadcast_in_dim3A_745, %get3A_707] : memref<8x10240xf32, #tpu.memory_space<vmem>>[vector<16xi32>, vector<16xi32>], vector<16xf32>,
      %add3A_747 = arith.addf %gather3A_743, %gather3A_746 : vector<16xf32>
      %gt3A_748 = arith.constant 0.000000e+00 : f32
      %gt3A_749 = vector.broadcast %gt3A_748 : f32 to vector<16xf32>
      %gt3A_750 = arith.cmpf ogt, %add3A_747, %gt3A_749 : vector<16xf32>
      %mul3A_751 = arith.constant 2.000000e-01 : f32
      %mul3A_752 = vector.broadcast %mul3A_751 : f32 to vector<16xf32>
      %mul3A_753 = arith.mulf %mul3A_752, %add3A_747 : vector<16xf32>
      %select_n3A_754 = arith.select %gt3A_750, %add3A_747, %mul3A_753 : vector<16xi1>, vector<16xf32>
      %neg3A_755 = arith.constant 0.000000e+00 : f32
      %neg3A_756 = vector.broadcast %neg3A_755 : f32 to vector<16xf32>
      %neg3A_757 = arith.subf %neg3A_756, %select_n3A_754 : vector<16xf32>
      %exp3A_758 = math.exp %neg3A_757 : vector<16xf32>
      %mul3A_759 = arith.mulf %exp3A_758, %get3A_709 : vector<16xf32>
      %broadcast_in_dim3A_760 = arith.constant 1 : i32
      %broadcast_in_dim3A_761 = vector.broadcast %broadcast_in_dim3A_760 : i32 to vector<16xi32>
      tpu.vector_store_idx %arg17[%add3A_713, %broadcast_in_dim3A_761], %mul3A_759 : memref<128x4xf32, #tpu.memory_space<vmem>>[vector<16xi32>, vector<16xi32>], vector<16xf32>,
      %add3A_762 = arith.constant 1 : i32
      %add3A_763 = vector.broadcast %add3A_762 : i32 to vector<16xi32>
      %add3A_764 = arith.addi %mul3A_716, %add3A_763 : vector<16xi32>
      tpu.vector_store_idx %arg10[%add3A_764], %mul3A_759 {add = true} : memref<40960xf32, #tpu.memory_space<vmem>>[vector<16xi32>], vector<16xf32>,
      %broadcast_in_dim3A_765 = arith.constant 2 : i32
      %broadcast_in_dim3A_766 = vector.broadcast %broadcast_in_dim3A_765 : i32 to vector<16xi32>
      %gather3A_767 = tpu.vector_load_idx %arg9[%broadcast_in_dim3A_766, %get3A_705] : memref<8x10240xf32, #tpu.memory_space<vmem>>[vector<16xi32>, vector<16xi32>], vector<16xf32>,
      %broadcast_in_dim3A_768 = arith.constant 6 : i32
      %broadcast_in_dim3A_769 = vector.broadcast %broadcast_in_dim3A_768 : i32 to vector<16xi32>
      %gather3A_770 = tpu.vector_load_idx %arg9[%broadcast_in_dim3A_769, %get3A_707] : memref<8x10240xf32, #tpu.memory_space<vmem>>[vector<16xi32>, vector<16xi32>], vector<16xf32>,
      %add3A_771 = arith.addf %gather3A_767, %gather3A_770 : vector<16xf32>
      %gt3A_772 = arith.constant 0.000000e+00 : f32
      %gt3A_773 = vector.broadcast %gt3A_772 : f32 to vector<16xf32>
      %gt3A_774 = arith.cmpf ogt, %add3A_771, %gt3A_773 : vector<16xf32>
      %mul3A_775 = arith.constant 2.000000e-01 : f32
      %mul3A_776 = vector.broadcast %mul3A_775 : f32 to vector<16xf32>
      %mul3A_777 = arith.mulf %mul3A_776, %add3A_771 : vector<16xf32>
      %select_n3A_778 = arith.select %gt3A_774, %add3A_771, %mul3A_777 : vector<16xi1>, vector<16xf32>
      %neg3A_779 = arith.constant 0.000000e+00 : f32
      %neg3A_780 = vector.broadcast %neg3A_779 : f32 to vector<16xf32>
      %neg3A_781 = arith.subf %neg3A_780, %select_n3A_778 : vector<16xf32>
      %exp3A_782 = math.exp %neg3A_781 : vector<16xf32>
      %mul3A_783 = arith.mulf %exp3A_782, %get3A_709 : vector<16xf32>
      %broadcast_in_dim3A_784 = arith.constant 2 : i32
      %broadcast_in_dim3A_785 = vector.broadcast %broadcast_in_dim3A_784 : i32 to vector<16xi32>
      tpu.vector_store_idx %arg17[%add3A_713, %broadcast_in_dim3A_785], %mul3A_783 : memref<128x4xf32, #tpu.memory_space<vmem>>[vector<16xi32>, vector<16xi32>], vector<16xf32>,
      %add3A_786 = arith.constant 2 : i32
      %add3A_787 = vector.broadcast %add3A_786 : i32 to vector<16xi32>
      %add3A_788 = arith.addi %mul3A_716, %add3A_787 : vector<16xi32>
      tpu.vector_store_idx %arg10[%add3A_788], %mul3A_783 {add = true} : memref<40960xf32, #tpu.memory_space<vmem>>[vector<16xi32>], vector<16xf32>,
      %broadcast_in_dim3A_789 = arith.constant 3 : i32
      %broadcast_in_dim3A_790 = vector.broadcast %broadcast_in_dim3A_789 : i32 to vector<16xi32>
      %gather3A_791 = tpu.vector_load_idx %arg9[%broadcast_in_dim3A_790, %get3A_705] : memref<8x10240xf32, #tpu.memory_space<vmem>>[vector<16xi32>, vector<16xi32>], vector<16xf32>,
      %broadcast_in_dim3A_792 = arith.constant 7 : i32
      %broadcast_in_dim3A_793 = vector.broadcast %broadcast_in_dim3A_792 : i32 to vector<16xi32>
      %gather3A_794 = tpu.vector_load_idx %arg9[%broadcast_in_dim3A_793, %get3A_707] : memref<8x10240xf32, #tpu.memory_space<vmem>>[vector<16xi32>, vector<16xi32>], vector<16xf32>,
      %add3A_795 = arith.addf %gather3A_791, %gather3A_794 : vector<16xf32>
      %gt3A_796 = arith.constant 0.000000e+00 : f32
      %gt3A_797 = vector.broadcast %gt3A_796 : f32 to vector<16xf32>
      %gt3A_798 = arith.cmpf ogt, %add3A_795, %gt3A_797 : vector<16xf32>
      %mul3A_799 = arith.constant 2.000000e-01 : f32
      %mul3A_800 = vector.broadcast %mul3A_799 : f32 to vector<16xf32>
      %mul3A_801 = arith.mulf %mul3A_800, %add3A_795 : vector<16xf32>
      %select_n3A_802 = arith.select %gt3A_798, %add3A_795, %mul3A_801 : vector<16xi1>, vector<16xf32>
      %neg3A_803 = arith.constant 0.000000e+00 : f32
      %neg3A_804 = vector.broadcast %neg3A_803 : f32 to vector<16xf32>
      %neg3A_805 = arith.subf %neg3A_804, %select_n3A_802 : vector<16xf32>
      %exp3A_806 = math.exp %neg3A_805 : vector<16xf32>
      %mul3A_807 = arith.mulf %exp3A_806, %get3A_709 : vector<16xf32>
      %broadcast_in_dim3A_808 = arith.constant 3 : i32
      %broadcast_in_dim3A_809 = vector.broadcast %broadcast_in_dim3A_808 : i32 to vector<16xi32>
      tpu.vector_store_idx %arg17[%add3A_713, %broadcast_in_dim3A_809], %mul3A_807 : memref<128x4xf32, #tpu.memory_space<vmem>>[vector<16xi32>, vector<16xi32>], vector<16xf32>,
      %add3A_810 = arith.constant 3 : i32
      %add3A_811 = vector.broadcast %add3A_810 : i32 to vector<16xi32>
      %add3A_812 = arith.addi %mul3A_716, %add3A_811 : vector<16xi32>
      tpu.vector_store_idx %arg10[%add3A_812], %mul3A_807 {add = true} : memref<40960xf32, #tpu.memory_space<vmem>>[vector<16xi32>], vector<16xf32>,
      %get3A_813 = arith.constant 112 : index
      %get3A_814 = tpu.vector_load %arg11[%get3A_813] {strides = array<i32>} : memref<128xi32, #tpu.memory_space<vmem>>, vector<16xi32>,
      %get3A_815 = arith.constant 112 : index
      %get3A_816 = tpu.vector_load %arg13[%get3A_815] {strides = array<i32>} : memref<128xi32, #tpu.memory_space<vmem>>, vector<16xi32>,
      %get3A_817 = arith.constant 112 : index
      %get3A_818 = tpu.vector_load %arg15[%get3A_817] {strides = array<i32>} : memref<128xf32, #tpu.memory_space<vmem>>, vector<16xf32>,
      %iota3A_819 = tpu.iota {dimensions = array<i32: 0>} : vector<16xi32>
      %add3A_820 = arith.constant 112 : i32
      %add3A_821 = vector.broadcast %add3A_820 : i32 to vector<16xi32>
      %add3A_822 = arith.addi %iota3A_819, %add3A_821 : vector<16xi32>
      %mul3A_823 = arith.constant 4 : i32
      %mul3A_824 = vector.broadcast %mul3A_823 : i32 to vector<16xi32>
      %mul3A_825 = arith.muli %get3A_814, %mul3A_824 : vector<16xi32>
      %broadcast_in_dim3A_826 = arith.constant 0 : i32
      %broadcast_in_dim3A_827 = vector.broadcast %broadcast_in_dim3A_826 : i32 to vector<16xi32>
      %gather3A_828 = tpu.vector_load_idx %arg9[%broadcast_in_dim3A_827, %get3A_814] : memref<8x10240xf32, #tpu.memory_space<vmem>>[vector<16xi32>, vector<16xi32>], vector<16xf32>,
      %broadcast_in_dim3A_829 = arith.constant 4 : i32
      %broadcast_in_dim3A_830 = vector.broadcast %broadcast_in_dim3A_829 : i32 to vector<16xi32>
      %gather3A_831 = tpu.vector_load_idx %arg9[%broadcast_in_dim3A_830, %get3A_816] : memref<8x10240xf32, #tpu.memory_space<vmem>>[vector<16xi32>, vector<16xi32>], vector<16xf32>,
      %add3A_832 = arith.addf %gather3A_828, %gather3A_831 : vector<16xf32>
      %gt3A_833 = arith.constant 0.000000e+00 : f32
      %gt3A_834 = vector.broadcast %gt3A_833 : f32 to vector<16xf32>
      %gt3A_835 = arith.cmpf ogt, %add3A_832, %gt3A_834 : vector<16xf32>
      %mul3A_836 = arith.constant 2.000000e-01 : f32
      %mul3A_837 = vector.broadcast %mul3A_836 : f32 to vector<16xf32>
      %mul3A_838 = arith.mulf %mul3A_837, %add3A_832 : vector<16xf32>
      %select_n3A_839 = arith.select %gt3A_835, %add3A_832, %mul3A_838 : vector<16xi1>, vector<16xf32>
      %neg3A_840 = arith.constant 0.000000e+00 : f32
      %neg3A_841 = vector.broadcast %neg3A_840 : f32 to vector<16xf32>
      %neg3A_842 = arith.subf %neg3A_841, %select_n3A_839 : vector<16xf32>
      %exp3A_843 = math.exp %neg3A_842 : vector<16xf32>
      %mul3A_844 = arith.mulf %exp3A_843, %get3A_818 : vector<16xf32>
      %broadcast_in_dim3A_845 = arith.constant 0 : i32
      %broadcast_in_dim3A_846 = vector.broadcast %broadcast_in_dim3A_845 : i32 to vector<16xi32>
      tpu.vector_store_idx %arg17[%add3A_822, %broadcast_in_dim3A_846], %mul3A_844 : memref<128x4xf32, #tpu.memory_space<vmem>>[vector<16xi32>, vector<16xi32>], vector<16xf32>,
      %add3A_847 = arith.constant 0 : i32
      %add3A_848 = vector.broadcast %add3A_847 : i32 to vector<16xi32>
      %add3A_849 = arith.addi %mul3A_825, %add3A_848 : vector<16xi32>
      tpu.vector_store_idx %arg10[%add3A_849], %mul3A_844 {add = true} : memref<40960xf32, #tpu.memory_space<vmem>>[vector<16xi32>], vector<16xf32>,
      %broadcast_in_dim3A_850 = arith.constant 1 : i32
      %broadcast_in_dim3A_851 = vector.broadcast %broadcast_in_dim3A_850 : i32 to vector<16xi32>
      %gather3A_852 = tpu.vector_load_idx %arg9[%broadcast_in_dim3A_851, %get3A_814] : memref<8x10240xf32, #tpu.memory_space<vmem>>[vector<16xi32>, vector<16xi32>], vector<16xf32>,
      %broadcast_in_dim3A_853 = arith.constant 5 : i32
      %broadcast_in_dim3A_854 = vector.broadcast %broadcast_in_dim3A_853 : i32 to vector<16xi32>
      %gather3A_855 = tpu.vector_load_idx %arg9[%broadcast_in_dim3A_854, %get3A_816] : memref<8x10240xf32, #tpu.memory_space<vmem>>[vector<16xi32>, vector<16xi32>], vector<16xf32>,
      %add3A_856 = arith.addf %gather3A_852, %gather3A_855 : vector<16xf32>
      %gt3A_857 = arith.constant 0.000000e+00 : f32
      %gt3A_858 = vector.broadcast %gt3A_857 : f32 to vector<16xf32>
      %gt3A_859 = arith.cmpf ogt, %add3A_856, %gt3A_858 : vector<16xf32>
      %mul3A_860 = arith.constant 2.000000e-01 : f32
      %mul3A_861 = vector.broadcast %mul3A_860 : f32 to vector<16xf32>
      %mul3A_862 = arith.mulf %mul3A_861, %add3A_856 : vector<16xf32>
      %select_n3A_863 = arith.select %gt3A_859, %add3A_856, %mul3A_862 : vector<16xi1>, vector<16xf32>
      %neg3A_864 = arith.constant 0.000000e+00 : f32
      %neg3A_865 = vector.broadcast %neg3A_864 : f32 to vector<16xf32>
      %neg3A_866 = arith.subf %neg3A_865, %select_n3A_863 : vector<16xf32>
      %exp3A_867 = math.exp %neg3A_866 : vector<16xf32>
      %mul3A_868 = arith.mulf %exp3A_867, %get3A_818 : vector<16xf32>
      %broadcast_in_dim3A_869 = arith.constant 1 : i32
      %broadcast_in_dim3A_870 = vector.broadcast %broadcast_in_dim3A_869 : i32 to vector<16xi32>
      tpu.vector_store_idx %arg17[%add3A_822, %broadcast_in_dim3A_870], %mul3A_868 : memref<128x4xf32, #tpu.memory_space<vmem>>[vector<16xi32>, vector<16xi32>], vector<16xf32>,
      %add3A_871 = arith.constant 1 : i32
      %add3A_872 = vector.broadcast %add3A_871 : i32 to vector<16xi32>
      %add3A_873 = arith.addi %mul3A_825, %add3A_872 : vector<16xi32>
      tpu.vector_store_idx %arg10[%add3A_873], %mul3A_868 {add = true} : memref<40960xf32, #tpu.memory_space<vmem>>[vector<16xi32>], vector<16xf32>,
      %broadcast_in_dim3A_874 = arith.constant 2 : i32
      %broadcast_in_dim3A_875 = vector.broadcast %broadcast_in_dim3A_874 : i32 to vector<16xi32>
      %gather3A_876 = tpu.vector_load_idx %arg9[%broadcast_in_dim3A_875, %get3A_814] : memref<8x10240xf32, #tpu.memory_space<vmem>>[vector<16xi32>, vector<16xi32>], vector<16xf32>,
      %broadcast_in_dim3A_877 = arith.constant 6 : i32
      %broadcast_in_dim3A_878 = vector.broadcast %broadcast_in_dim3A_877 : i32 to vector<16xi32>
      %gather3A_879 = tpu.vector_load_idx %arg9[%broadcast_in_dim3A_878, %get3A_816] : memref<8x10240xf32, #tpu.memory_space<vmem>>[vector<16xi32>, vector<16xi32>], vector<16xf32>,
      %add3A_880 = arith.addf %gather3A_876, %gather3A_879 : vector<16xf32>
      %gt3A_881 = arith.constant 0.000000e+00 : f32
      %gt3A_882 = vector.broadcast %gt3A_881 : f32 to vector<16xf32>
      %gt3A_883 = arith.cmpf ogt, %add3A_880, %gt3A_882 : vector<16xf32>
      %mul3A_884 = arith.constant 2.000000e-01 : f32
      %mul3A_885 = vector.broadcast %mul3A_884 : f32 to vector<16xf32>
      %mul3A_886 = arith.mulf %mul3A_885, %add3A_880 : vector<16xf32>
      %select_n3A_887 = arith.select %gt3A_883, %add3A_880, %mul3A_886 : vector<16xi1>, vector<16xf32>
      %neg3A_888 = arith.constant 0.000000e+00 : f32
      %neg3A_889 = vector.broadcast %neg3A_888 : f32 to vector<16xf32>
      %neg3A_890 = arith.subf %neg3A_889, %select_n3A_887 : vector<16xf32>
      %exp3A_891 = math.exp %neg3A_890 : vector<16xf32>
      %mul3A_892 = arith.mulf %exp3A_891, %get3A_818 : vector<16xf32>
      %broadcast_in_dim3A_893 = arith.constant 2 : i32
      %broadcast_in_dim3A_894 = vector.broadcast %broadcast_in_dim3A_893 : i32 to vector<16xi32>
      tpu.vector_store_idx %arg17[%add3A_822, %broadcast_in_dim3A_894], %mul3A_892 : memref<128x4xf32, #tpu.memory_space<vmem>>[vector<16xi32>, vector<16xi32>], vector<16xf32>,
      %add3A_895 = arith.constant 2 : i32
      %add3A_896 = vector.broadcast %add3A_895 : i32 to vector<16xi32>
      %add3A_897 = arith.addi %mul3A_825, %add3A_896 : vector<16xi32>
      tpu.vector_store_idx %arg10[%add3A_897], %mul3A_892 {add = true} : memref<40960xf32, #tpu.memory_space<vmem>>[vector<16xi32>], vector<16xf32>,
      %broadcast_in_dim3A_898 = arith.constant 3 : i32
      %broadcast_in_dim3A_899 = vector.broadcast %broadcast_in_dim3A_898 : i32 to vector<16xi32>
      %gather3A_900 = tpu.vector_load_idx %arg9[%broadcast_in_dim3A_899, %get3A_814] : memref<8x10240xf32, #tpu.memory_space<vmem>>[vector<16xi32>, vector<16xi32>], vector<16xf32>,
      %broadcast_in_dim3A_901 = arith.constant 7 : i32
      %broadcast_in_dim3A_902 = vector.broadcast %broadcast_in_dim3A_901 : i32 to vector<16xi32>
      %gather3A_903 = tpu.vector_load_idx %arg9[%broadcast_in_dim3A_902, %get3A_816] : memref<8x10240xf32, #tpu.memory_space<vmem>>[vector<16xi32>, vector<16xi32>], vector<16xf32>,
      %add3A_904 = arith.addf %gather3A_900, %gather3A_903 : vector<16xf32>
      %gt3A_905 = arith.constant 0.000000e+00 : f32
      %gt3A_906 = vector.broadcast %gt3A_905 : f32 to vector<16xf32>
      %gt3A_907 = arith.cmpf ogt, %add3A_904, %gt3A_906 : vector<16xf32>
      %mul3A_908 = arith.constant 2.000000e-01 : f32
      %mul3A_909 = vector.broadcast %mul3A_908 : f32 to vector<16xf32>
      %mul3A_910 = arith.mulf %mul3A_909, %add3A_904 : vector<16xf32>
      %select_n3A_911 = arith.select %gt3A_907, %add3A_904, %mul3A_910 : vector<16xi1>, vector<16xf32>
      %neg3A_912 = arith.constant 0.000000e+00 : f32
      %neg3A_913 = vector.broadcast %neg3A_912 : f32 to vector<16xf32>
      %neg3A_914 = arith.subf %neg3A_913, %select_n3A_911 : vector<16xf32>
      %exp3A_915 = math.exp %neg3A_914 : vector<16xf32>
      %mul3A_916 = arith.mulf %exp3A_915, %get3A_818 : vector<16xf32>
      %broadcast_in_dim3A_917 = arith.constant 3 : i32
      %broadcast_in_dim3A_918 = vector.broadcast %broadcast_in_dim3A_917 : i32 to vector<16xi32>
      tpu.vector_store_idx %arg17[%add3A_822, %broadcast_in_dim3A_918], %mul3A_916 : memref<128x4xf32, #tpu.memory_space<vmem>>[vector<16xi32>, vector<16xi32>], vector<16xf32>,
      %add3A_919 = arith.constant 3 : i32
      %add3A_920 = vector.broadcast %add3A_919 : i32 to vector<16xi32>
      %add3A_921 = arith.addi %mul3A_825, %add3A_920 : vector<16xi32>
      tpu.vector_store_idx %arg10[%add3A_921], %mul3A_916 {add = true} : memref<40960xf32, #tpu.memory_space<vmem>>[vector<16xi32>], vector<16xf32>,
      %mul3A_922 = arith.constant 10240 : i32
      %mul3A_923 = arith.muli %add3A, %mul3A_922 : i32
      %mul3A_924 = arith.constant 128 : i32
      %mul3A_925 = arith.muli %add3A_44, %mul3A_924 : i32
      %add3A_926 = arith.addi %mul3A_923, %mul3A_925 : i32
      %dma_start3A_927 = arith.constant 0 : i32
      %dma_start3A_928 = tpu.memref_slice %arg7[%add3A_926, %dma_start3A_927] : memref<327680x4xf32, #tpu.memory_space<hbm>> -> memref<128x4xf32, #tpu.memory_space<hbm>>
      %dma_start3A_929 = arith.constant 0 : i32
      %dma_start3A_930 = tpu.memref_slice %arg7[%add3A_926, %dma_start3A_929] : memref<327680x4xf32, #tpu.memory_space<hbm>> -> memref<128x4xf32, #tpu.memory_space<hbm>>
      tpu.enqueue_dma source(%arg17 : memref<128x4xf32, #tpu.memory_space<vmem>>) target(%dma_start3A_930 : memref<128x4xf32, #tpu.memory_space<hbm>>) target_semaphore(%arg21 : memref<!tpu.dma_semaphore, #tpu.memory_space<semaphore_mem>>)
      %add3A_931 = arith.constant 2 : i32
      %add3A_932 = arith.addi %add3A_44, %add3A_931 : i32
      %lt3A = arith.constant 80 : i32
      %lt3A_933 = arith.cmpi slt, %add3A_932, %lt3A : i32
      %convert_element_type3A_934 = arith.extui %lt3A_933 : i1 to i32
      %cond3A_935 = arith.constant 0 : i32
      %cond3A_936 = arith.cmpi ne, %convert_element_type3A_934, %cond3A_935 : i32
      scf.if %cond3A_936 {
        %add3A_1845 = arith.constant 2 : i32
        %add3A_1846 = arith.addi %add3A_44, %add3A_1845 : i32
        %mul3A_1847 = arith.constant 10240 : i32
        %mul3A_1848 = arith.muli %add3A, %mul3A_1847 : i32
        %mul3A_1849 = arith.constant 128 : i32
        %mul3A_1850 = arith.muli %add3A_1846, %mul3A_1849 : i32
        %add3A_1851 = arith.addi %mul3A_1848, %mul3A_1850 : i32
        %dma_start3A_1852 = tpu.memref_slice %arg3[%add3A_1851] : memref<327680xi32, #tpu.memory_space<hbm>> -> memref<128xi32, #tpu.memory_space<hbm>>
        %dma_start3A_1853 = tpu.memref_slice %arg3[%add3A_1851] : memref<327680xi32, #tpu.memory_space<hbm>> -> memref<128xi32, #tpu.memory_space<hbm>>
        tpu.enqueue_dma source(%dma_start3A_1853 : memref<128xi32, #tpu.memory_space<hbm>>) target(%arg11 : memref<128xi32, #tpu.memory_space<vmem>>) target_semaphore(%arg19 : memref<!tpu.dma_semaphore, #tpu.memory_space<semaphore_mem>>)
        %dma_start3A_1854 = tpu.memref_slice %arg4[%add3A_1851] : memref<327680xi32, #tpu.memory_space<hbm>> -> memref<128xi32, #tpu.memory_space<hbm>>
        %dma_start3A_1855 = tpu.memref_slice %arg4[%add3A_1851] : memref<327680xi32, #tpu.memory_space<hbm>> -> memref<128xi32, #tpu.memory_space<hbm>>
        tpu.enqueue_dma source(%dma_start3A_1855 : memref<128xi32, #tpu.memory_space<hbm>>) target(%arg13 : memref<128xi32, #tpu.memory_space<vmem>>) target_semaphore(%arg19 : memref<!tpu.dma_semaphore, #tpu.memory_space<semaphore_mem>>)
        %dma_start3A_1856 = tpu.memref_slice %arg5[%add3A_1851] : memref<327680xf32, #tpu.memory_space<hbm>> -> memref<128xf32, #tpu.memory_space<hbm>>
        %dma_start3A_1857 = tpu.memref_slice %arg5[%add3A_1851] : memref<327680xf32, #tpu.memory_space<hbm>> -> memref<128xf32, #tpu.memory_space<hbm>>
        tpu.enqueue_dma source(%dma_start3A_1857 : memref<128xf32, #tpu.memory_space<hbm>>) target(%arg15 : memref<128xf32, #tpu.memory_space<vmem>>) target_semaphore(%arg19 : memref<!tpu.dma_semaphore, #tpu.memory_space<semaphore_mem>>)
      } else {
      }
      %mul3A_937 = arith.constant 2 : i32
      %mul3A_938 = arith.muli %scan3A_40, %mul3A_937 : i32
      %add3A_939 = arith.constant 1 : i32
      %add3A_940 = arith.addi %mul3A_938, %add3A_939 : i32
      %ge3A_941 = arith.constant 2 : i32
      %ge3A_942 = arith.cmpi sge, %add3A_940, %ge3A_941 : i32
      %convert_element_type3A_943 = arith.extui %ge3A_942 : i1 to i32
      %cond3A_944 = arith.constant 0 : i32
      %cond3A_945 = arith.cmpi ne, %convert_element_type3A_943, %cond3A_944 : i32
      scf.if %cond3A_945 {
        %sub3A = arith.constant 2 : i32
        %sub3A_1845 = arith.subi %add3A_940, %sub3A : i32
        %mul3A_1846 = arith.constant 10240 : i32
        %mul3A_1847 = arith.muli %add3A, %mul3A_1846 : i32
        %mul3A_1848 = arith.constant 128 : i32
        %mul3A_1849 = arith.muli %sub3A_1845, %mul3A_1848 : i32
        %add3A_1850 = arith.addi %mul3A_1847, %mul3A_1849 : i32
        %dma_wait3A_1851 = arith.constant 0 : i32
        %dma_wait3A_1852 = tpu.memref_slice %arg7[%add3A_1850, %dma_wait3A_1851] : memref<327680x4xf32, #tpu.memory_space<hbm>> -> memref<128x4xf32, #tpu.memory_space<hbm>>
        %dma_wait3A_1853 = arith.constant 0 : i32
        %dma_wait3A_1854 = tpu.memref_slice %arg7[%add3A_1850, %dma_wait3A_1853] : memref<327680x4xf32, #tpu.memory_space<hbm>> -> memref<128x4xf32, #tpu.memory_space<hbm>>
        tpu.wait_dma2 semaphore(%arg22 : memref<!tpu.dma_semaphore, #tpu.memory_space<semaphore_mem>>) src(%arg18 : memref<128x4xf32, #tpu.memory_space<vmem>>) dst(%dma_wait3A_1854 : memref<128x4xf32, #tpu.memory_space<hbm>>)
      } else {
      }
      %mul3A_946 = arith.constant 10240 : i32
      %mul3A_947 = arith.muli %add3A, %mul3A_946 : i32
      %mul3A_948 = arith.constant 128 : i32
      %mul3A_949 = arith.muli %add3A_940, %mul3A_948 : i32
      %add3A_950 = arith.addi %mul3A_947, %mul3A_949 : i32
      %dma_wait3A_951 = tpu.memref_slice %arg3[%add3A_950] : memref<327680xi32, #tpu.memory_space<hbm>> -> memref<128xi32, #tpu.memory_space<hbm>>
      %dma_wait3A_952 = tpu.memref_slice %arg3[%add3A_950] : memref<327680xi32, #tpu.memory_space<hbm>> -> memref<128xi32, #tpu.memory_space<hbm>>
      tpu.wait_dma2 semaphore(%arg20 : memref<!tpu.dma_semaphore, #tpu.memory_space<semaphore_mem>>) src(%dma_wait3A_952 : memref<128xi32, #tpu.memory_space<hbm>>) dst(%arg12 : memref<128xi32, #tpu.memory_space<vmem>>)
      %dma_wait3A_953 = tpu.memref_slice %arg4[%add3A_950] : memref<327680xi32, #tpu.memory_space<hbm>> -> memref<128xi32, #tpu.memory_space<hbm>>
      %dma_wait3A_954 = tpu.memref_slice %arg4[%add3A_950] : memref<327680xi32, #tpu.memory_space<hbm>> -> memref<128xi32, #tpu.memory_space<hbm>>
      tpu.wait_dma2 semaphore(%arg20 : memref<!tpu.dma_semaphore, #tpu.memory_space<semaphore_mem>>) src(%dma_wait3A_954 : memref<128xi32, #tpu.memory_space<hbm>>) dst(%arg14 : memref<128xi32, #tpu.memory_space<vmem>>)
      %dma_wait3A_955 = tpu.memref_slice %arg5[%add3A_950] : memref<327680xf32, #tpu.memory_space<hbm>> -> memref<128xf32, #tpu.memory_space<hbm>>
      %dma_wait3A_956 = tpu.memref_slice %arg5[%add3A_950] : memref<327680xf32, #tpu.memory_space<hbm>> -> memref<128xf32, #tpu.memory_space<hbm>>
      tpu.wait_dma2 semaphore(%arg20 : memref<!tpu.dma_semaphore, #tpu.memory_space<semaphore_mem>>) src(%dma_wait3A_956 : memref<128xf32, #tpu.memory_space<hbm>>) dst(%arg16 : memref<128xf32, #tpu.memory_space<vmem>>)
      %get3A_957 = arith.constant 0 : index
      %get3A_958 = tpu.vector_load %arg12[%get3A_957] {strides = array<i32>} : memref<128xi32, #tpu.memory_space<vmem>>, vector<16xi32>,
      %get3A_959 = arith.constant 0 : index
      %get3A_960 = tpu.vector_load %arg14[%get3A_959] {strides = array<i32>} : memref<128xi32, #tpu.memory_space<vmem>>, vector<16xi32>,
      %get3A_961 = arith.constant 0 : index
      %get3A_962 = tpu.vector_load %arg16[%get3A_961] {strides = array<i32>} : memref<128xf32, #tpu.memory_space<vmem>>, vector<16xf32>,
      %iota3A_963 = tpu.iota {dimensions = array<i32: 0>} : vector<16xi32>
      %add3A_964 = arith.constant 0 : i32
      %add3A_965 = vector.broadcast %add3A_964 : i32 to vector<16xi32>
      %add3A_966 = arith.addi %iota3A_963, %add3A_965 : vector<16xi32>
      %mul3A_967 = arith.constant 4 : i32
      %mul3A_968 = vector.broadcast %mul3A_967 : i32 to vector<16xi32>
      %mul3A_969 = arith.muli %get3A_958, %mul3A_968 : vector<16xi32>
      %broadcast_in_dim3A_970 = arith.constant 0 : i32
      %broadcast_in_dim3A_971 = vector.broadcast %broadcast_in_dim3A_970 : i32 to vector<16xi32>
      %gather3A_972 = tpu.vector_load_idx %arg9[%broadcast_in_dim3A_971, %get3A_958] : memref<8x10240xf32, #tpu.memory_space<vmem>>[vector<16xi32>, vector<16xi32>], vector<16xf32>,
      %broadcast_in_dim3A_973 = arith.constant 4 : i32
      %broadcast_in_dim3A_974 = vector.broadcast %broadcast_in_dim3A_973 : i32 to vector<16xi32>
      %gather3A_975 = tpu.vector_load_idx %arg9[%broadcast_in_dim3A_974, %get3A_960] : memref<8x10240xf32, #tpu.memory_space<vmem>>[vector<16xi32>, vector<16xi32>], vector<16xf32>,
      %add3A_976 = arith.addf %gather3A_972, %gather3A_975 : vector<16xf32>
      %gt3A_977 = arith.constant 0.000000e+00 : f32
      %gt3A_978 = vector.broadcast %gt3A_977 : f32 to vector<16xf32>
      %gt3A_979 = arith.cmpf ogt, %add3A_976, %gt3A_978 : vector<16xf32>
      %mul3A_980 = arith.constant 2.000000e-01 : f32
      %mul3A_981 = vector.broadcast %mul3A_980 : f32 to vector<16xf32>
      %mul3A_982 = arith.mulf %mul3A_981, %add3A_976 : vector<16xf32>
      %select_n3A_983 = arith.select %gt3A_979, %add3A_976, %mul3A_982 : vector<16xi1>, vector<16xf32>
      %neg3A_984 = arith.constant 0.000000e+00 : f32
      %neg3A_985 = vector.broadcast %neg3A_984 : f32 to vector<16xf32>
      %neg3A_986 = arith.subf %neg3A_985, %select_n3A_983 : vector<16xf32>
      %exp3A_987 = math.exp %neg3A_986 : vector<16xf32>
      %mul3A_988 = arith.mulf %exp3A_987, %get3A_962 : vector<16xf32>
      %broadcast_in_dim3A_989 = arith.constant 0 : i32
      %broadcast_in_dim3A_990 = vector.broadcast %broadcast_in_dim3A_989 : i32 to vector<16xi32>
      tpu.vector_store_idx %arg18[%add3A_966, %broadcast_in_dim3A_990], %mul3A_988 : memref<128x4xf32, #tpu.memory_space<vmem>>[vector<16xi32>, vector<16xi32>], vector<16xf32>,
      %add3A_991 = arith.constant 0 : i32
      %add3A_992 = vector.broadcast %add3A_991 : i32 to vector<16xi32>
      %add3A_993 = arith.addi %mul3A_969, %add3A_992 : vector<16xi32>
      tpu.vector_store_idx %arg10[%add3A_993], %mul3A_988 {add = true} : memref<40960xf32, #tpu.memory_space<vmem>>[vector<16xi32>], vector<16xf32>,
      %broadcast_in_dim3A_994 = arith.constant 1 : i32
      %broadcast_in_dim3A_995 = vector.broadcast %broadcast_in_dim3A_994 : i32 to vector<16xi32>
      %gather3A_996 = tpu.vector_load_idx %arg9[%broadcast_in_dim3A_995, %get3A_958] : memref<8x10240xf32, #tpu.memory_space<vmem>>[vector<16xi32>, vector<16xi32>], vector<16xf32>,
      %broadcast_in_dim3A_997 = arith.constant 5 : i32
      %broadcast_in_dim3A_998 = vector.broadcast %broadcast_in_dim3A_997 : i32 to vector<16xi32>
      %gather3A_999 = tpu.vector_load_idx %arg9[%broadcast_in_dim3A_998, %get3A_960] : memref<8x10240xf32, #tpu.memory_space<vmem>>[vector<16xi32>, vector<16xi32>], vector<16xf32>,
      %add3A_1000 = arith.addf %gather3A_996, %gather3A_999 : vector<16xf32>
      %gt3A_1001 = arith.constant 0.000000e+00 : f32
      %gt3A_1002 = vector.broadcast %gt3A_1001 : f32 to vector<16xf32>
      %gt3A_1003 = arith.cmpf ogt, %add3A_1000, %gt3A_1002 : vector<16xf32>
      %mul3A_1004 = arith.constant 2.000000e-01 : f32
      %mul3A_1005 = vector.broadcast %mul3A_1004 : f32 to vector<16xf32>
      %mul3A_1006 = arith.mulf %mul3A_1005, %add3A_1000 : vector<16xf32>
      %select_n3A_1007 = arith.select %gt3A_1003, %add3A_1000, %mul3A_1006 : vector<16xi1>, vector<16xf32>
      %neg3A_1008 = arith.constant 0.000000e+00 : f32
      %neg3A_1009 = vector.broadcast %neg3A_1008 : f32 to vector<16xf32>
      %neg3A_1010 = arith.subf %neg3A_1009, %select_n3A_1007 : vector<16xf32>
      %exp3A_1011 = math.exp %neg3A_1010 : vector<16xf32>
      %mul3A_1012 = arith.mulf %exp3A_1011, %get3A_962 : vector<16xf32>
      %broadcast_in_dim3A_1013 = arith.constant 1 : i32
      %broadcast_in_dim3A_1014 = vector.broadcast %broadcast_in_dim3A_1013 : i32 to vector<16xi32>
      tpu.vector_store_idx %arg18[%add3A_966, %broadcast_in_dim3A_1014], %mul3A_1012 : memref<128x4xf32, #tpu.memory_space<vmem>>[vector<16xi32>, vector<16xi32>], vector<16xf32>,
      %add3A_1015 = arith.constant 1 : i32
      %add3A_1016 = vector.broadcast %add3A_1015 : i32 to vector<16xi32>
      %add3A_1017 = arith.addi %mul3A_969, %add3A_1016 : vector<16xi32>
      tpu.vector_store_idx %arg10[%add3A_1017], %mul3A_1012 {add = true} : memref<40960xf32, #tpu.memory_space<vmem>>[vector<16xi32>], vector<16xf32>,
      %broadcast_in_dim3A_1018 = arith.constant 2 : i32
      %broadcast_in_dim3A_1019 = vector.broadcast %broadcast_in_dim3A_1018 : i32 to vector<16xi32>
      %gather3A_1020 = tpu.vector_load_idx %arg9[%broadcast_in_dim3A_1019, %get3A_958] : memref<8x10240xf32, #tpu.memory_space<vmem>>[vector<16xi32>, vector<16xi32>], vector<16xf32>,
      %broadcast_in_dim3A_1021 = arith.constant 6 : i32
      %broadcast_in_dim3A_1022 = vector.broadcast %broadcast_in_dim3A_1021 : i32 to vector<16xi32>
      %gather3A_1023 = tpu.vector_load_idx %arg9[%broadcast_in_dim3A_1022, %get3A_960] : memref<8x10240xf32, #tpu.memory_space<vmem>>[vector<16xi32>, vector<16xi32>], vector<16xf32>,
      %add3A_1024 = arith.addf %gather3A_1020, %gather3A_1023 : vector<16xf32>
      %gt3A_1025 = arith.constant 0.000000e+00 : f32
      %gt3A_1026 = vector.broadcast %gt3A_1025 : f32 to vector<16xf32>
      %gt3A_1027 = arith.cmpf ogt, %add3A_1024, %gt3A_1026 : vector<16xf32>
      %mul3A_1028 = arith.constant 2.000000e-01 : f32
      %mul3A_1029 = vector.broadcast %mul3A_1028 : f32 to vector<16xf32>
      %mul3A_1030 = arith.mulf %mul3A_1029, %add3A_1024 : vector<16xf32>
      %select_n3A_1031 = arith.select %gt3A_1027, %add3A_1024, %mul3A_1030 : vector<16xi1>, vector<16xf32>
      %neg3A_1032 = arith.constant 0.000000e+00 : f32
      %neg3A_1033 = vector.broadcast %neg3A_1032 : f32 to vector<16xf32>
      %neg3A_1034 = arith.subf %neg3A_1033, %select_n3A_1031 : vector<16xf32>
      %exp3A_1035 = math.exp %neg3A_1034 : vector<16xf32>
      %mul3A_1036 = arith.mulf %exp3A_1035, %get3A_962 : vector<16xf32>
      %broadcast_in_dim3A_1037 = arith.constant 2 : i32
      %broadcast_in_dim3A_1038 = vector.broadcast %broadcast_in_dim3A_1037 : i32 to vector<16xi32>
      tpu.vector_store_idx %arg18[%add3A_966, %broadcast_in_dim3A_1038], %mul3A_1036 : memref<128x4xf32, #tpu.memory_space<vmem>>[vector<16xi32>, vector<16xi32>], vector<16xf32>,
      %add3A_1039 = arith.constant 2 : i32
      %add3A_1040 = vector.broadcast %add3A_1039 : i32 to vector<16xi32>
      %add3A_1041 = arith.addi %mul3A_969, %add3A_1040 : vector<16xi32>
      tpu.vector_store_idx %arg10[%add3A_1041], %mul3A_1036 {add = true} : memref<40960xf32, #tpu.memory_space<vmem>>[vector<16xi32>], vector<16xf32>,
      %broadcast_in_dim3A_1042 = arith.constant 3 : i32
      %broadcast_in_dim3A_1043 = vector.broadcast %broadcast_in_dim3A_1042 : i32 to vector<16xi32>
      %gather3A_1044 = tpu.vector_load_idx %arg9[%broadcast_in_dim3A_1043, %get3A_958] : memref<8x10240xf32, #tpu.memory_space<vmem>>[vector<16xi32>, vector<16xi32>], vector<16xf32>,
      %broadcast_in_dim3A_1045 = arith.constant 7 : i32
      %broadcast_in_dim3A_1046 = vector.broadcast %broadcast_in_dim3A_1045 : i32 to vector<16xi32>
      %gather3A_1047 = tpu.vector_load_idx %arg9[%broadcast_in_dim3A_1046, %get3A_960] : memref<8x10240xf32, #tpu.memory_space<vmem>>[vector<16xi32>, vector<16xi32>], vector<16xf32>,
      %add3A_1048 = arith.addf %gather3A_1044, %gather3A_1047 : vector<16xf32>
      %gt3A_1049 = arith.constant 0.000000e+00 : f32
      %gt3A_1050 = vector.broadcast %gt3A_1049 : f32 to vector<16xf32>
      %gt3A_1051 = arith.cmpf ogt, %add3A_1048, %gt3A_1050 : vector<16xf32>
      %mul3A_1052 = arith.constant 2.000000e-01 : f32
      %mul3A_1053 = vector.broadcast %mul3A_1052 : f32 to vector<16xf32>
      %mul3A_1054 = arith.mulf %mul3A_1053, %add3A_1048 : vector<16xf32>
      %select_n3A_1055 = arith.select %gt3A_1051, %add3A_1048, %mul3A_1054 : vector<16xi1>, vector<16xf32>
      %neg3A_1056 = arith.constant 0.000000e+00 : f32
      %neg3A_1057 = vector.broadcast %neg3A_1056 : f32 to vector<16xf32>
      %neg3A_1058 = arith.subf %neg3A_1057, %select_n3A_1055 : vector<16xf32>
      %exp3A_1059 = math.exp %neg3A_1058 : vector<16xf32>
      %mul3A_1060 = arith.mulf %exp3A_1059, %get3A_962 : vector<16xf32>
      %broadcast_in_dim3A_1061 = arith.constant 3 : i32
      %broadcast_in_dim3A_1062 = vector.broadcast %broadcast_in_dim3A_1061 : i32 to vector<16xi32>
      tpu.vector_store_idx %arg18[%add3A_966, %broadcast_in_dim3A_1062], %mul3A_1060 : memref<128x4xf32, #tpu.memory_space<vmem>>[vector<16xi32>, vector<16xi32>], vector<16xf32>,
      %add3A_1063 = arith.constant 3 : i32
      %add3A_1064 = vector.broadcast %add3A_1063 : i32 to vector<16xi32>
      %add3A_1065 = arith.addi %mul3A_969, %add3A_1064 : vector<16xi32>
      tpu.vector_store_idx %arg10[%add3A_1065], %mul3A_1060 {add = true} : memref<40960xf32, #tpu.memory_space<vmem>>[vector<16xi32>], vector<16xf32>,
      %get3A_1066 = arith.constant 16 : index
      %get3A_1067 = tpu.vector_load %arg12[%get3A_1066] {strides = array<i32>} : memref<128xi32, #tpu.memory_space<vmem>>, vector<16xi32>,
      %get3A_1068 = arith.constant 16 : index
      %get3A_1069 = tpu.vector_load %arg14[%get3A_1068] {strides = array<i32>} : memref<128xi32, #tpu.memory_space<vmem>>, vector<16xi32>,
      %get3A_1070 = arith.constant 16 : index
      %get3A_1071 = tpu.vector_load %arg16[%get3A_1070] {strides = array<i32>} : memref<128xf32, #tpu.memory_space<vmem>>, vector<16xf32>,
      %iota3A_1072 = tpu.iota {dimensions = array<i32: 0>} : vector<16xi32>
      %add3A_1073 = arith.constant 16 : i32
      %add3A_1074 = vector.broadcast %add3A_1073 : i32 to vector<16xi32>
      %add3A_1075 = arith.addi %iota3A_1072, %add3A_1074 : vector<16xi32>
      %mul3A_1076 = arith.constant 4 : i32
      %mul3A_1077 = vector.broadcast %mul3A_1076 : i32 to vector<16xi32>
      %mul3A_1078 = arith.muli %get3A_1067, %mul3A_1077 : vector<16xi32>
      %broadcast_in_dim3A_1079 = arith.constant 0 : i32
      %broadcast_in_dim3A_1080 = vector.broadcast %broadcast_in_dim3A_1079 : i32 to vector<16xi32>
      %gather3A_1081 = tpu.vector_load_idx %arg9[%broadcast_in_dim3A_1080, %get3A_1067] : memref<8x10240xf32, #tpu.memory_space<vmem>>[vector<16xi32>, vector<16xi32>], vector<16xf32>,
      %broadcast_in_dim3A_1082 = arith.constant 4 : i32
      %broadcast_in_dim3A_1083 = vector.broadcast %broadcast_in_dim3A_1082 : i32 to vector<16xi32>
      %gather3A_1084 = tpu.vector_load_idx %arg9[%broadcast_in_dim3A_1083, %get3A_1069] : memref<8x10240xf32, #tpu.memory_space<vmem>>[vector<16xi32>, vector<16xi32>], vector<16xf32>,
      %add3A_1085 = arith.addf %gather3A_1081, %gather3A_1084 : vector<16xf32>
      %gt3A_1086 = arith.constant 0.000000e+00 : f32
      %gt3A_1087 = vector.broadcast %gt3A_1086 : f32 to vector<16xf32>
      %gt3A_1088 = arith.cmpf ogt, %add3A_1085, %gt3A_1087 : vector<16xf32>
      %mul3A_1089 = arith.constant 2.000000e-01 : f32
      %mul3A_1090 = vector.broadcast %mul3A_1089 : f32 to vector<16xf32>
      %mul3A_1091 = arith.mulf %mul3A_1090, %add3A_1085 : vector<16xf32>
      %select_n3A_1092 = arith.select %gt3A_1088, %add3A_1085, %mul3A_1091 : vector<16xi1>, vector<16xf32>
      %neg3A_1093 = arith.constant 0.000000e+00 : f32
      %neg3A_1094 = vector.broadcast %neg3A_1093 : f32 to vector<16xf32>
      %neg3A_1095 = arith.subf %neg3A_1094, %select_n3A_1092 : vector<16xf32>
      %exp3A_1096 = math.exp %neg3A_1095 : vector<16xf32>
      %mul3A_1097 = arith.mulf %exp3A_1096, %get3A_1071 : vector<16xf32>
      %broadcast_in_dim3A_1098 = arith.constant 0 : i32
      %broadcast_in_dim3A_1099 = vector.broadcast %broadcast_in_dim3A_1098 : i32 to vector<16xi32>
      tpu.vector_store_idx %arg18[%add3A_1075, %broadcast_in_dim3A_1099], %mul3A_1097 : memref<128x4xf32, #tpu.memory_space<vmem>>[vector<16xi32>, vector<16xi32>], vector<16xf32>,
      %add3A_1100 = arith.constant 0 : i32
      %add3A_1101 = vector.broadcast %add3A_1100 : i32 to vector<16xi32>
      %add3A_1102 = arith.addi %mul3A_1078, %add3A_1101 : vector<16xi32>
      tpu.vector_store_idx %arg10[%add3A_1102], %mul3A_1097 {add = true} : memref<40960xf32, #tpu.memory_space<vmem>>[vector<16xi32>], vector<16xf32>,
      %broadcast_in_dim3A_1103 = arith.constant 1 : i32
      %broadcast_in_dim3A_1104 = vector.broadcast %broadcast_in_dim3A_1103 : i32 to vector<16xi32>
      %gather3A_1105 = tpu.vector_load_idx %arg9[%broadcast_in_dim3A_1104, %get3A_1067] : memref<8x10240xf32, #tpu.memory_space<vmem>>[vector<16xi32>, vector<16xi32>], vector<16xf32>,
      %broadcast_in_dim3A_1106 = arith.constant 5 : i32
      %broadcast_in_dim3A_1107 = vector.broadcast %broadcast_in_dim3A_1106 : i32 to vector<16xi32>
      %gather3A_1108 = tpu.vector_load_idx %arg9[%broadcast_in_dim3A_1107, %get3A_1069] : memref<8x10240xf32, #tpu.memory_space<vmem>>[vector<16xi32>, vector<16xi32>], vector<16xf32>,
      %add3A_1109 = arith.addf %gather3A_1105, %gather3A_1108 : vector<16xf32>
      %gt3A_1110 = arith.constant 0.000000e+00 : f32
      %gt3A_1111 = vector.broadcast %gt3A_1110 : f32 to vector<16xf32>
      %gt3A_1112 = arith.cmpf ogt, %add3A_1109, %gt3A_1111 : vector<16xf32>
      %mul3A_1113 = arith.constant 2.000000e-01 : f32
      %mul3A_1114 = vector.broadcast %mul3A_1113 : f32 to vector<16xf32>
      %mul3A_1115 = arith.mulf %mul3A_1114, %add3A_1109 : vector<16xf32>
      %select_n3A_1116 = arith.select %gt3A_1112, %add3A_1109, %mul3A_1115 : vector<16xi1>, vector<16xf32>
      %neg3A_1117 = arith.constant 0.000000e+00 : f32
      %neg3A_1118 = vector.broadcast %neg3A_1117 : f32 to vector<16xf32>
      %neg3A_1119 = arith.subf %neg3A_1118, %select_n3A_1116 : vector<16xf32>
      %exp3A_1120 = math.exp %neg3A_1119 : vector<16xf32>
      %mul3A_1121 = arith.mulf %exp3A_1120, %get3A_1071 : vector<16xf32>
      %broadcast_in_dim3A_1122 = arith.constant 1 : i32
      %broadcast_in_dim3A_1123 = vector.broadcast %broadcast_in_dim3A_1122 : i32 to vector<16xi32>
      tpu.vector_store_idx %arg18[%add3A_1075, %broadcast_in_dim3A_1123], %mul3A_1121 : memref<128x4xf32, #tpu.memory_space<vmem>>[vector<16xi32>, vector<16xi32>], vector<16xf32>,
      %add3A_1124 = arith.constant 1 : i32
      %add3A_1125 = vector.broadcast %add3A_1124 : i32 to vector<16xi32>
      %add3A_1126 = arith.addi %mul3A_1078, %add3A_1125 : vector<16xi32>
      tpu.vector_store_idx %arg10[%add3A_1126], %mul3A_1121 {add = true} : memref<40960xf32, #tpu.memory_space<vmem>>[vector<16xi32>], vector<16xf32>,
      %broadcast_in_dim3A_1127 = arith.constant 2 : i32
      %broadcast_in_dim3A_1128 = vector.broadcast %broadcast_in_dim3A_1127 : i32 to vector<16xi32>
      %gather3A_1129 = tpu.vector_load_idx %arg9[%broadcast_in_dim3A_1128, %get3A_1067] : memref<8x10240xf32, #tpu.memory_space<vmem>>[vector<16xi32>, vector<16xi32>], vector<16xf32>,
      %broadcast_in_dim3A_1130 = arith.constant 6 : i32
      %broadcast_in_dim3A_1131 = vector.broadcast %broadcast_in_dim3A_1130 : i32 to vector<16xi32>
      %gather3A_1132 = tpu.vector_load_idx %arg9[%broadcast_in_dim3A_1131, %get3A_1069] : memref<8x10240xf32, #tpu.memory_space<vmem>>[vector<16xi32>, vector<16xi32>], vector<16xf32>,
      %add3A_1133 = arith.addf %gather3A_1129, %gather3A_1132 : vector<16xf32>
      %gt3A_1134 = arith.constant 0.000000e+00 : f32
      %gt3A_1135 = vector.broadcast %gt3A_1134 : f32 to vector<16xf32>
      %gt3A_1136 = arith.cmpf ogt, %add3A_1133, %gt3A_1135 : vector<16xf32>
      %mul3A_1137 = arith.constant 2.000000e-01 : f32
      %mul3A_1138 = vector.broadcast %mul3A_1137 : f32 to vector<16xf32>
      %mul3A_1139 = arith.mulf %mul3A_1138, %add3A_1133 : vector<16xf32>
      %select_n3A_1140 = arith.select %gt3A_1136, %add3A_1133, %mul3A_1139 : vector<16xi1>, vector<16xf32>
      %neg3A_1141 = arith.constant 0.000000e+00 : f32
      %neg3A_1142 = vector.broadcast %neg3A_1141 : f32 to vector<16xf32>
      %neg3A_1143 = arith.subf %neg3A_1142, %select_n3A_1140 : vector<16xf32>
      %exp3A_1144 = math.exp %neg3A_1143 : vector<16xf32>
      %mul3A_1145 = arith.mulf %exp3A_1144, %get3A_1071 : vector<16xf32>
      %broadcast_in_dim3A_1146 = arith.constant 2 : i32
      %broadcast_in_dim3A_1147 = vector.broadcast %broadcast_in_dim3A_1146 : i32 to vector<16xi32>
      tpu.vector_store_idx %arg18[%add3A_1075, %broadcast_in_dim3A_1147], %mul3A_1145 : memref<128x4xf32, #tpu.memory_space<vmem>>[vector<16xi32>, vector<16xi32>], vector<16xf32>,
      %add3A_1148 = arith.constant 2 : i32
      %add3A_1149 = vector.broadcast %add3A_1148 : i32 to vector<16xi32>
      %add3A_1150 = arith.addi %mul3A_1078, %add3A_1149 : vector<16xi32>
      tpu.vector_store_idx %arg10[%add3A_1150], %mul3A_1145 {add = true} : memref<40960xf32, #tpu.memory_space<vmem>>[vector<16xi32>], vector<16xf32>,
      %broadcast_in_dim3A_1151 = arith.constant 3 : i32
      %broadcast_in_dim3A_1152 = vector.broadcast %broadcast_in_dim3A_1151 : i32 to vector<16xi32>
      %gather3A_1153 = tpu.vector_load_idx %arg9[%broadcast_in_dim3A_1152, %get3A_1067] : memref<8x10240xf32, #tpu.memory_space<vmem>>[vector<16xi32>, vector<16xi32>], vector<16xf32>,
      %broadcast_in_dim3A_1154 = arith.constant 7 : i32
      %broadcast_in_dim3A_1155 = vector.broadcast %broadcast_in_dim3A_1154 : i32 to vector<16xi32>
      %gather3A_1156 = tpu.vector_load_idx %arg9[%broadcast_in_dim3A_1155, %get3A_1069] : memref<8x10240xf32, #tpu.memory_space<vmem>>[vector<16xi32>, vector<16xi32>], vector<16xf32>,
      %add3A_1157 = arith.addf %gather3A_1153, %gather3A_1156 : vector<16xf32>
      %gt3A_1158 = arith.constant 0.000000e+00 : f32
      %gt3A_1159 = vector.broadcast %gt3A_1158 : f32 to vector<16xf32>
      %gt3A_1160 = arith.cmpf ogt, %add3A_1157, %gt3A_1159 : vector<16xf32>
      %mul3A_1161 = arith.constant 2.000000e-01 : f32
      %mul3A_1162 = vector.broadcast %mul3A_1161 : f32 to vector<16xf32>
      %mul3A_1163 = arith.mulf %mul3A_1162, %add3A_1157 : vector<16xf32>
      %select_n3A_1164 = arith.select %gt3A_1160, %add3A_1157, %mul3A_1163 : vector<16xi1>, vector<16xf32>
      %neg3A_1165 = arith.constant 0.000000e+00 : f32
      %neg3A_1166 = vector.broadcast %neg3A_1165 : f32 to vector<16xf32>
      %neg3A_1167 = arith.subf %neg3A_1166, %select_n3A_1164 : vector<16xf32>
      %exp3A_1168 = math.exp %neg3A_1167 : vector<16xf32>
      %mul3A_1169 = arith.mulf %exp3A_1168, %get3A_1071 : vector<16xf32>
      %broadcast_in_dim3A_1170 = arith.constant 3 : i32
      %broadcast_in_dim3A_1171 = vector.broadcast %broadcast_in_dim3A_1170 : i32 to vector<16xi32>
      tpu.vector_store_idx %arg18[%add3A_1075, %broadcast_in_dim3A_1171], %mul3A_1169 : memref<128x4xf32, #tpu.memory_space<vmem>>[vector<16xi32>, vector<16xi32>], vector<16xf32>,
      %add3A_1172 = arith.constant 3 : i32
      %add3A_1173 = vector.broadcast %add3A_1172 : i32 to vector<16xi32>
      %add3A_1174 = arith.addi %mul3A_1078, %add3A_1173 : vector<16xi32>
      tpu.vector_store_idx %arg10[%add3A_1174], %mul3A_1169 {add = true} : memref<40960xf32, #tpu.memory_space<vmem>>[vector<16xi32>], vector<16xf32>,
      %get3A_1175 = arith.constant 32 : index
      %get3A_1176 = tpu.vector_load %arg12[%get3A_1175] {strides = array<i32>} : memref<128xi32, #tpu.memory_space<vmem>>, vector<16xi32>,
      %get3A_1177 = arith.constant 32 : index
      %get3A_1178 = tpu.vector_load %arg14[%get3A_1177] {strides = array<i32>} : memref<128xi32, #tpu.memory_space<vmem>>, vector<16xi32>,
      %get3A_1179 = arith.constant 32 : index
      %get3A_1180 = tpu.vector_load %arg16[%get3A_1179] {strides = array<i32>} : memref<128xf32, #tpu.memory_space<vmem>>, vector<16xf32>,
      %iota3A_1181 = tpu.iota {dimensions = array<i32: 0>} : vector<16xi32>
      %add3A_1182 = arith.constant 32 : i32
      %add3A_1183 = vector.broadcast %add3A_1182 : i32 to vector<16xi32>
      %add3A_1184 = arith.addi %iota3A_1181, %add3A_1183 : vector<16xi32>
      %mul3A_1185 = arith.constant 4 : i32
      %mul3A_1186 = vector.broadcast %mul3A_1185 : i32 to vector<16xi32>
      %mul3A_1187 = arith.muli %get3A_1176, %mul3A_1186 : vector<16xi32>
      %broadcast_in_dim3A_1188 = arith.constant 0 : i32
      %broadcast_in_dim3A_1189 = vector.broadcast %broadcast_in_dim3A_1188 : i32 to vector<16xi32>
      %gather3A_1190 = tpu.vector_load_idx %arg9[%broadcast_in_dim3A_1189, %get3A_1176] : memref<8x10240xf32, #tpu.memory_space<vmem>>[vector<16xi32>, vector<16xi32>], vector<16xf32>,
      %broadcast_in_dim3A_1191 = arith.constant 4 : i32
      %broadcast_in_dim3A_1192 = vector.broadcast %broadcast_in_dim3A_1191 : i32 to vector<16xi32>
      %gather3A_1193 = tpu.vector_load_idx %arg9[%broadcast_in_dim3A_1192, %get3A_1178] : memref<8x10240xf32, #tpu.memory_space<vmem>>[vector<16xi32>, vector<16xi32>], vector<16xf32>,
      %add3A_1194 = arith.addf %gather3A_1190, %gather3A_1193 : vector<16xf32>
      %gt3A_1195 = arith.constant 0.000000e+00 : f32
      %gt3A_1196 = vector.broadcast %gt3A_1195 : f32 to vector<16xf32>
      %gt3A_1197 = arith.cmpf ogt, %add3A_1194, %gt3A_1196 : vector<16xf32>
      %mul3A_1198 = arith.constant 2.000000e-01 : f32
      %mul3A_1199 = vector.broadcast %mul3A_1198 : f32 to vector<16xf32>
      %mul3A_1200 = arith.mulf %mul3A_1199, %add3A_1194 : vector<16xf32>
      %select_n3A_1201 = arith.select %gt3A_1197, %add3A_1194, %mul3A_1200 : vector<16xi1>, vector<16xf32>
      %neg3A_1202 = arith.constant 0.000000e+00 : f32
      %neg3A_1203 = vector.broadcast %neg3A_1202 : f32 to vector<16xf32>
      %neg3A_1204 = arith.subf %neg3A_1203, %select_n3A_1201 : vector<16xf32>
      %exp3A_1205 = math.exp %neg3A_1204 : vector<16xf32>
      %mul3A_1206 = arith.mulf %exp3A_1205, %get3A_1180 : vector<16xf32>
      %broadcast_in_dim3A_1207 = arith.constant 0 : i32
      %broadcast_in_dim3A_1208 = vector.broadcast %broadcast_in_dim3A_1207 : i32 to vector<16xi32>
      tpu.vector_store_idx %arg18[%add3A_1184, %broadcast_in_dim3A_1208], %mul3A_1206 : memref<128x4xf32, #tpu.memory_space<vmem>>[vector<16xi32>, vector<16xi32>], vector<16xf32>,
      %add3A_1209 = arith.constant 0 : i32
      %add3A_1210 = vector.broadcast %add3A_1209 : i32 to vector<16xi32>
      %add3A_1211 = arith.addi %mul3A_1187, %add3A_1210 : vector<16xi32>
      tpu.vector_store_idx %arg10[%add3A_1211], %mul3A_1206 {add = true} : memref<40960xf32, #tpu.memory_space<vmem>>[vector<16xi32>], vector<16xf32>,
      %broadcast_in_dim3A_1212 = arith.constant 1 : i32
      %broadcast_in_dim3A_1213 = vector.broadcast %broadcast_in_dim3A_1212 : i32 to vector<16xi32>
      %gather3A_1214 = tpu.vector_load_idx %arg9[%broadcast_in_dim3A_1213, %get3A_1176] : memref<8x10240xf32, #tpu.memory_space<vmem>>[vector<16xi32>, vector<16xi32>], vector<16xf32>,
      %broadcast_in_dim3A_1215 = arith.constant 5 : i32
      %broadcast_in_dim3A_1216 = vector.broadcast %broadcast_in_dim3A_1215 : i32 to vector<16xi32>
      %gather3A_1217 = tpu.vector_load_idx %arg9[%broadcast_in_dim3A_1216, %get3A_1178] : memref<8x10240xf32, #tpu.memory_space<vmem>>[vector<16xi32>, vector<16xi32>], vector<16xf32>,
      %add3A_1218 = arith.addf %gather3A_1214, %gather3A_1217 : vector<16xf32>
      %gt3A_1219 = arith.constant 0.000000e+00 : f32
      %gt3A_1220 = vector.broadcast %gt3A_1219 : f32 to vector<16xf32>
      %gt3A_1221 = arith.cmpf ogt, %add3A_1218, %gt3A_1220 : vector<16xf32>
      %mul3A_1222 = arith.constant 2.000000e-01 : f32
      %mul3A_1223 = vector.broadcast %mul3A_1222 : f32 to vector<16xf32>
      %mul3A_1224 = arith.mulf %mul3A_1223, %add3A_1218 : vector<16xf32>
      %select_n3A_1225 = arith.select %gt3A_1221, %add3A_1218, %mul3A_1224 : vector<16xi1>, vector<16xf32>
      %neg3A_1226 = arith.constant 0.000000e+00 : f32
      %neg3A_1227 = vector.broadcast %neg3A_1226 : f32 to vector<16xf32>
      %neg3A_1228 = arith.subf %neg3A_1227, %select_n3A_1225 : vector<16xf32>
      %exp3A_1229 = math.exp %neg3A_1228 : vector<16xf32>
      %mul3A_1230 = arith.mulf %exp3A_1229, %get3A_1180 : vector<16xf32>
      %broadcast_in_dim3A_1231 = arith.constant 1 : i32
      %broadcast_in_dim3A_1232 = vector.broadcast %broadcast_in_dim3A_1231 : i32 to vector<16xi32>
      tpu.vector_store_idx %arg18[%add3A_1184, %broadcast_in_dim3A_1232], %mul3A_1230 : memref<128x4xf32, #tpu.memory_space<vmem>>[vector<16xi32>, vector<16xi32>], vector<16xf32>,
      %add3A_1233 = arith.constant 1 : i32
      %add3A_1234 = vector.broadcast %add3A_1233 : i32 to vector<16xi32>
      %add3A_1235 = arith.addi %mul3A_1187, %add3A_1234 : vector<16xi32>
      tpu.vector_store_idx %arg10[%add3A_1235], %mul3A_1230 {add = true} : memref<40960xf32, #tpu.memory_space<vmem>>[vector<16xi32>], vector<16xf32>,
      %broadcast_in_dim3A_1236 = arith.constant 2 : i32
      %broadcast_in_dim3A_1237 = vector.broadcast %broadcast_in_dim3A_1236 : i32 to vector<16xi32>
      %gather3A_1238 = tpu.vector_load_idx %arg9[%broadcast_in_dim3A_1237, %get3A_1176] : memref<8x10240xf32, #tpu.memory_space<vmem>>[vector<16xi32>, vector<16xi32>], vector<16xf32>,
      %broadcast_in_dim3A_1239 = arith.constant 6 : i32
      %broadcast_in_dim3A_1240 = vector.broadcast %broadcast_in_dim3A_1239 : i32 to vector<16xi32>
      %gather3A_1241 = tpu.vector_load_idx %arg9[%broadcast_in_dim3A_1240, %get3A_1178] : memref<8x10240xf32, #tpu.memory_space<vmem>>[vector<16xi32>, vector<16xi32>], vector<16xf32>,
      %add3A_1242 = arith.addf %gather3A_1238, %gather3A_1241 : vector<16xf32>
      %gt3A_1243 = arith.constant 0.000000e+00 : f32
      %gt3A_1244 = vector.broadcast %gt3A_1243 : f32 to vector<16xf32>
      %gt3A_1245 = arith.cmpf ogt, %add3A_1242, %gt3A_1244 : vector<16xf32>
      %mul3A_1246 = arith.constant 2.000000e-01 : f32
      %mul3A_1247 = vector.broadcast %mul3A_1246 : f32 to vector<16xf32>
      %mul3A_1248 = arith.mulf %mul3A_1247, %add3A_1242 : vector<16xf32>
      %select_n3A_1249 = arith.select %gt3A_1245, %add3A_1242, %mul3A_1248 : vector<16xi1>, vector<16xf32>
      %neg3A_1250 = arith.constant 0.000000e+00 : f32
      %neg3A_1251 = vector.broadcast %neg3A_1250 : f32 to vector<16xf32>
      %neg3A_1252 = arith.subf %neg3A_1251, %select_n3A_1249 : vector<16xf32>
      %exp3A_1253 = math.exp %neg3A_1252 : vector<16xf32>
      %mul3A_1254 = arith.mulf %exp3A_1253, %get3A_1180 : vector<16xf32>
      %broadcast_in_dim3A_1255 = arith.constant 2 : i32
      %broadcast_in_dim3A_1256 = vector.broadcast %broadcast_in_dim3A_1255 : i32 to vector<16xi32>
      tpu.vector_store_idx %arg18[%add3A_1184, %broadcast_in_dim3A_1256], %mul3A_1254 : memref<128x4xf32, #tpu.memory_space<vmem>>[vector<16xi32>, vector<16xi32>], vector<16xf32>,
      %add3A_1257 = arith.constant 2 : i32
      %add3A_1258 = vector.broadcast %add3A_1257 : i32 to vector<16xi32>
      %add3A_1259 = arith.addi %mul3A_1187, %add3A_1258 : vector<16xi32>
      tpu.vector_store_idx %arg10[%add3A_1259], %mul3A_1254 {add = true} : memref<40960xf32, #tpu.memory_space<vmem>>[vector<16xi32>], vector<16xf32>,
      %broadcast_in_dim3A_1260 = arith.constant 3 : i32
      %broadcast_in_dim3A_1261 = vector.broadcast %broadcast_in_dim3A_1260 : i32 to vector<16xi32>
      %gather3A_1262 = tpu.vector_load_idx %arg9[%broadcast_in_dim3A_1261, %get3A_1176] : memref<8x10240xf32, #tpu.memory_space<vmem>>[vector<16xi32>, vector<16xi32>], vector<16xf32>,
      %broadcast_in_dim3A_1263 = arith.constant 7 : i32
      %broadcast_in_dim3A_1264 = vector.broadcast %broadcast_in_dim3A_1263 : i32 to vector<16xi32>
      %gather3A_1265 = tpu.vector_load_idx %arg9[%broadcast_in_dim3A_1264, %get3A_1178] : memref<8x10240xf32, #tpu.memory_space<vmem>>[vector<16xi32>, vector<16xi32>], vector<16xf32>,
      %add3A_1266 = arith.addf %gather3A_1262, %gather3A_1265 : vector<16xf32>
      %gt3A_1267 = arith.constant 0.000000e+00 : f32
      %gt3A_1268 = vector.broadcast %gt3A_1267 : f32 to vector<16xf32>
      %gt3A_1269 = arith.cmpf ogt, %add3A_1266, %gt3A_1268 : vector<16xf32>
      %mul3A_1270 = arith.constant 2.000000e-01 : f32
      %mul3A_1271 = vector.broadcast %mul3A_1270 : f32 to vector<16xf32>
      %mul3A_1272 = arith.mulf %mul3A_1271, %add3A_1266 : vector<16xf32>
      %select_n3A_1273 = arith.select %gt3A_1269, %add3A_1266, %mul3A_1272 : vector<16xi1>, vector<16xf32>
      %neg3A_1274 = arith.constant 0.000000e+00 : f32
      %neg3A_1275 = vector.broadcast %neg3A_1274 : f32 to vector<16xf32>
      %neg3A_1276 = arith.subf %neg3A_1275, %select_n3A_1273 : vector<16xf32>
      %exp3A_1277 = math.exp %neg3A_1276 : vector<16xf32>
      %mul3A_1278 = arith.mulf %exp3A_1277, %get3A_1180 : vector<16xf32>
      %broadcast_in_dim3A_1279 = arith.constant 3 : i32
      %broadcast_in_dim3A_1280 = vector.broadcast %broadcast_in_dim3A_1279 : i32 to vector<16xi32>
      tpu.vector_store_idx %arg18[%add3A_1184, %broadcast_in_dim3A_1280], %mul3A_1278 : memref<128x4xf32, #tpu.memory_space<vmem>>[vector<16xi32>, vector<16xi32>], vector<16xf32>,
      %add3A_1281 = arith.constant 3 : i32
      %add3A_1282 = vector.broadcast %add3A_1281 : i32 to vector<16xi32>
      %add3A_1283 = arith.addi %mul3A_1187, %add3A_1282 : vector<16xi32>
      tpu.vector_store_idx %arg10[%add3A_1283], %mul3A_1278 {add = true} : memref<40960xf32, #tpu.memory_space<vmem>>[vector<16xi32>], vector<16xf32>,
      %get3A_1284 = arith.constant 48 : index
      %get3A_1285 = tpu.vector_load %arg12[%get3A_1284] {strides = array<i32>} : memref<128xi32, #tpu.memory_space<vmem>>, vector<16xi32>,
      %get3A_1286 = arith.constant 48 : index
      %get3A_1287 = tpu.vector_load %arg14[%get3A_1286] {strides = array<i32>} : memref<128xi32, #tpu.memory_space<vmem>>, vector<16xi32>,
      %get3A_1288 = arith.constant 48 : index
      %get3A_1289 = tpu.vector_load %arg16[%get3A_1288] {strides = array<i32>} : memref<128xf32, #tpu.memory_space<vmem>>, vector<16xf32>,
      %iota3A_1290 = tpu.iota {dimensions = array<i32: 0>} : vector<16xi32>
      %add3A_1291 = arith.constant 48 : i32
      %add3A_1292 = vector.broadcast %add3A_1291 : i32 to vector<16xi32>
      %add3A_1293 = arith.addi %iota3A_1290, %add3A_1292 : vector<16xi32>
      %mul3A_1294 = arith.constant 4 : i32
      %mul3A_1295 = vector.broadcast %mul3A_1294 : i32 to vector<16xi32>
      %mul3A_1296 = arith.muli %get3A_1285, %mul3A_1295 : vector<16xi32>
      %broadcast_in_dim3A_1297 = arith.constant 0 : i32
      %broadcast_in_dim3A_1298 = vector.broadcast %broadcast_in_dim3A_1297 : i32 to vector<16xi32>
      %gather3A_1299 = tpu.vector_load_idx %arg9[%broadcast_in_dim3A_1298, %get3A_1285] : memref<8x10240xf32, #tpu.memory_space<vmem>>[vector<16xi32>, vector<16xi32>], vector<16xf32>,
      %broadcast_in_dim3A_1300 = arith.constant 4 : i32
      %broadcast_in_dim3A_1301 = vector.broadcast %broadcast_in_dim3A_1300 : i32 to vector<16xi32>
      %gather3A_1302 = tpu.vector_load_idx %arg9[%broadcast_in_dim3A_1301, %get3A_1287] : memref<8x10240xf32, #tpu.memory_space<vmem>>[vector<16xi32>, vector<16xi32>], vector<16xf32>,
      %add3A_1303 = arith.addf %gather3A_1299, %gather3A_1302 : vector<16xf32>
      %gt3A_1304 = arith.constant 0.000000e+00 : f32
      %gt3A_1305 = vector.broadcast %gt3A_1304 : f32 to vector<16xf32>
      %gt3A_1306 = arith.cmpf ogt, %add3A_1303, %gt3A_1305 : vector<16xf32>
      %mul3A_1307 = arith.constant 2.000000e-01 : f32
      %mul3A_1308 = vector.broadcast %mul3A_1307 : f32 to vector<16xf32>
      %mul3A_1309 = arith.mulf %mul3A_1308, %add3A_1303 : vector<16xf32>
      %select_n3A_1310 = arith.select %gt3A_1306, %add3A_1303, %mul3A_1309 : vector<16xi1>, vector<16xf32>
      %neg3A_1311 = arith.constant 0.000000e+00 : f32
      %neg3A_1312 = vector.broadcast %neg3A_1311 : f32 to vector<16xf32>
      %neg3A_1313 = arith.subf %neg3A_1312, %select_n3A_1310 : vector<16xf32>
      %exp3A_1314 = math.exp %neg3A_1313 : vector<16xf32>
      %mul3A_1315 = arith.mulf %exp3A_1314, %get3A_1289 : vector<16xf32>
      %broadcast_in_dim3A_1316 = arith.constant 0 : i32
      %broadcast_in_dim3A_1317 = vector.broadcast %broadcast_in_dim3A_1316 : i32 to vector<16xi32>
      tpu.vector_store_idx %arg18[%add3A_1293, %broadcast_in_dim3A_1317], %mul3A_1315 : memref<128x4xf32, #tpu.memory_space<vmem>>[vector<16xi32>, vector<16xi32>], vector<16xf32>,
      %add3A_1318 = arith.constant 0 : i32
      %add3A_1319 = vector.broadcast %add3A_1318 : i32 to vector<16xi32>
      %add3A_1320 = arith.addi %mul3A_1296, %add3A_1319 : vector<16xi32>
      tpu.vector_store_idx %arg10[%add3A_1320], %mul3A_1315 {add = true} : memref<40960xf32, #tpu.memory_space<vmem>>[vector<16xi32>], vector<16xf32>,
      %broadcast_in_dim3A_1321 = arith.constant 1 : i32
      %broadcast_in_dim3A_1322 = vector.broadcast %broadcast_in_dim3A_1321 : i32 to vector<16xi32>
      %gather3A_1323 = tpu.vector_load_idx %arg9[%broadcast_in_dim3A_1322, %get3A_1285] : memref<8x10240xf32, #tpu.memory_space<vmem>>[vector<16xi32>, vector<16xi32>], vector<16xf32>,
      %broadcast_in_dim3A_1324 = arith.constant 5 : i32
      %broadcast_in_dim3A_1325 = vector.broadcast %broadcast_in_dim3A_1324 : i32 to vector<16xi32>
      %gather3A_1326 = tpu.vector_load_idx %arg9[%broadcast_in_dim3A_1325, %get3A_1287] : memref<8x10240xf32, #tpu.memory_space<vmem>>[vector<16xi32>, vector<16xi32>], vector<16xf32>,
      %add3A_1327 = arith.addf %gather3A_1323, %gather3A_1326 : vector<16xf32>
      %gt3A_1328 = arith.constant 0.000000e+00 : f32
      %gt3A_1329 = vector.broadcast %gt3A_1328 : f32 to vector<16xf32>
      %gt3A_1330 = arith.cmpf ogt, %add3A_1327, %gt3A_1329 : vector<16xf32>
      %mul3A_1331 = arith.constant 2.000000e-01 : f32
      %mul3A_1332 = vector.broadcast %mul3A_1331 : f32 to vector<16xf32>
      %mul3A_1333 = arith.mulf %mul3A_1332, %add3A_1327 : vector<16xf32>
      %select_n3A_1334 = arith.select %gt3A_1330, %add3A_1327, %mul3A_1333 : vector<16xi1>, vector<16xf32>
      %neg3A_1335 = arith.constant 0.000000e+00 : f32
      %neg3A_1336 = vector.broadcast %neg3A_1335 : f32 to vector<16xf32>
      %neg3A_1337 = arith.subf %neg3A_1336, %select_n3A_1334 : vector<16xf32>
      %exp3A_1338 = math.exp %neg3A_1337 : vector<16xf32>
      %mul3A_1339 = arith.mulf %exp3A_1338, %get3A_1289 : vector<16xf32>
      %broadcast_in_dim3A_1340 = arith.constant 1 : i32
      %broadcast_in_dim3A_1341 = vector.broadcast %broadcast_in_dim3A_1340 : i32 to vector<16xi32>
      tpu.vector_store_idx %arg18[%add3A_1293, %broadcast_in_dim3A_1341], %mul3A_1339 : memref<128x4xf32, #tpu.memory_space<vmem>>[vector<16xi32>, vector<16xi32>], vector<16xf32>,
      %add3A_1342 = arith.constant 1 : i32
      %add3A_1343 = vector.broadcast %add3A_1342 : i32 to vector<16xi32>
      %add3A_1344 = arith.addi %mul3A_1296, %add3A_1343 : vector<16xi32>
      tpu.vector_store_idx %arg10[%add3A_1344], %mul3A_1339 {add = true} : memref<40960xf32, #tpu.memory_space<vmem>>[vector<16xi32>], vector<16xf32>,
      %broadcast_in_dim3A_1345 = arith.constant 2 : i32
      %broadcast_in_dim3A_1346 = vector.broadcast %broadcast_in_dim3A_1345 : i32 to vector<16xi32>
      %gather3A_1347 = tpu.vector_load_idx %arg9[%broadcast_in_dim3A_1346, %get3A_1285] : memref<8x10240xf32, #tpu.memory_space<vmem>>[vector<16xi32>, vector<16xi32>], vector<16xf32>,
      %broadcast_in_dim3A_1348 = arith.constant 6 : i32
      %broadcast_in_dim3A_1349 = vector.broadcast %broadcast_in_dim3A_1348 : i32 to vector<16xi32>
      %gather3A_1350 = tpu.vector_load_idx %arg9[%broadcast_in_dim3A_1349, %get3A_1287] : memref<8x10240xf32, #tpu.memory_space<vmem>>[vector<16xi32>, vector<16xi32>], vector<16xf32>,
      %add3A_1351 = arith.addf %gather3A_1347, %gather3A_1350 : vector<16xf32>
      %gt3A_1352 = arith.constant 0.000000e+00 : f32
      %gt3A_1353 = vector.broadcast %gt3A_1352 : f32 to vector<16xf32>
      %gt3A_1354 = arith.cmpf ogt, %add3A_1351, %gt3A_1353 : vector<16xf32>
      %mul3A_1355 = arith.constant 2.000000e-01 : f32
      %mul3A_1356 = vector.broadcast %mul3A_1355 : f32 to vector<16xf32>
      %mul3A_1357 = arith.mulf %mul3A_1356, %add3A_1351 : vector<16xf32>
      %select_n3A_1358 = arith.select %gt3A_1354, %add3A_1351, %mul3A_1357 : vector<16xi1>, vector<16xf32>
      %neg3A_1359 = arith.constant 0.000000e+00 : f32
      %neg3A_1360 = vector.broadcast %neg3A_1359 : f32 to vector<16xf32>
      %neg3A_1361 = arith.subf %neg3A_1360, %select_n3A_1358 : vector<16xf32>
      %exp3A_1362 = math.exp %neg3A_1361 : vector<16xf32>
      %mul3A_1363 = arith.mulf %exp3A_1362, %get3A_1289 : vector<16xf32>
      %broadcast_in_dim3A_1364 = arith.constant 2 : i32
      %broadcast_in_dim3A_1365 = vector.broadcast %broadcast_in_dim3A_1364 : i32 to vector<16xi32>
      tpu.vector_store_idx %arg18[%add3A_1293, %broadcast_in_dim3A_1365], %mul3A_1363 : memref<128x4xf32, #tpu.memory_space<vmem>>[vector<16xi32>, vector<16xi32>], vector<16xf32>,
      %add3A_1366 = arith.constant 2 : i32
      %add3A_1367 = vector.broadcast %add3A_1366 : i32 to vector<16xi32>
      %add3A_1368 = arith.addi %mul3A_1296, %add3A_1367 : vector<16xi32>
      tpu.vector_store_idx %arg10[%add3A_1368], %mul3A_1363 {add = true} : memref<40960xf32, #tpu.memory_space<vmem>>[vector<16xi32>], vector<16xf32>,
      %broadcast_in_dim3A_1369 = arith.constant 3 : i32
      %broadcast_in_dim3A_1370 = vector.broadcast %broadcast_in_dim3A_1369 : i32 to vector<16xi32>
      %gather3A_1371 = tpu.vector_load_idx %arg9[%broadcast_in_dim3A_1370, %get3A_1285] : memref<8x10240xf32, #tpu.memory_space<vmem>>[vector<16xi32>, vector<16xi32>], vector<16xf32>,
      %broadcast_in_dim3A_1372 = arith.constant 7 : i32
      %broadcast_in_dim3A_1373 = vector.broadcast %broadcast_in_dim3A_1372 : i32 to vector<16xi32>
      %gather3A_1374 = tpu.vector_load_idx %arg9[%broadcast_in_dim3A_1373, %get3A_1287] : memref<8x10240xf32, #tpu.memory_space<vmem>>[vector<16xi32>, vector<16xi32>], vector<16xf32>,
      %add3A_1375 = arith.addf %gather3A_1371, %gather3A_1374 : vector<16xf32>
      %gt3A_1376 = arith.constant 0.000000e+00 : f32
      %gt3A_1377 = vector.broadcast %gt3A_1376 : f32 to vector<16xf32>
      %gt3A_1378 = arith.cmpf ogt, %add3A_1375, %gt3A_1377 : vector<16xf32>
      %mul3A_1379 = arith.constant 2.000000e-01 : f32
      %mul3A_1380 = vector.broadcast %mul3A_1379 : f32 to vector<16xf32>
      %mul3A_1381 = arith.mulf %mul3A_1380, %add3A_1375 : vector<16xf32>
      %select_n3A_1382 = arith.select %gt3A_1378, %add3A_1375, %mul3A_1381 : vector<16xi1>, vector<16xf32>
      %neg3A_1383 = arith.constant 0.000000e+00 : f32
      %neg3A_1384 = vector.broadcast %neg3A_1383 : f32 to vector<16xf32>
      %neg3A_1385 = arith.subf %neg3A_1384, %select_n3A_1382 : vector<16xf32>
      %exp3A_1386 = math.exp %neg3A_1385 : vector<16xf32>
      %mul3A_1387 = arith.mulf %exp3A_1386, %get3A_1289 : vector<16xf32>
      %broadcast_in_dim3A_1388 = arith.constant 3 : i32
      %broadcast_in_dim3A_1389 = vector.broadcast %broadcast_in_dim3A_1388 : i32 to vector<16xi32>
      tpu.vector_store_idx %arg18[%add3A_1293, %broadcast_in_dim3A_1389], %mul3A_1387 : memref<128x4xf32, #tpu.memory_space<vmem>>[vector<16xi32>, vector<16xi32>], vector<16xf32>,
      %add3A_1390 = arith.constant 3 : i32
      %add3A_1391 = vector.broadcast %add3A_1390 : i32 to vector<16xi32>
      %add3A_1392 = arith.addi %mul3A_1296, %add3A_1391 : vector<16xi32>
      tpu.vector_store_idx %arg10[%add3A_1392], %mul3A_1387 {add = true} : memref<40960xf32, #tpu.memory_space<vmem>>[vector<16xi32>], vector<16xf32>,
      %get3A_1393 = arith.constant 64 : index
      %get3A_1394 = tpu.vector_load %arg12[%get3A_1393] {strides = array<i32>} : memref<128xi32, #tpu.memory_space<vmem>>, vector<16xi32>,
      %get3A_1395 = arith.constant 64 : index
      %get3A_1396 = tpu.vector_load %arg14[%get3A_1395] {strides = array<i32>} : memref<128xi32, #tpu.memory_space<vmem>>, vector<16xi32>,
      %get3A_1397 = arith.constant 64 : index
      %get3A_1398 = tpu.vector_load %arg16[%get3A_1397] {strides = array<i32>} : memref<128xf32, #tpu.memory_space<vmem>>, vector<16xf32>,
      %iota3A_1399 = tpu.iota {dimensions = array<i32: 0>} : vector<16xi32>
      %add3A_1400 = arith.constant 64 : i32
      %add3A_1401 = vector.broadcast %add3A_1400 : i32 to vector<16xi32>
      %add3A_1402 = arith.addi %iota3A_1399, %add3A_1401 : vector<16xi32>
      %mul3A_1403 = arith.constant 4 : i32
      %mul3A_1404 = vector.broadcast %mul3A_1403 : i32 to vector<16xi32>
      %mul3A_1405 = arith.muli %get3A_1394, %mul3A_1404 : vector<16xi32>
      %broadcast_in_dim3A_1406 = arith.constant 0 : i32
      %broadcast_in_dim3A_1407 = vector.broadcast %broadcast_in_dim3A_1406 : i32 to vector<16xi32>
      %gather3A_1408 = tpu.vector_load_idx %arg9[%broadcast_in_dim3A_1407, %get3A_1394] : memref<8x10240xf32, #tpu.memory_space<vmem>>[vector<16xi32>, vector<16xi32>], vector<16xf32>,
      %broadcast_in_dim3A_1409 = arith.constant 4 : i32
      %broadcast_in_dim3A_1410 = vector.broadcast %broadcast_in_dim3A_1409 : i32 to vector<16xi32>
      %gather3A_1411 = tpu.vector_load_idx %arg9[%broadcast_in_dim3A_1410, %get3A_1396] : memref<8x10240xf32, #tpu.memory_space<vmem>>[vector<16xi32>, vector<16xi32>], vector<16xf32>,
      %add3A_1412 = arith.addf %gather3A_1408, %gather3A_1411 : vector<16xf32>
      %gt3A_1413 = arith.constant 0.000000e+00 : f32
      %gt3A_1414 = vector.broadcast %gt3A_1413 : f32 to vector<16xf32>
      %gt3A_1415 = arith.cmpf ogt, %add3A_1412, %gt3A_1414 : vector<16xf32>
      %mul3A_1416 = arith.constant 2.000000e-01 : f32
      %mul3A_1417 = vector.broadcast %mul3A_1416 : f32 to vector<16xf32>
      %mul3A_1418 = arith.mulf %mul3A_1417, %add3A_1412 : vector<16xf32>
      %select_n3A_1419 = arith.select %gt3A_1415, %add3A_1412, %mul3A_1418 : vector<16xi1>, vector<16xf32>
      %neg3A_1420 = arith.constant 0.000000e+00 : f32
      %neg3A_1421 = vector.broadcast %neg3A_1420 : f32 to vector<16xf32>
      %neg3A_1422 = arith.subf %neg3A_1421, %select_n3A_1419 : vector<16xf32>
      %exp3A_1423 = math.exp %neg3A_1422 : vector<16xf32>
      %mul3A_1424 = arith.mulf %exp3A_1423, %get3A_1398 : vector<16xf32>
      %broadcast_in_dim3A_1425 = arith.constant 0 : i32
      %broadcast_in_dim3A_1426 = vector.broadcast %broadcast_in_dim3A_1425 : i32 to vector<16xi32>
      tpu.vector_store_idx %arg18[%add3A_1402, %broadcast_in_dim3A_1426], %mul3A_1424 : memref<128x4xf32, #tpu.memory_space<vmem>>[vector<16xi32>, vector<16xi32>], vector<16xf32>,
      %add3A_1427 = arith.constant 0 : i32
      %add3A_1428 = vector.broadcast %add3A_1427 : i32 to vector<16xi32>
      %add3A_1429 = arith.addi %mul3A_1405, %add3A_1428 : vector<16xi32>
      tpu.vector_store_idx %arg10[%add3A_1429], %mul3A_1424 {add = true} : memref<40960xf32, #tpu.memory_space<vmem>>[vector<16xi32>], vector<16xf32>,
      %broadcast_in_dim3A_1430 = arith.constant 1 : i32
      %broadcast_in_dim3A_1431 = vector.broadcast %broadcast_in_dim3A_1430 : i32 to vector<16xi32>
      %gather3A_1432 = tpu.vector_load_idx %arg9[%broadcast_in_dim3A_1431, %get3A_1394] : memref<8x10240xf32, #tpu.memory_space<vmem>>[vector<16xi32>, vector<16xi32>], vector<16xf32>,
      %broadcast_in_dim3A_1433 = arith.constant 5 : i32
      %broadcast_in_dim3A_1434 = vector.broadcast %broadcast_in_dim3A_1433 : i32 to vector<16xi32>
      %gather3A_1435 = tpu.vector_load_idx %arg9[%broadcast_in_dim3A_1434, %get3A_1396] : memref<8x10240xf32, #tpu.memory_space<vmem>>[vector<16xi32>, vector<16xi32>], vector<16xf32>,
      %add3A_1436 = arith.addf %gather3A_1432, %gather3A_1435 : vector<16xf32>
      %gt3A_1437 = arith.constant 0.000000e+00 : f32
      %gt3A_1438 = vector.broadcast %gt3A_1437 : f32 to vector<16xf32>
      %gt3A_1439 = arith.cmpf ogt, %add3A_1436, %gt3A_1438 : vector<16xf32>
      %mul3A_1440 = arith.constant 2.000000e-01 : f32
      %mul3A_1441 = vector.broadcast %mul3A_1440 : f32 to vector<16xf32>
      %mul3A_1442 = arith.mulf %mul3A_1441, %add3A_1436 : vector<16xf32>
      %select_n3A_1443 = arith.select %gt3A_1439, %add3A_1436, %mul3A_1442 : vector<16xi1>, vector<16xf32>
      %neg3A_1444 = arith.constant 0.000000e+00 : f32
      %neg3A_1445 = vector.broadcast %neg3A_1444 : f32 to vector<16xf32>
      %neg3A_1446 = arith.subf %neg3A_1445, %select_n3A_1443 : vector<16xf32>
      %exp3A_1447 = math.exp %neg3A_1446 : vector<16xf32>
      %mul3A_1448 = arith.mulf %exp3A_1447, %get3A_1398 : vector<16xf32>
      %broadcast_in_dim3A_1449 = arith.constant 1 : i32
      %broadcast_in_dim3A_1450 = vector.broadcast %broadcast_in_dim3A_1449 : i32 to vector<16xi32>
      tpu.vector_store_idx %arg18[%add3A_1402, %broadcast_in_dim3A_1450], %mul3A_1448 : memref<128x4xf32, #tpu.memory_space<vmem>>[vector<16xi32>, vector<16xi32>], vector<16xf32>,
      %add3A_1451 = arith.constant 1 : i32
      %add3A_1452 = vector.broadcast %add3A_1451 : i32 to vector<16xi32>
      %add3A_1453 = arith.addi %mul3A_1405, %add3A_1452 : vector<16xi32>
      tpu.vector_store_idx %arg10[%add3A_1453], %mul3A_1448 {add = true} : memref<40960xf32, #tpu.memory_space<vmem>>[vector<16xi32>], vector<16xf32>,
      %broadcast_in_dim3A_1454 = arith.constant 2 : i32
      %broadcast_in_dim3A_1455 = vector.broadcast %broadcast_in_dim3A_1454 : i32 to vector<16xi32>
      %gather3A_1456 = tpu.vector_load_idx %arg9[%broadcast_in_dim3A_1455, %get3A_1394] : memref<8x10240xf32, #tpu.memory_space<vmem>>[vector<16xi32>, vector<16xi32>], vector<16xf32>,
      %broadcast_in_dim3A_1457 = arith.constant 6 : i32
      %broadcast_in_dim3A_1458 = vector.broadcast %broadcast_in_dim3A_1457 : i32 to vector<16xi32>
      %gather3A_1459 = tpu.vector_load_idx %arg9[%broadcast_in_dim3A_1458, %get3A_1396] : memref<8x10240xf32, #tpu.memory_space<vmem>>[vector<16xi32>, vector<16xi32>], vector<16xf32>,
      %add3A_1460 = arith.addf %gather3A_1456, %gather3A_1459 : vector<16xf32>
      %gt3A_1461 = arith.constant 0.000000e+00 : f32
      %gt3A_1462 = vector.broadcast %gt3A_1461 : f32 to vector<16xf32>
      %gt3A_1463 = arith.cmpf ogt, %add3A_1460, %gt3A_1462 : vector<16xf32>
      %mul3A_1464 = arith.constant 2.000000e-01 : f32
      %mul3A_1465 = vector.broadcast %mul3A_1464 : f32 to vector<16xf32>
      %mul3A_1466 = arith.mulf %mul3A_1465, %add3A_1460 : vector<16xf32>
      %select_n3A_1467 = arith.select %gt3A_1463, %add3A_1460, %mul3A_1466 : vector<16xi1>, vector<16xf32>
      %neg3A_1468 = arith.constant 0.000000e+00 : f32
      %neg3A_1469 = vector.broadcast %neg3A_1468 : f32 to vector<16xf32>
      %neg3A_1470 = arith.subf %neg3A_1469, %select_n3A_1467 : vector<16xf32>
      %exp3A_1471 = math.exp %neg3A_1470 : vector<16xf32>
      %mul3A_1472 = arith.mulf %exp3A_1471, %get3A_1398 : vector<16xf32>
      %broadcast_in_dim3A_1473 = arith.constant 2 : i32
      %broadcast_in_dim3A_1474 = vector.broadcast %broadcast_in_dim3A_1473 : i32 to vector<16xi32>
      tpu.vector_store_idx %arg18[%add3A_1402, %broadcast_in_dim3A_1474], %mul3A_1472 : memref<128x4xf32, #tpu.memory_space<vmem>>[vector<16xi32>, vector<16xi32>], vector<16xf32>,
      %add3A_1475 = arith.constant 2 : i32
      %add3A_1476 = vector.broadcast %add3A_1475 : i32 to vector<16xi32>
      %add3A_1477 = arith.addi %mul3A_1405, %add3A_1476 : vector<16xi32>
      tpu.vector_store_idx %arg10[%add3A_1477], %mul3A_1472 {add = true} : memref<40960xf32, #tpu.memory_space<vmem>>[vector<16xi32>], vector<16xf32>,
      %broadcast_in_dim3A_1478 = arith.constant 3 : i32
      %broadcast_in_dim3A_1479 = vector.broadcast %broadcast_in_dim3A_1478 : i32 to vector<16xi32>
      %gather3A_1480 = tpu.vector_load_idx %arg9[%broadcast_in_dim3A_1479, %get3A_1394] : memref<8x10240xf32, #tpu.memory_space<vmem>>[vector<16xi32>, vector<16xi32>], vector<16xf32>,
      %broadcast_in_dim3A_1481 = arith.constant 7 : i32
      %broadcast_in_dim3A_1482 = vector.broadcast %broadcast_in_dim3A_1481 : i32 to vector<16xi32>
      %gather3A_1483 = tpu.vector_load_idx %arg9[%broadcast_in_dim3A_1482, %get3A_1396] : memref<8x10240xf32, #tpu.memory_space<vmem>>[vector<16xi32>, vector<16xi32>], vector<16xf32>,
      %add3A_1484 = arith.addf %gather3A_1480, %gather3A_1483 : vector<16xf32>
      %gt3A_1485 = arith.constant 0.000000e+00 : f32
      %gt3A_1486 = vector.broadcast %gt3A_1485 : f32 to vector<16xf32>
      %gt3A_1487 = arith.cmpf ogt, %add3A_1484, %gt3A_1486 : vector<16xf32>
      %mul3A_1488 = arith.constant 2.000000e-01 : f32
      %mul3A_1489 = vector.broadcast %mul3A_1488 : f32 to vector<16xf32>
      %mul3A_1490 = arith.mulf %mul3A_1489, %add3A_1484 : vector<16xf32>
      %select_n3A_1491 = arith.select %gt3A_1487, %add3A_1484, %mul3A_1490 : vector<16xi1>, vector<16xf32>
      %neg3A_1492 = arith.constant 0.000000e+00 : f32
      %neg3A_1493 = vector.broadcast %neg3A_1492 : f32 to vector<16xf32>
      %neg3A_1494 = arith.subf %neg3A_1493, %select_n3A_1491 : vector<16xf32>
      %exp3A_1495 = math.exp %neg3A_1494 : vector<16xf32>
      %mul3A_1496 = arith.mulf %exp3A_1495, %get3A_1398 : vector<16xf32>
      %broadcast_in_dim3A_1497 = arith.constant 3 : i32
      %broadcast_in_dim3A_1498 = vector.broadcast %broadcast_in_dim3A_1497 : i32 to vector<16xi32>
      tpu.vector_store_idx %arg18[%add3A_1402, %broadcast_in_dim3A_1498], %mul3A_1496 : memref<128x4xf32, #tpu.memory_space<vmem>>[vector<16xi32>, vector<16xi32>], vector<16xf32>,
      %add3A_1499 = arith.constant 3 : i32
      %add3A_1500 = vector.broadcast %add3A_1499 : i32 to vector<16xi32>
      %add3A_1501 = arith.addi %mul3A_1405, %add3A_1500 : vector<16xi32>
      tpu.vector_store_idx %arg10[%add3A_1501], %mul3A_1496 {add = true} : memref<40960xf32, #tpu.memory_space<vmem>>[vector<16xi32>], vector<16xf32>,
      %get3A_1502 = arith.constant 80 : index
      %get3A_1503 = tpu.vector_load %arg12[%get3A_1502] {strides = array<i32>} : memref<128xi32, #tpu.memory_space<vmem>>, vector<16xi32>,
      %get3A_1504 = arith.constant 80 : index
      %get3A_1505 = tpu.vector_load %arg14[%get3A_1504] {strides = array<i32>} : memref<128xi32, #tpu.memory_space<vmem>>, vector<16xi32>,
      %get3A_1506 = arith.constant 80 : index
      %get3A_1507 = tpu.vector_load %arg16[%get3A_1506] {strides = array<i32>} : memref<128xf32, #tpu.memory_space<vmem>>, vector<16xf32>,
      %iota3A_1508 = tpu.iota {dimensions = array<i32: 0>} : vector<16xi32>
      %add3A_1509 = arith.constant 80 : i32
      %add3A_1510 = vector.broadcast %add3A_1509 : i32 to vector<16xi32>
      %add3A_1511 = arith.addi %iota3A_1508, %add3A_1510 : vector<16xi32>
      %mul3A_1512 = arith.constant 4 : i32
      %mul3A_1513 = vector.broadcast %mul3A_1512 : i32 to vector<16xi32>
      %mul3A_1514 = arith.muli %get3A_1503, %mul3A_1513 : vector<16xi32>
      %broadcast_in_dim3A_1515 = arith.constant 0 : i32
      %broadcast_in_dim3A_1516 = vector.broadcast %broadcast_in_dim3A_1515 : i32 to vector<16xi32>
      %gather3A_1517 = tpu.vector_load_idx %arg9[%broadcast_in_dim3A_1516, %get3A_1503] : memref<8x10240xf32, #tpu.memory_space<vmem>>[vector<16xi32>, vector<16xi32>], vector<16xf32>,
      %broadcast_in_dim3A_1518 = arith.constant 4 : i32
      %broadcast_in_dim3A_1519 = vector.broadcast %broadcast_in_dim3A_1518 : i32 to vector<16xi32>
      %gather3A_1520 = tpu.vector_load_idx %arg9[%broadcast_in_dim3A_1519, %get3A_1505] : memref<8x10240xf32, #tpu.memory_space<vmem>>[vector<16xi32>, vector<16xi32>], vector<16xf32>,
      %add3A_1521 = arith.addf %gather3A_1517, %gather3A_1520 : vector<16xf32>
      %gt3A_1522 = arith.constant 0.000000e+00 : f32
      %gt3A_1523 = vector.broadcast %gt3A_1522 : f32 to vector<16xf32>
      %gt3A_1524 = arith.cmpf ogt, %add3A_1521, %gt3A_1523 : vector<16xf32>
      %mul3A_1525 = arith.constant 2.000000e-01 : f32
      %mul3A_1526 = vector.broadcast %mul3A_1525 : f32 to vector<16xf32>
      %mul3A_1527 = arith.mulf %mul3A_1526, %add3A_1521 : vector<16xf32>
      %select_n3A_1528 = arith.select %gt3A_1524, %add3A_1521, %mul3A_1527 : vector<16xi1>, vector<16xf32>
      %neg3A_1529 = arith.constant 0.000000e+00 : f32
      %neg3A_1530 = vector.broadcast %neg3A_1529 : f32 to vector<16xf32>
      %neg3A_1531 = arith.subf %neg3A_1530, %select_n3A_1528 : vector<16xf32>
      %exp3A_1532 = math.exp %neg3A_1531 : vector<16xf32>
      %mul3A_1533 = arith.mulf %exp3A_1532, %get3A_1507 : vector<16xf32>
      %broadcast_in_dim3A_1534 = arith.constant 0 : i32
      %broadcast_in_dim3A_1535 = vector.broadcast %broadcast_in_dim3A_1534 : i32 to vector<16xi32>
      tpu.vector_store_idx %arg18[%add3A_1511, %broadcast_in_dim3A_1535], %mul3A_1533 : memref<128x4xf32, #tpu.memory_space<vmem>>[vector<16xi32>, vector<16xi32>], vector<16xf32>,
      %add3A_1536 = arith.constant 0 : i32
      %add3A_1537 = vector.broadcast %add3A_1536 : i32 to vector<16xi32>
      %add3A_1538 = arith.addi %mul3A_1514, %add3A_1537 : vector<16xi32>
      tpu.vector_store_idx %arg10[%add3A_1538], %mul3A_1533 {add = true} : memref<40960xf32, #tpu.memory_space<vmem>>[vector<16xi32>], vector<16xf32>,
      %broadcast_in_dim3A_1539 = arith.constant 1 : i32
      %broadcast_in_dim3A_1540 = vector.broadcast %broadcast_in_dim3A_1539 : i32 to vector<16xi32>
      %gather3A_1541 = tpu.vector_load_idx %arg9[%broadcast_in_dim3A_1540, %get3A_1503] : memref<8x10240xf32, #tpu.memory_space<vmem>>[vector<16xi32>, vector<16xi32>], vector<16xf32>,
      %broadcast_in_dim3A_1542 = arith.constant 5 : i32
      %broadcast_in_dim3A_1543 = vector.broadcast %broadcast_in_dim3A_1542 : i32 to vector<16xi32>
      %gather3A_1544 = tpu.vector_load_idx %arg9[%broadcast_in_dim3A_1543, %get3A_1505] : memref<8x10240xf32, #tpu.memory_space<vmem>>[vector<16xi32>, vector<16xi32>], vector<16xf32>,
      %add3A_1545 = arith.addf %gather3A_1541, %gather3A_1544 : vector<16xf32>
      %gt3A_1546 = arith.constant 0.000000e+00 : f32
      %gt3A_1547 = vector.broadcast %gt3A_1546 : f32 to vector<16xf32>
      %gt3A_1548 = arith.cmpf ogt, %add3A_1545, %gt3A_1547 : vector<16xf32>
      %mul3A_1549 = arith.constant 2.000000e-01 : f32
      %mul3A_1550 = vector.broadcast %mul3A_1549 : f32 to vector<16xf32>
      %mul3A_1551 = arith.mulf %mul3A_1550, %add3A_1545 : vector<16xf32>
      %select_n3A_1552 = arith.select %gt3A_1548, %add3A_1545, %mul3A_1551 : vector<16xi1>, vector<16xf32>
      %neg3A_1553 = arith.constant 0.000000e+00 : f32
      %neg3A_1554 = vector.broadcast %neg3A_1553 : f32 to vector<16xf32>
      %neg3A_1555 = arith.subf %neg3A_1554, %select_n3A_1552 : vector<16xf32>
      %exp3A_1556 = math.exp %neg3A_1555 : vector<16xf32>
      %mul3A_1557 = arith.mulf %exp3A_1556, %get3A_1507 : vector<16xf32>
      %broadcast_in_dim3A_1558 = arith.constant 1 : i32
      %broadcast_in_dim3A_1559 = vector.broadcast %broadcast_in_dim3A_1558 : i32 to vector<16xi32>
      tpu.vector_store_idx %arg18[%add3A_1511, %broadcast_in_dim3A_1559], %mul3A_1557 : memref<128x4xf32, #tpu.memory_space<vmem>>[vector<16xi32>, vector<16xi32>], vector<16xf32>,
      %add3A_1560 = arith.constant 1 : i32
      %add3A_1561 = vector.broadcast %add3A_1560 : i32 to vector<16xi32>
      %add3A_1562 = arith.addi %mul3A_1514, %add3A_1561 : vector<16xi32>
      tpu.vector_store_idx %arg10[%add3A_1562], %mul3A_1557 {add = true} : memref<40960xf32, #tpu.memory_space<vmem>>[vector<16xi32>], vector<16xf32>,
      %broadcast_in_dim3A_1563 = arith.constant 2 : i32
      %broadcast_in_dim3A_1564 = vector.broadcast %broadcast_in_dim3A_1563 : i32 to vector<16xi32>
      %gather3A_1565 = tpu.vector_load_idx %arg9[%broadcast_in_dim3A_1564, %get3A_1503] : memref<8x10240xf32, #tpu.memory_space<vmem>>[vector<16xi32>, vector<16xi32>], vector<16xf32>,
      %broadcast_in_dim3A_1566 = arith.constant 6 : i32
      %broadcast_in_dim3A_1567 = vector.broadcast %broadcast_in_dim3A_1566 : i32 to vector<16xi32>
      %gather3A_1568 = tpu.vector_load_idx %arg9[%broadcast_in_dim3A_1567, %get3A_1505] : memref<8x10240xf32, #tpu.memory_space<vmem>>[vector<16xi32>, vector<16xi32>], vector<16xf32>,
      %add3A_1569 = arith.addf %gather3A_1565, %gather3A_1568 : vector<16xf32>
      %gt3A_1570 = arith.constant 0.000000e+00 : f32
      %gt3A_1571 = vector.broadcast %gt3A_1570 : f32 to vector<16xf32>
      %gt3A_1572 = arith.cmpf ogt, %add3A_1569, %gt3A_1571 : vector<16xf32>
      %mul3A_1573 = arith.constant 2.000000e-01 : f32
      %mul3A_1574 = vector.broadcast %mul3A_1573 : f32 to vector<16xf32>
      %mul3A_1575 = arith.mulf %mul3A_1574, %add3A_1569 : vector<16xf32>
      %select_n3A_1576 = arith.select %gt3A_1572, %add3A_1569, %mul3A_1575 : vector<16xi1>, vector<16xf32>
      %neg3A_1577 = arith.constant 0.000000e+00 : f32
      %neg3A_1578 = vector.broadcast %neg3A_1577 : f32 to vector<16xf32>
      %neg3A_1579 = arith.subf %neg3A_1578, %select_n3A_1576 : vector<16xf32>
      %exp3A_1580 = math.exp %neg3A_1579 : vector<16xf32>
      %mul3A_1581 = arith.mulf %exp3A_1580, %get3A_1507 : vector<16xf32>
      %broadcast_in_dim3A_1582 = arith.constant 2 : i32
      %broadcast_in_dim3A_1583 = vector.broadcast %broadcast_in_dim3A_1582 : i32 to vector<16xi32>
      tpu.vector_store_idx %arg18[%add3A_1511, %broadcast_in_dim3A_1583], %mul3A_1581 : memref<128x4xf32, #tpu.memory_space<vmem>>[vector<16xi32>, vector<16xi32>], vector<16xf32>,
      %add3A_1584 = arith.constant 2 : i32
      %add3A_1585 = vector.broadcast %add3A_1584 : i32 to vector<16xi32>
      %add3A_1586 = arith.addi %mul3A_1514, %add3A_1585 : vector<16xi32>
      tpu.vector_store_idx %arg10[%add3A_1586], %mul3A_1581 {add = true} : memref<40960xf32, #tpu.memory_space<vmem>>[vector<16xi32>], vector<16xf32>,
      %broadcast_in_dim3A_1587 = arith.constant 3 : i32
      %broadcast_in_dim3A_1588 = vector.broadcast %broadcast_in_dim3A_1587 : i32 to vector<16xi32>
      %gather3A_1589 = tpu.vector_load_idx %arg9[%broadcast_in_dim3A_1588, %get3A_1503] : memref<8x10240xf32, #tpu.memory_space<vmem>>[vector<16xi32>, vector<16xi32>], vector<16xf32>,
      %broadcast_in_dim3A_1590 = arith.constant 7 : i32
      %broadcast_in_dim3A_1591 = vector.broadcast %broadcast_in_dim3A_1590 : i32 to vector<16xi32>
      %gather3A_1592 = tpu.vector_load_idx %arg9[%broadcast_in_dim3A_1591, %get3A_1505] : memref<8x10240xf32, #tpu.memory_space<vmem>>[vector<16xi32>, vector<16xi32>], vector<16xf32>,
      %add3A_1593 = arith.addf %gather3A_1589, %gather3A_1592 : vector<16xf32>
      %gt3A_1594 = arith.constant 0.000000e+00 : f32
      %gt3A_1595 = vector.broadcast %gt3A_1594 : f32 to vector<16xf32>
      %gt3A_1596 = arith.cmpf ogt, %add3A_1593, %gt3A_1595 : vector<16xf32>
      %mul3A_1597 = arith.constant 2.000000e-01 : f32
      %mul3A_1598 = vector.broadcast %mul3A_1597 : f32 to vector<16xf32>
      %mul3A_1599 = arith.mulf %mul3A_1598, %add3A_1593 : vector<16xf32>
      %select_n3A_1600 = arith.select %gt3A_1596, %add3A_1593, %mul3A_1599 : vector<16xi1>, vector<16xf32>
      %neg3A_1601 = arith.constant 0.000000e+00 : f32
      %neg3A_1602 = vector.broadcast %neg3A_1601 : f32 to vector<16xf32>
      %neg3A_1603 = arith.subf %neg3A_1602, %select_n3A_1600 : vector<16xf32>
      %exp3A_1604 = math.exp %neg3A_1603 : vector<16xf32>
      %mul3A_1605 = arith.mulf %exp3A_1604, %get3A_1507 : vector<16xf32>
      %broadcast_in_dim3A_1606 = arith.constant 3 : i32
      %broadcast_in_dim3A_1607 = vector.broadcast %broadcast_in_dim3A_1606 : i32 to vector<16xi32>
      tpu.vector_store_idx %arg18[%add3A_1511, %broadcast_in_dim3A_1607], %mul3A_1605 : memref<128x4xf32, #tpu.memory_space<vmem>>[vector<16xi32>, vector<16xi32>], vector<16xf32>,
      %add3A_1608 = arith.constant 3 : i32
      %add3A_1609 = vector.broadcast %add3A_1608 : i32 to vector<16xi32>
      %add3A_1610 = arith.addi %mul3A_1514, %add3A_1609 : vector<16xi32>
      tpu.vector_store_idx %arg10[%add3A_1610], %mul3A_1605 {add = true} : memref<40960xf32, #tpu.memory_space<vmem>>[vector<16xi32>], vector<16xf32>,
      %get3A_1611 = arith.constant 96 : index
      %get3A_1612 = tpu.vector_load %arg12[%get3A_1611] {strides = array<i32>} : memref<128xi32, #tpu.memory_space<vmem>>, vector<16xi32>,
      %get3A_1613 = arith.constant 96 : index
      %get3A_1614 = tpu.vector_load %arg14[%get3A_1613] {strides = array<i32>} : memref<128xi32, #tpu.memory_space<vmem>>, vector<16xi32>,
      %get3A_1615 = arith.constant 96 : index
      %get3A_1616 = tpu.vector_load %arg16[%get3A_1615] {strides = array<i32>} : memref<128xf32, #tpu.memory_space<vmem>>, vector<16xf32>,
      %iota3A_1617 = tpu.iota {dimensions = array<i32: 0>} : vector<16xi32>
      %add3A_1618 = arith.constant 96 : i32
      %add3A_1619 = vector.broadcast %add3A_1618 : i32 to vector<16xi32>
      %add3A_1620 = arith.addi %iota3A_1617, %add3A_1619 : vector<16xi32>
      %mul3A_1621 = arith.constant 4 : i32
      %mul3A_1622 = vector.broadcast %mul3A_1621 : i32 to vector<16xi32>
      %mul3A_1623 = arith.muli %get3A_1612, %mul3A_1622 : vector<16xi32>
      %broadcast_in_dim3A_1624 = arith.constant 0 : i32
      %broadcast_in_dim3A_1625 = vector.broadcast %broadcast_in_dim3A_1624 : i32 to vector<16xi32>
      %gather3A_1626 = tpu.vector_load_idx %arg9[%broadcast_in_dim3A_1625, %get3A_1612] : memref<8x10240xf32, #tpu.memory_space<vmem>>[vector<16xi32>, vector<16xi32>], vector<16xf32>,
      %broadcast_in_dim3A_1627 = arith.constant 4 : i32
      %broadcast_in_dim3A_1628 = vector.broadcast %broadcast_in_dim3A_1627 : i32 to vector<16xi32>
      %gather3A_1629 = tpu.vector_load_idx %arg9[%broadcast_in_dim3A_1628, %get3A_1614] : memref<8x10240xf32, #tpu.memory_space<vmem>>[vector<16xi32>, vector<16xi32>], vector<16xf32>,
      %add3A_1630 = arith.addf %gather3A_1626, %gather3A_1629 : vector<16xf32>
      %gt3A_1631 = arith.constant 0.000000e+00 : f32
      %gt3A_1632 = vector.broadcast %gt3A_1631 : f32 to vector<16xf32>
      %gt3A_1633 = arith.cmpf ogt, %add3A_1630, %gt3A_1632 : vector<16xf32>
      %mul3A_1634 = arith.constant 2.000000e-01 : f32
      %mul3A_1635 = vector.broadcast %mul3A_1634 : f32 to vector<16xf32>
      %mul3A_1636 = arith.mulf %mul3A_1635, %add3A_1630 : vector<16xf32>
      %select_n3A_1637 = arith.select %gt3A_1633, %add3A_1630, %mul3A_1636 : vector<16xi1>, vector<16xf32>
      %neg3A_1638 = arith.constant 0.000000e+00 : f32
      %neg3A_1639 = vector.broadcast %neg3A_1638 : f32 to vector<16xf32>
      %neg3A_1640 = arith.subf %neg3A_1639, %select_n3A_1637 : vector<16xf32>
      %exp3A_1641 = math.exp %neg3A_1640 : vector<16xf32>
      %mul3A_1642 = arith.mulf %exp3A_1641, %get3A_1616 : vector<16xf32>
      %broadcast_in_dim3A_1643 = arith.constant 0 : i32
      %broadcast_in_dim3A_1644 = vector.broadcast %broadcast_in_dim3A_1643 : i32 to vector<16xi32>
      tpu.vector_store_idx %arg18[%add3A_1620, %broadcast_in_dim3A_1644], %mul3A_1642 : memref<128x4xf32, #tpu.memory_space<vmem>>[vector<16xi32>, vector<16xi32>], vector<16xf32>,
      %add3A_1645 = arith.constant 0 : i32
      %add3A_1646 = vector.broadcast %add3A_1645 : i32 to vector<16xi32>
      %add3A_1647 = arith.addi %mul3A_1623, %add3A_1646 : vector<16xi32>
      tpu.vector_store_idx %arg10[%add3A_1647], %mul3A_1642 {add = true} : memref<40960xf32, #tpu.memory_space<vmem>>[vector<16xi32>], vector<16xf32>,
      %broadcast_in_dim3A_1648 = arith.constant 1 : i32
      %broadcast_in_dim3A_1649 = vector.broadcast %broadcast_in_dim3A_1648 : i32 to vector<16xi32>
      %gather3A_1650 = tpu.vector_load_idx %arg9[%broadcast_in_dim3A_1649, %get3A_1612] : memref<8x10240xf32, #tpu.memory_space<vmem>>[vector<16xi32>, vector<16xi32>], vector<16xf32>,
      %broadcast_in_dim3A_1651 = arith.constant 5 : i32
      %broadcast_in_dim3A_1652 = vector.broadcast %broadcast_in_dim3A_1651 : i32 to vector<16xi32>
      %gather3A_1653 = tpu.vector_load_idx %arg9[%broadcast_in_dim3A_1652, %get3A_1614] : memref<8x10240xf32, #tpu.memory_space<vmem>>[vector<16xi32>, vector<16xi32>], vector<16xf32>,
      %add3A_1654 = arith.addf %gather3A_1650, %gather3A_1653 : vector<16xf32>
      %gt3A_1655 = arith.constant 0.000000e+00 : f32
      %gt3A_1656 = vector.broadcast %gt3A_1655 : f32 to vector<16xf32>
      %gt3A_1657 = arith.cmpf ogt, %add3A_1654, %gt3A_1656 : vector<16xf32>
      %mul3A_1658 = arith.constant 2.000000e-01 : f32
      %mul3A_1659 = vector.broadcast %mul3A_1658 : f32 to vector<16xf32>
      %mul3A_1660 = arith.mulf %mul3A_1659, %add3A_1654 : vector<16xf32>
      %select_n3A_1661 = arith.select %gt3A_1657, %add3A_1654, %mul3A_1660 : vector<16xi1>, vector<16xf32>
      %neg3A_1662 = arith.constant 0.000000e+00 : f32
      %neg3A_1663 = vector.broadcast %neg3A_1662 : f32 to vector<16xf32>
      %neg3A_1664 = arith.subf %neg3A_1663, %select_n3A_1661 : vector<16xf32>
      %exp3A_1665 = math.exp %neg3A_1664 : vector<16xf32>
      %mul3A_1666 = arith.mulf %exp3A_1665, %get3A_1616 : vector<16xf32>
      %broadcast_in_dim3A_1667 = arith.constant 1 : i32
      %broadcast_in_dim3A_1668 = vector.broadcast %broadcast_in_dim3A_1667 : i32 to vector<16xi32>
      tpu.vector_store_idx %arg18[%add3A_1620, %broadcast_in_dim3A_1668], %mul3A_1666 : memref<128x4xf32, #tpu.memory_space<vmem>>[vector<16xi32>, vector<16xi32>], vector<16xf32>,
      %add3A_1669 = arith.constant 1 : i32
      %add3A_1670 = vector.broadcast %add3A_1669 : i32 to vector<16xi32>
      %add3A_1671 = arith.addi %mul3A_1623, %add3A_1670 : vector<16xi32>
      tpu.vector_store_idx %arg10[%add3A_1671], %mul3A_1666 {add = true} : memref<40960xf32, #tpu.memory_space<vmem>>[vector<16xi32>], vector<16xf32>,
      %broadcast_in_dim3A_1672 = arith.constant 2 : i32
      %broadcast_in_dim3A_1673 = vector.broadcast %broadcast_in_dim3A_1672 : i32 to vector<16xi32>
      %gather3A_1674 = tpu.vector_load_idx %arg9[%broadcast_in_dim3A_1673, %get3A_1612] : memref<8x10240xf32, #tpu.memory_space<vmem>>[vector<16xi32>, vector<16xi32>], vector<16xf32>,
      %broadcast_in_dim3A_1675 = arith.constant 6 : i32
      %broadcast_in_dim3A_1676 = vector.broadcast %broadcast_in_dim3A_1675 : i32 to vector<16xi32>
      %gather3A_1677 = tpu.vector_load_idx %arg9[%broadcast_in_dim3A_1676, %get3A_1614] : memref<8x10240xf32, #tpu.memory_space<vmem>>[vector<16xi32>, vector<16xi32>], vector<16xf32>,
      %add3A_1678 = arith.addf %gather3A_1674, %gather3A_1677 : vector<16xf32>
      %gt3A_1679 = arith.constant 0.000000e+00 : f32
      %gt3A_1680 = vector.broadcast %gt3A_1679 : f32 to vector<16xf32>
      %gt3A_1681 = arith.cmpf ogt, %add3A_1678, %gt3A_1680 : vector<16xf32>
      %mul3A_1682 = arith.constant 2.000000e-01 : f32
      %mul3A_1683 = vector.broadcast %mul3A_1682 : f32 to vector<16xf32>
      %mul3A_1684 = arith.mulf %mul3A_1683, %add3A_1678 : vector<16xf32>
      %select_n3A_1685 = arith.select %gt3A_1681, %add3A_1678, %mul3A_1684 : vector<16xi1>, vector<16xf32>
      %neg3A_1686 = arith.constant 0.000000e+00 : f32
      %neg3A_1687 = vector.broadcast %neg3A_1686 : f32 to vector<16xf32>
      %neg3A_1688 = arith.subf %neg3A_1687, %select_n3A_1685 : vector<16xf32>
      %exp3A_1689 = math.exp %neg3A_1688 : vector<16xf32>
      %mul3A_1690 = arith.mulf %exp3A_1689, %get3A_1616 : vector<16xf32>
      %broadcast_in_dim3A_1691 = arith.constant 2 : i32
      %broadcast_in_dim3A_1692 = vector.broadcast %broadcast_in_dim3A_1691 : i32 to vector<16xi32>
      tpu.vector_store_idx %arg18[%add3A_1620, %broadcast_in_dim3A_1692], %mul3A_1690 : memref<128x4xf32, #tpu.memory_space<vmem>>[vector<16xi32>, vector<16xi32>], vector<16xf32>,
      %add3A_1693 = arith.constant 2 : i32
      %add3A_1694 = vector.broadcast %add3A_1693 : i32 to vector<16xi32>
      %add3A_1695 = arith.addi %mul3A_1623, %add3A_1694 : vector<16xi32>
      tpu.vector_store_idx %arg10[%add3A_1695], %mul3A_1690 {add = true} : memref<40960xf32, #tpu.memory_space<vmem>>[vector<16xi32>], vector<16xf32>,
      %broadcast_in_dim3A_1696 = arith.constant 3 : i32
      %broadcast_in_dim3A_1697 = vector.broadcast %broadcast_in_dim3A_1696 : i32 to vector<16xi32>
      %gather3A_1698 = tpu.vector_load_idx %arg9[%broadcast_in_dim3A_1697, %get3A_1612] : memref<8x10240xf32, #tpu.memory_space<vmem>>[vector<16xi32>, vector<16xi32>], vector<16xf32>,
      %broadcast_in_dim3A_1699 = arith.constant 7 : i32
      %broadcast_in_dim3A_1700 = vector.broadcast %broadcast_in_dim3A_1699 : i32 to vector<16xi32>
      %gather3A_1701 = tpu.vector_load_idx %arg9[%broadcast_in_dim3A_1700, %get3A_1614] : memref<8x10240xf32, #tpu.memory_space<vmem>>[vector<16xi32>, vector<16xi32>], vector<16xf32>,
      %add3A_1702 = arith.addf %gather3A_1698, %gather3A_1701 : vector<16xf32>
      %gt3A_1703 = arith.constant 0.000000e+00 : f32
      %gt3A_1704 = vector.broadcast %gt3A_1703 : f32 to vector<16xf32>
      %gt3A_1705 = arith.cmpf ogt, %add3A_1702, %gt3A_1704 : vector<16xf32>
      %mul3A_1706 = arith.constant 2.000000e-01 : f32
      %mul3A_1707 = vector.broadcast %mul3A_1706 : f32 to vector<16xf32>
      %mul3A_1708 = arith.mulf %mul3A_1707, %add3A_1702 : vector<16xf32>
      %select_n3A_1709 = arith.select %gt3A_1705, %add3A_1702, %mul3A_1708 : vector<16xi1>, vector<16xf32>
      %neg3A_1710 = arith.constant 0.000000e+00 : f32
      %neg3A_1711 = vector.broadcast %neg3A_1710 : f32 to vector<16xf32>
      %neg3A_1712 = arith.subf %neg3A_1711, %select_n3A_1709 : vector<16xf32>
      %exp3A_1713 = math.exp %neg3A_1712 : vector<16xf32>
      %mul3A_1714 = arith.mulf %exp3A_1713, %get3A_1616 : vector<16xf32>
      %broadcast_in_dim3A_1715 = arith.constant 3 : i32
      %broadcast_in_dim3A_1716 = vector.broadcast %broadcast_in_dim3A_1715 : i32 to vector<16xi32>
      tpu.vector_store_idx %arg18[%add3A_1620, %broadcast_in_dim3A_1716], %mul3A_1714 : memref<128x4xf32, #tpu.memory_space<vmem>>[vector<16xi32>, vector<16xi32>], vector<16xf32>,
      %add3A_1717 = arith.constant 3 : i32
      %add3A_1718 = vector.broadcast %add3A_1717 : i32 to vector<16xi32>
      %add3A_1719 = arith.addi %mul3A_1623, %add3A_1718 : vector<16xi32>
      tpu.vector_store_idx %arg10[%add3A_1719], %mul3A_1714 {add = true} : memref<40960xf32, #tpu.memory_space<vmem>>[vector<16xi32>], vector<16xf32>,
      %get3A_1720 = arith.constant 112 : index
      %get3A_1721 = tpu.vector_load %arg12[%get3A_1720] {strides = array<i32>} : memref<128xi32, #tpu.memory_space<vmem>>, vector<16xi32>,
      %get3A_1722 = arith.constant 112 : index
      %get3A_1723 = tpu.vector_load %arg14[%get3A_1722] {strides = array<i32>} : memref<128xi32, #tpu.memory_space<vmem>>, vector<16xi32>,
      %get3A_1724 = arith.constant 112 : index
      %get3A_1725 = tpu.vector_load %arg16[%get3A_1724] {strides = array<i32>} : memref<128xf32, #tpu.memory_space<vmem>>, vector<16xf32>,
      %iota3A_1726 = tpu.iota {dimensions = array<i32: 0>} : vector<16xi32>
      %add3A_1727 = arith.constant 112 : i32
      %add3A_1728 = vector.broadcast %add3A_1727 : i32 to vector<16xi32>
      %add3A_1729 = arith.addi %iota3A_1726, %add3A_1728 : vector<16xi32>
      %mul3A_1730 = arith.constant 4 : i32
      %mul3A_1731 = vector.broadcast %mul3A_1730 : i32 to vector<16xi32>
      %mul3A_1732 = arith.muli %get3A_1721, %mul3A_1731 : vector<16xi32>
      %broadcast_in_dim3A_1733 = arith.constant 0 : i32
      %broadcast_in_dim3A_1734 = vector.broadcast %broadcast_in_dim3A_1733 : i32 to vector<16xi32>
      %gather3A_1735 = tpu.vector_load_idx %arg9[%broadcast_in_dim3A_1734, %get3A_1721] : memref<8x10240xf32, #tpu.memory_space<vmem>>[vector<16xi32>, vector<16xi32>], vector<16xf32>,
      %broadcast_in_dim3A_1736 = arith.constant 4 : i32
      %broadcast_in_dim3A_1737 = vector.broadcast %broadcast_in_dim3A_1736 : i32 to vector<16xi32>
      %gather3A_1738 = tpu.vector_load_idx %arg9[%broadcast_in_dim3A_1737, %get3A_1723] : memref<8x10240xf32, #tpu.memory_space<vmem>>[vector<16xi32>, vector<16xi32>], vector<16xf32>,
      %add3A_1739 = arith.addf %gather3A_1735, %gather3A_1738 : vector<16xf32>
      %gt3A_1740 = arith.constant 0.000000e+00 : f32
      %gt3A_1741 = vector.broadcast %gt3A_1740 : f32 to vector<16xf32>
      %gt3A_1742 = arith.cmpf ogt, %add3A_1739, %gt3A_1741 : vector<16xf32>
      %mul3A_1743 = arith.constant 2.000000e-01 : f32
      %mul3A_1744 = vector.broadcast %mul3A_1743 : f32 to vector<16xf32>
      %mul3A_1745 = arith.mulf %mul3A_1744, %add3A_1739 : vector<16xf32>
      %select_n3A_1746 = arith.select %gt3A_1742, %add3A_1739, %mul3A_1745 : vector<16xi1>, vector<16xf32>
      %neg3A_1747 = arith.constant 0.000000e+00 : f32
      %neg3A_1748 = vector.broadcast %neg3A_1747 : f32 to vector<16xf32>
      %neg3A_1749 = arith.subf %neg3A_1748, %select_n3A_1746 : vector<16xf32>
      %exp3A_1750 = math.exp %neg3A_1749 : vector<16xf32>
      %mul3A_1751 = arith.mulf %exp3A_1750, %get3A_1725 : vector<16xf32>
      %broadcast_in_dim3A_1752 = arith.constant 0 : i32
      %broadcast_in_dim3A_1753 = vector.broadcast %broadcast_in_dim3A_1752 : i32 to vector<16xi32>
      tpu.vector_store_idx %arg18[%add3A_1729, %broadcast_in_dim3A_1753], %mul3A_1751 : memref<128x4xf32, #tpu.memory_space<vmem>>[vector<16xi32>, vector<16xi32>], vector<16xf32>,
      %add3A_1754 = arith.constant 0 : i32
      %add3A_1755 = vector.broadcast %add3A_1754 : i32 to vector<16xi32>
      %add3A_1756 = arith.addi %mul3A_1732, %add3A_1755 : vector<16xi32>
      tpu.vector_store_idx %arg10[%add3A_1756], %mul3A_1751 {add = true} : memref<40960xf32, #tpu.memory_space<vmem>>[vector<16xi32>], vector<16xf32>,
      %broadcast_in_dim3A_1757 = arith.constant 1 : i32
      %broadcast_in_dim3A_1758 = vector.broadcast %broadcast_in_dim3A_1757 : i32 to vector<16xi32>
      %gather3A_1759 = tpu.vector_load_idx %arg9[%broadcast_in_dim3A_1758, %get3A_1721] : memref<8x10240xf32, #tpu.memory_space<vmem>>[vector<16xi32>, vector<16xi32>], vector<16xf32>,
      %broadcast_in_dim3A_1760 = arith.constant 5 : i32
      %broadcast_in_dim3A_1761 = vector.broadcast %broadcast_in_dim3A_1760 : i32 to vector<16xi32>
      %gather3A_1762 = tpu.vector_load_idx %arg9[%broadcast_in_dim3A_1761, %get3A_1723] : memref<8x10240xf32, #tpu.memory_space<vmem>>[vector<16xi32>, vector<16xi32>], vector<16xf32>,
      %add3A_1763 = arith.addf %gather3A_1759, %gather3A_1762 : vector<16xf32>
      %gt3A_1764 = arith.constant 0.000000e+00 : f32
      %gt3A_1765 = vector.broadcast %gt3A_1764 : f32 to vector<16xf32>
      %gt3A_1766 = arith.cmpf ogt, %add3A_1763, %gt3A_1765 : vector<16xf32>
      %mul3A_1767 = arith.constant 2.000000e-01 : f32
      %mul3A_1768 = vector.broadcast %mul3A_1767 : f32 to vector<16xf32>
      %mul3A_1769 = arith.mulf %mul3A_1768, %add3A_1763 : vector<16xf32>
      %select_n3A_1770 = arith.select %gt3A_1766, %add3A_1763, %mul3A_1769 : vector<16xi1>, vector<16xf32>
      %neg3A_1771 = arith.constant 0.000000e+00 : f32
      %neg3A_1772 = vector.broadcast %neg3A_1771 : f32 to vector<16xf32>
      %neg3A_1773 = arith.subf %neg3A_1772, %select_n3A_1770 : vector<16xf32>
      %exp3A_1774 = math.exp %neg3A_1773 : vector<16xf32>
      %mul3A_1775 = arith.mulf %exp3A_1774, %get3A_1725 : vector<16xf32>
      %broadcast_in_dim3A_1776 = arith.constant 1 : i32
      %broadcast_in_dim3A_1777 = vector.broadcast %broadcast_in_dim3A_1776 : i32 to vector<16xi32>
      tpu.vector_store_idx %arg18[%add3A_1729, %broadcast_in_dim3A_1777], %mul3A_1775 : memref<128x4xf32, #tpu.memory_space<vmem>>[vector<16xi32>, vector<16xi32>], vector<16xf32>,
      %add3A_1778 = arith.constant 1 : i32
      %add3A_1779 = vector.broadcast %add3A_1778 : i32 to vector<16xi32>
      %add3A_1780 = arith.addi %mul3A_1732, %add3A_1779 : vector<16xi32>
      tpu.vector_store_idx %arg10[%add3A_1780], %mul3A_1775 {add = true} : memref<40960xf32, #tpu.memory_space<vmem>>[vector<16xi32>], vector<16xf32>,
      %broadcast_in_dim3A_1781 = arith.constant 2 : i32
      %broadcast_in_dim3A_1782 = vector.broadcast %broadcast_in_dim3A_1781 : i32 to vector<16xi32>
      %gather3A_1783 = tpu.vector_load_idx %arg9[%broadcast_in_dim3A_1782, %get3A_1721] : memref<8x10240xf32, #tpu.memory_space<vmem>>[vector<16xi32>, vector<16xi32>], vector<16xf32>,
      %broadcast_in_dim3A_1784 = arith.constant 6 : i32
      %broadcast_in_dim3A_1785 = vector.broadcast %broadcast_in_dim3A_1784 : i32 to vector<16xi32>
      %gather3A_1786 = tpu.vector_load_idx %arg9[%broadcast_in_dim3A_1785, %get3A_1723] : memref<8x10240xf32, #tpu.memory_space<vmem>>[vector<16xi32>, vector<16xi32>], vector<16xf32>,
      %add3A_1787 = arith.addf %gather3A_1783, %gather3A_1786 : vector<16xf32>
      %gt3A_1788 = arith.constant 0.000000e+00 : f32
      %gt3A_1789 = vector.broadcast %gt3A_1788 : f32 to vector<16xf32>
      %gt3A_1790 = arith.cmpf ogt, %add3A_1787, %gt3A_1789 : vector<16xf32>
      %mul3A_1791 = arith.constant 2.000000e-01 : f32
      %mul3A_1792 = vector.broadcast %mul3A_1791 : f32 to vector<16xf32>
      %mul3A_1793 = arith.mulf %mul3A_1792, %add3A_1787 : vector<16xf32>
      %select_n3A_1794 = arith.select %gt3A_1790, %add3A_1787, %mul3A_1793 : vector<16xi1>, vector<16xf32>
      %neg3A_1795 = arith.constant 0.000000e+00 : f32
      %neg3A_1796 = vector.broadcast %neg3A_1795 : f32 to vector<16xf32>
      %neg3A_1797 = arith.subf %neg3A_1796, %select_n3A_1794 : vector<16xf32>
      %exp3A_1798 = math.exp %neg3A_1797 : vector<16xf32>
      %mul3A_1799 = arith.mulf %exp3A_1798, %get3A_1725 : vector<16xf32>
      %broadcast_in_dim3A_1800 = arith.constant 2 : i32
      %broadcast_in_dim3A_1801 = vector.broadcast %broadcast_in_dim3A_1800 : i32 to vector<16xi32>
      tpu.vector_store_idx %arg18[%add3A_1729, %broadcast_in_dim3A_1801], %mul3A_1799 : memref<128x4xf32, #tpu.memory_space<vmem>>[vector<16xi32>, vector<16xi32>], vector<16xf32>,
      %add3A_1802 = arith.constant 2 : i32
      %add3A_1803 = vector.broadcast %add3A_1802 : i32 to vector<16xi32>
      %add3A_1804 = arith.addi %mul3A_1732, %add3A_1803 : vector<16xi32>
      tpu.vector_store_idx %arg10[%add3A_1804], %mul3A_1799 {add = true} : memref<40960xf32, #tpu.memory_space<vmem>>[vector<16xi32>], vector<16xf32>,
      %broadcast_in_dim3A_1805 = arith.constant 3 : i32
      %broadcast_in_dim3A_1806 = vector.broadcast %broadcast_in_dim3A_1805 : i32 to vector<16xi32>
      %gather3A_1807 = tpu.vector_load_idx %arg9[%broadcast_in_dim3A_1806, %get3A_1721] : memref<8x10240xf32, #tpu.memory_space<vmem>>[vector<16xi32>, vector<16xi32>], vector<16xf32>,
      %broadcast_in_dim3A_1808 = arith.constant 7 : i32
      %broadcast_in_dim3A_1809 = vector.broadcast %broadcast_in_dim3A_1808 : i32 to vector<16xi32>
      %gather3A_1810 = tpu.vector_load_idx %arg9[%broadcast_in_dim3A_1809, %get3A_1723] : memref<8x10240xf32, #tpu.memory_space<vmem>>[vector<16xi32>, vector<16xi32>], vector<16xf32>,
      %add3A_1811 = arith.addf %gather3A_1807, %gather3A_1810 : vector<16xf32>
      %gt3A_1812 = arith.constant 0.000000e+00 : f32
      %gt3A_1813 = vector.broadcast %gt3A_1812 : f32 to vector<16xf32>
      %gt3A_1814 = arith.cmpf ogt, %add3A_1811, %gt3A_1813 : vector<16xf32>
      %mul3A_1815 = arith.constant 2.000000e-01 : f32
      %mul3A_1816 = vector.broadcast %mul3A_1815 : f32 to vector<16xf32>
      %mul3A_1817 = arith.mulf %mul3A_1816, %add3A_1811 : vector<16xf32>
      %select_n3A_1818 = arith.select %gt3A_1814, %add3A_1811, %mul3A_1817 : vector<16xi1>, vector<16xf32>
      %neg3A_1819 = arith.constant 0.000000e+00 : f32
      %neg3A_1820 = vector.broadcast %neg3A_1819 : f32 to vector<16xf32>
      %neg3A_1821 = arith.subf %neg3A_1820, %select_n3A_1818 : vector<16xf32>
      %exp3A_1822 = math.exp %neg3A_1821 : vector<16xf32>
      %mul3A_1823 = arith.mulf %exp3A_1822, %get3A_1725 : vector<16xf32>
      %broadcast_in_dim3A_1824 = arith.constant 3 : i32
      %broadcast_in_dim3A_1825 = vector.broadcast %broadcast_in_dim3A_1824 : i32 to vector<16xi32>
      tpu.vector_store_idx %arg18[%add3A_1729, %broadcast_in_dim3A_1825], %mul3A_1823 : memref<128x4xf32, #tpu.memory_space<vmem>>[vector<16xi32>, vector<16xi32>], vector<16xf32>,
      %add3A_1826 = arith.constant 3 : i32
      %add3A_1827 = vector.broadcast %add3A_1826 : i32 to vector<16xi32>
      %add3A_1828 = arith.addi %mul3A_1732, %add3A_1827 : vector<16xi32>
      tpu.vector_store_idx %arg10[%add3A_1828], %mul3A_1823 {add = true} : memref<40960xf32, #tpu.memory_space<vmem>>[vector<16xi32>], vector<16xf32>,
      %mul3A_1829 = arith.constant 10240 : i32
      %mul3A_1830 = arith.muli %add3A, %mul3A_1829 : i32
      %mul3A_1831 = arith.constant 128 : i32
      %mul3A_1832 = arith.muli %add3A_940, %mul3A_1831 : i32
      %add3A_1833 = arith.addi %mul3A_1830, %mul3A_1832 : i32
      %dma_start3A_1834 = arith.constant 0 : i32
      %dma_start3A_1835 = tpu.memref_slice %arg7[%add3A_1833, %dma_start3A_1834] : memref<327680x4xf32, #tpu.memory_space<hbm>> -> memref<128x4xf32, #tpu.memory_space<hbm>>
      %dma_start3A_1836 = arith.constant 0 : i32
      %dma_start3A_1837 = tpu.memref_slice %arg7[%add3A_1833, %dma_start3A_1836] : memref<327680x4xf32, #tpu.memory_space<hbm>> -> memref<128x4xf32, #tpu.memory_space<hbm>>
      tpu.enqueue_dma source(%arg18 : memref<128x4xf32, #tpu.memory_space<vmem>>) target(%dma_start3A_1837 : memref<128x4xf32, #tpu.memory_space<hbm>>) target_semaphore(%arg22 : memref<!tpu.dma_semaphore, #tpu.memory_space<semaphore_mem>>)
      %add3A_1838 = arith.constant 2 : i32
      %add3A_1839 = arith.addi %add3A_940, %add3A_1838 : i32
      %lt3A_1840 = arith.constant 80 : i32
      %lt3A_1841 = arith.cmpi slt, %add3A_1839, %lt3A_1840 : i32
      %convert_element_type3A_1842 = arith.extui %lt3A_1841 : i1 to i32
      %cond3A_1843 = arith.constant 0 : i32
      %cond3A_1844 = arith.cmpi ne, %convert_element_type3A_1842, %cond3A_1843 : i32
      scf.if %cond3A_1844 {
        %add3A_1845 = arith.constant 2 : i32
        %add3A_1846 = arith.addi %add3A_940, %add3A_1845 : i32
        %mul3A_1847 = arith.constant 10240 : i32
        %mul3A_1848 = arith.muli %add3A, %mul3A_1847 : i32
        %mul3A_1849 = arith.constant 128 : i32
        %mul3A_1850 = arith.muli %add3A_1846, %mul3A_1849 : i32
        %add3A_1851 = arith.addi %mul3A_1848, %mul3A_1850 : i32
        %dma_start3A_1852 = tpu.memref_slice %arg3[%add3A_1851] : memref<327680xi32, #tpu.memory_space<hbm>> -> memref<128xi32, #tpu.memory_space<hbm>>
        %dma_start3A_1853 = tpu.memref_slice %arg3[%add3A_1851] : memref<327680xi32, #tpu.memory_space<hbm>> -> memref<128xi32, #tpu.memory_space<hbm>>
        tpu.enqueue_dma source(%dma_start3A_1853 : memref<128xi32, #tpu.memory_space<hbm>>) target(%arg12 : memref<128xi32, #tpu.memory_space<vmem>>) target_semaphore(%arg20 : memref<!tpu.dma_semaphore, #tpu.memory_space<semaphore_mem>>)
        %dma_start3A_1854 = tpu.memref_slice %arg4[%add3A_1851] : memref<327680xi32, #tpu.memory_space<hbm>> -> memref<128xi32, #tpu.memory_space<hbm>>
        %dma_start3A_1855 = tpu.memref_slice %arg4[%add3A_1851] : memref<327680xi32, #tpu.memory_space<hbm>> -> memref<128xi32, #tpu.memory_space<hbm>>
        tpu.enqueue_dma source(%dma_start3A_1855 : memref<128xi32, #tpu.memory_space<hbm>>) target(%arg14 : memref<128xi32, #tpu.memory_space<vmem>>) target_semaphore(%arg20 : memref<!tpu.dma_semaphore, #tpu.memory_space<semaphore_mem>>)
        %dma_start3A_1856 = tpu.memref_slice %arg5[%add3A_1851] : memref<327680xf32, #tpu.memory_space<hbm>> -> memref<128xf32, #tpu.memory_space<hbm>>
        %dma_start3A_1857 = tpu.memref_slice %arg5[%add3A_1851] : memref<327680xf32, #tpu.memory_space<hbm>> -> memref<128xf32, #tpu.memory_space<hbm>>
        tpu.enqueue_dma source(%dma_start3A_1857 : memref<128xf32, #tpu.memory_space<hbm>>) target(%arg16 : memref<128xf32, #tpu.memory_space<vmem>>) target_semaphore(%arg20 : memref<!tpu.dma_semaphore, #tpu.memory_space<semaphore_mem>>)
      } else {
      }
    }
    %scan3A_24 = arith.constant 40 : i32
    %mul3A_25 = arith.constant 10240 : i32
    %mul3A_26 = arith.muli %add3A, %mul3A_25 : i32
    %add3A_27 = arith.constant 9984 : i32
    %add3A_28 = arith.addi %mul3A_26, %add3A_27 : i32
    %dma_wait3A = arith.constant 0 : i32
    %dma_wait3A_29 = tpu.memref_slice %arg7[%add3A_28, %dma_wait3A] : memref<327680x4xf32, #tpu.memory_space<hbm>> -> memref<128x4xf32, #tpu.memory_space<hbm>>
    %dma_wait3A_30 = arith.constant 0 : i32
    %dma_wait3A_31 = tpu.memref_slice %arg7[%add3A_28, %dma_wait3A_30] : memref<327680x4xf32, #tpu.memory_space<hbm>> -> memref<128x4xf32, #tpu.memory_space<hbm>>
    tpu.wait_dma2 semaphore(%arg21 : memref<!tpu.dma_semaphore, #tpu.memory_space<semaphore_mem>>) src(%arg17 : memref<128x4xf32, #tpu.memory_space<vmem>>) dst(%dma_wait3A_31 : memref<128x4xf32, #tpu.memory_space<hbm>>)
    %mul3A_32 = arith.constant 10240 : i32
    %mul3A_33 = arith.muli %add3A, %mul3A_32 : i32
    %add3A_34 = arith.constant 10112 : i32
    %add3A_35 = arith.addi %mul3A_33, %add3A_34 : i32
    %dma_wait3A_36 = arith.constant 0 : i32
    %dma_wait3A_37 = tpu.memref_slice %arg7[%add3A_35, %dma_wait3A_36] : memref<327680x4xf32, #tpu.memory_space<hbm>> -> memref<128x4xf32, #tpu.memory_space<hbm>>
    %dma_wait3A_38 = arith.constant 0 : i32
    %dma_wait3A_39 = tpu.memref_slice %arg7[%add3A_35, %dma_wait3A_38] : memref<327680x4xf32, #tpu.memory_space<hbm>> -> memref<128x4xf32, #tpu.memory_space<hbm>>
    tpu.wait_dma2 semaphore(%arg22 : memref<!tpu.dma_semaphore, #tpu.memory_space<semaphore_mem>>) src(%arg18 : memref<128x4xf32, #tpu.memory_space<vmem>>) dst(%dma_wait3A_39 : memref<128x4xf32, #tpu.memory_space<hbm>>)
    "tpu.region"() ({
      %run_scoped3A = tpu.sem_alloc : memref<!tpu.dma_semaphore, #tpu.memory_space<semaphore_mem>>
      %dma_start3A_40 = arith.constant 0 : i32
      %dma_start3A_41 = tpu.memref_slice %arg8[%add3A, %dma_start3A_40] : memref<32x40960xf32, #tpu.memory_space<hbm>> -> memref<1x40960xf32, #tpu.memory_space<hbm>>
      %dma_start3A_42 = tpu.memref_squeeze %dma_start3A_41 : memref<1x40960xf32, #tpu.memory_space<hbm>> -> memref<40960xf32, #tpu.memory_space<hbm>>
      %dma_start3A_43 = arith.constant 0 : i32
      %dma_start3A_44 = tpu.memref_slice %arg8[%add3A, %dma_start3A_43] : memref<32x40960xf32, #tpu.memory_space<hbm>> -> memref<1x40960xf32, #tpu.memory_space<hbm>>
      %dma_start3A_45 = tpu.memref_squeeze %dma_start3A_44 : memref<1x40960xf32, #tpu.memory_space<hbm>> -> memref<40960xf32, #tpu.memory_space<hbm>>
      tpu.enqueue_dma source(%arg10 : memref<40960xf32, #tpu.memory_space<vmem>>) target(%dma_start3A_45 : memref<40960xf32, #tpu.memory_space<hbm>>) target_semaphore(%run_scoped3A : memref<!tpu.dma_semaphore, #tpu.memory_space<semaphore_mem>>)
      %dma_wait3A_46 = arith.constant 0 : i32
      %dma_wait3A_47 = tpu.memref_slice %arg8[%add3A, %dma_wait3A_46] : memref<32x40960xf32, #tpu.memory_space<hbm>> -> memref<1x40960xf32, #tpu.memory_space<hbm>>
      %dma_wait3A_48 = tpu.memref_squeeze %dma_wait3A_47 : memref<1x40960xf32, #tpu.memory_space<hbm>> -> memref<40960xf32, #tpu.memory_space<hbm>>
      %dma_wait3A_49 = arith.constant 0 : i32
      %dma_wait3A_50 = tpu.memref_slice %arg8[%add3A, %dma_wait3A_49] : memref<32x40960xf32, #tpu.memory_space<hbm>> -> memref<1x40960xf32, #tpu.memory_space<hbm>>
      %dma_wait3A_51 = tpu.memref_squeeze %dma_wait3A_50 : memref<1x40960xf32, #tpu.memory_space<hbm>> -> memref<40960xf32, #tpu.memory_space<hbm>>
      tpu.wait_dma2 semaphore(%run_scoped3A : memref<!tpu.dma_semaphore, #tpu.memory_space<semaphore_mem>>) src(%arg10 : memref<40960xf32, #tpu.memory_space<vmem>>) dst(%dma_wait3A_51 : memref<40960xf32, #tpu.memory_space<hbm>>)
      tpu.yield
    }) : () -> ()
    return
  }
}

#map = affine_map<(d0, d1) -> (0, 0)>
#map1 = affine_map<(d0, d1) -> (0)>
#map2 = affine_map<(d0, d1) -> (0, 0, 0)>
module attributes {stable_mosaic.version = 14 : i64} {
  func.func @pass_b(%arg0: i32, %arg1: i32, %arg2: memref<10240x128xbf16, #tpu.memory_space<hbm>>, %arg3: memref<327680xi32, #tpu.memory_space<hbm>>, %arg4: memref<327680xi32, #tpu.memory_space<hbm>>, %arg5: memref<327680x4xf32, #tpu.memory_space<hbm>>, %arg6: memref<10240x16xf32, #tpu.memory_space<hbm>>, %arg7: memref<10240x128xf32, #tpu.memory_space<hbm>>, %arg8: memref<2x10240x128xf32, #tpu.memory_space<hbm>>, %arg9: memref<128xi32, #tpu.memory_space<vmem>>, %arg10: memref<128xi32, #tpu.memory_space<vmem>>, %arg11: memref<128xi32, #tpu.memory_space<vmem>>, %arg12: memref<128xi32, #tpu.memory_space<vmem>>, %arg13: memref<128xf32, #tpu.memory_space<vmem>>, %arg14: memref<128xf32, #tpu.memory_space<vmem>>, %arg15: memref<128x4xf32, #tpu.memory_space<vmem>>, %arg16: memref<128x4xf32, #tpu.memory_space<vmem>>, %arg17: memref<128x16xf32, #tpu.memory_space<vmem>>, %arg18: memref<128x16xf32, #tpu.memory_space<vmem>>, %arg19: memref<128x128xbf16, #tpu.memory_space<vmem>>, %arg20: memref<128x128xbf16, #tpu.memory_space<vmem>>, %arg21: memref<128x128xf32, #tpu.memory_space<vmem>>, %arg22: memref<10240x128xf32, #tpu.memory_space<vmem_shared>>, %arg23: memref<!tpu.dma_semaphore, #tpu.memory_space<semaphore_mem>>, %arg24: memref<!tpu.dma_semaphore, #tpu.memory_space<semaphore_mem>>, %arg25: memref<!tpu.dma_semaphore, #tpu.memory_space<semaphore_mem>>, %arg26: memref<!tpu.dma_semaphore, #tpu.memory_space<semaphore_mem>>) attributes {dimension_semantics = [#tpu.dimension_semantics<core_parallel>, #tpu.dimension_semantics<subcore_parallel>], iteration_bounds = array<i64: 2, 16>, scalar_prefetch = 0 : i64, scratch_operands = 18 : i64, tpu.core_type = #tpu.core_type<sc_vector_subcore>, window_params = [{transform_indices = #map}, {transform_indices = #map1}, {transform_indices = #map1}, {transform_indices = #map}, {transform_indices = #map}, {transform_indices = #map}, {transform_indices = #map2}]} {
    %mul3A = arith.constant 16 : i32
    %mul3A_0 = arith.muli %arg0, %mul3A : i32
    %add3A = arith.addi %mul3A_0, %arg1 : i32
    %mul3A_1 = arith.constant 640 : i32
    %mul3A_2 = arith.muli %arg1, %mul3A_1 : i32
    "tpu.region"() ({
      %run_scoped3A = tpu.sem_alloc : memref<!tpu.dma_semaphore, #tpu.memory_space<semaphore_mem>>
      %dma_start3A_49 = arith.constant 0 : i32
      %dma_start3A_50 = tpu.memref_slice %arg22[%mul3A_2, %dma_start3A_49] : memref<10240x128xf32, #tpu.memory_space<vmem_shared>> -> memref<640x128xf32, #tpu.memory_space<vmem_shared>>
      %dma_start3A_51 = arith.constant 0 : i32
      %dma_start3A_52 = tpu.memref_slice %arg7[%mul3A_2, %dma_start3A_51] : memref<10240x128xf32, #tpu.memory_space<hbm>> -> memref<640x128xf32, #tpu.memory_space<hbm>>
      tpu.enqueue_dma source(%dma_start3A_52 : memref<640x128xf32, #tpu.memory_space<hbm>>) target(%dma_start3A_50 : memref<640x128xf32, #tpu.memory_space<vmem_shared>>) target_semaphore(%run_scoped3A : memref<!tpu.dma_semaphore, #tpu.memory_space<semaphore_mem>>)
      %dma_wait3A_53 = arith.constant 0 : i32
      %dma_wait3A_54 = tpu.memref_slice %arg22[%mul3A_2, %dma_wait3A_53] : memref<10240x128xf32, #tpu.memory_space<vmem_shared>> -> memref<640x128xf32, #tpu.memory_space<vmem_shared>>
      %dma_wait3A_55 = arith.constant 0 : i32
      %dma_wait3A_56 = tpu.memref_slice %arg7[%mul3A_2, %dma_wait3A_55] : memref<10240x128xf32, #tpu.memory_space<hbm>> -> memref<640x128xf32, #tpu.memory_space<hbm>>
      tpu.wait_dma2 semaphore(%run_scoped3A : memref<!tpu.dma_semaphore, #tpu.memory_space<semaphore_mem>>) src(%dma_wait3A_56 : memref<640x128xf32, #tpu.memory_space<hbm>>) dst(%dma_wait3A_54 : memref<640x128xf32, #tpu.memory_space<vmem_shared>>)
      tpu.yield
    }) : () -> ()
    %barrier3A = arith.constant 0 : index
    tpu.barrier barrier_id(%barrier3A)
    %mul3A_3 = arith.constant 10240 : i32
    %mul3A_4 = arith.muli %add3A, %mul3A_3 : i32
    %add3A_5 = arith.constant 0 : i32
    %add3A_6 = arith.addi %mul3A_4, %add3A_5 : i32
    %dma_start3A = tpu.memref_slice %arg3[%add3A_6] : memref<327680xi32, #tpu.memory_space<hbm>> -> memref<128xi32, #tpu.memory_space<hbm>>
    %dma_start3A_7 = tpu.memref_slice %arg3[%add3A_6] : memref<327680xi32, #tpu.memory_space<hbm>> -> memref<128xi32, #tpu.memory_space<hbm>>
    tpu.enqueue_dma source(%dma_start3A_7 : memref<128xi32, #tpu.memory_space<hbm>>) target(%arg9 : memref<128xi32, #tpu.memory_space<vmem>>) target_semaphore(%arg25 : memref<!tpu.dma_semaphore, #tpu.memory_space<semaphore_mem>>)
    %dma_start3A_8 = tpu.memref_slice %arg4[%add3A_6] : memref<327680xi32, #tpu.memory_space<hbm>> -> memref<128xi32, #tpu.memory_space<hbm>>
    %dma_start3A_9 = tpu.memref_slice %arg4[%add3A_6] : memref<327680xi32, #tpu.memory_space<hbm>> -> memref<128xi32, #tpu.memory_space<hbm>>
    tpu.enqueue_dma source(%dma_start3A_9 : memref<128xi32, #tpu.memory_space<hbm>>) target(%arg11 : memref<128xi32, #tpu.memory_space<vmem>>) target_semaphore(%arg25 : memref<!tpu.dma_semaphore, #tpu.memory_space<semaphore_mem>>)
    %dma_start3A_10 = arith.constant 0 : i32
    %dma_start3A_11 = tpu.memref_slice %arg5[%add3A_6, %dma_start3A_10] : memref<327680x4xf32, #tpu.memory_space<hbm>> -> memref<128x4xf32, #tpu.memory_space<hbm>>
    %dma_start3A_12 = arith.constant 0 : i32
    %dma_start3A_13 = tpu.memref_slice %arg5[%add3A_6, %dma_start3A_12] : memref<327680x4xf32, #tpu.memory_space<hbm>> -> memref<128x4xf32, #tpu.memory_space<hbm>>
    tpu.enqueue_dma source(%dma_start3A_13 : memref<128x4xf32, #tpu.memory_space<hbm>>) target(%arg15 : memref<128x4xf32, #tpu.memory_space<vmem>>) target_semaphore(%arg25 : memref<!tpu.dma_semaphore, #tpu.memory_space<semaphore_mem>>)
    %mul3A_14 = arith.constant 10240 : i32
    %mul3A_15 = arith.muli %add3A, %mul3A_14 : i32
    %add3A_16 = arith.constant 0 : i32
    %add3A_17 = arith.addi %mul3A_15, %add3A_16 : i32
    %dma_wait3A = tpu.memref_slice %arg3[%add3A_17] : memref<327680xi32, #tpu.memory_space<hbm>> -> memref<128xi32, #tpu.memory_space<hbm>>
    %dma_wait3A_18 = tpu.memref_slice %arg3[%add3A_17] : memref<327680xi32, #tpu.memory_space<hbm>> -> memref<128xi32, #tpu.memory_space<hbm>>
    tpu.wait_dma2 semaphore(%arg25 : memref<!tpu.dma_semaphore, #tpu.memory_space<semaphore_mem>>) src(%dma_wait3A_18 : memref<128xi32, #tpu.memory_space<hbm>>) dst(%arg9 : memref<128xi32, #tpu.memory_space<vmem>>)
    %dma_wait3A_19 = tpu.memref_slice %arg4[%add3A_17] : memref<327680xi32, #tpu.memory_space<hbm>> -> memref<128xi32, #tpu.memory_space<hbm>>
    %dma_wait3A_20 = tpu.memref_slice %arg4[%add3A_17] : memref<327680xi32, #tpu.memory_space<hbm>> -> memref<128xi32, #tpu.memory_space<hbm>>
    tpu.wait_dma2 semaphore(%arg25 : memref<!tpu.dma_semaphore, #tpu.memory_space<semaphore_mem>>) src(%dma_wait3A_20 : memref<128xi32, #tpu.memory_space<hbm>>) dst(%arg11 : memref<128xi32, #tpu.memory_space<vmem>>)
    %dma_wait3A_21 = arith.constant 0 : i32
    %dma_wait3A_22 = tpu.memref_slice %arg5[%add3A_17, %dma_wait3A_21] : memref<327680x4xf32, #tpu.memory_space<hbm>> -> memref<128x4xf32, #tpu.memory_space<hbm>>
    %dma_wait3A_23 = arith.constant 0 : i32
    %dma_wait3A_24 = tpu.memref_slice %arg5[%add3A_17, %dma_wait3A_23] : memref<327680x4xf32, #tpu.memory_space<hbm>> -> memref<128x4xf32, #tpu.memory_space<hbm>>
    tpu.wait_dma2 semaphore(%arg25 : memref<!tpu.dma_semaphore, #tpu.memory_space<semaphore_mem>>) src(%dma_wait3A_24 : memref<128x4xf32, #tpu.memory_space<hbm>>) dst(%arg15 : memref<128x4xf32, #tpu.memory_space<vmem>>)
    %dma_start3A_25 = arith.constant 0 : i32
    %dma_start3A_26 = arith.constant 0 : i32
    %dma_start3A_27 = tpu.memref_slice %arg2[%dma_start3A_25, %dma_start3A_26] : memref<10240x128xbf16, #tpu.memory_space<hbm>> -> memref<10240x128xbf16, #tpu.memory_space<hbm>>
    tpu.enqueue_indirect_dma source(%dma_start3A_27 : memref<10240x128xbf16, #tpu.memory_space<hbm>>) target(%arg19 : memref<128x128xbf16, #tpu.memory_space<vmem>>) offsets(%arg11 : memref<128xi32, #tpu.memory_space<vmem>>) semaphore(%arg23 : memref<!tpu.dma_semaphore, #tpu.memory_space<semaphore_mem>>)
    %dma_start3A_28 = arith.constant 0 : i32
    %dma_start3A_29 = arith.constant 0 : i32
    %dma_start3A_30 = tpu.memref_slice %arg6[%dma_start3A_28, %dma_start3A_29] : memref<10240x16xf32, #tpu.memory_space<hbm>> -> memref<10240x16xf32, #tpu.memory_space<hbm>>
    tpu.enqueue_indirect_dma source(%dma_start3A_30 : memref<10240x16xf32, #tpu.memory_space<hbm>>) target(%arg17 : memref<128x16xf32, #tpu.memory_space<vmem>>) offsets(%arg9 : memref<128xi32, #tpu.memory_space<vmem>>) semaphore(%arg23 : memref<!tpu.dma_semaphore, #tpu.memory_space<semaphore_mem>>)
    %mul3A_31 = arith.constant 10240 : i32
    %mul3A_32 = arith.muli %add3A, %mul3A_31 : i32
    %add3A_33 = arith.constant 128 : i32
    %add3A_34 = arith.addi %mul3A_32, %add3A_33 : i32
    %dma_start3A_35 = tpu.memref_slice %arg3[%add3A_34] : memref<327680xi32, #tpu.memory_space<hbm>> -> memref<128xi32, #tpu.memory_space<hbm>>
    %dma_start3A_36 = tpu.memref_slice %arg3[%add3A_34] : memref<327680xi32, #tpu.memory_space<hbm>> -> memref<128xi32, #tpu.memory_space<hbm>>
    tpu.enqueue_dma source(%dma_start3A_36 : memref<128xi32, #tpu.memory_space<hbm>>) target(%arg10 : memref<128xi32, #tpu.memory_space<vmem>>) target_semaphore(%arg26 : memref<!tpu.dma_semaphore, #tpu.memory_space<semaphore_mem>>)
    %dma_start3A_37 = tpu.memref_slice %arg4[%add3A_34] : memref<327680xi32, #tpu.memory_space<hbm>> -> memref<128xi32, #tpu.memory_space<hbm>>
    %dma_start3A_38 = tpu.memref_slice %arg4[%add3A_34] : memref<327680xi32, #tpu.memory_space<hbm>> -> memref<128xi32, #tpu.memory_space<hbm>>
    tpu.enqueue_dma source(%dma_start3A_38 : memref<128xi32, #tpu.memory_space<hbm>>) target(%arg12 : memref<128xi32, #tpu.memory_space<vmem>>) target_semaphore(%arg26 : memref<!tpu.dma_semaphore, #tpu.memory_space<semaphore_mem>>)
    %dma_start3A_39 = arith.constant 0 : i32
    %dma_start3A_40 = tpu.memref_slice %arg5[%add3A_34, %dma_start3A_39] : memref<327680x4xf32, #tpu.memory_space<hbm>> -> memref<128x4xf32, #tpu.memory_space<hbm>>
    %dma_start3A_41 = arith.constant 0 : i32
    %dma_start3A_42 = tpu.memref_slice %arg5[%add3A_34, %dma_start3A_41] : memref<327680x4xf32, #tpu.memory_space<hbm>> -> memref<128x4xf32, #tpu.memory_space<hbm>>
    tpu.enqueue_dma source(%dma_start3A_42 : memref<128x4xf32, #tpu.memory_space<hbm>>) target(%arg16 : memref<128x4xf32, #tpu.memory_space<vmem>>) target_semaphore(%arg26 : memref<!tpu.dma_semaphore, #tpu.memory_space<semaphore_mem>>)
    %scan3A = arith.constant 0 : i32
    %scan3A_43 = arith.constant 0 : i32
    %scan3A_44 = arith.constant 40 : i32
    %scan3A_45 = arith.addi %scan3A_43, %scan3A_44 : i32
    %scan3A_46 = arith.constant 1 : i32
    scf.for %scan3A_49 = %scan3A_43 to %scan3A_45 step %scan3A_46  : i32 {
      %mul3A_50 = arith.constant 2 : i32
      %mul3A_51 = arith.muli %scan3A_49, %mul3A_50 : i32
      %add3A_52 = arith.constant 1 : i32
      %add3A_53 = arith.addi %mul3A_51, %add3A_52 : i32
      %mul3A_54 = arith.constant 10240 : i32
      %mul3A_55 = arith.muli %add3A, %mul3A_54 : i32
      %mul3A_56 = arith.constant 128 : i32
      %mul3A_57 = arith.muli %add3A_53, %mul3A_56 : i32
      %add3A_58 = arith.addi %mul3A_55, %mul3A_57 : i32
      %dma_wait3A_59 = tpu.memref_slice %arg3[%add3A_58] : memref<327680xi32, #tpu.memory_space<hbm>> -> memref<128xi32, #tpu.memory_space<hbm>>
      %dma_wait3A_60 = tpu.memref_slice %arg3[%add3A_58] : memref<327680xi32, #tpu.memory_space<hbm>> -> memref<128xi32, #tpu.memory_space<hbm>>
      tpu.wait_dma2 semaphore(%arg26 : memref<!tpu.dma_semaphore, #tpu.memory_space<semaphore_mem>>) src(%dma_wait3A_60 : memref<128xi32, #tpu.memory_space<hbm>>) dst(%arg10 : memref<128xi32, #tpu.memory_space<vmem>>)
      %dma_wait3A_61 = tpu.memref_slice %arg4[%add3A_58] : memref<327680xi32, #tpu.memory_space<hbm>> -> memref<128xi32, #tpu.memory_space<hbm>>
      %dma_wait3A_62 = tpu.memref_slice %arg4[%add3A_58] : memref<327680xi32, #tpu.memory_space<hbm>> -> memref<128xi32, #tpu.memory_space<hbm>>
      tpu.wait_dma2 semaphore(%arg26 : memref<!tpu.dma_semaphore, #tpu.memory_space<semaphore_mem>>) src(%dma_wait3A_62 : memref<128xi32, #tpu.memory_space<hbm>>) dst(%arg12 : memref<128xi32, #tpu.memory_space<vmem>>)
      %dma_wait3A_63 = arith.constant 0 : i32
      %dma_wait3A_64 = tpu.memref_slice %arg5[%add3A_58, %dma_wait3A_63] : memref<327680x4xf32, #tpu.memory_space<hbm>> -> memref<128x4xf32, #tpu.memory_space<hbm>>
      %dma_wait3A_65 = arith.constant 0 : i32
      %dma_wait3A_66 = tpu.memref_slice %arg5[%add3A_58, %dma_wait3A_65] : memref<327680x4xf32, #tpu.memory_space<hbm>> -> memref<128x4xf32, #tpu.memory_space<hbm>>
      tpu.wait_dma2 semaphore(%arg26 : memref<!tpu.dma_semaphore, #tpu.memory_space<semaphore_mem>>) src(%dma_wait3A_66 : memref<128x4xf32, #tpu.memory_space<hbm>>) dst(%arg16 : memref<128x4xf32, #tpu.memory_space<vmem>>)
      %dma_start3A_67 = arith.constant 0 : i32
      %dma_start3A_68 = arith.constant 0 : i32
      %dma_start3A_69 = tpu.memref_slice %arg2[%dma_start3A_67, %dma_start3A_68] : memref<10240x128xbf16, #tpu.memory_space<hbm>> -> memref<10240x128xbf16, #tpu.memory_space<hbm>>
      tpu.enqueue_indirect_dma source(%dma_start3A_69 : memref<10240x128xbf16, #tpu.memory_space<hbm>>) target(%arg20 : memref<128x128xbf16, #tpu.memory_space<vmem>>) offsets(%arg12 : memref<128xi32, #tpu.memory_space<vmem>>) semaphore(%arg24 : memref<!tpu.dma_semaphore, #tpu.memory_space<semaphore_mem>>)
      %dma_start3A_70 = arith.constant 0 : i32
      %dma_start3A_71 = arith.constant 0 : i32
      %dma_start3A_72 = tpu.memref_slice %arg6[%dma_start3A_70, %dma_start3A_71] : memref<10240x16xf32, #tpu.memory_space<hbm>> -> memref<10240x16xf32, #tpu.memory_space<hbm>>
      tpu.enqueue_indirect_dma source(%dma_start3A_72 : memref<10240x16xf32, #tpu.memory_space<hbm>>) target(%arg18 : memref<128x16xf32, #tpu.memory_space<vmem>>) offsets(%arg10 : memref<128xi32, #tpu.memory_space<vmem>>) semaphore(%arg24 : memref<!tpu.dma_semaphore, #tpu.memory_space<semaphore_mem>>)
      %dma_wait3A_73 = arith.constant 0 : i32
      %dma_wait3A_74 = arith.constant 0 : i32
      %dma_wait3A_75 = tpu.memref_slice %arg2[%dma_wait3A_73, %dma_wait3A_74] : memref<10240x128xbf16, #tpu.memory_space<hbm>> -> memref<10240x128xbf16, #tpu.memory_space<hbm>>
      tpu.wait_indirect_dma semaphore(%arg23 : memref<!tpu.dma_semaphore, #tpu.memory_space<semaphore_mem>>) src(%dma_wait3A_75 : memref<10240x128xbf16, #tpu.memory_space<hbm>>) dst(%arg19 : memref<128x128xbf16, #tpu.memory_space<vmem>>)
      %dma_wait3A_76 = arith.constant 0 : i32
      %dma_wait3A_77 = arith.constant 0 : i32
      %dma_wait3A_78 = tpu.memref_slice %arg6[%dma_wait3A_76, %dma_wait3A_77] : memref<10240x16xf32, #tpu.memory_space<hbm>> -> memref<10240x16xf32, #tpu.memory_space<hbm>>
      tpu.wait_indirect_dma semaphore(%arg23 : memref<!tpu.dma_semaphore, #tpu.memory_space<semaphore_mem>>) src(%dma_wait3A_78 : memref<10240x16xf32, #tpu.memory_space<hbm>>) dst(%arg17 : memref<128x16xf32, #tpu.memory_space<vmem>>)
      %iota3A = tpu.iota {dimensions = array<i32: 0>} : vector<16xi32>
      %add3A_79 = arith.constant 0 : i32
      %add3A_80 = vector.broadcast %add3A_79 : i32 to vector<16xi32>
      %add3A_81 = arith.addi %iota3A, %add3A_80 : vector<16xi32>
      %broadcast_in_dim3A = arith.constant 0.000000e+00 : f32
      %broadcast_in_dim3A_82 = vector.broadcast %broadcast_in_dim3A : f32 to vector<16xf32>
      %broadcast_in_dim3A_83 = arith.constant 0 : i32
      %broadcast_in_dim3A_84 = vector.broadcast %broadcast_in_dim3A_83 : i32 to vector<16xi32>
      %gather3A = tpu.vector_load_idx %arg15[%add3A_81, %broadcast_in_dim3A_84] : memref<128x4xf32, #tpu.memory_space<vmem>>[vector<16xi32>, vector<16xi32>], vector<16xf32>,
      %gather3A_85 = tpu.vector_load_idx %arg17[%add3A_81, %broadcast_in_dim3A_84] : memref<128x16xf32, #tpu.memory_space<vmem>>[vector<16xi32>, vector<16xi32>], vector<16xf32>,
      %add3A_86 = arith.constant 1.000000e-10 : f32
      %add3A_87 = vector.broadcast %add3A_86 : f32 to vector<16xf32>
      %add3A_88 = arith.addf %gather3A_85, %add3A_87 : vector<16xf32>
      %div3A = arith.divf %gather3A, %add3A_88 : vector<16xf32>
      %add3A_89 = arith.addf %broadcast_in_dim3A_82, %div3A : vector<16xf32>
      %broadcast_in_dim3A_90 = arith.constant 1 : i32
      %broadcast_in_dim3A_91 = vector.broadcast %broadcast_in_dim3A_90 : i32 to vector<16xi32>
      %gather3A_92 = tpu.vector_load_idx %arg15[%add3A_81, %broadcast_in_dim3A_91] : memref<128x4xf32, #tpu.memory_space<vmem>>[vector<16xi32>, vector<16xi32>], vector<16xf32>,
      %gather3A_93 = tpu.vector_load_idx %arg17[%add3A_81, %broadcast_in_dim3A_91] : memref<128x16xf32, #tpu.memory_space<vmem>>[vector<16xi32>, vector<16xi32>], vector<16xf32>,
      %add3A_94 = arith.constant 1.000000e-10 : f32
      %add3A_95 = vector.broadcast %add3A_94 : f32 to vector<16xf32>
      %add3A_96 = arith.addf %gather3A_93, %add3A_95 : vector<16xf32>
      %div3A_97 = arith.divf %gather3A_92, %add3A_96 : vector<16xf32>
      %add3A_98 = arith.addf %add3A_89, %div3A_97 : vector<16xf32>
      %broadcast_in_dim3A_99 = arith.constant 2 : i32
      %broadcast_in_dim3A_100 = vector.broadcast %broadcast_in_dim3A_99 : i32 to vector<16xi32>
      %gather3A_101 = tpu.vector_load_idx %arg15[%add3A_81, %broadcast_in_dim3A_100] : memref<128x4xf32, #tpu.memory_space<vmem>>[vector<16xi32>, vector<16xi32>], vector<16xf32>,
      %gather3A_102 = tpu.vector_load_idx %arg17[%add3A_81, %broadcast_in_dim3A_100] : memref<128x16xf32, #tpu.memory_space<vmem>>[vector<16xi32>, vector<16xi32>], vector<16xf32>,
      %add3A_103 = arith.constant 1.000000e-10 : f32
      %add3A_104 = vector.broadcast %add3A_103 : f32 to vector<16xf32>
      %add3A_105 = arith.addf %gather3A_102, %add3A_104 : vector<16xf32>
      %div3A_106 = arith.divf %gather3A_101, %add3A_105 : vector<16xf32>
      %add3A_107 = arith.addf %add3A_98, %div3A_106 : vector<16xf32>
      %broadcast_in_dim3A_108 = arith.constant 3 : i32
      %broadcast_in_dim3A_109 = vector.broadcast %broadcast_in_dim3A_108 : i32 to vector<16xi32>
      %gather3A_110 = tpu.vector_load_idx %arg15[%add3A_81, %broadcast_in_dim3A_109] : memref<128x4xf32, #tpu.memory_space<vmem>>[vector<16xi32>, vector<16xi32>], vector<16xf32>,
      %gather3A_111 = tpu.vector_load_idx %arg17[%add3A_81, %broadcast_in_dim3A_109] : memref<128x16xf32, #tpu.memory_space<vmem>>[vector<16xi32>, vector<16xi32>], vector<16xf32>,
      %add3A_112 = arith.constant 1.000000e-10 : f32
      %add3A_113 = vector.broadcast %add3A_112 : f32 to vector<16xf32>
      %add3A_114 = arith.addf %gather3A_111, %add3A_113 : vector<16xf32>
      %div3A_115 = arith.divf %gather3A_110, %add3A_114 : vector<16xf32>
      %add3A_116 = arith.addf %add3A_107, %div3A_115 : vector<16xf32>
      %mul3A_117 = arith.constant 2.500000e-01 : f32
      %mul3A_118 = vector.broadcast %mul3A_117 : f32 to vector<16xf32>
      %mul3A_119 = arith.mulf %add3A_116, %mul3A_118 : vector<16xf32>
      %swap3A = arith.constant 0 : index
      %swap3A_120 = tpu.vector_load %arg13[%swap3A] {strides = array<i32>} : memref<128xf32, #tpu.memory_space<vmem>>, vector<16xf32>,
      tpu.vector_store %arg13[%swap3A], %mul3A_119 {strides = array<i32>} : memref<128xf32, #tpu.memory_space<vmem>>, vector<16xf32>,
      %iota3A_121 = tpu.iota {dimensions = array<i32: 0>} : vector<16xi32>
      %add3A_122 = arith.constant 16 : i32
      %add3A_123 = vector.broadcast %add3A_122 : i32 to vector<16xi32>
      %add3A_124 = arith.addi %iota3A_121, %add3A_123 : vector<16xi32>
      %broadcast_in_dim3A_125 = arith.constant 0.000000e+00 : f32
      %broadcast_in_dim3A_126 = vector.broadcast %broadcast_in_dim3A_125 : f32 to vector<16xf32>
      %broadcast_in_dim3A_127 = arith.constant 0 : i32
      %broadcast_in_dim3A_128 = vector.broadcast %broadcast_in_dim3A_127 : i32 to vector<16xi32>
      %gather3A_129 = tpu.vector_load_idx %arg15[%add3A_124, %broadcast_in_dim3A_128] : memref<128x4xf32, #tpu.memory_space<vmem>>[vector<16xi32>, vector<16xi32>], vector<16xf32>,
      %gather3A_130 = tpu.vector_load_idx %arg17[%add3A_124, %broadcast_in_dim3A_128] : memref<128x16xf32, #tpu.memory_space<vmem>>[vector<16xi32>, vector<16xi32>], vector<16xf32>,
      %add3A_131 = arith.constant 1.000000e-10 : f32
      %add3A_132 = vector.broadcast %add3A_131 : f32 to vector<16xf32>
      %add3A_133 = arith.addf %gather3A_130, %add3A_132 : vector<16xf32>
      %div3A_134 = arith.divf %gather3A_129, %add3A_133 : vector<16xf32>
      %add3A_135 = arith.addf %broadcast_in_dim3A_126, %div3A_134 : vector<16xf32>
      %broadcast_in_dim3A_136 = arith.constant 1 : i32
      %broadcast_in_dim3A_137 = vector.broadcast %broadcast_in_dim3A_136 : i32 to vector<16xi32>
      %gather3A_138 = tpu.vector_load_idx %arg15[%add3A_124, %broadcast_in_dim3A_137] : memref<128x4xf32, #tpu.memory_space<vmem>>[vector<16xi32>, vector<16xi32>], vector<16xf32>,
      %gather3A_139 = tpu.vector_load_idx %arg17[%add3A_124, %broadcast_in_dim3A_137] : memref<128x16xf32, #tpu.memory_space<vmem>>[vector<16xi32>, vector<16xi32>], vector<16xf32>,
      %add3A_140 = arith.constant 1.000000e-10 : f32
      %add3A_141 = vector.broadcast %add3A_140 : f32 to vector<16xf32>
      %add3A_142 = arith.addf %gather3A_139, %add3A_141 : vector<16xf32>
      %div3A_143 = arith.divf %gather3A_138, %add3A_142 : vector<16xf32>
      %add3A_144 = arith.addf %add3A_135, %div3A_143 : vector<16xf32>
      %broadcast_in_dim3A_145 = arith.constant 2 : i32
      %broadcast_in_dim3A_146 = vector.broadcast %broadcast_in_dim3A_145 : i32 to vector<16xi32>
      %gather3A_147 = tpu.vector_load_idx %arg15[%add3A_124, %broadcast_in_dim3A_146] : memref<128x4xf32, #tpu.memory_space<vmem>>[vector<16xi32>, vector<16xi32>], vector<16xf32>,
      %gather3A_148 = tpu.vector_load_idx %arg17[%add3A_124, %broadcast_in_dim3A_146] : memref<128x16xf32, #tpu.memory_space<vmem>>[vector<16xi32>, vector<16xi32>], vector<16xf32>,
      %add3A_149 = arith.constant 1.000000e-10 : f32
      %add3A_150 = vector.broadcast %add3A_149 : f32 to vector<16xf32>
      %add3A_151 = arith.addf %gather3A_148, %add3A_150 : vector<16xf32>
      %div3A_152 = arith.divf %gather3A_147, %add3A_151 : vector<16xf32>
      %add3A_153 = arith.addf %add3A_144, %div3A_152 : vector<16xf32>
      %broadcast_in_dim3A_154 = arith.constant 3 : i32
      %broadcast_in_dim3A_155 = vector.broadcast %broadcast_in_dim3A_154 : i32 to vector<16xi32>
      %gather3A_156 = tpu.vector_load_idx %arg15[%add3A_124, %broadcast_in_dim3A_155] : memref<128x4xf32, #tpu.memory_space<vmem>>[vector<16xi32>, vector<16xi32>], vector<16xf32>,
      %gather3A_157 = tpu.vector_load_idx %arg17[%add3A_124, %broadcast_in_dim3A_155] : memref<128x16xf32, #tpu.memory_space<vmem>>[vector<16xi32>, vector<16xi32>], vector<16xf32>,
      %add3A_158 = arith.constant 1.000000e-10 : f32
      %add3A_159 = vector.broadcast %add3A_158 : f32 to vector<16xf32>
      %add3A_160 = arith.addf %gather3A_157, %add3A_159 : vector<16xf32>
      %div3A_161 = arith.divf %gather3A_156, %add3A_160 : vector<16xf32>
      %add3A_162 = arith.addf %add3A_153, %div3A_161 : vector<16xf32>
      %mul3A_163 = arith.constant 2.500000e-01 : f32
      %mul3A_164 = vector.broadcast %mul3A_163 : f32 to vector<16xf32>
      %mul3A_165 = arith.mulf %add3A_162, %mul3A_164 : vector<16xf32>
      %swap3A_166 = arith.constant 16 : index
      %swap3A_167 = tpu.vector_load %arg13[%swap3A_166] {strides = array<i32>} : memref<128xf32, #tpu.memory_space<vmem>>, vector<16xf32>,
      tpu.vector_store %arg13[%swap3A_166], %mul3A_165 {strides = array<i32>} : memref<128xf32, #tpu.memory_space<vmem>>, vector<16xf32>,
      %iota3A_168 = tpu.iota {dimensions = array<i32: 0>} : vector<16xi32>
      %add3A_169 = arith.constant 32 : i32
      %add3A_170 = vector.broadcast %add3A_169 : i32 to vector<16xi32>
      %add3A_171 = arith.addi %iota3A_168, %add3A_170 : vector<16xi32>
      %broadcast_in_dim3A_172 = arith.constant 0.000000e+00 : f32
      %broadcast_in_dim3A_173 = vector.broadcast %broadcast_in_dim3A_172 : f32 to vector<16xf32>
      %broadcast_in_dim3A_174 = arith.constant 0 : i32
      %broadcast_in_dim3A_175 = vector.broadcast %broadcast_in_dim3A_174 : i32 to vector<16xi32>
      %gather3A_176 = tpu.vector_load_idx %arg15[%add3A_171, %broadcast_in_dim3A_175] : memref<128x4xf32, #tpu.memory_space<vmem>>[vector<16xi32>, vector<16xi32>], vector<16xf32>,
      %gather3A_177 = tpu.vector_load_idx %arg17[%add3A_171, %broadcast_in_dim3A_175] : memref<128x16xf32, #tpu.memory_space<vmem>>[vector<16xi32>, vector<16xi32>], vector<16xf32>,
      %add3A_178 = arith.constant 1.000000e-10 : f32
      %add3A_179 = vector.broadcast %add3A_178 : f32 to vector<16xf32>
      %add3A_180 = arith.addf %gather3A_177, %add3A_179 : vector<16xf32>
      %div3A_181 = arith.divf %gather3A_176, %add3A_180 : vector<16xf32>
      %add3A_182 = arith.addf %broadcast_in_dim3A_173, %div3A_181 : vector<16xf32>
      %broadcast_in_dim3A_183 = arith.constant 1 : i32
      %broadcast_in_dim3A_184 = vector.broadcast %broadcast_in_dim3A_183 : i32 to vector<16xi32>
      %gather3A_185 = tpu.vector_load_idx %arg15[%add3A_171, %broadcast_in_dim3A_184] : memref<128x4xf32, #tpu.memory_space<vmem>>[vector<16xi32>, vector<16xi32>], vector<16xf32>,
      %gather3A_186 = tpu.vector_load_idx %arg17[%add3A_171, %broadcast_in_dim3A_184] : memref<128x16xf32, #tpu.memory_space<vmem>>[vector<16xi32>, vector<16xi32>], vector<16xf32>,
      %add3A_187 = arith.constant 1.000000e-10 : f32
      %add3A_188 = vector.broadcast %add3A_187 : f32 to vector<16xf32>
      %add3A_189 = arith.addf %gather3A_186, %add3A_188 : vector<16xf32>
      %div3A_190 = arith.divf %gather3A_185, %add3A_189 : vector<16xf32>
      %add3A_191 = arith.addf %add3A_182, %div3A_190 : vector<16xf32>
      %broadcast_in_dim3A_192 = arith.constant 2 : i32
      %broadcast_in_dim3A_193 = vector.broadcast %broadcast_in_dim3A_192 : i32 to vector<16xi32>
      %gather3A_194 = tpu.vector_load_idx %arg15[%add3A_171, %broadcast_in_dim3A_193] : memref<128x4xf32, #tpu.memory_space<vmem>>[vector<16xi32>, vector<16xi32>], vector<16xf32>,
      %gather3A_195 = tpu.vector_load_idx %arg17[%add3A_171, %broadcast_in_dim3A_193] : memref<128x16xf32, #tpu.memory_space<vmem>>[vector<16xi32>, vector<16xi32>], vector<16xf32>,
      %add3A_196 = arith.constant 1.000000e-10 : f32
      %add3A_197 = vector.broadcast %add3A_196 : f32 to vector<16xf32>
      %add3A_198 = arith.addf %gather3A_195, %add3A_197 : vector<16xf32>
      %div3A_199 = arith.divf %gather3A_194, %add3A_198 : vector<16xf32>
      %add3A_200 = arith.addf %add3A_191, %div3A_199 : vector<16xf32>
      %broadcast_in_dim3A_201 = arith.constant 3 : i32
      %broadcast_in_dim3A_202 = vector.broadcast %broadcast_in_dim3A_201 : i32 to vector<16xi32>
      %gather3A_203 = tpu.vector_load_idx %arg15[%add3A_171, %broadcast_in_dim3A_202] : memref<128x4xf32, #tpu.memory_space<vmem>>[vector<16xi32>, vector<16xi32>], vector<16xf32>,
      %gather3A_204 = tpu.vector_load_idx %arg17[%add3A_171, %broadcast_in_dim3A_202] : memref<128x16xf32, #tpu.memory_space<vmem>>[vector<16xi32>, vector<16xi32>], vector<16xf32>,
      %add3A_205 = arith.constant 1.000000e-10 : f32
      %add3A_206 = vector.broadcast %add3A_205 : f32 to vector<16xf32>
      %add3A_207 = arith.addf %gather3A_204, %add3A_206 : vector<16xf32>
      %div3A_208 = arith.divf %gather3A_203, %add3A_207 : vector<16xf32>
      %add3A_209 = arith.addf %add3A_200, %div3A_208 : vector<16xf32>
      %mul3A_210 = arith.constant 2.500000e-01 : f32
      %mul3A_211 = vector.broadcast %mul3A_210 : f32 to vector<16xf32>
      %mul3A_212 = arith.mulf %add3A_209, %mul3A_211 : vector<16xf32>
      %swap3A_213 = arith.constant 32 : index
      %swap3A_214 = tpu.vector_load %arg13[%swap3A_213] {strides = array<i32>} : memref<128xf32, #tpu.memory_space<vmem>>, vector<16xf32>,
      tpu.vector_store %arg13[%swap3A_213], %mul3A_212 {strides = array<i32>} : memref<128xf32, #tpu.memory_space<vmem>>, vector<16xf32>,
      %iota3A_215 = tpu.iota {dimensions = array<i32: 0>} : vector<16xi32>
      %add3A_216 = arith.constant 48 : i32
      %add3A_217 = vector.broadcast %add3A_216 : i32 to vector<16xi32>
      %add3A_218 = arith.addi %iota3A_215, %add3A_217 : vector<16xi32>
      %broadcast_in_dim3A_219 = arith.constant 0.000000e+00 : f32
      %broadcast_in_dim3A_220 = vector.broadcast %broadcast_in_dim3A_219 : f32 to vector<16xf32>
      %broadcast_in_dim3A_221 = arith.constant 0 : i32
      %broadcast_in_dim3A_222 = vector.broadcast %broadcast_in_dim3A_221 : i32 to vector<16xi32>
      %gather3A_223 = tpu.vector_load_idx %arg15[%add3A_218, %broadcast_in_dim3A_222] : memref<128x4xf32, #tpu.memory_space<vmem>>[vector<16xi32>, vector<16xi32>], vector<16xf32>,
      %gather3A_224 = tpu.vector_load_idx %arg17[%add3A_218, %broadcast_in_dim3A_222] : memref<128x16xf32, #tpu.memory_space<vmem>>[vector<16xi32>, vector<16xi32>], vector<16xf32>,
      %add3A_225 = arith.constant 1.000000e-10 : f32
      %add3A_226 = vector.broadcast %add3A_225 : f32 to vector<16xf32>
      %add3A_227 = arith.addf %gather3A_224, %add3A_226 : vector<16xf32>
      %div3A_228 = arith.divf %gather3A_223, %add3A_227 : vector<16xf32>
      %add3A_229 = arith.addf %broadcast_in_dim3A_220, %div3A_228 : vector<16xf32>
      %broadcast_in_dim3A_230 = arith.constant 1 : i32
      %broadcast_in_dim3A_231 = vector.broadcast %broadcast_in_dim3A_230 : i32 to vector<16xi32>
      %gather3A_232 = tpu.vector_load_idx %arg15[%add3A_218, %broadcast_in_dim3A_231] : memref<128x4xf32, #tpu.memory_space<vmem>>[vector<16xi32>, vector<16xi32>], vector<16xf32>,
      %gather3A_233 = tpu.vector_load_idx %arg17[%add3A_218, %broadcast_in_dim3A_231] : memref<128x16xf32, #tpu.memory_space<vmem>>[vector<16xi32>, vector<16xi32>], vector<16xf32>,
      %add3A_234 = arith.constant 1.000000e-10 : f32
      %add3A_235 = vector.broadcast %add3A_234 : f32 to vector<16xf32>
      %add3A_236 = arith.addf %gather3A_233, %add3A_235 : vector<16xf32>
      %div3A_237 = arith.divf %gather3A_232, %add3A_236 : vector<16xf32>
      %add3A_238 = arith.addf %add3A_229, %div3A_237 : vector<16xf32>
      %broadcast_in_dim3A_239 = arith.constant 2 : i32
      %broadcast_in_dim3A_240 = vector.broadcast %broadcast_in_dim3A_239 : i32 to vector<16xi32>
      %gather3A_241 = tpu.vector_load_idx %arg15[%add3A_218, %broadcast_in_dim3A_240] : memref<128x4xf32, #tpu.memory_space<vmem>>[vector<16xi32>, vector<16xi32>], vector<16xf32>,
      %gather3A_242 = tpu.vector_load_idx %arg17[%add3A_218, %broadcast_in_dim3A_240] : memref<128x16xf32, #tpu.memory_space<vmem>>[vector<16xi32>, vector<16xi32>], vector<16xf32>,
      %add3A_243 = arith.constant 1.000000e-10 : f32
      %add3A_244 = vector.broadcast %add3A_243 : f32 to vector<16xf32>
      %add3A_245 = arith.addf %gather3A_242, %add3A_244 : vector<16xf32>
      %div3A_246 = arith.divf %gather3A_241, %add3A_245 : vector<16xf32>
      %add3A_247 = arith.addf %add3A_238, %div3A_246 : vector<16xf32>
      %broadcast_in_dim3A_248 = arith.constant 3 : i32
      %broadcast_in_dim3A_249 = vector.broadcast %broadcast_in_dim3A_248 : i32 to vector<16xi32>
      %gather3A_250 = tpu.vector_load_idx %arg15[%add3A_218, %broadcast_in_dim3A_249] : memref<128x4xf32, #tpu.memory_space<vmem>>[vector<16xi32>, vector<16xi32>], vector<16xf32>,
      %gather3A_251 = tpu.vector_load_idx %arg17[%add3A_218, %broadcast_in_dim3A_249] : memref<128x16xf32, #tpu.memory_space<vmem>>[vector<16xi32>, vector<16xi32>], vector<16xf32>,
      %add3A_252 = arith.constant 1.000000e-10 : f32
      %add3A_253 = vector.broadcast %add3A_252 : f32 to vector<16xf32>
      %add3A_254 = arith.addf %gather3A_251, %add3A_253 : vector<16xf32>
      %div3A_255 = arith.divf %gather3A_250, %add3A_254 : vector<16xf32>
      %add3A_256 = arith.addf %add3A_247, %div3A_255 : vector<16xf32>
      %mul3A_257 = arith.constant 2.500000e-01 : f32
      %mul3A_258 = vector.broadcast %mul3A_257 : f32 to vector<16xf32>
      %mul3A_259 = arith.mulf %add3A_256, %mul3A_258 : vector<16xf32>
      %swap3A_260 = arith.constant 48 : index
      %swap3A_261 = tpu.vector_load %arg13[%swap3A_260] {strides = array<i32>} : memref<128xf32, #tpu.memory_space<vmem>>, vector<16xf32>,
      tpu.vector_store %arg13[%swap3A_260], %mul3A_259 {strides = array<i32>} : memref<128xf32, #tpu.memory_space<vmem>>, vector<16xf32>,
      %iota3A_262 = tpu.iota {dimensions = array<i32: 0>} : vector<16xi32>
      %add3A_263 = arith.constant 64 : i32
      %add3A_264 = vector.broadcast %add3A_263 : i32 to vector<16xi32>
      %add3A_265 = arith.addi %iota3A_262, %add3A_264 : vector<16xi32>
      %broadcast_in_dim3A_266 = arith.constant 0.000000e+00 : f32
      %broadcast_in_dim3A_267 = vector.broadcast %broadcast_in_dim3A_266 : f32 to vector<16xf32>
      %broadcast_in_dim3A_268 = arith.constant 0 : i32
      %broadcast_in_dim3A_269 = vector.broadcast %broadcast_in_dim3A_268 : i32 to vector<16xi32>
      %gather3A_270 = tpu.vector_load_idx %arg15[%add3A_265, %broadcast_in_dim3A_269] : memref<128x4xf32, #tpu.memory_space<vmem>>[vector<16xi32>, vector<16xi32>], vector<16xf32>,
      %gather3A_271 = tpu.vector_load_idx %arg17[%add3A_265, %broadcast_in_dim3A_269] : memref<128x16xf32, #tpu.memory_space<vmem>>[vector<16xi32>, vector<16xi32>], vector<16xf32>,
      %add3A_272 = arith.constant 1.000000e-10 : f32
      %add3A_273 = vector.broadcast %add3A_272 : f32 to vector<16xf32>
      %add3A_274 = arith.addf %gather3A_271, %add3A_273 : vector<16xf32>
      %div3A_275 = arith.divf %gather3A_270, %add3A_274 : vector<16xf32>
      %add3A_276 = arith.addf %broadcast_in_dim3A_267, %div3A_275 : vector<16xf32>
      %broadcast_in_dim3A_277 = arith.constant 1 : i32
      %broadcast_in_dim3A_278 = vector.broadcast %broadcast_in_dim3A_277 : i32 to vector<16xi32>
      %gather3A_279 = tpu.vector_load_idx %arg15[%add3A_265, %broadcast_in_dim3A_278] : memref<128x4xf32, #tpu.memory_space<vmem>>[vector<16xi32>, vector<16xi32>], vector<16xf32>,
      %gather3A_280 = tpu.vector_load_idx %arg17[%add3A_265, %broadcast_in_dim3A_278] : memref<128x16xf32, #tpu.memory_space<vmem>>[vector<16xi32>, vector<16xi32>], vector<16xf32>,
      %add3A_281 = arith.constant 1.000000e-10 : f32
      %add3A_282 = vector.broadcast %add3A_281 : f32 to vector<16xf32>
      %add3A_283 = arith.addf %gather3A_280, %add3A_282 : vector<16xf32>
      %div3A_284 = arith.divf %gather3A_279, %add3A_283 : vector<16xf32>
      %add3A_285 = arith.addf %add3A_276, %div3A_284 : vector<16xf32>
      %broadcast_in_dim3A_286 = arith.constant 2 : i32
      %broadcast_in_dim3A_287 = vector.broadcast %broadcast_in_dim3A_286 : i32 to vector<16xi32>
      %gather3A_288 = tpu.vector_load_idx %arg15[%add3A_265, %broadcast_in_dim3A_287] : memref<128x4xf32, #tpu.memory_space<vmem>>[vector<16xi32>, vector<16xi32>], vector<16xf32>,
      %gather3A_289 = tpu.vector_load_idx %arg17[%add3A_265, %broadcast_in_dim3A_287] : memref<128x16xf32, #tpu.memory_space<vmem>>[vector<16xi32>, vector<16xi32>], vector<16xf32>,
      %add3A_290 = arith.constant 1.000000e-10 : f32
      %add3A_291 = vector.broadcast %add3A_290 : f32 to vector<16xf32>
      %add3A_292 = arith.addf %gather3A_289, %add3A_291 : vector<16xf32>
      %div3A_293 = arith.divf %gather3A_288, %add3A_292 : vector<16xf32>
      %add3A_294 = arith.addf %add3A_285, %div3A_293 : vector<16xf32>
      %broadcast_in_dim3A_295 = arith.constant 3 : i32
      %broadcast_in_dim3A_296 = vector.broadcast %broadcast_in_dim3A_295 : i32 to vector<16xi32>
      %gather3A_297 = tpu.vector_load_idx %arg15[%add3A_265, %broadcast_in_dim3A_296] : memref<128x4xf32, #tpu.memory_space<vmem>>[vector<16xi32>, vector<16xi32>], vector<16xf32>,
      %gather3A_298 = tpu.vector_load_idx %arg17[%add3A_265, %broadcast_in_dim3A_296] : memref<128x16xf32, #tpu.memory_space<vmem>>[vector<16xi32>, vector<16xi32>], vector<16xf32>,
      %add3A_299 = arith.constant 1.000000e-10 : f32
      %add3A_300 = vector.broadcast %add3A_299 : f32 to vector<16xf32>
      %add3A_301 = arith.addf %gather3A_298, %add3A_300 : vector<16xf32>
      %div3A_302 = arith.divf %gather3A_297, %add3A_301 : vector<16xf32>
      %add3A_303 = arith.addf %add3A_294, %div3A_302 : vector<16xf32>
      %mul3A_304 = arith.constant 2.500000e-01 : f32
      %mul3A_305 = vector.broadcast %mul3A_304 : f32 to vector<16xf32>
      %mul3A_306 = arith.mulf %add3A_303, %mul3A_305 : vector<16xf32>
      %swap3A_307 = arith.constant 64 : index
      %swap3A_308 = tpu.vector_load %arg13[%swap3A_307] {strides = array<i32>} : memref<128xf32, #tpu.memory_space<vmem>>, vector<16xf32>,
      tpu.vector_store %arg13[%swap3A_307], %mul3A_306 {strides = array<i32>} : memref<128xf32, #tpu.memory_space<vmem>>, vector<16xf32>,
      %iota3A_309 = tpu.iota {dimensions = array<i32: 0>} : vector<16xi32>
      %add3A_310 = arith.constant 80 : i32
      %add3A_311 = vector.broadcast %add3A_310 : i32 to vector<16xi32>
      %add3A_312 = arith.addi %iota3A_309, %add3A_311 : vector<16xi32>
      %broadcast_in_dim3A_313 = arith.constant 0.000000e+00 : f32
      %broadcast_in_dim3A_314 = vector.broadcast %broadcast_in_dim3A_313 : f32 to vector<16xf32>
      %broadcast_in_dim3A_315 = arith.constant 0 : i32
      %broadcast_in_dim3A_316 = vector.broadcast %broadcast_in_dim3A_315 : i32 to vector<16xi32>
      %gather3A_317 = tpu.vector_load_idx %arg15[%add3A_312, %broadcast_in_dim3A_316] : memref<128x4xf32, #tpu.memory_space<vmem>>[vector<16xi32>, vector<16xi32>], vector<16xf32>,
      %gather3A_318 = tpu.vector_load_idx %arg17[%add3A_312, %broadcast_in_dim3A_316] : memref<128x16xf32, #tpu.memory_space<vmem>>[vector<16xi32>, vector<16xi32>], vector<16xf32>,
      %add3A_319 = arith.constant 1.000000e-10 : f32
      %add3A_320 = vector.broadcast %add3A_319 : f32 to vector<16xf32>
      %add3A_321 = arith.addf %gather3A_318, %add3A_320 : vector<16xf32>
      %div3A_322 = arith.divf %gather3A_317, %add3A_321 : vector<16xf32>
      %add3A_323 = arith.addf %broadcast_in_dim3A_314, %div3A_322 : vector<16xf32>
      %broadcast_in_dim3A_324 = arith.constant 1 : i32
      %broadcast_in_dim3A_325 = vector.broadcast %broadcast_in_dim3A_324 : i32 to vector<16xi32>
      %gather3A_326 = tpu.vector_load_idx %arg15[%add3A_312, %broadcast_in_dim3A_325] : memref<128x4xf32, #tpu.memory_space<vmem>>[vector<16xi32>, vector<16xi32>], vector<16xf32>,
      %gather3A_327 = tpu.vector_load_idx %arg17[%add3A_312, %broadcast_in_dim3A_325] : memref<128x16xf32, #tpu.memory_space<vmem>>[vector<16xi32>, vector<16xi32>], vector<16xf32>,
      %add3A_328 = arith.constant 1.000000e-10 : f32
      %add3A_329 = vector.broadcast %add3A_328 : f32 to vector<16xf32>
      %add3A_330 = arith.addf %gather3A_327, %add3A_329 : vector<16xf32>
      %div3A_331 = arith.divf %gather3A_326, %add3A_330 : vector<16xf32>
      %add3A_332 = arith.addf %add3A_323, %div3A_331 : vector<16xf32>
      %broadcast_in_dim3A_333 = arith.constant 2 : i32
      %broadcast_in_dim3A_334 = vector.broadcast %broadcast_in_dim3A_333 : i32 to vector<16xi32>
      %gather3A_335 = tpu.vector_load_idx %arg15[%add3A_312, %broadcast_in_dim3A_334] : memref<128x4xf32, #tpu.memory_space<vmem>>[vector<16xi32>, vector<16xi32>], vector<16xf32>,
      %gather3A_336 = tpu.vector_load_idx %arg17[%add3A_312, %broadcast_in_dim3A_334] : memref<128x16xf32, #tpu.memory_space<vmem>>[vector<16xi32>, vector<16xi32>], vector<16xf32>,
      %add3A_337 = arith.constant 1.000000e-10 : f32
      %add3A_338 = vector.broadcast %add3A_337 : f32 to vector<16xf32>
      %add3A_339 = arith.addf %gather3A_336, %add3A_338 : vector<16xf32>
      %div3A_340 = arith.divf %gather3A_335, %add3A_339 : vector<16xf32>
      %add3A_341 = arith.addf %add3A_332, %div3A_340 : vector<16xf32>
      %broadcast_in_dim3A_342 = arith.constant 3 : i32
      %broadcast_in_dim3A_343 = vector.broadcast %broadcast_in_dim3A_342 : i32 to vector<16xi32>
      %gather3A_344 = tpu.vector_load_idx %arg15[%add3A_312, %broadcast_in_dim3A_343] : memref<128x4xf32, #tpu.memory_space<vmem>>[vector<16xi32>, vector<16xi32>], vector<16xf32>,
      %gather3A_345 = tpu.vector_load_idx %arg17[%add3A_312, %broadcast_in_dim3A_343] : memref<128x16xf32, #tpu.memory_space<vmem>>[vector<16xi32>, vector<16xi32>], vector<16xf32>,
      %add3A_346 = arith.constant 1.000000e-10 : f32
      %add3A_347 = vector.broadcast %add3A_346 : f32 to vector<16xf32>
      %add3A_348 = arith.addf %gather3A_345, %add3A_347 : vector<16xf32>
      %div3A_349 = arith.divf %gather3A_344, %add3A_348 : vector<16xf32>
      %add3A_350 = arith.addf %add3A_341, %div3A_349 : vector<16xf32>
      %mul3A_351 = arith.constant 2.500000e-01 : f32
      %mul3A_352 = vector.broadcast %mul3A_351 : f32 to vector<16xf32>
      %mul3A_353 = arith.mulf %add3A_350, %mul3A_352 : vector<16xf32>
      %swap3A_354 = arith.constant 80 : index
      %swap3A_355 = tpu.vector_load %arg13[%swap3A_354] {strides = array<i32>} : memref<128xf32, #tpu.memory_space<vmem>>, vector<16xf32>,
      tpu.vector_store %arg13[%swap3A_354], %mul3A_353 {strides = array<i32>} : memref<128xf32, #tpu.memory_space<vmem>>, vector<16xf32>,
      %iota3A_356 = tpu.iota {dimensions = array<i32: 0>} : vector<16xi32>
      %add3A_357 = arith.constant 96 : i32
      %add3A_358 = vector.broadcast %add3A_357 : i32 to vector<16xi32>
      %add3A_359 = arith.addi %iota3A_356, %add3A_358 : vector<16xi32>
      %broadcast_in_dim3A_360 = arith.constant 0.000000e+00 : f32
      %broadcast_in_dim3A_361 = vector.broadcast %broadcast_in_dim3A_360 : f32 to vector<16xf32>
      %broadcast_in_dim3A_362 = arith.constant 0 : i32
      %broadcast_in_dim3A_363 = vector.broadcast %broadcast_in_dim3A_362 : i32 to vector<16xi32>
      %gather3A_364 = tpu.vector_load_idx %arg15[%add3A_359, %broadcast_in_dim3A_363] : memref<128x4xf32, #tpu.memory_space<vmem>>[vector<16xi32>, vector<16xi32>], vector<16xf32>,
      %gather3A_365 = tpu.vector_load_idx %arg17[%add3A_359, %broadcast_in_dim3A_363] : memref<128x16xf32, #tpu.memory_space<vmem>>[vector<16xi32>, vector<16xi32>], vector<16xf32>,
      %add3A_366 = arith.constant 1.000000e-10 : f32
      %add3A_367 = vector.broadcast %add3A_366 : f32 to vector<16xf32>
      %add3A_368 = arith.addf %gather3A_365, %add3A_367 : vector<16xf32>
      %div3A_369 = arith.divf %gather3A_364, %add3A_368 : vector<16xf32>
      %add3A_370 = arith.addf %broadcast_in_dim3A_361, %div3A_369 : vector<16xf32>
      %broadcast_in_dim3A_371 = arith.constant 1 : i32
      %broadcast_in_dim3A_372 = vector.broadcast %broadcast_in_dim3A_371 : i32 to vector<16xi32>
      %gather3A_373 = tpu.vector_load_idx %arg15[%add3A_359, %broadcast_in_dim3A_372] : memref<128x4xf32, #tpu.memory_space<vmem>>[vector<16xi32>, vector<16xi32>], vector<16xf32>,
      %gather3A_374 = tpu.vector_load_idx %arg17[%add3A_359, %broadcast_in_dim3A_372] : memref<128x16xf32, #tpu.memory_space<vmem>>[vector<16xi32>, vector<16xi32>], vector<16xf32>,
      %add3A_375 = arith.constant 1.000000e-10 : f32
      %add3A_376 = vector.broadcast %add3A_375 : f32 to vector<16xf32>
      %add3A_377 = arith.addf %gather3A_374, %add3A_376 : vector<16xf32>
      %div3A_378 = arith.divf %gather3A_373, %add3A_377 : vector<16xf32>
      %add3A_379 = arith.addf %add3A_370, %div3A_378 : vector<16xf32>
      %broadcast_in_dim3A_380 = arith.constant 2 : i32
      %broadcast_in_dim3A_381 = vector.broadcast %broadcast_in_dim3A_380 : i32 to vector<16xi32>
      %gather3A_382 = tpu.vector_load_idx %arg15[%add3A_359, %broadcast_in_dim3A_381] : memref<128x4xf32, #tpu.memory_space<vmem>>[vector<16xi32>, vector<16xi32>], vector<16xf32>,
      %gather3A_383 = tpu.vector_load_idx %arg17[%add3A_359, %broadcast_in_dim3A_381] : memref<128x16xf32, #tpu.memory_space<vmem>>[vector<16xi32>, vector<16xi32>], vector<16xf32>,
      %add3A_384 = arith.constant 1.000000e-10 : f32
      %add3A_385 = vector.broadcast %add3A_384 : f32 to vector<16xf32>
      %add3A_386 = arith.addf %gather3A_383, %add3A_385 : vector<16xf32>
      %div3A_387 = arith.divf %gather3A_382, %add3A_386 : vector<16xf32>
      %add3A_388 = arith.addf %add3A_379, %div3A_387 : vector<16xf32>
      %broadcast_in_dim3A_389 = arith.constant 3 : i32
      %broadcast_in_dim3A_390 = vector.broadcast %broadcast_in_dim3A_389 : i32 to vector<16xi32>
      %gather3A_391 = tpu.vector_load_idx %arg15[%add3A_359, %broadcast_in_dim3A_390] : memref<128x4xf32, #tpu.memory_space<vmem>>[vector<16xi32>, vector<16xi32>], vector<16xf32>,
      %gather3A_392 = tpu.vector_load_idx %arg17[%add3A_359, %broadcast_in_dim3A_390] : memref<128x16xf32, #tpu.memory_space<vmem>>[vector<16xi32>, vector<16xi32>], vector<16xf32>,
      %add3A_393 = arith.constant 1.000000e-10 : f32
      %add3A_394 = vector.broadcast %add3A_393 : f32 to vector<16xf32>
      %add3A_395 = arith.addf %gather3A_392, %add3A_394 : vector<16xf32>
      %div3A_396 = arith.divf %gather3A_391, %add3A_395 : vector<16xf32>
      %add3A_397 = arith.addf %add3A_388, %div3A_396 : vector<16xf32>
      %mul3A_398 = arith.constant 2.500000e-01 : f32
      %mul3A_399 = vector.broadcast %mul3A_398 : f32 to vector<16xf32>
      %mul3A_400 = arith.mulf %add3A_397, %mul3A_399 : vector<16xf32>
      %swap3A_401 = arith.constant 96 : index
      %swap3A_402 = tpu.vector_load %arg13[%swap3A_401] {strides = array<i32>} : memref<128xf32, #tpu.memory_space<vmem>>, vector<16xf32>,
      tpu.vector_store %arg13[%swap3A_401], %mul3A_400 {strides = array<i32>} : memref<128xf32, #tpu.memory_space<vmem>>, vector<16xf32>,
      %iota3A_403 = tpu.iota {dimensions = array<i32: 0>} : vector<16xi32>
      %add3A_404 = arith.constant 112 : i32
      %add3A_405 = vector.broadcast %add3A_404 : i32 to vector<16xi32>
      %add3A_406 = arith.addi %iota3A_403, %add3A_405 : vector<16xi32>
      %broadcast_in_dim3A_407 = arith.constant 0.000000e+00 : f32
      %broadcast_in_dim3A_408 = vector.broadcast %broadcast_in_dim3A_407 : f32 to vector<16xf32>
      %broadcast_in_dim3A_409 = arith.constant 0 : i32
      %broadcast_in_dim3A_410 = vector.broadcast %broadcast_in_dim3A_409 : i32 to vector<16xi32>
      %gather3A_411 = tpu.vector_load_idx %arg15[%add3A_406, %broadcast_in_dim3A_410] : memref<128x4xf32, #tpu.memory_space<vmem>>[vector<16xi32>, vector<16xi32>], vector<16xf32>,
      %gather3A_412 = tpu.vector_load_idx %arg17[%add3A_406, %broadcast_in_dim3A_410] : memref<128x16xf32, #tpu.memory_space<vmem>>[vector<16xi32>, vector<16xi32>], vector<16xf32>,
      %add3A_413 = arith.constant 1.000000e-10 : f32
      %add3A_414 = vector.broadcast %add3A_413 : f32 to vector<16xf32>
      %add3A_415 = arith.addf %gather3A_412, %add3A_414 : vector<16xf32>
      %div3A_416 = arith.divf %gather3A_411, %add3A_415 : vector<16xf32>
      %add3A_417 = arith.addf %broadcast_in_dim3A_408, %div3A_416 : vector<16xf32>
      %broadcast_in_dim3A_418 = arith.constant 1 : i32
      %broadcast_in_dim3A_419 = vector.broadcast %broadcast_in_dim3A_418 : i32 to vector<16xi32>
      %gather3A_420 = tpu.vector_load_idx %arg15[%add3A_406, %broadcast_in_dim3A_419] : memref<128x4xf32, #tpu.memory_space<vmem>>[vector<16xi32>, vector<16xi32>], vector<16xf32>,
      %gather3A_421 = tpu.vector_load_idx %arg17[%add3A_406, %broadcast_in_dim3A_419] : memref<128x16xf32, #tpu.memory_space<vmem>>[vector<16xi32>, vector<16xi32>], vector<16xf32>,
      %add3A_422 = arith.constant 1.000000e-10 : f32
      %add3A_423 = vector.broadcast %add3A_422 : f32 to vector<16xf32>
      %add3A_424 = arith.addf %gather3A_421, %add3A_423 : vector<16xf32>
      %div3A_425 = arith.divf %gather3A_420, %add3A_424 : vector<16xf32>
      %add3A_426 = arith.addf %add3A_417, %div3A_425 : vector<16xf32>
      %broadcast_in_dim3A_427 = arith.constant 2 : i32
      %broadcast_in_dim3A_428 = vector.broadcast %broadcast_in_dim3A_427 : i32 to vector<16xi32>
      %gather3A_429 = tpu.vector_load_idx %arg15[%add3A_406, %broadcast_in_dim3A_428] : memref<128x4xf32, #tpu.memory_space<vmem>>[vector<16xi32>, vector<16xi32>], vector<16xf32>,
      %gather3A_430 = tpu.vector_load_idx %arg17[%add3A_406, %broadcast_in_dim3A_428] : memref<128x16xf32, #tpu.memory_space<vmem>>[vector<16xi32>, vector<16xi32>], vector<16xf32>,
      %add3A_431 = arith.constant 1.000000e-10 : f32
      %add3A_432 = vector.broadcast %add3A_431 : f32 to vector<16xf32>
      %add3A_433 = arith.addf %gather3A_430, %add3A_432 : vector<16xf32>
      %div3A_434 = arith.divf %gather3A_429, %add3A_433 : vector<16xf32>
      %add3A_435 = arith.addf %add3A_426, %div3A_434 : vector<16xf32>
      %broadcast_in_dim3A_436 = arith.constant 3 : i32
      %broadcast_in_dim3A_437 = vector.broadcast %broadcast_in_dim3A_436 : i32 to vector<16xi32>
      %gather3A_438 = tpu.vector_load_idx %arg15[%add3A_406, %broadcast_in_dim3A_437] : memref<128x4xf32, #tpu.memory_space<vmem>>[vector<16xi32>, vector<16xi32>], vector<16xf32>,
      %gather3A_439 = tpu.vector_load_idx %arg17[%add3A_406, %broadcast_in_dim3A_437] : memref<128x16xf32, #tpu.memory_space<vmem>>[vector<16xi32>, vector<16xi32>], vector<16xf32>,
      %add3A_440 = arith.constant 1.000000e-10 : f32
      %add3A_441 = vector.broadcast %add3A_440 : f32 to vector<16xf32>
      %add3A_442 = arith.addf %gather3A_439, %add3A_441 : vector<16xf32>
      %div3A_443 = arith.divf %gather3A_438, %add3A_442 : vector<16xf32>
      %add3A_444 = arith.addf %add3A_435, %div3A_443 : vector<16xf32>
      %mul3A_445 = arith.constant 2.500000e-01 : f32
      %mul3A_446 = vector.broadcast %mul3A_445 : f32 to vector<16xf32>
      %mul3A_447 = arith.mulf %add3A_444, %mul3A_446 : vector<16xf32>
      %swap3A_448 = arith.constant 112 : index
      %swap3A_449 = tpu.vector_load %arg13[%swap3A_448] {strides = array<i32>} : memref<128xf32, #tpu.memory_space<vmem>>, vector<16xf32>,
      tpu.vector_store %arg13[%swap3A_448], %mul3A_447 {strides = array<i32>} : memref<128xf32, #tpu.memory_space<vmem>>, vector<16xf32>,
      %iota3A_450 = tpu.iota {dimensions = array<i32: 0>} : vector<16xi32>
      %mul3A_451 = arith.constant 2 : i32
      %mul3A_452 = vector.broadcast %mul3A_451 : i32 to vector<16xi32>
      %mul3A_453 = arith.muli %iota3A_450, %mul3A_452 : vector<16xi32>
      %scan3A_454 = arith.constant 0 : i32
      %scan3A_455 = arith.constant 0 : i32
      %scan3A_456 = arith.constant 128 : i32
      %scan3A_457 = arith.addi %scan3A_455, %scan3A_456 : i32
      %scan3A_458 = arith.constant 1 : i32
      scf.for %scan3A_870 = %scan3A_455 to %scan3A_457 step %scan3A_458  : i32 {
        %broadcast_in_dim3A_871 = vector.broadcast %scan3A_870 : i32 to vector<16xi32>
        %gather3A_872 = tpu.vector_load_idx %arg13[%broadcast_in_dim3A_871] : memref<128xf32, #tpu.memory_space<vmem>>[vector<16xi32>], vector<16xf32>,
        %get3A = arith.index_cast %scan3A_870 : i32 to index
        %get3A_873 = arith.constant 0 : index
        %get3A_874 = tpu.vector_load %arg19[%get3A, %get3A_873] {strides = array<i32>} : memref<128x128xbf16, #tpu.memory_space<vmem>>, vector<32xbf16>,
        %unpack3A = tpu.unpack_subelements %get3A_874, 0 {pack_format = #tpu.pack_format<interleaved>} : vector<32xbf16> -> vector<16xf32>
        %unpack3A_875 = tpu.unpack_subelements %get3A_874, 1 {pack_format = #tpu.pack_format<interleaved>} : vector<32xbf16> -> vector<16xf32>
        %add3A_876 = arith.constant 0 : i32
        %add3A_877 = vector.broadcast %add3A_876 : i32 to vector<16xi32>
        %add3A_878 = arith.addi %mul3A_453, %add3A_877 : vector<16xi32>
        %mul3A_879 = arith.mulf %unpack3A, %gather3A_872 : vector<16xf32>
        tpu.vector_store_idx %arg21[%broadcast_in_dim3A_871, %add3A_878], %mul3A_879 : memref<128x128xf32, #tpu.memory_space<vmem>>[vector<16xi32>, vector<16xi32>], vector<16xf32>,
        %add3A_880 = arith.constant 1 : i32
        %add3A_881 = vector.broadcast %add3A_880 : i32 to vector<16xi32>
        %add3A_882 = arith.addi %add3A_878, %add3A_881 : vector<16xi32>
        %mul3A_883 = arith.mulf %unpack3A_875, %gather3A_872 : vector<16xf32>
        tpu.vector_store_idx %arg21[%broadcast_in_dim3A_871, %add3A_882], %mul3A_883 : memref<128x128xf32, #tpu.memory_space<vmem>>[vector<16xi32>, vector<16xi32>], vector<16xf32>,
        %get3A_884 = arith.index_cast %scan3A_870 : i32 to index
        %get3A_885 = arith.constant 32 : index
        %get3A_886 = tpu.vector_load %arg19[%get3A_884, %get3A_885] {strides = array<i32>} : memref<128x128xbf16, #tpu.memory_space<vmem>>, vector<32xbf16>,
        %unpack3A_887 = tpu.unpack_subelements %get3A_886, 0 {pack_format = #tpu.pack_format<interleaved>} : vector<32xbf16> -> vector<16xf32>
        %unpack3A_888 = tpu.unpack_subelements %get3A_886, 1 {pack_format = #tpu.pack_format<interleaved>} : vector<32xbf16> -> vector<16xf32>
        %add3A_889 = arith.constant 32 : i32
        %add3A_890 = vector.broadcast %add3A_889 : i32 to vector<16xi32>
        %add3A_891 = arith.addi %mul3A_453, %add3A_890 : vector<16xi32>
        %mul3A_892 = arith.mulf %unpack3A_887, %gather3A_872 : vector<16xf32>
        tpu.vector_store_idx %arg21[%broadcast_in_dim3A_871, %add3A_891], %mul3A_892 : memref<128x128xf32, #tpu.memory_space<vmem>>[vector<16xi32>, vector<16xi32>], vector<16xf32>,
        %add3A_893 = arith.constant 1 : i32
        %add3A_894 = vector.broadcast %add3A_893 : i32 to vector<16xi32>
        %add3A_895 = arith.addi %add3A_891, %add3A_894 : vector<16xi32>
        %mul3A_896 = arith.mulf %unpack3A_888, %gather3A_872 : vector<16xf32>
        tpu.vector_store_idx %arg21[%broadcast_in_dim3A_871, %add3A_895], %mul3A_896 : memref<128x128xf32, #tpu.memory_space<vmem>>[vector<16xi32>, vector<16xi32>], vector<16xf32>,
        %get3A_897 = arith.index_cast %scan3A_870 : i32 to index
        %get3A_898 = arith.constant 64 : index
        %get3A_899 = tpu.vector_load %arg19[%get3A_897, %get3A_898] {strides = array<i32>} : memref<128x128xbf16, #tpu.memory_space<vmem>>, vector<32xbf16>,
        %unpack3A_900 = tpu.unpack_subelements %get3A_899, 0 {pack_format = #tpu.pack_format<interleaved>} : vector<32xbf16> -> vector<16xf32>
        %unpack3A_901 = tpu.unpack_subelements %get3A_899, 1 {pack_format = #tpu.pack_format<interleaved>} : vector<32xbf16> -> vector<16xf32>
        %add3A_902 = arith.constant 64 : i32
        %add3A_903 = vector.broadcast %add3A_902 : i32 to vector<16xi32>
        %add3A_904 = arith.addi %mul3A_453, %add3A_903 : vector<16xi32>
        %mul3A_905 = arith.mulf %unpack3A_900, %gather3A_872 : vector<16xf32>
        tpu.vector_store_idx %arg21[%broadcast_in_dim3A_871, %add3A_904], %mul3A_905 : memref<128x128xf32, #tpu.memory_space<vmem>>[vector<16xi32>, vector<16xi32>], vector<16xf32>,
        %add3A_906 = arith.constant 1 : i32
        %add3A_907 = vector.broadcast %add3A_906 : i32 to vector<16xi32>
        %add3A_908 = arith.addi %add3A_904, %add3A_907 : vector<16xi32>
        %mul3A_909 = arith.mulf %unpack3A_901, %gather3A_872 : vector<16xf32>
        tpu.vector_store_idx %arg21[%broadcast_in_dim3A_871, %add3A_908], %mul3A_909 : memref<128x128xf32, #tpu.memory_space<vmem>>[vector<16xi32>, vector<16xi32>], vector<16xf32>,
        %get3A_910 = arith.index_cast %scan3A_870 : i32 to index
        %get3A_911 = arith.constant 96 : index
        %get3A_912 = tpu.vector_load %arg19[%get3A_910, %get3A_911] {strides = array<i32>} : memref<128x128xbf16, #tpu.memory_space<vmem>>, vector<32xbf16>,
        %unpack3A_913 = tpu.unpack_subelements %get3A_912, 0 {pack_format = #tpu.pack_format<interleaved>} : vector<32xbf16> -> vector<16xf32>
        %unpack3A_914 = tpu.unpack_subelements %get3A_912, 1 {pack_format = #tpu.pack_format<interleaved>} : vector<32xbf16> -> vector<16xf32>
        %add3A_915 = arith.constant 96 : i32
        %add3A_916 = vector.broadcast %add3A_915 : i32 to vector<16xi32>
        %add3A_917 = arith.addi %mul3A_453, %add3A_916 : vector<16xi32>
        %mul3A_918 = arith.mulf %unpack3A_913, %gather3A_872 : vector<16xf32>
        tpu.vector_store_idx %arg21[%broadcast_in_dim3A_871, %add3A_917], %mul3A_918 : memref<128x128xf32, #tpu.memory_space<vmem>>[vector<16xi32>, vector<16xi32>], vector<16xf32>,
        %add3A_919 = arith.constant 1 : i32
        %add3A_920 = vector.broadcast %add3A_919 : i32 to vector<16xi32>
        %add3A_921 = arith.addi %add3A_917, %add3A_920 : vector<16xi32>
        %mul3A_922 = arith.mulf %unpack3A_914, %gather3A_872 : vector<16xf32>
        tpu.vector_store_idx %arg21[%broadcast_in_dim3A_871, %add3A_921], %mul3A_922 : memref<128x128xf32, #tpu.memory_space<vmem>>[vector<16xi32>, vector<16xi32>], vector<16xf32>,
      }
      %scan3A_459 = arith.constant 128 : i32
      "tpu.region"() ({
        %run_scoped3A = tpu.sem_alloc : memref<!tpu.dma_semaphore, #tpu.memory_space<semaphore_mem>>
        %dma_start3A_870 = arith.constant 0 : i32
        %dma_start3A_871 = arith.constant 0 : i32
        %dma_start3A_872 = tpu.memref_slice %arg22[%dma_start3A_870, %dma_start3A_871] : memref<10240x128xf32, #tpu.memory_space<vmem_shared>> -> memref<10240x128xf32, #tpu.memory_space<vmem_shared>>
        tpu.enqueue_indirect_dma source(%arg21 : memref<128x128xf32, #tpu.memory_space<vmem>>) target(%dma_start3A_872 : memref<10240x128xf32, #tpu.memory_space<vmem_shared>>) offsets(%arg9 : memref<128xi32, #tpu.memory_space<vmem>>) semaphore(%run_scoped3A : memref<!tpu.dma_semaphore, #tpu.memory_space<semaphore_mem>>) {add = true}
        %dma_wait3A_873 = arith.constant 0 : i32
        %dma_wait3A_874 = arith.constant 0 : i32
        %dma_wait3A_875 = tpu.memref_slice %arg22[%dma_wait3A_873, %dma_wait3A_874] : memref<10240x128xf32, #tpu.memory_space<vmem_shared>> -> memref<10240x128xf32, #tpu.memory_space<vmem_shared>>
        tpu.wait_indirect_dma semaphore(%run_scoped3A : memref<!tpu.dma_semaphore, #tpu.memory_space<semaphore_mem>>) src(%arg21 : memref<128x128xf32, #tpu.memory_space<vmem>>) dst(%dma_wait3A_875 : memref<10240x128xf32, #tpu.memory_space<vmem_shared>>)
        tpu.yield
      }) : () -> ()
      %add3A_460 = arith.constant 2 : i32
      %add3A_461 = arith.addi %mul3A_51, %add3A_460 : i32
      %lt3A = arith.constant 80 : i32
      %lt3A_462 = arith.cmpi slt, %add3A_461, %lt3A : i32
      %convert_element_type3A = arith.extui %lt3A_462 : i1 to i32
      %cond3A = arith.constant 0 : i32
      %cond3A_463 = arith.cmpi ne, %convert_element_type3A, %cond3A : i32
      scf.if %cond3A_463 {
        %add3A_870 = arith.constant 2 : i32
        %add3A_871 = arith.addi %mul3A_51, %add3A_870 : i32
        %mul3A_872 = arith.constant 10240 : i32
        %mul3A_873 = arith.muli %add3A, %mul3A_872 : i32
        %mul3A_874 = arith.constant 128 : i32
        %mul3A_875 = arith.muli %add3A_871, %mul3A_874 : i32
        %add3A_876 = arith.addi %mul3A_873, %mul3A_875 : i32
        %dma_start3A_877 = tpu.memref_slice %arg3[%add3A_876] : memref<327680xi32, #tpu.memory_space<hbm>> -> memref<128xi32, #tpu.memory_space<hbm>>
        %dma_start3A_878 = tpu.memref_slice %arg3[%add3A_876] : memref<327680xi32, #tpu.memory_space<hbm>> -> memref<128xi32, #tpu.memory_space<hbm>>
        tpu.enqueue_dma source(%dma_start3A_878 : memref<128xi32, #tpu.memory_space<hbm>>) target(%arg9 : memref<128xi32, #tpu.memory_space<vmem>>) target_semaphore(%arg25 : memref<!tpu.dma_semaphore, #tpu.memory_space<semaphore_mem>>)
        %dma_start3A_879 = tpu.memref_slice %arg4[%add3A_876] : memref<327680xi32, #tpu.memory_space<hbm>> -> memref<128xi32, #tpu.memory_space<hbm>>
        %dma_start3A_880 = tpu.memref_slice %arg4[%add3A_876] : memref<327680xi32, #tpu.memory_space<hbm>> -> memref<128xi32, #tpu.memory_space<hbm>>
        tpu.enqueue_dma source(%dma_start3A_880 : memref<128xi32, #tpu.memory_space<hbm>>) target(%arg11 : memref<128xi32, #tpu.memory_space<vmem>>) target_semaphore(%arg25 : memref<!tpu.dma_semaphore, #tpu.memory_space<semaphore_mem>>)
        %dma_start3A_881 = arith.constant 0 : i32
        %dma_start3A_882 = tpu.memref_slice %arg5[%add3A_876, %dma_start3A_881] : memref<327680x4xf32, #tpu.memory_space<hbm>> -> memref<128x4xf32, #tpu.memory_space<hbm>>
        %dma_start3A_883 = arith.constant 0 : i32
        %dma_start3A_884 = tpu.memref_slice %arg5[%add3A_876, %dma_start3A_883] : memref<327680x4xf32, #tpu.memory_space<hbm>> -> memref<128x4xf32, #tpu.memory_space<hbm>>
        tpu.enqueue_dma source(%dma_start3A_884 : memref<128x4xf32, #tpu.memory_space<hbm>>) target(%arg15 : memref<128x4xf32, #tpu.memory_space<vmem>>) target_semaphore(%arg25 : memref<!tpu.dma_semaphore, #tpu.memory_space<semaphore_mem>>)
      } else {
      }
      %add3A_464 = arith.constant 2 : i32
      %add3A_465 = arith.addi %mul3A_51, %add3A_464 : i32
      %lt3A_466 = arith.constant 80 : i32
      %lt3A_467 = arith.cmpi slt, %add3A_465, %lt3A_466 : i32
      %convert_element_type3A_468 = arith.extui %lt3A_467 : i1 to i32
      %cond3A_469 = arith.constant 0 : i32
      %cond3A_470 = arith.cmpi ne, %convert_element_type3A_468, %cond3A_469 : i32
      scf.if %cond3A_470 {
        %add3A_870 = arith.constant 2 : i32
        %add3A_871 = arith.addi %mul3A_51, %add3A_870 : i32
        %mul3A_872 = arith.constant 10240 : i32
        %mul3A_873 = arith.muli %add3A, %mul3A_872 : i32
        %mul3A_874 = arith.constant 128 : i32
        %mul3A_875 = arith.muli %add3A_871, %mul3A_874 : i32
        %add3A_876 = arith.addi %mul3A_873, %mul3A_875 : i32
        %dma_wait3A_877 = tpu.memref_slice %arg3[%add3A_876] : memref<327680xi32, #tpu.memory_space<hbm>> -> memref<128xi32, #tpu.memory_space<hbm>>
        %dma_wait3A_878 = tpu.memref_slice %arg3[%add3A_876] : memref<327680xi32, #tpu.memory_space<hbm>> -> memref<128xi32, #tpu.memory_space<hbm>>
        tpu.wait_dma2 semaphore(%arg25 : memref<!tpu.dma_semaphore, #tpu.memory_space<semaphore_mem>>) src(%dma_wait3A_878 : memref<128xi32, #tpu.memory_space<hbm>>) dst(%arg9 : memref<128xi32, #tpu.memory_space<vmem>>)
        %dma_wait3A_879 = tpu.memref_slice %arg4[%add3A_876] : memref<327680xi32, #tpu.memory_space<hbm>> -> memref<128xi32, #tpu.memory_space<hbm>>
        %dma_wait3A_880 = tpu.memref_slice %arg4[%add3A_876] : memref<327680xi32, #tpu.memory_space<hbm>> -> memref<128xi32, #tpu.memory_space<hbm>>
        tpu.wait_dma2 semaphore(%arg25 : memref<!tpu.dma_semaphore, #tpu.memory_space<semaphore_mem>>) src(%dma_wait3A_880 : memref<128xi32, #tpu.memory_space<hbm>>) dst(%arg11 : memref<128xi32, #tpu.memory_space<vmem>>)
        %dma_wait3A_881 = arith.constant 0 : i32
        %dma_wait3A_882 = tpu.memref_slice %arg5[%add3A_876, %dma_wait3A_881] : memref<327680x4xf32, #tpu.memory_space<hbm>> -> memref<128x4xf32, #tpu.memory_space<hbm>>
        %dma_wait3A_883 = arith.constant 0 : i32
        %dma_wait3A_884 = tpu.memref_slice %arg5[%add3A_876, %dma_wait3A_883] : memref<327680x4xf32, #tpu.memory_space<hbm>> -> memref<128x4xf32, #tpu.memory_space<hbm>>
        tpu.wait_dma2 semaphore(%arg25 : memref<!tpu.dma_semaphore, #tpu.memory_space<semaphore_mem>>) src(%dma_wait3A_884 : memref<128x4xf32, #tpu.memory_space<hbm>>) dst(%arg15 : memref<128x4xf32, #tpu.memory_space<vmem>>)
        %dma_start3A_885 = arith.constant 0 : i32
        %dma_start3A_886 = arith.constant 0 : i32
        %dma_start3A_887 = tpu.memref_slice %arg2[%dma_start3A_885, %dma_start3A_886] : memref<10240x128xbf16, #tpu.memory_space<hbm>> -> memref<10240x128xbf16, #tpu.memory_space<hbm>>
        tpu.enqueue_indirect_dma source(%dma_start3A_887 : memref<10240x128xbf16, #tpu.memory_space<hbm>>) target(%arg19 : memref<128x128xbf16, #tpu.memory_space<vmem>>) offsets(%arg11 : memref<128xi32, #tpu.memory_space<vmem>>) semaphore(%arg23 : memref<!tpu.dma_semaphore, #tpu.memory_space<semaphore_mem>>)
        %dma_start3A_888 = arith.constant 0 : i32
        %dma_start3A_889 = arith.constant 0 : i32
        %dma_start3A_890 = tpu.memref_slice %arg6[%dma_start3A_888, %dma_start3A_889] : memref<10240x16xf32, #tpu.memory_space<hbm>> -> memref<10240x16xf32, #tpu.memory_space<hbm>>
        tpu.enqueue_indirect_dma source(%dma_start3A_890 : memref<10240x16xf32, #tpu.memory_space<hbm>>) target(%arg17 : memref<128x16xf32, #tpu.memory_space<vmem>>) offsets(%arg9 : memref<128xi32, #tpu.memory_space<vmem>>) semaphore(%arg23 : memref<!tpu.dma_semaphore, #tpu.memory_space<semaphore_mem>>)
      } else {
      }
      %dma_wait3A_471 = arith.constant 0 : i32
      %dma_wait3A_472 = arith.constant 0 : i32
      %dma_wait3A_473 = tpu.memref_slice %arg2[%dma_wait3A_471, %dma_wait3A_472] : memref<10240x128xbf16, #tpu.memory_space<hbm>> -> memref<10240x128xbf16, #tpu.memory_space<hbm>>
      tpu.wait_indirect_dma semaphore(%arg24 : memref<!tpu.dma_semaphore, #tpu.memory_space<semaphore_mem>>) src(%dma_wait3A_473 : memref<10240x128xbf16, #tpu.memory_space<hbm>>) dst(%arg20 : memref<128x128xbf16, #tpu.memory_space<vmem>>)
      %dma_wait3A_474 = arith.constant 0 : i32
      %dma_wait3A_475 = arith.constant 0 : i32
      %dma_wait3A_476 = tpu.memref_slice %arg6[%dma_wait3A_474, %dma_wait3A_475] : memref<10240x16xf32, #tpu.memory_space<hbm>> -> memref<10240x16xf32, #tpu.memory_space<hbm>>
      tpu.wait_indirect_dma semaphore(%arg24 : memref<!tpu.dma_semaphore, #tpu.memory_space<semaphore_mem>>) src(%dma_wait3A_476 : memref<10240x16xf32, #tpu.memory_space<hbm>>) dst(%arg18 : memref<128x16xf32, #tpu.memory_space<vmem>>)
      %iota3A_477 = tpu.iota {dimensions = array<i32: 0>} : vector<16xi32>
      %add3A_478 = arith.constant 0 : i32
      %add3A_479 = vector.broadcast %add3A_478 : i32 to vector<16xi32>
      %add3A_480 = arith.addi %iota3A_477, %add3A_479 : vector<16xi32>
      %broadcast_in_dim3A_481 = arith.constant 0.000000e+00 : f32
      %broadcast_in_dim3A_482 = vector.broadcast %broadcast_in_dim3A_481 : f32 to vector<16xf32>
      %broadcast_in_dim3A_483 = arith.constant 0 : i32
      %broadcast_in_dim3A_484 = vector.broadcast %broadcast_in_dim3A_483 : i32 to vector<16xi32>
      %gather3A_485 = tpu.vector_load_idx %arg16[%add3A_480, %broadcast_in_dim3A_484] : memref<128x4xf32, #tpu.memory_space<vmem>>[vector<16xi32>, vector<16xi32>], vector<16xf32>,
      %gather3A_486 = tpu.vector_load_idx %arg18[%add3A_480, %broadcast_in_dim3A_484] : memref<128x16xf32, #tpu.memory_space<vmem>>[vector<16xi32>, vector<16xi32>], vector<16xf32>,
      %add3A_487 = arith.constant 1.000000e-10 : f32
      %add3A_488 = vector.broadcast %add3A_487 : f32 to vector<16xf32>
      %add3A_489 = arith.addf %gather3A_486, %add3A_488 : vector<16xf32>
      %div3A_490 = arith.divf %gather3A_485, %add3A_489 : vector<16xf32>
      %add3A_491 = arith.addf %broadcast_in_dim3A_482, %div3A_490 : vector<16xf32>
      %broadcast_in_dim3A_492 = arith.constant 1 : i32
      %broadcast_in_dim3A_493 = vector.broadcast %broadcast_in_dim3A_492 : i32 to vector<16xi32>
      %gather3A_494 = tpu.vector_load_idx %arg16[%add3A_480, %broadcast_in_dim3A_493] : memref<128x4xf32, #tpu.memory_space<vmem>>[vector<16xi32>, vector<16xi32>], vector<16xf32>,
      %gather3A_495 = tpu.vector_load_idx %arg18[%add3A_480, %broadcast_in_dim3A_493] : memref<128x16xf32, #tpu.memory_space<vmem>>[vector<16xi32>, vector<16xi32>], vector<16xf32>,
      %add3A_496 = arith.constant 1.000000e-10 : f32
      %add3A_497 = vector.broadcast %add3A_496 : f32 to vector<16xf32>
      %add3A_498 = arith.addf %gather3A_495, %add3A_497 : vector<16xf32>
      %div3A_499 = arith.divf %gather3A_494, %add3A_498 : vector<16xf32>
      %add3A_500 = arith.addf %add3A_491, %div3A_499 : vector<16xf32>
      %broadcast_in_dim3A_501 = arith.constant 2 : i32
      %broadcast_in_dim3A_502 = vector.broadcast %broadcast_in_dim3A_501 : i32 to vector<16xi32>
      %gather3A_503 = tpu.vector_load_idx %arg16[%add3A_480, %broadcast_in_dim3A_502] : memref<128x4xf32, #tpu.memory_space<vmem>>[vector<16xi32>, vector<16xi32>], vector<16xf32>,
      %gather3A_504 = tpu.vector_load_idx %arg18[%add3A_480, %broadcast_in_dim3A_502] : memref<128x16xf32, #tpu.memory_space<vmem>>[vector<16xi32>, vector<16xi32>], vector<16xf32>,
      %add3A_505 = arith.constant 1.000000e-10 : f32
      %add3A_506 = vector.broadcast %add3A_505 : f32 to vector<16xf32>
      %add3A_507 = arith.addf %gather3A_504, %add3A_506 : vector<16xf32>
      %div3A_508 = arith.divf %gather3A_503, %add3A_507 : vector<16xf32>
      %add3A_509 = arith.addf %add3A_500, %div3A_508 : vector<16xf32>
      %broadcast_in_dim3A_510 = arith.constant 3 : i32
      %broadcast_in_dim3A_511 = vector.broadcast %broadcast_in_dim3A_510 : i32 to vector<16xi32>
      %gather3A_512 = tpu.vector_load_idx %arg16[%add3A_480, %broadcast_in_dim3A_511] : memref<128x4xf32, #tpu.memory_space<vmem>>[vector<16xi32>, vector<16xi32>], vector<16xf32>,
      %gather3A_513 = tpu.vector_load_idx %arg18[%add3A_480, %broadcast_in_dim3A_511] : memref<128x16xf32, #tpu.memory_space<vmem>>[vector<16xi32>, vector<16xi32>], vector<16xf32>,
      %add3A_514 = arith.constant 1.000000e-10 : f32
      %add3A_515 = vector.broadcast %add3A_514 : f32 to vector<16xf32>
      %add3A_516 = arith.addf %gather3A_513, %add3A_515 : vector<16xf32>
      %div3A_517 = arith.divf %gather3A_512, %add3A_516 : vector<16xf32>
      %add3A_518 = arith.addf %add3A_509, %div3A_517 : vector<16xf32>
      %mul3A_519 = arith.constant 2.500000e-01 : f32
      %mul3A_520 = vector.broadcast %mul3A_519 : f32 to vector<16xf32>
      %mul3A_521 = arith.mulf %add3A_518, %mul3A_520 : vector<16xf32>
      %swap3A_522 = arith.constant 0 : index
      %swap3A_523 = tpu.vector_load %arg14[%swap3A_522] {strides = array<i32>} : memref<128xf32, #tpu.memory_space<vmem>>, vector<16xf32>,
      tpu.vector_store %arg14[%swap3A_522], %mul3A_521 {strides = array<i32>} : memref<128xf32, #tpu.memory_space<vmem>>, vector<16xf32>,
      %iota3A_524 = tpu.iota {dimensions = array<i32: 0>} : vector<16xi32>
      %add3A_525 = arith.constant 16 : i32
      %add3A_526 = vector.broadcast %add3A_525 : i32 to vector<16xi32>
      %add3A_527 = arith.addi %iota3A_524, %add3A_526 : vector<16xi32>
      %broadcast_in_dim3A_528 = arith.constant 0.000000e+00 : f32
      %broadcast_in_dim3A_529 = vector.broadcast %broadcast_in_dim3A_528 : f32 to vector<16xf32>
      %broadcast_in_dim3A_530 = arith.constant 0 : i32
      %broadcast_in_dim3A_531 = vector.broadcast %broadcast_in_dim3A_530 : i32 to vector<16xi32>
      %gather3A_532 = tpu.vector_load_idx %arg16[%add3A_527, %broadcast_in_dim3A_531] : memref<128x4xf32, #tpu.memory_space<vmem>>[vector<16xi32>, vector<16xi32>], vector<16xf32>,
      %gather3A_533 = tpu.vector_load_idx %arg18[%add3A_527, %broadcast_in_dim3A_531] : memref<128x16xf32, #tpu.memory_space<vmem>>[vector<16xi32>, vector<16xi32>], vector<16xf32>,
      %add3A_534 = arith.constant 1.000000e-10 : f32
      %add3A_535 = vector.broadcast %add3A_534 : f32 to vector<16xf32>
      %add3A_536 = arith.addf %gather3A_533, %add3A_535 : vector<16xf32>
      %div3A_537 = arith.divf %gather3A_532, %add3A_536 : vector<16xf32>
      %add3A_538 = arith.addf %broadcast_in_dim3A_529, %div3A_537 : vector<16xf32>
      %broadcast_in_dim3A_539 = arith.constant 1 : i32
      %broadcast_in_dim3A_540 = vector.broadcast %broadcast_in_dim3A_539 : i32 to vector<16xi32>
      %gather3A_541 = tpu.vector_load_idx %arg16[%add3A_527, %broadcast_in_dim3A_540] : memref<128x4xf32, #tpu.memory_space<vmem>>[vector<16xi32>, vector<16xi32>], vector<16xf32>,
      %gather3A_542 = tpu.vector_load_idx %arg18[%add3A_527, %broadcast_in_dim3A_540] : memref<128x16xf32, #tpu.memory_space<vmem>>[vector<16xi32>, vector<16xi32>], vector<16xf32>,
      %add3A_543 = arith.constant 1.000000e-10 : f32
      %add3A_544 = vector.broadcast %add3A_543 : f32 to vector<16xf32>
      %add3A_545 = arith.addf %gather3A_542, %add3A_544 : vector<16xf32>
      %div3A_546 = arith.divf %gather3A_541, %add3A_545 : vector<16xf32>
      %add3A_547 = arith.addf %add3A_538, %div3A_546 : vector<16xf32>
      %broadcast_in_dim3A_548 = arith.constant 2 : i32
      %broadcast_in_dim3A_549 = vector.broadcast %broadcast_in_dim3A_548 : i32 to vector<16xi32>
      %gather3A_550 = tpu.vector_load_idx %arg16[%add3A_527, %broadcast_in_dim3A_549] : memref<128x4xf32, #tpu.memory_space<vmem>>[vector<16xi32>, vector<16xi32>], vector<16xf32>,
      %gather3A_551 = tpu.vector_load_idx %arg18[%add3A_527, %broadcast_in_dim3A_549] : memref<128x16xf32, #tpu.memory_space<vmem>>[vector<16xi32>, vector<16xi32>], vector<16xf32>,
      %add3A_552 = arith.constant 1.000000e-10 : f32
      %add3A_553 = vector.broadcast %add3A_552 : f32 to vector<16xf32>
      %add3A_554 = arith.addf %gather3A_551, %add3A_553 : vector<16xf32>
      %div3A_555 = arith.divf %gather3A_550, %add3A_554 : vector<16xf32>
      %add3A_556 = arith.addf %add3A_547, %div3A_555 : vector<16xf32>
      %broadcast_in_dim3A_557 = arith.constant 3 : i32
      %broadcast_in_dim3A_558 = vector.broadcast %broadcast_in_dim3A_557 : i32 to vector<16xi32>
      %gather3A_559 = tpu.vector_load_idx %arg16[%add3A_527, %broadcast_in_dim3A_558] : memref<128x4xf32, #tpu.memory_space<vmem>>[vector<16xi32>, vector<16xi32>], vector<16xf32>,
      %gather3A_560 = tpu.vector_load_idx %arg18[%add3A_527, %broadcast_in_dim3A_558] : memref<128x16xf32, #tpu.memory_space<vmem>>[vector<16xi32>, vector<16xi32>], vector<16xf32>,
      %add3A_561 = arith.constant 1.000000e-10 : f32
      %add3A_562 = vector.broadcast %add3A_561 : f32 to vector<16xf32>
      %add3A_563 = arith.addf %gather3A_560, %add3A_562 : vector<16xf32>
      %div3A_564 = arith.divf %gather3A_559, %add3A_563 : vector<16xf32>
      %add3A_565 = arith.addf %add3A_556, %div3A_564 : vector<16xf32>
      %mul3A_566 = arith.constant 2.500000e-01 : f32
      %mul3A_567 = vector.broadcast %mul3A_566 : f32 to vector<16xf32>
      %mul3A_568 = arith.mulf %add3A_565, %mul3A_567 : vector<16xf32>
      %swap3A_569 = arith.constant 16 : index
      %swap3A_570 = tpu.vector_load %arg14[%swap3A_569] {strides = array<i32>} : memref<128xf32, #tpu.memory_space<vmem>>, vector<16xf32>,
      tpu.vector_store %arg14[%swap3A_569], %mul3A_568 {strides = array<i32>} : memref<128xf32, #tpu.memory_space<vmem>>, vector<16xf32>,
      %iota3A_571 = tpu.iota {dimensions = array<i32: 0>} : vector<16xi32>
      %add3A_572 = arith.constant 32 : i32
      %add3A_573 = vector.broadcast %add3A_572 : i32 to vector<16xi32>
      %add3A_574 = arith.addi %iota3A_571, %add3A_573 : vector<16xi32>
      %broadcast_in_dim3A_575 = arith.constant 0.000000e+00 : f32
      %broadcast_in_dim3A_576 = vector.broadcast %broadcast_in_dim3A_575 : f32 to vector<16xf32>
      %broadcast_in_dim3A_577 = arith.constant 0 : i32
      %broadcast_in_dim3A_578 = vector.broadcast %broadcast_in_dim3A_577 : i32 to vector<16xi32>
      %gather3A_579 = tpu.vector_load_idx %arg16[%add3A_574, %broadcast_in_dim3A_578] : memref<128x4xf32, #tpu.memory_space<vmem>>[vector<16xi32>, vector<16xi32>], vector<16xf32>,
      %gather3A_580 = tpu.vector_load_idx %arg18[%add3A_574, %broadcast_in_dim3A_578] : memref<128x16xf32, #tpu.memory_space<vmem>>[vector<16xi32>, vector<16xi32>], vector<16xf32>,
      %add3A_581 = arith.constant 1.000000e-10 : f32
      %add3A_582 = vector.broadcast %add3A_581 : f32 to vector<16xf32>
      %add3A_583 = arith.addf %gather3A_580, %add3A_582 : vector<16xf32>
      %div3A_584 = arith.divf %gather3A_579, %add3A_583 : vector<16xf32>
      %add3A_585 = arith.addf %broadcast_in_dim3A_576, %div3A_584 : vector<16xf32>
      %broadcast_in_dim3A_586 = arith.constant 1 : i32
      %broadcast_in_dim3A_587 = vector.broadcast %broadcast_in_dim3A_586 : i32 to vector<16xi32>
      %gather3A_588 = tpu.vector_load_idx %arg16[%add3A_574, %broadcast_in_dim3A_587] : memref<128x4xf32, #tpu.memory_space<vmem>>[vector<16xi32>, vector<16xi32>], vector<16xf32>,
      %gather3A_589 = tpu.vector_load_idx %arg18[%add3A_574, %broadcast_in_dim3A_587] : memref<128x16xf32, #tpu.memory_space<vmem>>[vector<16xi32>, vector<16xi32>], vector<16xf32>,
      %add3A_590 = arith.constant 1.000000e-10 : f32
      %add3A_591 = vector.broadcast %add3A_590 : f32 to vector<16xf32>
      %add3A_592 = arith.addf %gather3A_589, %add3A_591 : vector<16xf32>
      %div3A_593 = arith.divf %gather3A_588, %add3A_592 : vector<16xf32>
      %add3A_594 = arith.addf %add3A_585, %div3A_593 : vector<16xf32>
      %broadcast_in_dim3A_595 = arith.constant 2 : i32
      %broadcast_in_dim3A_596 = vector.broadcast %broadcast_in_dim3A_595 : i32 to vector<16xi32>
      %gather3A_597 = tpu.vector_load_idx %arg16[%add3A_574, %broadcast_in_dim3A_596] : memref<128x4xf32, #tpu.memory_space<vmem>>[vector<16xi32>, vector<16xi32>], vector<16xf32>,
      %gather3A_598 = tpu.vector_load_idx %arg18[%add3A_574, %broadcast_in_dim3A_596] : memref<128x16xf32, #tpu.memory_space<vmem>>[vector<16xi32>, vector<16xi32>], vector<16xf32>,
      %add3A_599 = arith.constant 1.000000e-10 : f32
      %add3A_600 = vector.broadcast %add3A_599 : f32 to vector<16xf32>
      %add3A_601 = arith.addf %gather3A_598, %add3A_600 : vector<16xf32>
      %div3A_602 = arith.divf %gather3A_597, %add3A_601 : vector<16xf32>
      %add3A_603 = arith.addf %add3A_594, %div3A_602 : vector<16xf32>
      %broadcast_in_dim3A_604 = arith.constant 3 : i32
      %broadcast_in_dim3A_605 = vector.broadcast %broadcast_in_dim3A_604 : i32 to vector<16xi32>
      %gather3A_606 = tpu.vector_load_idx %arg16[%add3A_574, %broadcast_in_dim3A_605] : memref<128x4xf32, #tpu.memory_space<vmem>>[vector<16xi32>, vector<16xi32>], vector<16xf32>,
      %gather3A_607 = tpu.vector_load_idx %arg18[%add3A_574, %broadcast_in_dim3A_605] : memref<128x16xf32, #tpu.memory_space<vmem>>[vector<16xi32>, vector<16xi32>], vector<16xf32>,
      %add3A_608 = arith.constant 1.000000e-10 : f32
      %add3A_609 = vector.broadcast %add3A_608 : f32 to vector<16xf32>
      %add3A_610 = arith.addf %gather3A_607, %add3A_609 : vector<16xf32>
      %div3A_611 = arith.divf %gather3A_606, %add3A_610 : vector<16xf32>
      %add3A_612 = arith.addf %add3A_603, %div3A_611 : vector<16xf32>
      %mul3A_613 = arith.constant 2.500000e-01 : f32
      %mul3A_614 = vector.broadcast %mul3A_613 : f32 to vector<16xf32>
      %mul3A_615 = arith.mulf %add3A_612, %mul3A_614 : vector<16xf32>
      %swap3A_616 = arith.constant 32 : index
      %swap3A_617 = tpu.vector_load %arg14[%swap3A_616] {strides = array<i32>} : memref<128xf32, #tpu.memory_space<vmem>>, vector<16xf32>,
      tpu.vector_store %arg14[%swap3A_616], %mul3A_615 {strides = array<i32>} : memref<128xf32, #tpu.memory_space<vmem>>, vector<16xf32>,
      %iota3A_618 = tpu.iota {dimensions = array<i32: 0>} : vector<16xi32>
      %add3A_619 = arith.constant 48 : i32
      %add3A_620 = vector.broadcast %add3A_619 : i32 to vector<16xi32>
      %add3A_621 = arith.addi %iota3A_618, %add3A_620 : vector<16xi32>
      %broadcast_in_dim3A_622 = arith.constant 0.000000e+00 : f32
      %broadcast_in_dim3A_623 = vector.broadcast %broadcast_in_dim3A_622 : f32 to vector<16xf32>
      %broadcast_in_dim3A_624 = arith.constant 0 : i32
      %broadcast_in_dim3A_625 = vector.broadcast %broadcast_in_dim3A_624 : i32 to vector<16xi32>
      %gather3A_626 = tpu.vector_load_idx %arg16[%add3A_621, %broadcast_in_dim3A_625] : memref<128x4xf32, #tpu.memory_space<vmem>>[vector<16xi32>, vector<16xi32>], vector<16xf32>,
      %gather3A_627 = tpu.vector_load_idx %arg18[%add3A_621, %broadcast_in_dim3A_625] : memref<128x16xf32, #tpu.memory_space<vmem>>[vector<16xi32>, vector<16xi32>], vector<16xf32>,
      %add3A_628 = arith.constant 1.000000e-10 : f32
      %add3A_629 = vector.broadcast %add3A_628 : f32 to vector<16xf32>
      %add3A_630 = arith.addf %gather3A_627, %add3A_629 : vector<16xf32>
      %div3A_631 = arith.divf %gather3A_626, %add3A_630 : vector<16xf32>
      %add3A_632 = arith.addf %broadcast_in_dim3A_623, %div3A_631 : vector<16xf32>
      %broadcast_in_dim3A_633 = arith.constant 1 : i32
      %broadcast_in_dim3A_634 = vector.broadcast %broadcast_in_dim3A_633 : i32 to vector<16xi32>
      %gather3A_635 = tpu.vector_load_idx %arg16[%add3A_621, %broadcast_in_dim3A_634] : memref<128x4xf32, #tpu.memory_space<vmem>>[vector<16xi32>, vector<16xi32>], vector<16xf32>,
      %gather3A_636 = tpu.vector_load_idx %arg18[%add3A_621, %broadcast_in_dim3A_634] : memref<128x16xf32, #tpu.memory_space<vmem>>[vector<16xi32>, vector<16xi32>], vector<16xf32>,
      %add3A_637 = arith.constant 1.000000e-10 : f32
      %add3A_638 = vector.broadcast %add3A_637 : f32 to vector<16xf32>
      %add3A_639 = arith.addf %gather3A_636, %add3A_638 : vector<16xf32>
      %div3A_640 = arith.divf %gather3A_635, %add3A_639 : vector<16xf32>
      %add3A_641 = arith.addf %add3A_632, %div3A_640 : vector<16xf32>
      %broadcast_in_dim3A_642 = arith.constant 2 : i32
      %broadcast_in_dim3A_643 = vector.broadcast %broadcast_in_dim3A_642 : i32 to vector<16xi32>
      %gather3A_644 = tpu.vector_load_idx %arg16[%add3A_621, %broadcast_in_dim3A_643] : memref<128x4xf32, #tpu.memory_space<vmem>>[vector<16xi32>, vector<16xi32>], vector<16xf32>,
      %gather3A_645 = tpu.vector_load_idx %arg18[%add3A_621, %broadcast_in_dim3A_643] : memref<128x16xf32, #tpu.memory_space<vmem>>[vector<16xi32>, vector<16xi32>], vector<16xf32>,
      %add3A_646 = arith.constant 1.000000e-10 : f32
      %add3A_647 = vector.broadcast %add3A_646 : f32 to vector<16xf32>
      %add3A_648 = arith.addf %gather3A_645, %add3A_647 : vector<16xf32>
      %div3A_649 = arith.divf %gather3A_644, %add3A_648 : vector<16xf32>
      %add3A_650 = arith.addf %add3A_641, %div3A_649 : vector<16xf32>
      %broadcast_in_dim3A_651 = arith.constant 3 : i32
      %broadcast_in_dim3A_652 = vector.broadcast %broadcast_in_dim3A_651 : i32 to vector<16xi32>
      %gather3A_653 = tpu.vector_load_idx %arg16[%add3A_621, %broadcast_in_dim3A_652] : memref<128x4xf32, #tpu.memory_space<vmem>>[vector<16xi32>, vector<16xi32>], vector<16xf32>,
      %gather3A_654 = tpu.vector_load_idx %arg18[%add3A_621, %broadcast_in_dim3A_652] : memref<128x16xf32, #tpu.memory_space<vmem>>[vector<16xi32>, vector<16xi32>], vector<16xf32>,
      %add3A_655 = arith.constant 1.000000e-10 : f32
      %add3A_656 = vector.broadcast %add3A_655 : f32 to vector<16xf32>
      %add3A_657 = arith.addf %gather3A_654, %add3A_656 : vector<16xf32>
      %div3A_658 = arith.divf %gather3A_653, %add3A_657 : vector<16xf32>
      %add3A_659 = arith.addf %add3A_650, %div3A_658 : vector<16xf32>
      %mul3A_660 = arith.constant 2.500000e-01 : f32
      %mul3A_661 = vector.broadcast %mul3A_660 : f32 to vector<16xf32>
      %mul3A_662 = arith.mulf %add3A_659, %mul3A_661 : vector<16xf32>
      %swap3A_663 = arith.constant 48 : index
      %swap3A_664 = tpu.vector_load %arg14[%swap3A_663] {strides = array<i32>} : memref<128xf32, #tpu.memory_space<vmem>>, vector<16xf32>,
      tpu.vector_store %arg14[%swap3A_663], %mul3A_662 {strides = array<i32>} : memref<128xf32, #tpu.memory_space<vmem>>, vector<16xf32>,
      %iota3A_665 = tpu.iota {dimensions = array<i32: 0>} : vector<16xi32>
      %add3A_666 = arith.constant 64 : i32
      %add3A_667 = vector.broadcast %add3A_666 : i32 to vector<16xi32>
      %add3A_668 = arith.addi %iota3A_665, %add3A_667 : vector<16xi32>
      %broadcast_in_dim3A_669 = arith.constant 0.000000e+00 : f32
      %broadcast_in_dim3A_670 = vector.broadcast %broadcast_in_dim3A_669 : f32 to vector<16xf32>
      %broadcast_in_dim3A_671 = arith.constant 0 : i32
      %broadcast_in_dim3A_672 = vector.broadcast %broadcast_in_dim3A_671 : i32 to vector<16xi32>
      %gather3A_673 = tpu.vector_load_idx %arg16[%add3A_668, %broadcast_in_dim3A_672] : memref<128x4xf32, #tpu.memory_space<vmem>>[vector<16xi32>, vector<16xi32>], vector<16xf32>,
      %gather3A_674 = tpu.vector_load_idx %arg18[%add3A_668, %broadcast_in_dim3A_672] : memref<128x16xf32, #tpu.memory_space<vmem>>[vector<16xi32>, vector<16xi32>], vector<16xf32>,
      %add3A_675 = arith.constant 1.000000e-10 : f32
      %add3A_676 = vector.broadcast %add3A_675 : f32 to vector<16xf32>
      %add3A_677 = arith.addf %gather3A_674, %add3A_676 : vector<16xf32>
      %div3A_678 = arith.divf %gather3A_673, %add3A_677 : vector<16xf32>
      %add3A_679 = arith.addf %broadcast_in_dim3A_670, %div3A_678 : vector<16xf32>
      %broadcast_in_dim3A_680 = arith.constant 1 : i32
      %broadcast_in_dim3A_681 = vector.broadcast %broadcast_in_dim3A_680 : i32 to vector<16xi32>
      %gather3A_682 = tpu.vector_load_idx %arg16[%add3A_668, %broadcast_in_dim3A_681] : memref<128x4xf32, #tpu.memory_space<vmem>>[vector<16xi32>, vector<16xi32>], vector<16xf32>,
      %gather3A_683 = tpu.vector_load_idx %arg18[%add3A_668, %broadcast_in_dim3A_681] : memref<128x16xf32, #tpu.memory_space<vmem>>[vector<16xi32>, vector<16xi32>], vector<16xf32>,
      %add3A_684 = arith.constant 1.000000e-10 : f32
      %add3A_685 = vector.broadcast %add3A_684 : f32 to vector<16xf32>
      %add3A_686 = arith.addf %gather3A_683, %add3A_685 : vector<16xf32>
      %div3A_687 = arith.divf %gather3A_682, %add3A_686 : vector<16xf32>
      %add3A_688 = arith.addf %add3A_679, %div3A_687 : vector<16xf32>
      %broadcast_in_dim3A_689 = arith.constant 2 : i32
      %broadcast_in_dim3A_690 = vector.broadcast %broadcast_in_dim3A_689 : i32 to vector<16xi32>
      %gather3A_691 = tpu.vector_load_idx %arg16[%add3A_668, %broadcast_in_dim3A_690] : memref<128x4xf32, #tpu.memory_space<vmem>>[vector<16xi32>, vector<16xi32>], vector<16xf32>,
      %gather3A_692 = tpu.vector_load_idx %arg18[%add3A_668, %broadcast_in_dim3A_690] : memref<128x16xf32, #tpu.memory_space<vmem>>[vector<16xi32>, vector<16xi32>], vector<16xf32>,
      %add3A_693 = arith.constant 1.000000e-10 : f32
      %add3A_694 = vector.broadcast %add3A_693 : f32 to vector<16xf32>
      %add3A_695 = arith.addf %gather3A_692, %add3A_694 : vector<16xf32>
      %div3A_696 = arith.divf %gather3A_691, %add3A_695 : vector<16xf32>
      %add3A_697 = arith.addf %add3A_688, %div3A_696 : vector<16xf32>
      %broadcast_in_dim3A_698 = arith.constant 3 : i32
      %broadcast_in_dim3A_699 = vector.broadcast %broadcast_in_dim3A_698 : i32 to vector<16xi32>
      %gather3A_700 = tpu.vector_load_idx %arg16[%add3A_668, %broadcast_in_dim3A_699] : memref<128x4xf32, #tpu.memory_space<vmem>>[vector<16xi32>, vector<16xi32>], vector<16xf32>,
      %gather3A_701 = tpu.vector_load_idx %arg18[%add3A_668, %broadcast_in_dim3A_699] : memref<128x16xf32, #tpu.memory_space<vmem>>[vector<16xi32>, vector<16xi32>], vector<16xf32>,
      %add3A_702 = arith.constant 1.000000e-10 : f32
      %add3A_703 = vector.broadcast %add3A_702 : f32 to vector<16xf32>
      %add3A_704 = arith.addf %gather3A_701, %add3A_703 : vector<16xf32>
      %div3A_705 = arith.divf %gather3A_700, %add3A_704 : vector<16xf32>
      %add3A_706 = arith.addf %add3A_697, %div3A_705 : vector<16xf32>
      %mul3A_707 = arith.constant 2.500000e-01 : f32
      %mul3A_708 = vector.broadcast %mul3A_707 : f32 to vector<16xf32>
      %mul3A_709 = arith.mulf %add3A_706, %mul3A_708 : vector<16xf32>
      %swap3A_710 = arith.constant 64 : index
      %swap3A_711 = tpu.vector_load %arg14[%swap3A_710] {strides = array<i32>} : memref<128xf32, #tpu.memory_space<vmem>>, vector<16xf32>,
      tpu.vector_store %arg14[%swap3A_710], %mul3A_709 {strides = array<i32>} : memref<128xf32, #tpu.memory_space<vmem>>, vector<16xf32>,
      %iota3A_712 = tpu.iota {dimensions = array<i32: 0>} : vector<16xi32>
      %add3A_713 = arith.constant 80 : i32
      %add3A_714 = vector.broadcast %add3A_713 : i32 to vector<16xi32>
      %add3A_715 = arith.addi %iota3A_712, %add3A_714 : vector<16xi32>
      %broadcast_in_dim3A_716 = arith.constant 0.000000e+00 : f32
      %broadcast_in_dim3A_717 = vector.broadcast %broadcast_in_dim3A_716 : f32 to vector<16xf32>
      %broadcast_in_dim3A_718 = arith.constant 0 : i32
      %broadcast_in_dim3A_719 = vector.broadcast %broadcast_in_dim3A_718 : i32 to vector<16xi32>
      %gather3A_720 = tpu.vector_load_idx %arg16[%add3A_715, %broadcast_in_dim3A_719] : memref<128x4xf32, #tpu.memory_space<vmem>>[vector<16xi32>, vector<16xi32>], vector<16xf32>,
      %gather3A_721 = tpu.vector_load_idx %arg18[%add3A_715, %broadcast_in_dim3A_719] : memref<128x16xf32, #tpu.memory_space<vmem>>[vector<16xi32>, vector<16xi32>], vector<16xf32>,
      %add3A_722 = arith.constant 1.000000e-10 : f32
      %add3A_723 = vector.broadcast %add3A_722 : f32 to vector<16xf32>
      %add3A_724 = arith.addf %gather3A_721, %add3A_723 : vector<16xf32>
      %div3A_725 = arith.divf %gather3A_720, %add3A_724 : vector<16xf32>
      %add3A_726 = arith.addf %broadcast_in_dim3A_717, %div3A_725 : vector<16xf32>
      %broadcast_in_dim3A_727 = arith.constant 1 : i32
      %broadcast_in_dim3A_728 = vector.broadcast %broadcast_in_dim3A_727 : i32 to vector<16xi32>
      %gather3A_729 = tpu.vector_load_idx %arg16[%add3A_715, %broadcast_in_dim3A_728] : memref<128x4xf32, #tpu.memory_space<vmem>>[vector<16xi32>, vector<16xi32>], vector<16xf32>,
      %gather3A_730 = tpu.vector_load_idx %arg18[%add3A_715, %broadcast_in_dim3A_728] : memref<128x16xf32, #tpu.memory_space<vmem>>[vector<16xi32>, vector<16xi32>], vector<16xf32>,
      %add3A_731 = arith.constant 1.000000e-10 : f32
      %add3A_732 = vector.broadcast %add3A_731 : f32 to vector<16xf32>
      %add3A_733 = arith.addf %gather3A_730, %add3A_732 : vector<16xf32>
      %div3A_734 = arith.divf %gather3A_729, %add3A_733 : vector<16xf32>
      %add3A_735 = arith.addf %add3A_726, %div3A_734 : vector<16xf32>
      %broadcast_in_dim3A_736 = arith.constant 2 : i32
      %broadcast_in_dim3A_737 = vector.broadcast %broadcast_in_dim3A_736 : i32 to vector<16xi32>
      %gather3A_738 = tpu.vector_load_idx %arg16[%add3A_715, %broadcast_in_dim3A_737] : memref<128x4xf32, #tpu.memory_space<vmem>>[vector<16xi32>, vector<16xi32>], vector<16xf32>,
      %gather3A_739 = tpu.vector_load_idx %arg18[%add3A_715, %broadcast_in_dim3A_737] : memref<128x16xf32, #tpu.memory_space<vmem>>[vector<16xi32>, vector<16xi32>], vector<16xf32>,
      %add3A_740 = arith.constant 1.000000e-10 : f32
      %add3A_741 = vector.broadcast %add3A_740 : f32 to vector<16xf32>
      %add3A_742 = arith.addf %gather3A_739, %add3A_741 : vector<16xf32>
      %div3A_743 = arith.divf %gather3A_738, %add3A_742 : vector<16xf32>
      %add3A_744 = arith.addf %add3A_735, %div3A_743 : vector<16xf32>
      %broadcast_in_dim3A_745 = arith.constant 3 : i32
      %broadcast_in_dim3A_746 = vector.broadcast %broadcast_in_dim3A_745 : i32 to vector<16xi32>
      %gather3A_747 = tpu.vector_load_idx %arg16[%add3A_715, %broadcast_in_dim3A_746] : memref<128x4xf32, #tpu.memory_space<vmem>>[vector<16xi32>, vector<16xi32>], vector<16xf32>,
      %gather3A_748 = tpu.vector_load_idx %arg18[%add3A_715, %broadcast_in_dim3A_746] : memref<128x16xf32, #tpu.memory_space<vmem>>[vector<16xi32>, vector<16xi32>], vector<16xf32>,
      %add3A_749 = arith.constant 1.000000e-10 : f32
      %add3A_750 = vector.broadcast %add3A_749 : f32 to vector<16xf32>
      %add3A_751 = arith.addf %gather3A_748, %add3A_750 : vector<16xf32>
      %div3A_752 = arith.divf %gather3A_747, %add3A_751 : vector<16xf32>
      %add3A_753 = arith.addf %add3A_744, %div3A_752 : vector<16xf32>
      %mul3A_754 = arith.constant 2.500000e-01 : f32
      %mul3A_755 = vector.broadcast %mul3A_754 : f32 to vector<16xf32>
      %mul3A_756 = arith.mulf %add3A_753, %mul3A_755 : vector<16xf32>
      %swap3A_757 = arith.constant 80 : index
      %swap3A_758 = tpu.vector_load %arg14[%swap3A_757] {strides = array<i32>} : memref<128xf32, #tpu.memory_space<vmem>>, vector<16xf32>,
      tpu.vector_store %arg14[%swap3A_757], %mul3A_756 {strides = array<i32>} : memref<128xf32, #tpu.memory_space<vmem>>, vector<16xf32>,
      %iota3A_759 = tpu.iota {dimensions = array<i32: 0>} : vector<16xi32>
      %add3A_760 = arith.constant 96 : i32
      %add3A_761 = vector.broadcast %add3A_760 : i32 to vector<16xi32>
      %add3A_762 = arith.addi %iota3A_759, %add3A_761 : vector<16xi32>
      %broadcast_in_dim3A_763 = arith.constant 0.000000e+00 : f32
      %broadcast_in_dim3A_764 = vector.broadcast %broadcast_in_dim3A_763 : f32 to vector<16xf32>
      %broadcast_in_dim3A_765 = arith.constant 0 : i32
      %broadcast_in_dim3A_766 = vector.broadcast %broadcast_in_dim3A_765 : i32 to vector<16xi32>
      %gather3A_767 = tpu.vector_load_idx %arg16[%add3A_762, %broadcast_in_dim3A_766] : memref<128x4xf32, #tpu.memory_space<vmem>>[vector<16xi32>, vector<16xi32>], vector<16xf32>,
      %gather3A_768 = tpu.vector_load_idx %arg18[%add3A_762, %broadcast_in_dim3A_766] : memref<128x16xf32, #tpu.memory_space<vmem>>[vector<16xi32>, vector<16xi32>], vector<16xf32>,
      %add3A_769 = arith.constant 1.000000e-10 : f32
      %add3A_770 = vector.broadcast %add3A_769 : f32 to vector<16xf32>
      %add3A_771 = arith.addf %gather3A_768, %add3A_770 : vector<16xf32>
      %div3A_772 = arith.divf %gather3A_767, %add3A_771 : vector<16xf32>
      %add3A_773 = arith.addf %broadcast_in_dim3A_764, %div3A_772 : vector<16xf32>
      %broadcast_in_dim3A_774 = arith.constant 1 : i32
      %broadcast_in_dim3A_775 = vector.broadcast %broadcast_in_dim3A_774 : i32 to vector<16xi32>
      %gather3A_776 = tpu.vector_load_idx %arg16[%add3A_762, %broadcast_in_dim3A_775] : memref<128x4xf32, #tpu.memory_space<vmem>>[vector<16xi32>, vector<16xi32>], vector<16xf32>,
      %gather3A_777 = tpu.vector_load_idx %arg18[%add3A_762, %broadcast_in_dim3A_775] : memref<128x16xf32, #tpu.memory_space<vmem>>[vector<16xi32>, vector<16xi32>], vector<16xf32>,
      %add3A_778 = arith.constant 1.000000e-10 : f32
      %add3A_779 = vector.broadcast %add3A_778 : f32 to vector<16xf32>
      %add3A_780 = arith.addf %gather3A_777, %add3A_779 : vector<16xf32>
      %div3A_781 = arith.divf %gather3A_776, %add3A_780 : vector<16xf32>
      %add3A_782 = arith.addf %add3A_773, %div3A_781 : vector<16xf32>
      %broadcast_in_dim3A_783 = arith.constant 2 : i32
      %broadcast_in_dim3A_784 = vector.broadcast %broadcast_in_dim3A_783 : i32 to vector<16xi32>
      %gather3A_785 = tpu.vector_load_idx %arg16[%add3A_762, %broadcast_in_dim3A_784] : memref<128x4xf32, #tpu.memory_space<vmem>>[vector<16xi32>, vector<16xi32>], vector<16xf32>,
      %gather3A_786 = tpu.vector_load_idx %arg18[%add3A_762, %broadcast_in_dim3A_784] : memref<128x16xf32, #tpu.memory_space<vmem>>[vector<16xi32>, vector<16xi32>], vector<16xf32>,
      %add3A_787 = arith.constant 1.000000e-10 : f32
      %add3A_788 = vector.broadcast %add3A_787 : f32 to vector<16xf32>
      %add3A_789 = arith.addf %gather3A_786, %add3A_788 : vector<16xf32>
      %div3A_790 = arith.divf %gather3A_785, %add3A_789 : vector<16xf32>
      %add3A_791 = arith.addf %add3A_782, %div3A_790 : vector<16xf32>
      %broadcast_in_dim3A_792 = arith.constant 3 : i32
      %broadcast_in_dim3A_793 = vector.broadcast %broadcast_in_dim3A_792 : i32 to vector<16xi32>
      %gather3A_794 = tpu.vector_load_idx %arg16[%add3A_762, %broadcast_in_dim3A_793] : memref<128x4xf32, #tpu.memory_space<vmem>>[vector<16xi32>, vector<16xi32>], vector<16xf32>,
      %gather3A_795 = tpu.vector_load_idx %arg18[%add3A_762, %broadcast_in_dim3A_793] : memref<128x16xf32, #tpu.memory_space<vmem>>[vector<16xi32>, vector<16xi32>], vector<16xf32>,
      %add3A_796 = arith.constant 1.000000e-10 : f32
      %add3A_797 = vector.broadcast %add3A_796 : f32 to vector<16xf32>
      %add3A_798 = arith.addf %gather3A_795, %add3A_797 : vector<16xf32>
      %div3A_799 = arith.divf %gather3A_794, %add3A_798 : vector<16xf32>
      %add3A_800 = arith.addf %add3A_791, %div3A_799 : vector<16xf32>
      %mul3A_801 = arith.constant 2.500000e-01 : f32
      %mul3A_802 = vector.broadcast %mul3A_801 : f32 to vector<16xf32>
      %mul3A_803 = arith.mulf %add3A_800, %mul3A_802 : vector<16xf32>
      %swap3A_804 = arith.constant 96 : index
      %swap3A_805 = tpu.vector_load %arg14[%swap3A_804] {strides = array<i32>} : memref<128xf32, #tpu.memory_space<vmem>>, vector<16xf32>,
      tpu.vector_store %arg14[%swap3A_804], %mul3A_803 {strides = array<i32>} : memref<128xf32, #tpu.memory_space<vmem>>, vector<16xf32>,
      %iota3A_806 = tpu.iota {dimensions = array<i32: 0>} : vector<16xi32>
      %add3A_807 = arith.constant 112 : i32
      %add3A_808 = vector.broadcast %add3A_807 : i32 to vector<16xi32>
      %add3A_809 = arith.addi %iota3A_806, %add3A_808 : vector<16xi32>
      %broadcast_in_dim3A_810 = arith.constant 0.000000e+00 : f32
      %broadcast_in_dim3A_811 = vector.broadcast %broadcast_in_dim3A_810 : f32 to vector<16xf32>
      %broadcast_in_dim3A_812 = arith.constant 0 : i32
      %broadcast_in_dim3A_813 = vector.broadcast %broadcast_in_dim3A_812 : i32 to vector<16xi32>
      %gather3A_814 = tpu.vector_load_idx %arg16[%add3A_809, %broadcast_in_dim3A_813] : memref<128x4xf32, #tpu.memory_space<vmem>>[vector<16xi32>, vector<16xi32>], vector<16xf32>,
      %gather3A_815 = tpu.vector_load_idx %arg18[%add3A_809, %broadcast_in_dim3A_813] : memref<128x16xf32, #tpu.memory_space<vmem>>[vector<16xi32>, vector<16xi32>], vector<16xf32>,
      %add3A_816 = arith.constant 1.000000e-10 : f32
      %add3A_817 = vector.broadcast %add3A_816 : f32 to vector<16xf32>
      %add3A_818 = arith.addf %gather3A_815, %add3A_817 : vector<16xf32>
      %div3A_819 = arith.divf %gather3A_814, %add3A_818 : vector<16xf32>
      %add3A_820 = arith.addf %broadcast_in_dim3A_811, %div3A_819 : vector<16xf32>
      %broadcast_in_dim3A_821 = arith.constant 1 : i32
      %broadcast_in_dim3A_822 = vector.broadcast %broadcast_in_dim3A_821 : i32 to vector<16xi32>
      %gather3A_823 = tpu.vector_load_idx %arg16[%add3A_809, %broadcast_in_dim3A_822] : memref<128x4xf32, #tpu.memory_space<vmem>>[vector<16xi32>, vector<16xi32>], vector<16xf32>,
      %gather3A_824 = tpu.vector_load_idx %arg18[%add3A_809, %broadcast_in_dim3A_822] : memref<128x16xf32, #tpu.memory_space<vmem>>[vector<16xi32>, vector<16xi32>], vector<16xf32>,
      %add3A_825 = arith.constant 1.000000e-10 : f32
      %add3A_826 = vector.broadcast %add3A_825 : f32 to vector<16xf32>
      %add3A_827 = arith.addf %gather3A_824, %add3A_826 : vector<16xf32>
      %div3A_828 = arith.divf %gather3A_823, %add3A_827 : vector<16xf32>
      %add3A_829 = arith.addf %add3A_820, %div3A_828 : vector<16xf32>
      %broadcast_in_dim3A_830 = arith.constant 2 : i32
      %broadcast_in_dim3A_831 = vector.broadcast %broadcast_in_dim3A_830 : i32 to vector<16xi32>
      %gather3A_832 = tpu.vector_load_idx %arg16[%add3A_809, %broadcast_in_dim3A_831] : memref<128x4xf32, #tpu.memory_space<vmem>>[vector<16xi32>, vector<16xi32>], vector<16xf32>,
      %gather3A_833 = tpu.vector_load_idx %arg18[%add3A_809, %broadcast_in_dim3A_831] : memref<128x16xf32, #tpu.memory_space<vmem>>[vector<16xi32>, vector<16xi32>], vector<16xf32>,
      %add3A_834 = arith.constant 1.000000e-10 : f32
      %add3A_835 = vector.broadcast %add3A_834 : f32 to vector<16xf32>
      %add3A_836 = arith.addf %gather3A_833, %add3A_835 : vector<16xf32>
      %div3A_837 = arith.divf %gather3A_832, %add3A_836 : vector<16xf32>
      %add3A_838 = arith.addf %add3A_829, %div3A_837 : vector<16xf32>
      %broadcast_in_dim3A_839 = arith.constant 3 : i32
      %broadcast_in_dim3A_840 = vector.broadcast %broadcast_in_dim3A_839 : i32 to vector<16xi32>
      %gather3A_841 = tpu.vector_load_idx %arg16[%add3A_809, %broadcast_in_dim3A_840] : memref<128x4xf32, #tpu.memory_space<vmem>>[vector<16xi32>, vector<16xi32>], vector<16xf32>,
      %gather3A_842 = tpu.vector_load_idx %arg18[%add3A_809, %broadcast_in_dim3A_840] : memref<128x16xf32, #tpu.memory_space<vmem>>[vector<16xi32>, vector<16xi32>], vector<16xf32>,
      %add3A_843 = arith.constant 1.000000e-10 : f32
      %add3A_844 = vector.broadcast %add3A_843 : f32 to vector<16xf32>
      %add3A_845 = arith.addf %gather3A_842, %add3A_844 : vector<16xf32>
      %div3A_846 = arith.divf %gather3A_841, %add3A_845 : vector<16xf32>
      %add3A_847 = arith.addf %add3A_838, %div3A_846 : vector<16xf32>
      %mul3A_848 = arith.constant 2.500000e-01 : f32
      %mul3A_849 = vector.broadcast %mul3A_848 : f32 to vector<16xf32>
      %mul3A_850 = arith.mulf %add3A_847, %mul3A_849 : vector<16xf32>
      %swap3A_851 = arith.constant 112 : index
      %swap3A_852 = tpu.vector_load %arg14[%swap3A_851] {strides = array<i32>} : memref<128xf32, #tpu.memory_space<vmem>>, vector<16xf32>,
      tpu.vector_store %arg14[%swap3A_851], %mul3A_850 {strides = array<i32>} : memref<128xf32, #tpu.memory_space<vmem>>, vector<16xf32>,
      %iota3A_853 = tpu.iota {dimensions = array<i32: 0>} : vector<16xi32>
      %mul3A_854 = arith.constant 2 : i32
      %mul3A_855 = vector.broadcast %mul3A_854 : i32 to vector<16xi32>
      %mul3A_856 = arith.muli %iota3A_853, %mul3A_855 : vector<16xi32>
      %scan3A_857 = arith.constant 0 : i32
      %scan3A_858 = arith.constant 0 : i32
      %scan3A_859 = arith.constant 128 : i32
      %scan3A_860 = arith.addi %scan3A_858, %scan3A_859 : i32
      %scan3A_861 = arith.constant 1 : i32
      scf.for %scan3A_870 = %scan3A_858 to %scan3A_860 step %scan3A_861  : i32 {
        %broadcast_in_dim3A_871 = vector.broadcast %scan3A_870 : i32 to vector<16xi32>
        %gather3A_872 = tpu.vector_load_idx %arg14[%broadcast_in_dim3A_871] : memref<128xf32, #tpu.memory_space<vmem>>[vector<16xi32>], vector<16xf32>,
        %get3A = arith.index_cast %scan3A_870 : i32 to index
        %get3A_873 = arith.constant 0 : index
        %get3A_874 = tpu.vector_load %arg20[%get3A, %get3A_873] {strides = array<i32>} : memref<128x128xbf16, #tpu.memory_space<vmem>>, vector<32xbf16>,
        %unpack3A = tpu.unpack_subelements %get3A_874, 0 {pack_format = #tpu.pack_format<interleaved>} : vector<32xbf16> -> vector<16xf32>
        %unpack3A_875 = tpu.unpack_subelements %get3A_874, 1 {pack_format = #tpu.pack_format<interleaved>} : vector<32xbf16> -> vector<16xf32>
        %add3A_876 = arith.constant 0 : i32
        %add3A_877 = vector.broadcast %add3A_876 : i32 to vector<16xi32>
        %add3A_878 = arith.addi %mul3A_856, %add3A_877 : vector<16xi32>
        %mul3A_879 = arith.mulf %unpack3A, %gather3A_872 : vector<16xf32>
        tpu.vector_store_idx %arg21[%broadcast_in_dim3A_871, %add3A_878], %mul3A_879 : memref<128x128xf32, #tpu.memory_space<vmem>>[vector<16xi32>, vector<16xi32>], vector<16xf32>,
        %add3A_880 = arith.constant 1 : i32
        %add3A_881 = vector.broadcast %add3A_880 : i32 to vector<16xi32>
        %add3A_882 = arith.addi %add3A_878, %add3A_881 : vector<16xi32>
        %mul3A_883 = arith.mulf %unpack3A_875, %gather3A_872 : vector<16xf32>
        tpu.vector_store_idx %arg21[%broadcast_in_dim3A_871, %add3A_882], %mul3A_883 : memref<128x128xf32, #tpu.memory_space<vmem>>[vector<16xi32>, vector<16xi32>], vector<16xf32>,
        %get3A_884 = arith.index_cast %scan3A_870 : i32 to index
        %get3A_885 = arith.constant 32 : index
        %get3A_886 = tpu.vector_load %arg20[%get3A_884, %get3A_885] {strides = array<i32>} : memref<128x128xbf16, #tpu.memory_space<vmem>>, vector<32xbf16>,
        %unpack3A_887 = tpu.unpack_subelements %get3A_886, 0 {pack_format = #tpu.pack_format<interleaved>} : vector<32xbf16> -> vector<16xf32>
        %unpack3A_888 = tpu.unpack_subelements %get3A_886, 1 {pack_format = #tpu.pack_format<interleaved>} : vector<32xbf16> -> vector<16xf32>
        %add3A_889 = arith.constant 32 : i32
        %add3A_890 = vector.broadcast %add3A_889 : i32 to vector<16xi32>
        %add3A_891 = arith.addi %mul3A_856, %add3A_890 : vector<16xi32>
        %mul3A_892 = arith.mulf %unpack3A_887, %gather3A_872 : vector<16xf32>
        tpu.vector_store_idx %arg21[%broadcast_in_dim3A_871, %add3A_891], %mul3A_892 : memref<128x128xf32, #tpu.memory_space<vmem>>[vector<16xi32>, vector<16xi32>], vector<16xf32>,
        %add3A_893 = arith.constant 1 : i32
        %add3A_894 = vector.broadcast %add3A_893 : i32 to vector<16xi32>
        %add3A_895 = arith.addi %add3A_891, %add3A_894 : vector<16xi32>
        %mul3A_896 = arith.mulf %unpack3A_888, %gather3A_872 : vector<16xf32>
        tpu.vector_store_idx %arg21[%broadcast_in_dim3A_871, %add3A_895], %mul3A_896 : memref<128x128xf32, #tpu.memory_space<vmem>>[vector<16xi32>, vector<16xi32>], vector<16xf32>,
        %get3A_897 = arith.index_cast %scan3A_870 : i32 to index
        %get3A_898 = arith.constant 64 : index
        %get3A_899 = tpu.vector_load %arg20[%get3A_897, %get3A_898] {strides = array<i32>} : memref<128x128xbf16, #tpu.memory_space<vmem>>, vector<32xbf16>,
        %unpack3A_900 = tpu.unpack_subelements %get3A_899, 0 {pack_format = #tpu.pack_format<interleaved>} : vector<32xbf16> -> vector<16xf32>
        %unpack3A_901 = tpu.unpack_subelements %get3A_899, 1 {pack_format = #tpu.pack_format<interleaved>} : vector<32xbf16> -> vector<16xf32>
        %add3A_902 = arith.constant 64 : i32
        %add3A_903 = vector.broadcast %add3A_902 : i32 to vector<16xi32>
        %add3A_904 = arith.addi %mul3A_856, %add3A_903 : vector<16xi32>
        %mul3A_905 = arith.mulf %unpack3A_900, %gather3A_872 : vector<16xf32>
        tpu.vector_store_idx %arg21[%broadcast_in_dim3A_871, %add3A_904], %mul3A_905 : memref<128x128xf32, #tpu.memory_space<vmem>>[vector<16xi32>, vector<16xi32>], vector<16xf32>,
        %add3A_906 = arith.constant 1 : i32
        %add3A_907 = vector.broadcast %add3A_906 : i32 to vector<16xi32>
        %add3A_908 = arith.addi %add3A_904, %add3A_907 : vector<16xi32>
        %mul3A_909 = arith.mulf %unpack3A_901, %gather3A_872 : vector<16xf32>
        tpu.vector_store_idx %arg21[%broadcast_in_dim3A_871, %add3A_908], %mul3A_909 : memref<128x128xf32, #tpu.memory_space<vmem>>[vector<16xi32>, vector<16xi32>], vector<16xf32>,
        %get3A_910 = arith.index_cast %scan3A_870 : i32 to index
        %get3A_911 = arith.constant 96 : index
        %get3A_912 = tpu.vector_load %arg20[%get3A_910, %get3A_911] {strides = array<i32>} : memref<128x128xbf16, #tpu.memory_space<vmem>>, vector<32xbf16>,
        %unpack3A_913 = tpu.unpack_subelements %get3A_912, 0 {pack_format = #tpu.pack_format<interleaved>} : vector<32xbf16> -> vector<16xf32>
        %unpack3A_914 = tpu.unpack_subelements %get3A_912, 1 {pack_format = #tpu.pack_format<interleaved>} : vector<32xbf16> -> vector<16xf32>
        %add3A_915 = arith.constant 96 : i32
        %add3A_916 = vector.broadcast %add3A_915 : i32 to vector<16xi32>
        %add3A_917 = arith.addi %mul3A_856, %add3A_916 : vector<16xi32>
        %mul3A_918 = arith.mulf %unpack3A_913, %gather3A_872 : vector<16xf32>
        tpu.vector_store_idx %arg21[%broadcast_in_dim3A_871, %add3A_917], %mul3A_918 : memref<128x128xf32, #tpu.memory_space<vmem>>[vector<16xi32>, vector<16xi32>], vector<16xf32>,
        %add3A_919 = arith.constant 1 : i32
        %add3A_920 = vector.broadcast %add3A_919 : i32 to vector<16xi32>
        %add3A_921 = arith.addi %add3A_917, %add3A_920 : vector<16xi32>
        %mul3A_922 = arith.mulf %unpack3A_914, %gather3A_872 : vector<16xf32>
        tpu.vector_store_idx %arg21[%broadcast_in_dim3A_871, %add3A_921], %mul3A_922 : memref<128x128xf32, #tpu.memory_space<vmem>>[vector<16xi32>, vector<16xi32>], vector<16xf32>,
      }
      %scan3A_862 = arith.constant 128 : i32
      "tpu.region"() ({
        %run_scoped3A = tpu.sem_alloc : memref<!tpu.dma_semaphore, #tpu.memory_space<semaphore_mem>>
        %dma_start3A_870 = arith.constant 0 : i32
        %dma_start3A_871 = arith.constant 0 : i32
        %dma_start3A_872 = tpu.memref_slice %arg22[%dma_start3A_870, %dma_start3A_871] : memref<10240x128xf32, #tpu.memory_space<vmem_shared>> -> memref<10240x128xf32, #tpu.memory_space<vmem_shared>>
        tpu.enqueue_indirect_dma source(%arg21 : memref<128x128xf32, #tpu.memory_space<vmem>>) target(%dma_start3A_872 : memref<10240x128xf32, #tpu.memory_space<vmem_shared>>) offsets(%arg10 : memref<128xi32, #tpu.memory_space<vmem>>) semaphore(%run_scoped3A : memref<!tpu.dma_semaphore, #tpu.memory_space<semaphore_mem>>) {add = true}
        %dma_wait3A_873 = arith.constant 0 : i32
        %dma_wait3A_874 = arith.constant 0 : i32
        %dma_wait3A_875 = tpu.memref_slice %arg22[%dma_wait3A_873, %dma_wait3A_874] : memref<10240x128xf32, #tpu.memory_space<vmem_shared>> -> memref<10240x128xf32, #tpu.memory_space<vmem_shared>>
        tpu.wait_indirect_dma semaphore(%run_scoped3A : memref<!tpu.dma_semaphore, #tpu.memory_space<semaphore_mem>>) src(%arg21 : memref<128x128xf32, #tpu.memory_space<vmem>>) dst(%dma_wait3A_875 : memref<10240x128xf32, #tpu.memory_space<vmem_shared>>)
        tpu.yield
      }) : () -> ()
      %add3A_863 = arith.constant 3 : i32
      %add3A_864 = arith.addi %mul3A_51, %add3A_863 : i32
      %lt3A_865 = arith.constant 80 : i32
      %lt3A_866 = arith.cmpi slt, %add3A_864, %lt3A_865 : i32
      %convert_element_type3A_867 = arith.extui %lt3A_866 : i1 to i32
      %cond3A_868 = arith.constant 0 : i32
      %cond3A_869 = arith.cmpi ne, %convert_element_type3A_867, %cond3A_868 : i32
      scf.if %cond3A_869 {
        %add3A_870 = arith.constant 3 : i32
        %add3A_871 = arith.addi %mul3A_51, %add3A_870 : i32
        %mul3A_872 = arith.constant 10240 : i32
        %mul3A_873 = arith.muli %add3A, %mul3A_872 : i32
        %mul3A_874 = arith.constant 128 : i32
        %mul3A_875 = arith.muli %add3A_871, %mul3A_874 : i32
        %add3A_876 = arith.addi %mul3A_873, %mul3A_875 : i32
        %dma_start3A_877 = tpu.memref_slice %arg3[%add3A_876] : memref<327680xi32, #tpu.memory_space<hbm>> -> memref<128xi32, #tpu.memory_space<hbm>>
        %dma_start3A_878 = tpu.memref_slice %arg3[%add3A_876] : memref<327680xi32, #tpu.memory_space<hbm>> -> memref<128xi32, #tpu.memory_space<hbm>>
        tpu.enqueue_dma source(%dma_start3A_878 : memref<128xi32, #tpu.memory_space<hbm>>) target(%arg10 : memref<128xi32, #tpu.memory_space<vmem>>) target_semaphore(%arg26 : memref<!tpu.dma_semaphore, #tpu.memory_space<semaphore_mem>>)
        %dma_start3A_879 = tpu.memref_slice %arg4[%add3A_876] : memref<327680xi32, #tpu.memory_space<hbm>> -> memref<128xi32, #tpu.memory_space<hbm>>
        %dma_start3A_880 = tpu.memref_slice %arg4[%add3A_876] : memref<327680xi32, #tpu.memory_space<hbm>> -> memref<128xi32, #tpu.memory_space<hbm>>
        tpu.enqueue_dma source(%dma_start3A_880 : memref<128xi32, #tpu.memory_space<hbm>>) target(%arg12 : memref<128xi32, #tpu.memory_space<vmem>>) target_semaphore(%arg26 : memref<!tpu.dma_semaphore, #tpu.memory_space<semaphore_mem>>)
        %dma_start3A_881 = arith.constant 0 : i32
        %dma_start3A_882 = tpu.memref_slice %arg5[%add3A_876, %dma_start3A_881] : memref<327680x4xf32, #tpu.memory_space<hbm>> -> memref<128x4xf32, #tpu.memory_space<hbm>>
        %dma_start3A_883 = arith.constant 0 : i32
        %dma_start3A_884 = tpu.memref_slice %arg5[%add3A_876, %dma_start3A_883] : memref<327680x4xf32, #tpu.memory_space<hbm>> -> memref<128x4xf32, #tpu.memory_space<hbm>>
        tpu.enqueue_dma source(%dma_start3A_884 : memref<128x4xf32, #tpu.memory_space<hbm>>) target(%arg16 : memref<128x4xf32, #tpu.memory_space<vmem>>) target_semaphore(%arg26 : memref<!tpu.dma_semaphore, #tpu.memory_space<semaphore_mem>>)
      } else {
      }
    }
    %scan3A_47 = arith.constant 40 : i32
    %barrier3A_48 = arith.constant 0 : index
    tpu.barrier barrier_id(%barrier3A_48)
    "tpu.region"() ({
      %run_scoped3A = tpu.sem_alloc : memref<!tpu.dma_semaphore, #tpu.memory_space<semaphore_mem>>
      %dma_start3A_49 = arith.constant 0 : i32
      %dma_start3A_50 = tpu.memref_slice %arg8[%arg0, %mul3A_2, %dma_start3A_49] : memref<2x10240x128xf32, #tpu.memory_space<hbm>> -> memref<1x640x128xf32, #tpu.memory_space<hbm>>
      %dma_start3A_51 = tpu.memref_squeeze %dma_start3A_50 : memref<1x640x128xf32, #tpu.memory_space<hbm>> -> memref<640x128xf32, #tpu.memory_space<hbm>>
      %dma_start3A_52 = arith.constant 0 : i32
      %dma_start3A_53 = tpu.memref_slice %arg22[%mul3A_2, %dma_start3A_52] : memref<10240x128xf32, #tpu.memory_space<vmem_shared>> -> memref<640x128xf32, #tpu.memory_space<vmem_shared>>
      tpu.enqueue_dma source(%dma_start3A_53 : memref<640x128xf32, #tpu.memory_space<vmem_shared>>) target(%dma_start3A_51 : memref<640x128xf32, #tpu.memory_space<hbm>>) target_semaphore(%run_scoped3A : memref<!tpu.dma_semaphore, #tpu.memory_space<semaphore_mem>>)
      %dma_wait3A_54 = arith.constant 0 : i32
      %dma_wait3A_55 = tpu.memref_slice %arg8[%arg0, %mul3A_2, %dma_wait3A_54] : memref<2x10240x128xf32, #tpu.memory_space<hbm>> -> memref<1x640x128xf32, #tpu.memory_space<hbm>>
      %dma_wait3A_56 = tpu.memref_squeeze %dma_wait3A_55 : memref<1x640x128xf32, #tpu.memory_space<hbm>> -> memref<640x128xf32, #tpu.memory_space<hbm>>
      %dma_wait3A_57 = arith.constant 0 : i32
      %dma_wait3A_58 = tpu.memref_slice %arg22[%mul3A_2, %dma_wait3A_57] : memref<10240x128xf32, #tpu.memory_space<vmem_shared>> -> memref<640x128xf32, #tpu.memory_space<vmem_shared>>
      tpu.wait_dma2 semaphore(%run_scoped3A : memref<!tpu.dma_semaphore, #tpu.memory_space<semaphore_mem>>) src(%dma_wait3A_58 : memref<640x128xf32, #tpu.memory_space<vmem_shared>>) dst(%dma_wait3A_56 : memref<640x128xf32, #tpu.memory_space<hbm>>)
      tpu.yield
    }) : () -> ()
    return
  }
}

module attributes {stable_mosaic.version = 14 : i64} {
  func.func @_tc_prep(%arg0: i32, %arg1: memref<128x128xf32, #tpu.memory_space<vmem>>, %arg2: memref<8x128xf32, #tpu.memory_space<vmem>>, %arg3: memref<128x128xbf16, #tpu.memory_space<vmem>>, %arg4: memref<8x128xf32, #tpu.memory_space<vmem>>) attributes {dimension_semantics = [#tpu.dimension_semantics<arbitrary>], iteration_bounds = array<i64: 80>, scalar_prefetch = 0 : i64, scratch_operands = 0 : i64, tpu.core_type = #tpu.core_type<tc>, window_params = [{transform_indices = @transform_0, window_bounds = array<i64: 128, 128>}, {pipeline_mode = #tpu.pipeline_mode<synchronous>, transform_indices = @transform_1, window_bounds = array<i64: 8, 128>}, {transform_indices = @transform_2, window_bounds = array<i64: 128, 128>}, {transform_indices = @transform_3, window_bounds = array<i64: 8, 128>}]} {
    %get3A = arith.constant 0 : index
    %get3A_0 = arith.constant 0 : index
    %get3A_1 = vector.load %arg1[%get3A, %get3A_0] : memref<128x128xf32, #tpu.memory_space<vmem>>, vector<128x128xf32>
    %mul3A = arith.mulf %get3A_1, %get3A_1 : vector<128x128xf32>
    %reduce_sum3A = arith.constant dense<0.000000e+00> : vector<128xf32>
    %reduce_sum3A_2 = vector.multi_reduction <add>, %mul3A, %reduce_sum3A [1] : vector<128x128xf32> to vector<128xf32>
    %broadcast_in_dim3A = vector.shape_cast %reduce_sum3A_2 : vector<128xf32> to vector<128x1xf32>
    %sqrt3A = math.sqrt %broadcast_in_dim3A : vector<128x1xf32>
    %add3A = arith.constant 9.99999996E-13 : f32
    %add3A_3 = vector.broadcast %add3A : f32 to vector<128x1xf32>
    %add3A_4 = arith.addf %sqrt3A, %add3A_3 : vector<128x1xf32>
    %div3A = arith.constant 1.000000e+00 : f32
    %div3A_5 = vector.broadcast %div3A : f32 to vector<128x1xf32>
    %div3A_6 = arith.divf %div3A_5, %add3A_4 : vector<128x1xf32>
    %mul3A_7 = vector.broadcast %div3A_6 : vector<128x1xf32> to vector<128x128xf32>
    %mul3A_8 = arith.mulf %get3A_1, %mul3A_7 : vector<128x128xf32>
    %convert_element_type3A = arith.truncf %mul3A_8 : vector<128x128xf32> to vector<128x128xbf16>
    %swap3A = arith.constant 0 : index
    %swap3A_9 = arith.constant 0 : index
    %swap3A_10 = vector.load %arg3[%swap3A, %swap3A_9] : memref<128x128xbf16, #tpu.memory_space<vmem>>, vector<128x128xbf16>
    tpu.vector_store %arg3[%swap3A, %swap3A_9], %convert_element_type3A {strides = array<i32>} : memref<128x128xbf16, #tpu.memory_space<vmem>>, vector<128x128xbf16>,
    %get3A_11 = arith.constant 0 : index
    %get3A_12 = arith.constant 0 : index
    %get3A_13 = vector.load %arg2[%get3A_11, %get3A_12] : memref<8x128xf32, #tpu.memory_space<vmem>>, vector<8x128xf32>
    %dot_general3A = arith.constant dense<0.000000e+00> : vector<8x128xf32>
    %dot_general3A_14 = tpu.matmul %get3A_13, %mul3A_8, %dot_general3A {dimension_numbers = #tpu.dot_dimension_numbers<[1], [1], [0], [0], [0, 0, 1, 0], [], []>, transpose_lhs_hint = false} : vector<8x128xf32>, vector<128x128xf32>, vector<8x128xf32> -> vector<8x128xf32>
    %swap3A_15 = arith.constant 0 : index
    %swap3A_16 = arith.constant 0 : index
    %swap3A_17 = vector.load %arg4[%swap3A_15, %swap3A_16] : memref<8x128xf32, #tpu.memory_space<vmem>>, vector<8x128xf32>
    tpu.vector_store %arg4[%swap3A_15, %swap3A_16], %dot_general3A_14 {strides = array<i32>} : memref<8x128xf32, #tpu.memory_space<vmem>>, vector<8x128xf32>,
    return
  }
  func.func @transform_0(%arg0: i32) -> (i32, i32) {
    %c0_i32 = arith.constant 0 : i32
    %c0_i32_0 = arith.constant 0 : i32
    return %arg0, %c0_i32 : i32, i32
  }
  func.func @transform_1(%arg0: i32) -> (i32, i32) {
    %c0_i32 = arith.constant 0 : i32
    %c0_i32_0 = arith.constant 0 : i32
    %c0_i32_1 = arith.constant 0 : i32
    return %c0_i32, %c0_i32_0 : i32, i32
  }
  func.func @transform_2(%arg0: i32) -> (i32, i32) {
    %c0_i32 = arith.constant 0 : i32
    %c0_i32_0 = arith.constant 0 : i32
    return %arg0, %c0_i32 : i32, i32
  }
  func.func @transform_3(%arg0: i32) -> (i32, i32) {
    %c0_i32 = arith.constant 0 : i32
    %c0_i32_0 = arith.constant 0 : i32
    return %c0_i32, %arg0 : i32, i32
  }
}

module attributes {stable_mosaic.version = 14 : i64} {
  func.func @_tc_sumn(%arg0: i32, %arg1: memref<32x80x128xf32, #tpu.memory_space<vmem>>, %arg2: memref<80x128xf32, #tpu.memory_space<vmem>>) attributes {dimension_semantics = [#tpu.dimension_semantics<arbitrary>], iteration_bounds = array<i64: 4>, scalar_prefetch = 0 : i64, scratch_operands = 0 : i64, tpu.core_type = #tpu.core_type<tc>, window_params = [{transform_indices = @transform_0, window_bounds = array<i64: 32, 80, 128>}, {transform_indices = @transform_1, window_bounds = array<i64: 80, 128>}]} {
    %get3A = arith.constant 0 : index
    %get3A_0 = arith.constant 0 : index
    %get3A_1 = arith.constant 0 : index
    %get3A_2 = vector.load %arg1[%get3A, %get3A_0, %get3A_1] : memref<32x80x128xf32, #tpu.memory_space<vmem>>, vector<32x80x128xf32>
    %reduce_sum3A = arith.constant dense<0.000000e+00> : vector<80x128xf32>
    %reduce_sum3A_3 = vector.multi_reduction <add>, %get3A_2, %reduce_sum3A [0] : vector<32x80x128xf32> to vector<80x128xf32>
    %swap3A = arith.constant 0 : index
    %swap3A_4 = arith.constant 0 : index
    %swap3A_5 = vector.load %arg2[%swap3A, %swap3A_4] : memref<80x128xf32, #tpu.memory_space<vmem>>, vector<80x128xf32>
    tpu.vector_store %arg2[%swap3A, %swap3A_4], %reduce_sum3A_3 {strides = array<i32>} : memref<80x128xf32, #tpu.memory_space<vmem>>, vector<80x128xf32>,
    return
  }
  func.func @transform_0(%arg0: i32) -> (i32, i32, i32) {
    %c0_i32 = arith.constant 0 : i32
    %c0_i32_0 = arith.constant 0 : i32
    %c0_i32_1 = arith.constant 0 : i32
    return %c0_i32, %arg0, %c0_i32_0 : i32, i32, i32
  }
  func.func @transform_1(%arg0: i32) -> (i32, i32) {
    %c0_i32 = arith.constant 0 : i32
    %c0_i32_0 = arith.constant 0 : i32
    return %arg0, %c0_i32 : i32, i32
  }
}

module attributes {stable_mosaic.version = 14 : i64} {
  func.func @_tc_sum2(%arg0: i32, %arg1: memref<2x1000x128xf32, #tpu.memory_space<vmem>>, %arg2: memref<1000x128xf32, #tpu.memory_space<vmem>>) attributes {dimension_semantics = [#tpu.dimension_semantics<arbitrary>], iteration_bounds = array<i64: 10>, scalar_prefetch = 0 : i64, scratch_operands = 0 : i64, tpu.core_type = #tpu.core_type<tc>, window_params = [{transform_indices = @transform_0, window_bounds = array<i64: 2, 1000, 128>}, {transform_indices = @transform_1, window_bounds = array<i64: 1000, 128>}]} {
    %get3A = arith.constant 0 : index
    %get3A_0 = arith.constant 0 : index
    %get3A_1 = arith.constant 0 : index
    %get3A_2 = vector.load %arg1[%get3A, %get3A_0, %get3A_1] : memref<2x1000x128xf32, #tpu.memory_space<vmem>>, vector<1x1000x128xf32>
    %get3A_3 = vector.shape_cast %get3A_2 : vector<1x1000x128xf32> to vector<1000x128xf32>
    %get3A_4 = arith.constant 1 : index
    %get3A_5 = arith.constant 0 : index
    %get3A_6 = arith.constant 0 : index
    %get3A_7 = vector.load %arg1[%get3A_4, %get3A_5, %get3A_6] : memref<2x1000x128xf32, #tpu.memory_space<vmem>>, vector<1x1000x128xf32>
    %get3A_8 = vector.shape_cast %get3A_7 : vector<1x1000x128xf32> to vector<1000x128xf32>
    %add3A = arith.addf %get3A_3, %get3A_8 : vector<1000x128xf32>
    %swap3A = arith.constant 0 : index
    %swap3A_9 = arith.constant 0 : index
    %swap3A_10 = vector.load %arg2[%swap3A, %swap3A_9] : memref<1000x128xf32, #tpu.memory_space<vmem>>, vector<1000x128xf32>
    tpu.vector_store %arg2[%swap3A, %swap3A_9], %add3A {strides = array<i32>} : memref<1000x128xf32, #tpu.memory_space<vmem>>, vector<1000x128xf32>,
    return
  }
  func.func @transform_0(%arg0: i32) -> (i32, i32, i32) {
    %c0_i32 = arith.constant 0 : i32
    %c0_i32_0 = arith.constant 0 : i32
    %c0_i32_1 = arith.constant 0 : i32
    return %c0_i32, %arg0, %c0_i32_0 : i32, i32, i32
  }
  func.func @transform_1(%arg0: i32) -> (i32, i32) {
    %c0_i32 = arith.constant 0 : i32
    %c0_i32_0 = arith.constant 0 : i32
    return %arg0, %c0_i32 : i32, i32
  }
}

</mosaic_0001>

<sc_bundles>
// kernel: kernel.10.cloned.1.call-start
scs
__scs_entry_jumppad:
0x0: {  	(pc) =	sbr.rel $0x88, $3  }
0x1: {  	(tag) =	ssettag $0x0;
	lr =	simm.s32 $0x1  }
0x2: {  	[smem:$0x3F9B] =	sst lr;
	_ =	strace $0xD0000000  }
0x3: {  	_ = 	snop  }
0x4: {  	_ = 	snop  }
0x5: {  	_ = 	snop  }
0x6: {  	_ = 	snop  }
0x7: {  	_ = 	snop  }
__scs_overlays_trampoline_lowered:
0x8: {  	[smem:$0x3FAA] =	sst s0  }
0x9: {  	[smem:$0x3FAB] =	sst s1  }
0xa: {  	[smem:$0x3FAC] =	sst s2  }
0xb: {  	[smem:$0x3FAD] =	sst s3  }
0xc: {  	[smem:$0x3FAE] =	sst s4  }
0xd: {  	[smem:$0x3FAF] =	sst s5  }
0xe: {  	[smem:$0x3FB0] =	sst s6  }
0xf: {  	[smem:$0x3FB1] =	sst s7  }
0x10: {  	[smem:$0x3FB2] =	sst s8  }
0x11: {  	[smem:$0x3FB3] =	sst s9;
	s0 =	simm.s32 @!p0 $0x0  }
0x12: {  	s1 =	sld [smem:$0x3F99];
	s0 =	simm.s32 @p0 $0x1  }
0x13: {  	[smem:$0x3FB4] =	sst s0;
	s0 =	simm.s32 @!p1 $0x0  }
0x14: {  	s2 =	sld [smem:$0x3F98];
	s0 =	simm.s32 @p1 $0x1  }
0x15: {  	[smem:$0x3FB5] =	sst s0;
	s0 =	simm.s32 @!p2 $0x0  }
0x16: {  	s3 =	sld [smem:$0x3FDB];
	s0 =	simm.s32 @p2 $0x1  }
0x17: {  	s4 =	simm.s32 $0x1BF5;
	[smem:$0x3FB7] =	sst s0  }
0x18: {  	s0 =	sld [smem:$0x3F9A];
	_ =	swait.ge [sflag:s4], $0x0  }
0x19: {  	s7 =	sld [smem:$0x3F9B]  }
0x1a: {  	s8 =	sadd.s32 $0xFFFFE003, lr  }
0x1b: {  	s9 =	sadd.s32 $0xFFFFFEF7, lr;
	s5 =	simm.s32 $0xFFFFFFFF;
	p2 =	slt.u32 s8, $0xFFFFF086  }
0x1c: {  	p1 =	slt.u32 s9, $0xF7A;
	s5 =	simm.s32 @!p2 $0x0  }
0x1d: {  	s5 =	simm.s32 @p1 $0x1;
	p0 =	seq.s32 s7, s2  }
0x1e: {  	s7 =	smul.u32 @!p0 $0xF7A, s2;
	p2 =	seq.s32 @!p0 s5, $0x0  }
0x1f: {  	s9 =	smul.u32 $0xF7A, s1;
	s8 =	simm.s32 @!p0 $0x1BF5;
	p2 =	por !p2, p0  }
0x20: {  	[sflag:s8] =	ssyncset.s32 @!p0 $0xFFFFF086;
	s6 =	sadd.s32 @!p0 s3, s7;
	s7 =	simm.s32 @!p0 $0x108  }
0x21: {  	s3 =	sadd.s32 s3, s9;
	s6 =	sadd.s32 @!p0 $0x88, s6;
	s7 =	simm.s32 @p2 $0x1082  }
0x22: {  	[simem:s7], [sflag:s8] =	dma.local @!p0 [hbm:s6], $0xF7A  }
0x23: {  	s9 =	sor.u32 $0xD0000000, s2;
	s6 =	simm.s32 $0x108;
	_ =	swait.ge @!p0 [sflag:s8], $0x0  }
0x24: {  	s3 =	sadd.s32 $0x88, s3;
	s6 =	simm.s32 @!p1 $0x1082;
	[sflag:s4] =	ssyncset.s32 $0xFFFFF086  }
0x25: {  	[simem:s6], [sflag:s4] =	dma.local [hbm:s3], $0xF7A  }
0x26: {  	[smem:$0x3F9B] =	sst s1;
	(tag) =	ssettag s2;
	_ =	strace s9  }
0x27: {  	s1 =	sld [smem:$0x3FAB]  }
0x28: {  	s2 =	sld [smem:$0x3FAC]  }
0x29: {  	s4 =	sld [smem:$0x3FAE]  }
0x2a: {  	p0 =	seq.s32 s5, $0x0;
	s5 =	sld [smem:$0x3FAF]  }
0x2b: {  	s6 =	sld [smem:$0x3FB0]  }
0x2c: {  	s7 =	sld [smem:$0x3FB1]  }
0x2d: {  	s3 =	simm.s32 $0x108;
	s8 =	sld [smem:$0x3FB2]  }
0x2e: {  	s3 =	simm.s32 @!p0 $0x1082;
	s9 =	sld [smem:$0x3FB3]  }
0x2f: {  	lr =	sadd.s32 s0, s3;
	s0 =	sld [smem:$0x3FAA]  }
0x30: {  	s3 =	sld [smem:$0x3FAD]  }
0x31: {  	[smem:$0x3FB6] =	sst s10  }
0x32: {  	s10 =	sld [smem:$0x3FB4];
	_ =	sdelay $0x3  }
0x33: {  	p0 =	seq.s32 s10, $0x1;
	s10 =	sld [smem:$0x3FB6];
	_ =	sdelay $0x3  }
0x34: {  	[smem:$0x3FB6] =	sst s10  }
0x35: {  	s10 =	sld [smem:$0x3FB5];
	_ =	sdelay $0x3  }
0x36: {  	p1 =	seq.s32 s10, $0x1;
	s10 =	sld [smem:$0x3FB6];
	_ =	sdelay $0x3  }
0x37: {  	[smem:$0x3FB6] =	sst s10  }
0x38: {  	s10 =	sld [smem:$0x3FB7]  }
0x39: {  	_ = 	snop;
	(pc) =	sbr.ind lr, $3  }
0x3a: {  	_ = 	snop  }
0x3b: {  	_ = 	snop  }
0x3c: {  	p2 =	seq.s32 s10, $0x1;
	s10 =	sld [smem:$0x3FB6]  }
0x3d: {  	_ =	shalt  }
0x3e: {  	_ =	shalt  }
0x3f: {  	_ =	shalt  }
0x40: {  	_ =	shalt  }
0x41: {  	_ =	shalt  }
0x42: {  	_ =	shalt  }
0x43: {  	_ =	shalt  }
0x44: {  	_ =	shalt  }
0x45: {  	_ =	shalt  }
0x46: {  	_ =	shalt  }
0x47: {  	_ =	shalt  }
0x48: {  	_ =	shalt  }
0x49: {  	_ =	shalt  }
0x4a: {  	_ =	shalt  }
0x4b: {  	_ =	shalt  }
0x4c: {  	_ =	shalt  }
0x4d: {  	_ =	shalt  }
0x4e: {  	_ =	shalt  }
0x4f: {  	_ =	shalt  }
0x50: {  	_ =	shalt  }
0x51: {  	_ =	shalt  }
0x52: {  	_ =	shalt  }
0x53: {  	_ =	shalt  }
0x54: {  	_ =	shalt  }
0x55: {  	_ =	shalt  }
0x56: {  	_ =	shalt  }
0x57: {  	_ =	shalt  }
0x58: {  	_ =	shalt  }
0x59: {  	_ =	shalt  }
0x5a: {  	_ =	shalt  }
0x5b: {  	_ =	shalt  }
0x5c: {  	_ =	shalt  }
0x5d: {  	_ =	shalt  }
0x5e: {  	_ =	shalt  }
0x5f: {  	_ =	shalt  }
0x60: {  	_ =	shalt  }
0x61: {  	_ =	shalt  }
0x62: {  	_ =	shalt  }
0x63: {  	_ =	shalt  }
0x64: {  	_ =	shalt  }
0x65: {  	_ =	shalt  }
0x66: {  	_ =	shalt  }
0x67: {  	_ =	shalt  }
0x68: {  	_ =	shalt  }
0x69: {  	_ =	shalt  }
0x6a: {  	_ =	shalt  }
0x6b: {  	_ =	shalt  }
0x6c: {  	_ =	shalt  }
0x6d: {  	_ =	shalt  }
0x6e: {  	_ =	shalt  }
0x6f: {  	_ =	shalt  }
0x70: {  	_ =	shalt  }
0x71: {  	_ =	shalt  }
0x72: {  	_ =	shalt  }
0x73: {  	_ =	shalt  }
0x74: {  	_ =	shalt  }
0x75: {  	_ =	shalt  }
0x76: {  	_ =	shalt  }
0x77: {  	_ =	shalt  }
0x78: {  	_ =	shalt  }
0x79: {  	_ =	shalt  }
0x7a: {  	_ =	shalt  }
0x7b: {  	_ =	shalt  }
0x7c: {  	_ =	shalt  }
0x7d: {  	_ =	shalt  }
0x7e: {  	_ =	shalt  }
0x7f: {  	_ =	shalt  }
0x80: {  	_ =	shalt  }
0x81: {  	_ =	shalt  }
0x82: {  	_ =	shalt  }
0x83: {  	_ =	shalt  }
0x84: {  	_ =	shalt  }
0x85: {  	_ =	shalt  }
0x86: {  	_ =	shalt  }
0x87: {  	_ =	shalt  }
.Lfunc_end0:
.L_simem_size_0:
called_computation.1_lowered:
.L_overlay_start_0:
0x88: {  	s2 =	sld [smem:$0x3FD9]  }
0x89: {  	s3 =	sld [smem:$0x3FFE];
	_ =	sdelay $0x1  }
0x8a: {  	s1 =	srdreg.scid  }
0x8b: {  	s0 =	sand.u32 $0x1, s1  }
0x8c: {  	s17 =	sshll.u32 s0, $0xA;
	s2 =	sadd.s32 s3, s2  }
0x8d: {  	s2 =	sadd.s32 s2, s17  }
0x8e: {  	[smem:$0x3FC2] =	sst s2  }
0x8f: {  	_ = 	snop  }
0x90: {  	s2 =	sld [smem:$0x3FD0];
	(tm) =	ssettm $0x1  }
0x91: {  	s18 =	sld [smem:$0x3FFB];
	_ =	sdelay $0x3  }
0x92: {  	_ =	strace s18  }
0x93: {  	s3 =	sld [smem:$0x3FFC];
	_ =	sdelay $0x3  }
0x94: {  	_ =	strace s3  }
0x95: {  	s3 =	sld [smem:$0x3FFD];
	_ =	sdelay $0x3  }
0x96: {  	_ =	strace s3  }
0x97: {  	_ =	strace $0x8FFFFFFF  }
0x98: {  	s19 =	sld [smem:$0x3FDB];
	_ =	sdelay $0x1  }
0x99: {  	s4 =	simm.s32 $_scs_section_size  }
0x9a: {  	s5 =	simm.s32 $_size__tile_overlayer_lowered;
	s6 =	simm.s32 $_tile_overlayer_lowered  }
0x9b: {  	s22 =	simm.s32 $0x1BFF;
	s21 =	sshll.u32 s6, $0x1;
	s3 =	sadd.s32 s4, s19  }
0x9c: {  	s7 =	simm.s32 $0x0;
	s20 =	sshll.u32 s5, $0x1;
	s5 =	sadd.s32 s21, s3  }
0x9d: {  	[timem:s7], [sflag:s22] =	dma.local [hbm:s5], s20  }
0x9e: {  	_ =	swait.ge [sflag:s22], s20  }
0x9f: {  	s4 =	ssub.s32 $0x0, s20;
	[sflag:s22] =	ssyncset.done $0x0  }
0xa0: {  	[sflag:s22] =	ssyncadd.s32 s4;
	_ =	sdelay $0x1  }
0xa1: {  	s23 =	simm.s32 $0x1B8B  }
0xa2: {  	_ =	swait.ge [sflag:s23], $0x1  }
0xa3: {  	[sflag:s23] =	ssyncset.done $0x0  }
0xa4: {  	s25 =	simm.s32 $0x1B8E;
	s24 =	sld [smem:$0x3FFE];
	[sflag:s23] =	ssyncadd.s32 $0xFFFFFFFF  }
0xa5: {  	s26 =	simm.s32 $execute0_lowered;
	[smem:$0x3FD2] =	sst s25  }
0xa6: {  	s5 =	sshll.u32 s26, $0x1;
	_ =	strace $0x80000049;
	[dreg:$0x1] =	wrdreg $0xFFFFFFFF  }
0xa7: {  	s28 =	simm.s32 $_size_execute0_lowered;
	s3 =	sadd.s32 s3, s5;
	[dreg:$0x0] =	wrdreg $0x0  }
0xa8: {  	s5 =	sshll.u32 s28, $0x1;
	[dreg:$0x2] =	wrdreg s3  }
0xa9: {  	[dreg:$0x3] =	wrdreg s5  }
0xaa: {  	[dreg:$0x4] =	wrdreg $0xC0  }
0xab: {  	_ =	task [dreg:s7], $0x5FFFF  }
0xac: {  	[dreg:$0x1] =	wrdreg $0xFFFFFFFF  }
0xad: {  	[dreg:$0x0] =	wrdreg $0x60  }
0xae: {  	[dreg:$0x2] =	wrdreg s2  }
0xaf: {  	[dreg:$0x3] =	wrdreg s24  }
0xb0: {  	[dreg:$0x4] =	wrdreg $0x9B000  }
0xb1: {  	[dreg:$0x5] =	wrdreg $0x9  }
0xb2: {  	_ =	task.clear_ibuf [dreg:s7], $0x6FFFF;
	_ =	strace $0x90000049  }
0xb3: {  	s29 =	simm.s32 $0x9;
	_ =	strace $0x8000004B  }
0xb4: {  	_ =	swait.ge [sflag:s29], $0x1  }
0xb5: {  	[sflag:s29] =	ssyncadd.s32 $0xFFFFFFFF  }
0xb6: {  	_ =	strace $0x9000004B  }
0xb7: {  	_ =	sfence  }
0xb8: {  	s30 =	sld [smem:$0x0];
	_ =	sdelay $0x2  }
0xb9: {  	s31 =	sshll.u32 s1, $0xD;
	s1 =	sshrl.u32 s1, $0x2  }
0xba: {  	s3 =	sand.u32 $0x4000, s31;
	s1 =	sadd.s32 s1, s30  }
0xbb: {  	s0 =	sor.u32 s3, s0;
	s1 =	sshll.u32 s1, $0x11  }
0xbc: {  	s0 =	sor.u32 s1, s0  }
0xbd: {  	s0 =	sadd.s32 $0x8F2B, s0  }
0xbe: {  	[sflag:s0] =	ssyncadd.remote.s32 $0x1  }
0xbf: {  	_ =	sfence.sel $0xFFFF  }
0xc0: {  	[dreg:$0x0] =	wrdreg $0xFFFFFFFF;
	(pc) =	sbr.abs _section_cstart, $3  }
0xc1: {  	[dreg:$0x1] =	wrdreg $0xFFFFFFFF  }
0xc2: {  	_ =	task.clear_ibuf [dreg:s7], $0x2FFFF;
	_ =	strace $0x9FFFFFFF  }
0xc3: {  	(tm) =	ssettm $0x7FFFFFFF  }
tec
execute0_lowered:
.L_overlay_start_1:
0x0: {  	(tag) =	ssettag $0x1  }
0x1: {  	s1 =	rddreg [dreg:$0x0]  }
0x2: {  	s0 =	rddreg [dreg:$0x1]  }
0x3: {  	v0 =	vlaneseq.u32;
	s2 =	rddreg [dreg:$0x2]  }
0x4: {  	s4 =	simm.s32 $0x0;
	s14 =	stileid.u32;
	s6 =	srdreg.scid;
	v15 =	vmul.u32 $0x8, v0  }
0x5: {  	s29 =	simm.s32 $0xB00;
	s30 =	simm.s32 $0x180;
	s31 =	simm.s32 $0x700;
	v2 =	vmul.u32 $0x10, v0  }
0x6: {  	s28 =	simm.s32 $0x1300;
	[smem:$0x7FF] =	sst s4;
	s3 =	smul.u32 $0x14000, s14;
	v0 =	vor.u32 $0x1, v15  }
0x7: {  	s5 =	sadd.s32 $0xBC00, s0;
	s9 =	sand.u32 $0x1, s6;
	s6 =	sadd.s32 $0x1C00, s0;
	v17 =	vor.u32 $0x100, v15;
	v18 =	vor.u32 $0x200, v2;
	v19 =	vor.u32 $0x101, v15  }
0x8: {  	s7 =	sadd.s32 $0x4B800, s0;
	s8 =	sadd.s32 $0x15C00, s0;
	s18 =	sshll.u32 s14, $0x6;
	v20 =	vor.u32 $0x201, v2;
	v21 =	vor.u32 $0x102, v15;
	v22 =	vor.u32 $0x202, v2  }
0x9: {  	s11 =	smul.u32 $0x140000, s9;
	s12 =	ssub.s32 $0x2, s9;
	s9 =	sshll.u32 s9, $0x4;
	v23 =	vor.u32 $0x103, v15;
	v24 =	vor.u32 $0x203, v2;
	[tilespmem:$0x1FF20] =	vst v0;
	v0 =	vor.u32 $0x1, v2  }
0xa: {  	s16 =	sor.u32 $0x1C05, s18;
	s10 =	sshrl.u32 s3, $0x3;
	s13 =	sshrl.u32 s12, $0x1;
	v25 =	vor.u32 $0x180, v15;
	v26 =	vor.u32 $0x300, v2;
	[tilespmem:$0x1FF30] =	vst v0;
	v0 =	vor.u32 $0x2, v15  }
0xb: {  	s9 =	sor.u32 s14, s9;
	v27 =	vor.u32 $0x181, v15;
	v28 =	vor.u32 $0x301, v2;
	s14 =	simm.s32 $0x280;
	s10 =	sadd.s32 s10, s0;
	[tilespmem:$0x1FF40] =	vst v0;
	v0 =	vor.u32 $0x2, v2  }
0xc: {  	v29 =	vor.u32 $0x182, v15;
	v30 =	vor.u32 $0x302, v2;
	s11 =	sadd.s32 s3, s11;
	s15 =	ssub.s32 s12, s13;
	s9 =	smul.u32 $0x2800, s9;
	[tilespmem:$0x1FF50] =	vst v0;
	v0 =	vor.u32 $0x3, v15  }
0xd: {  	v31 =	vor.u32 $0x183, v15;
	v32 =	vor.u32 $0x303, v2;
	s3 =	sadd.s32 s3, s2;
	s12 =	simm.s32 $0x5B00;
	s13 =	simm.s32 $0x2;
	[tilespmem:$0x1FF60] =	vst v0;
	v0 =	vor.u32 $0x3, v2  }
0xe: {  	v33 =	vor.u32 $0x200, v15;
	v34 =	vor.u32 $0x400, v2;
	s11 =	sshrl.u32 s11, $0x3;
	s10 =	sadd.s32 $0x1AC00, s10;
	s26 =	smax.u32 s15, $0x1;
	[tilespmem:$0x1FF70] =	vst v0;
	v0 =	vor.u32 $0x80, v15  }
0xf: {  	v35 =	vor.u32 $0x201, v15;
	v36 =	vor.u32 $0x401, v2;
	v37 =	vor.u32 $0x202, v15;
	s15 =	simm.s32 $0x0;
	s19 =	sshrl.u32 s9, $0x3;
	s20 =	sor.u32 $0x80, s9;
	[tilespmem:$0x1FF80] =	vst v0  }
0x10: {  	v38 =	vor.u32 $0x402, v2;
	v39 =	vor.u32 $0x203, v15;
	v40 =	vor.u32 $0x403, v2;
	s21 =	sadd.s32 s5, s19;
	_ =	strace $0x8000004A;
	[dreg:$0x4] =	wrdreg s10  }
0x11: {  	v41 =	vor.u32 $0x280, v15;
	v42 =	vor.u32 $0x500, v2;
	v43 =	vor.u32 $0x281, v15;
	s23 =	sadd.s32 s7, s9;
	s22 =	sshrl.u32 s20, $0x3;
	[dreg:$0x6] =	wrdreg s21  }
0x12: {  	v44 =	vor.u32 $0x501, v2;
	v45 =	vor.u32 $0x282, v15;
	v46 =	vor.u32 $0x502, v2;
	s0 =	sadd.s32 s11, s0;
	s24 =	sadd.s32 s5, s22;
	[dreg:$0x8] =	wrdreg s23  }
0x13: {  	v47 =	vor.u32 $0x283, v15;
	v48 =	vor.u32 $0x503, v2;
	s17 =	sor.u32 $0x100, s9;
	s25 =	sadd.s32 s7, s20;
	v0 =	vor.u32 $0x100, v2;
	[dreg:$0x9] =	wrdreg s24  }
0x14: {  	v49 =	vor.u32 $0x300, v15;
	v50 =	vor.u32 $0x600, v2;
	s18 =	sor.u32 $0x180, s9;
	s0 =	sadd.s32 $0x9B800, s0;
	[tilespmem:$0x1FF90] =	vst v0;
	v0 =	vor.u32 $0x81, v15;
	[dreg:$0xb] =	wrdreg s25  }
0x15: {  	v51 =	vor.u32 $0x301, v15;
	v52 =	vor.u32 $0x601, v2;
	s9 =	simm.s32 $0x1;
	s11 =	simm.s32 $0x200;
	[dreg:$0xc] =	wrdreg s0;
	[tilespmem:$0x1FFA0] =	vst v0;
	v0 =	vor.u32 $0x101, v2  }
.Ltmp0:
0x16: {  	v53 =	vor.u32 $0x302, v15;
	v54 =	vor.u32 $0x602, v2;
	s10 =	sadd.s32 s6, s19;
	[dreg:$0xd] =	wrdreg s26;
	[tilespmem:$0x1FFB0] =	vst v0;
	v0 =	vor.u32 $0x82, v15;
	(pc) =	sbr.rel .LBB2_1-.Ltmp0, $4  }
0x17: {  	v55 =	vor.u32 $0x303, v15;
	v56 =	vor.u32 $0x603, v2;
	s19 =	sshrl.u32 s3, $0x3;
	s24 =	simm.s32 $0x300;
	[dreg:$0x5] =	wrdreg s16;
	[tilespmem:$0x1FFC0] =	vst v0;
	v0 =	vor.u32 $0x102, v2  }
0x18: {  	v57 =	vor.u32 $0x380, v15;
	v58 =	vor.u32 $0x700, v2;
	s25 =	simm.s32 $0x3;
	s26 =	simm.s32 $0x80;
	[dreg:$0x7] =	wrdreg s10;
	[tilespmem:$0x1FFD0] =	vst v0;
	v0 =	vor.u32 $0x83, v15  }
0x19: {  	v59 =	vor.u32 $0x381, v15;
	v60 =	vor.u32 $0x701, v2;
	s0 =	simm.s32 $0x4;
	s10 =	sadd.s32 s6, s22;
	[dreg:$0xe] =	wrdreg s19;
	[tilespmem:$0x1FFE0] =	vst v0;
	v0 =	vor.u32 $0x103, v2  }
0x1a: {  	v61 =	vor.u32 $0x382, v15;
	v62 =	vor.u32 $0x702, v2;
	v63 =	vor.u32 $0x383, v15;
	s3 =	simm.s32 $0x3B00;
	s22 =	simm.s32 $0x5;
	[dreg:$0xa] =	wrdreg s10;
	[tilespmem:$0x1FFF0] =	vst v0  }
.LBB2_8:
0x1b: {  	[bflag:$0x0] =	sbarrier.arrive $0xFFFF  }
0x1c: {  	s16 =	rddreg [dreg:$0x5]  }
0x1d: {  	s10 =	rddreg [dreg:$0xc]  }
0x1e: {  	s19 =	rddreg [dreg:$0xe]  }
0x1f: {  	[hbm:s10], [sflag:s16] =	dma.local [spmem:s19], $0x2800  }
0x20: {  	_ =	swait.ge [sflag:s22], $0x2800  }
0x21: {  	s15 =	sadd.s32 $0x1, s15;
	s23 =	rddreg [dreg:$0xd]  }
0x22: {  	p0 =	sne.s32 s15, s23  }
.Ltmp1:
0x23: {  	_ = 	snop;
	(pc) =	sbr.rel @!p0 .LBB2_9-.Ltmp1, $3  }
0x24: {  	_ =	sdelay $0x1  }
0x25: {  	[sflag:s22] =	ssyncset.done $0x0  }
0x26: {  	[sflag:s22] =	ssyncadd.s32 $0xFFFFD800  }
.LBB2_1:
0x27: {  	s10 =	rddreg [dreg:$0x4]  }
0x28: {  	[spmem:s19], [sflag:s16] =	dma.local [hbm:s10], $0x2800  }
0x29: {  	_ =	swait.ge [sflag:s22], $0x2800  }
0x2a: {  	[sflag:s22] =	ssyncset.done $0x0  }
0x2b: {  	[sflag:s22] =	ssyncadd.s32 $0xFFFFD800  }
0x2c: {  	[bflag:$0x0] =	sbarrier.arrive $0xFFFF  }
0x2d: {  	s19 =	rddreg [dreg:$0x6]  }
0x2e: {  	[tilespmem:s4], [sflag:$0x3] =	stream.linear.gather [hbm4b:s19+s4], $0x80, $0x38;
	[tilespmem:$0x1DB00] =	vst v63  }
0x2f: {  	s21 =	simm.s32 $0x100;
	s20 =	rddreg [dreg:$0x7]  }
0x30: {  	[tilespmem:s21], [sflag:$0x3] =	stream.linear.gather [hbm4b:s20+s4], $0x80, $0x38;
	[tilespmem:$0x1DB00] =	vst v63  }
0x31: {  	s23 =	rddreg [dreg:$0x8]  }
0x32: {  	[tilespmem:s24], [sflag:$0x3] =	stream.linear.gather [hbm4b:s23+s4], $0x400, $0x38;
	[tilespmem:$0x1DB00] =	vst v63  }
0x33: {  	_ =	swait.ge [sflag:s25], $0x80  }
0x34: {  	[sflag:s25] =	ssyncset.done $0x0  }
0x35: {  	[sflag:s25] =	ssyncadd.s32 $0xFFFFFF80  }
0x36: {  	_ =	swait.ge [sflag:s25], $0x80  }
0x37: {  	[sflag:s25] =	ssyncset.done $0x0  }
0x38: {  	[sflag:s25] =	ssyncadd.s32 $0xFFFFFF80  }
0x39: {  	_ =	swait.ge [sflag:s25], $0x400  }
0x3a: {  	[sflag:s25] =	ssyncset.done $0x0  }
0x3b: {  	s19 =	simm.s32 $0x1B00;
	[sflag:s25] =	ssyncadd.s32 $0xFFFFFC00  }
0x3c: {  	[tilespmem:s19], [sflag:$0x1] =	stream.indirect.gather [hbm4b:s1+s26], $0x40, s21, s26, $0xb8;
	[tilespmem:$0x1DB00] =	vst v63  }
0x3d: {  	_ = 	snop  }
0x3e: {  	[tilespmem:s29], [sflag:$0x1] =	stream.indirect.gather [hbm4b:s8+s26], $0x10, s4, s26, $0xb8;
	[tilespmem:$0x1DB00] =	vst v63  }
0x3f: {  	s20 =	rddreg [dreg:$0x9]  }
0x40: {  	[tilespmem:s26], [sflag:$0x4] =	stream.linear.gather [hbm4b:s20+s4], $0x80, $0x38;
	[tilespmem:$0x1DB00] =	vst v63  }
0x41: {  	s21 =	rddreg [dreg:$0xa]  }
0x42: {  	[tilespmem:s30], [sflag:$0x4] =	stream.linear.gather [hbm4b:s21+s4], $0x80, $0x38;
	[tilespmem:$0x1DB00] =	vst v63  }
0x43: {  	s23 =	rddreg [dreg:$0xb]  }
0x44: {  	[tilespmem:s31], [sflag:$0x4] =	stream.linear.gather [hbm4b:s23+s4], $0x400, $0x38;
	[tilespmem:$0x1DB00] =	vst v63  }
0x45: {  	s23 =	simm.s32 $0x0  }
.LBB2_2:
0x46: {  	_ =	swait.ge [sflag:s0], $0x80  }
0x47: {  	[sflag:s0] =	ssyncset.done $0x0  }
0x48: {  	[sflag:s0] =	ssyncadd.s32 $0xFFFFFF80  }
0x49: {  	_ =	swait.ge [sflag:s0], $0x80  }
0x4a: {  	[sflag:s0] =	ssyncset.done $0x0  }
0x4b: {  	[sflag:s0] =	ssyncadd.s32 $0xFFFFFF80  }
0x4c: {  	_ =	swait.ge [sflag:s0], $0x400  }
0x4d: {  	[sflag:s0] =	ssyncset.done $0x0  }
0x4e: {  	[sflag:s0] =	ssyncadd.s32 $0xFFFFFC00  }
0x4f: {  	[tilespmem:s3], [sflag:$0x2] =	stream.indirect.gather [hbm4b:s1+s26], $0x40, s30, s26, $0xb8;
	[tilespmem:$0x1DB00] =	vst v63  }
0x50: {  	_ = 	snop  }
0x51: {  	[tilespmem:s28], [sflag:$0x2] =	stream.indirect.gather [hbm4b:s8+s26], $0x10, s26, s26, $0xb8;
	[tilespmem:$0x1DB00] =	vst v63  }
0x52: {  	_ =	swait.ge [sflag:s9], $0x2000  }
0x53: {  	[sflag:s9] =	ssyncset.done $0x0  }
0x54: {  	[sflag:s9] =	ssyncadd.s32 $0xFFFFE000  }
0x55: {  	_ =	swait.ge [sflag:s9], $0x800  }
0x56: {  	v1 =	vld [tilespmem:$0x1FF30];
	_ =	sdelay $0x1  }
0x57: {  	v3 =	vld [tilespmem:$0x1FF50];
	_ =	sdelay $0x1  }
0x58: {  	[sflag:s9] =	ssyncset.done $0x0;
	v4 =	vld [tilespmem:$0x1FF70]  }
0x59: {  	[sflag:s9] =	ssyncadd.s32 $0xFFFFF800  }
0x5a: {  	v0 =	vld.idx.msk [tilespmem:v2+s29+$0x0], $0xffff;
	_ =	sdelay $0x1  }
0x5b: {  	v1 =	vld.idx.msk [tilespmem:v1+s29+$0x0], $0xffff;
	_ =	sdelay $0x1  }
0x5c: {  	v3 =	vld.idx.msk [tilespmem:v3+s29+$0x0], $0xffff  }
0x5d: {  	v0 =	vadd.f32 $1.000000010e-10, v0  }
0x5e: {  	v4 =	vld.idx.msk [tilespmem:v4+s29+$0x0], $0xffff  }
0x5f: {  	(erf) = vrcp.f32 v0;
	v0 =	vadd.f32 $1.000000010e-10, v1;
	_ =	sdelay $0x1  }
0x60: {  	(erf) = vrcp.f32 v0;
	v0 =	vadd.f32 $1.000000010e-10, v3;
	_ =	sdelay $0x1  }
0x61: {  	(erf) = vrcp.f32 v0;
	v0 =	vadd.f32 $1.000000010e-10, v4;
	_ =	sdelay $0x1  }
0x62: {  	(erf) = vrcp.f32 v0;
	v0 =	vld [tilespmem:$0x1FF20];
	_ =	sdelay $0x1  }
0x63: {  	v4 =	vld [tilespmem:$0x1FF40];
	_ =	sdelay $0x1  }
0x64: {  	v5 =	vld [tilespmem:$0x1FF60];
	_ =	sdelay $0x1  }
0x65: {  	v1 =	vld.idx.msk [tilespmem:v15+s24+$0x0], $0xffff;
	_ =	sdelay $0x1  }
0x66: {  	v0 =	vld.idx.msk [tilespmem:v0+s24+$0x0], $0xffff;
	_ =	sdelay $0x1  }
0x67: {  	v3 =	vpop (erf);
	v4 =	vld.idx.msk [tilespmem:v4+s24+$0x0], $0xffff  }
0x68: {  	v1 =	vmul.f32 v3, v1  }
0x69: {  	v5 =	vld.idx.msk [tilespmem:v5+s24+$0x0], $0xffff;
	v3 =	vpop (erf)  }
0x6a: {  	v1 =	vadd.f32 $0.0e+00, v1;
	v0 =	vmul.f32 v3, v0  }
0x6b: {  	v3 =	vpop (erf)  }
0x6c: {  	v0 =	vadd.f32 v0, v1;
	v1 =	vmul.f32 v3, v4  }
0x6d: {  	v3 =	vpop (erf)  }
0x6e: {  	v0 =	vadd.f32 v1, v0;
	v1 =	vmul.f32 v3, v5;
	_ =	sdelay $0x1  }
0x6f: {  	v0 =	vadd.f32 v1, v0;
	_ =	sdelay $0x1  }
0x70: {  	v0 =	vmul.f32 $2.500000000e-01, v0;
	_ =	sdelay $0x1  }
0x71: {  	[tilespmem:$0x200] =	vst v0;
	v0 =	vld [tilespmem:$0x1FF90];
	_ =	sdelay $0x1  }
0x72: {  	v1 =	vld [tilespmem:$0x1FFB0];
	_ =	sdelay $0x1  }
0x73: {  	v3 =	vld [tilespmem:$0x1FFD0];
	_ =	sdelay $0x1  }
0x74: {  	v4 =	vld [tilespmem:$0x1FFF0];
	_ =	sdelay $0x1  }
0x75: {  	v0 =	vld.idx.msk [tilespmem:v0+s29+$0x0], $0xffff;
	_ =	sdelay $0x1  }
0x76: {  	v1 =	vld.idx.msk [tilespmem:v1+s29+$0x0], $0xffff;
	_ =	sdelay $0x1  }
0x77: {  	v3 =	vld.idx.msk [tilespmem:v3+s29+$0x0], $0xffff  }
0x78: {  	v0 =	vadd.f32 $1.000000010e-10, v0  }
0x79: {  	v4 =	vld.idx.msk [tilespmem:v4+s29+$0x0], $0xffff  }
0x7a: {  	(erf) = vrcp.f32 v0;
	v0 =	vadd.f32 $1.000000010e-10, v1;
	_ =	sdelay $0x1  }
0x7b: {  	(erf) = vrcp.f32 v0;
	v0 =	vadd.f32 $1.000000010e-10, v3;
	_ =	sdelay $0x1  }
0x7c: {  	v1 =	vld [tilespmem:$0x1FF80];
	(erf) = vrcp.f32 v0;
	v0 =	vadd.f32 $1.000000010e-10, v4;
	_ =	sdelay $0x1  }
0x7d: {  	(erf) = vrcp.f32 v0;
	v0 =	vld [tilespmem:$0x1FFA0];
	_ =	sdelay $0x1  }
0x7e: {  	v4 =	vld [tilespmem:$0x1FFC0];
	_ =	sdelay $0x1  }
0x7f: {  	v5 =	vld [tilespmem:$0x1FFE0];
	_ =	sdelay $0x1  }
0x80: {  	v1 =	vld.idx.msk [tilespmem:v1+s24+$0x0], $0xffff;
	_ =	sdelay $0x1  }
0x81: {  	v0 =	vld.idx.msk [tilespmem:v0+s24+$0x0], $0xffff;
	_ =	sdelay $0x1  }
0x82: {  	v3 =	vpop (erf);
	v4 =	vld.idx.msk [tilespmem:v4+s24+$0x0], $0xffff  }
0x83: {  	v1 =	vmul.f32 v3, v1  }
0x84: {  	v5 =	vld.idx.msk [tilespmem:v5+s24+$0x0], $0xffff;
	v3 =	vpop (erf)  }
0x85: {  	v1 =	vadd.f32 $0.0e+00, v1;
	v0 =	vmul.f32 v3, v0  }
0x86: {  	v3 =	vpop (erf)  }
0x87: {  	v0 =	vadd.f32 v0, v1;
	v1 =	vmul.f32 v3, v4  }
0x88: {  	v3 =	vpop (erf)  }
0x89: {  	v0 =	vadd.f32 v1, v0;
	v1 =	vmul.f32 v3, v5;
	_ =	sdelay $0x1  }
0x8a: {  	v0 =	vadd.f32 v1, v0;
	_ =	sdelay $0x1  }
0x8b: {  	v0 =	vmul.f32 $2.500000000e-01, v0;
	_ =	sdelay $0x1  }
0x8c: {  	[tilespmem:$0x210] =	vst v0  }
0x8d: {  	v0 =	vld.idx.msk [tilespmem:v18+s29+$0x0], $0xffff;
	_ =	sdelay $0x1  }
0x8e: {  	v1 =	vld.idx.msk [tilespmem:v20+s29+$0x0], $0xffff;
	_ =	sdelay $0x1  }
0x8f: {  	v3 =	vld.idx.msk [tilespmem:v22+s29+$0x0], $0xffff  }
0x90: {  	v0 =	vadd.f32 $1.000000010e-10, v0  }
0x91: {  	v4 =	vld.idx.msk [tilespmem:v24+s29+$0x0], $0xffff  }
0x92: {  	(erf) = vrcp.f32 v0;
	v0 =	vadd.f32 $1.000000010e-10, v1;
	_ =	sdelay $0x1  }
0x93: {  	(erf) = vrcp.f32 v0;
	v0 =	vadd.f32 $1.000000010e-10, v3;
	_ =	sdelay $0x1  }
0x94: {  	(erf) = vrcp.f32 v0;
	v0 =	vadd.f32 $1.000000010e-10, v4  }
0x95: {  	v1 =	vld.idx.msk [tilespmem:v17+s24+$0x0], $0xffff  }
0x96: {  	(erf) = vrcp.f32 v0  }
0x97: {  	v0 =	vld.idx.msk [tilespmem:v19+s24+$0x0], $0xffff;
	_ =	sdelay $0x1  }
0x98: {  	v4 =	vld.idx.msk [tilespmem:v21+s24+$0x0], $0xffff;
	v3 =	vpop (erf)  }
0x99: {  	v1 =	vmul.f32 v3, v1  }
0x9a: {  	v5 =	vld.idx.msk [tilespmem:v23+s24+$0x0], $0xffff;
	v3 =	vpop (erf)  }
0x9b: {  	v1 =	vadd.f32 $0.0e+00, v1;
	v0 =	vmul.f32 v3, v0  }
0x9c: {  	v3 =	vpop (erf)  }
0x9d: {  	v0 =	vadd.f32 v0, v1;
	v1 =	vmul.f32 v3, v4  }
0x9e: {  	v3 =	vpop (erf)  }
0x9f: {  	v0 =	vadd.f32 v1, v0;
	v1 =	vmul.f32 v3, v5;
	_ =	sdelay $0x1  }
0xa0: {  	v0 =	vadd.f32 v1, v0;
	_ =	sdelay $0x1  }
0xa1: {  	v0 =	vmul.f32 $2.500000000e-01, v0;
	_ =	sdelay $0x1  }
0xa2: {  	[tilespmem:$0x220] =	vst v0  }
0xa3: {  	v0 =	vld.idx.msk [tilespmem:v26+s29+$0x0], $0xffff;
	_ =	sdelay $0x1  }
0xa4: {  	v1 =	vld.idx.msk [tilespmem:v28+s29+$0x0], $0xffff;
	_ =	sdelay $0x1  }
0xa5: {  	v3 =	vld.idx.msk [tilespmem:v30+s29+$0x0], $0xffff  }
0xa6: {  	v0 =	vadd.f32 $1.000000010e-10, v0  }
0xa7: {  	v4 =	vld.idx.msk [tilespmem:v32+s29+$0x0], $0xffff  }
0xa8: {  	(erf) = vrcp.f32 v0;
	v0 =	vadd.f32 $1.000000010e-10, v1;
	_ =	sdelay $0x1  }
0xa9: {  	(erf) = vrcp.f32 v0;
	v0 =	vadd.f32 $1.000000010e-10, v3;
	_ =	sdelay $0x1  }
0xaa: {  	(erf) = vrcp.f32 v0;
	v0 =	vadd.f32 $1.000000010e-10, v4  }
0xab: {  	v1 =	vld.idx.msk [tilespmem:v25+s24+$0x0], $0xffff  }
0xac: {  	(erf) = vrcp.f32 v0  }
0xad: {  	v0 =	vld.idx.msk [tilespmem:v27+s24+$0x0], $0xffff;
	_ =	sdelay $0x1  }
0xae: {  	v4 =	vld.idx.msk [tilespmem:v29+s24+$0x0], $0xffff;
	v3 =	vpop (erf)  }
0xaf: {  	v1 =	vmul.f32 v3, v1  }
0xb0: {  	v5 =	vld.idx.msk [tilespmem:v31+s24+$0x0], $0xffff;
	v3 =	vpop (erf)  }
0xb1: {  	v1 =	vadd.f32 $0.0e+00, v1;
	v0 =	vmul.f32 v3, v0  }
0xb2: {  	v3 =	vpop (erf)  }
0xb3: {  	v0 =	vadd.f32 v0, v1;
	v1 =	vmul.f32 v3, v4  }
0xb4: {  	v3 =	vpop (erf)  }
0xb5: {  	v0 =	vadd.f32 v1, v0;
	v1 =	vmul.f32 v3, v5;
	_ =	sdelay $0x1  }
0xb6: {  	v0 =	vadd.f32 v1, v0;
	_ =	sdelay $0x1  }
0xb7: {  	v0 =	vmul.f32 $2.500000000e-01, v0;
	_ =	sdelay $0x1  }
0xb8: {  	[tilespmem:$0x230] =	vst v0  }
0xb9: {  	v0 =	vld.idx.msk [tilespmem:v34+s29+$0x0], $0xffff;
	_ =	sdelay $0x1  }
0xba: {  	v1 =	vld.idx.msk [tilespmem:v36+s29+$0x0], $0xffff;
	_ =	sdelay $0x1  }
0xbb: {  	v3 =	vld.idx.msk [tilespmem:v38+s29+$0x0], $0xffff  }
0xbc: {  	v0 =	vadd.f32 $1.000000010e-10, v0  }
0xbd: {  	v4 =	vld.idx.msk [tilespmem:v40+s29+$0x0], $0xffff  }
0xbe: {  	(erf) = vrcp.f32 v0;
	v0 =	vadd.f32 $1.000000010e-10, v1;
	_ =	sdelay $0x1  }
0xbf: {  	(erf) = vrcp.f32 v0;
	v0 =	vadd.f32 $1.000000010e-10, v3;
	_ =	sdelay $0x1  }
0xc0: {  	(erf) = vrcp.f32 v0;
	v0 =	vadd.f32 $1.000000010e-10, v4  }
0xc1: {  	v1 =	vld.idx.msk [tilespmem:v33+s24+$0x0], $0xffff  }
0xc2: {  	(erf) = vrcp.f32 v0  }
0xc3: {  	v0 =	vld.idx.msk [tilespmem:v35+s24+$0x0], $0xffff;
	_ =	sdelay $0x1  }
0xc4: {  	v4 =	vld.idx.msk [tilespmem:v37+s24+$0x0], $0xffff;
	v3 =	vpop (erf)  }
0xc5: {  	v1 =	vmul.f32 v3, v1  }
0xc6: {  	v5 =	vld.idx.msk [tilespmem:v39+s24+$0x0], $0xffff;
	v3 =	vpop (erf)  }
0xc7: {  	v1 =	vadd.f32 $0.0e+00, v1;
	v0 =	vmul.f32 v3, v0  }
0xc8: {  	v3 =	vpop (erf)  }
0xc9: {  	v0 =	vadd.f32 v0, v1;
	v1 =	vmul.f32 v3, v4  }
0xca: {  	v3 =	vpop (erf)  }
0xcb: {  	v0 =	vadd.f32 v1, v0;
	v1 =	vmul.f32 v3, v5;
	_ =	sdelay $0x1  }
0xcc: {  	v0 =	vadd.f32 v1, v0;
	_ =	sdelay $0x1  }
0xcd: {  	v0 =	vmul.f32 $2.500000000e-01, v0;
	_ =	sdelay $0x1  }
0xce: {  	[tilespmem:$0x240] =	vst v0  }
0xcf: {  	v0 =	vld.idx.msk [tilespmem:v42+s29+$0x0], $0xffff;
	_ =	sdelay $0x1  }
0xd0: {  	v1 =	vld.idx.msk [tilespmem:v44+s29+$0x0], $0xffff;
	_ =	sdelay $0x1  }
0xd1: {  	v3 =	vld.idx.msk [tilespmem:v46+s29+$0x0], $0xffff  }
0xd2: {  	v0 =	vadd.f32 $1.000000010e-10, v0  }
0xd3: {  	v4 =	vld.idx.msk [tilespmem:v48+s29+$0x0], $0xffff  }
0xd4: {  	(erf) = vrcp.f32 v0;
	v0 =	vadd.f32 $1.000000010e-10, v1;
	_ =	sdelay $0x1  }
0xd5: {  	(erf) = vrcp.f32 v0;
	v0 =	vadd.f32 $1.000000010e-10, v3;
	_ =	sdelay $0x1  }
0xd6: {  	(erf) = vrcp.f32 v0;
	v0 =	vadd.f32 $1.000000010e-10, v4  }
0xd7: {  	v1 =	vld.idx.msk [tilespmem:v41+s24+$0x0], $0xffff  }
0xd8: {  	(erf) = vrcp.f32 v0  }
0xd9: {  	v0 =	vld.idx.msk [tilespmem:v43+s24+$0x0], $0xffff;
	_ =	sdelay $0x1  }
0xda: {  	v4 =	vld.idx.msk [tilespmem:v45+s24+$0x0], $0xffff;
	v3 =	vpop (erf)  }
0xdb: {  	v1 =	vmul.f32 v3, v1  }
0xdc: {  	v5 =	vld.idx.msk [tilespmem:v47+s24+$0x0], $0xffff;
	v3 =	vpop (erf)  }
0xdd: {  	v1 =	vadd.f32 $0.0e+00, v1;
	v0 =	vmul.f32 v3, v0  }
0xde: {  	v3 =	vpop (erf)  }
0xdf: {  	v0 =	vadd.f32 v0, v1;
	v1 =	vmul.f32 v3, v4  }
0xe0: {  	v3 =	vpop (erf)  }
0xe1: {  	v0 =	vadd.f32 v1, v0;
	v1 =	vmul.f32 v3, v5;
	_ =	sdelay $0x1  }
0xe2: {  	v0 =	vadd.f32 v1, v0;
	_ =	sdelay $0x1  }
0xe3: {  	v0 =	vmul.f32 $2.500000000e-01, v0;
	_ =	sdelay $0x1  }
0xe4: {  	[tilespmem:$0x250] =	vst v0  }
0xe5: {  	v0 =	vld.idx.msk [tilespmem:v50+s29+$0x0], $0xffff;
	_ =	sdelay $0x1  }
0xe6: {  	v1 =	vld.idx.msk [tilespmem:v52+s29+$0x0], $0xffff;
	_ =	sdelay $0x1  }
0xe7: {  	v3 =	vld.idx.msk [tilespmem:v54+s29+$0x0], $0xffff  }
0xe8: {  	v0 =	vadd.f32 $1.000000010e-10, v0  }
0xe9: {  	v4 =	vld.idx.msk [tilespmem:v56+s29+$0x0], $0xffff  }
0xea: {  	(erf) = vrcp.f32 v0;
	v0 =	vadd.f32 $1.000000010e-10, v1;
	_ =	sdelay $0x1  }
0xeb: {  	(erf) = vrcp.f32 v0;
	v0 =	vadd.f32 $1.000000010e-10, v3;
	_ =	sdelay $0x1  }
0xec: {  	(erf) = vrcp.f32 v0;
	v0 =	vadd.f32 $1.000000010e-10, v4  }
0xed: {  	v1 =	vld.idx.msk [tilespmem:v49+s24+$0x0], $0xffff  }
0xee: {  	(erf) = vrcp.f32 v0  }
0xef: {  	v0 =	vld.idx.msk [tilespmem:v51+s24+$0x0], $0xffff;
	_ =	sdelay $0x1  }
0xf0: {  	v4 =	vld.idx.msk [tilespmem:v53+s24+$0x0], $0xffff;
	v3 =	vpop (erf)  }
0xf1: {  	v1 =	vmul.f32 v3, v1  }
0xf2: {  	v5 =	vld.idx.msk [tilespmem:v55+s24+$0x0], $0xffff;
	v3 =	vpop (erf)  }
0xf3: {  	v1 =	vadd.f32 $0.0e+00, v1;
	v0 =	vmul.f32 v3, v0  }
0xf4: {  	v3 =	vpop (erf)  }
0xf5: {  	v0 =	vadd.f32 v0, v1;
	v1 =	vmul.f32 v3, v4  }
0xf6: {  	v3 =	vpop (erf)  }
0xf7: {  	v0 =	vadd.f32 v1, v0;
	v1 =	vmul.f32 v3, v5;
	_ =	sdelay $0x1  }
0xf8: {  	v0 =	vadd.f32 v1, v0;
	_ =	sdelay $0x1  }
0xf9: {  	v0 =	vmul.f32 $2.500000000e-01, v0;
	_ =	sdelay $0x1  }
0xfa: {  	[tilespmem:$0x260] =	vst v0  }
0xfb: {  	v0 =	vld.idx.msk [tilespmem:v58+s29+$0x0], $0xffff  }
0xfc: {  	v1 =	vor.u32 $0x703, v2  }
0xfd: {  	v3 =	vld.idx.msk [tilespmem:v60+s29+$0x0], $0xffff;
	_ =	sdelay $0x1  }
0xfe: {  	v4 =	vld.idx.msk [tilespmem:v62+s29+$0x0], $0xffff  }
0xff: {  	v0 =	vadd.f32 $1.000000010e-10, v0  }
0x100: {  	v5 =	vld.idx.msk [tilespmem:v1+s29+$0x0], $0xffff  }
0x101: {  	(erf) = vrcp.f32 v0;
	v0 =	vadd.f32 $1.000000010e-10, v3;
	_ =	sdelay $0x1  }
0x102: {  	(erf) = vrcp.f32 v0;
	v0 =	vadd.f32 $1.000000010e-10, v4;
	_ =	sdelay $0x1  }
0x103: {  	(erf) = vrcp.f32 v0;
	v0 =	vadd.f32 $1.000000010e-10, v5  }
0x104: {  	v3 =	vld.idx.msk [tilespmem:v57+s24+$0x0], $0xffff  }
0x105: {  	(erf) = vrcp.f32 v0  }
0x106: {  	v0 =	vld.idx.msk [tilespmem:v59+s24+$0x0], $0xffff;
	_ =	sdelay $0x1  }
0x107: {  	v5 =	vld.idx.msk [tilespmem:v61+s24+$0x0], $0xffff;
	v4 =	vpop (erf)  }
0x108: {  	v3 =	vmul.f32 v4, v3  }
0x109: {  	v6 =	vld.idx.msk [tilespmem:v63+s24+$0x0], $0xffff;
	v4 =	vpop (erf)  }
0x10a: {  	v3 =	vadd.f32 $0.0e+00, v3;
	v0 =	vmul.f32 v4, v0  }
0x10b: {  	v4 =	vpop (erf)  }
0x10c: {  	v0 =	vadd.f32 v0, v3;
	v3 =	vmul.f32 v4, v5  }
0x10d: {  	v4 =	vpop (erf)  }
0x10e: {  	v0 =	vadd.f32 v3, v0;
	v3 =	vmul.f32 v4, v6;
	_ =	sdelay $0x1  }
0x10f: {  	s10 =	simm.s32 $0x0;
	v0 =	vadd.f32 v3, v0  }
0x110: {  	v3 =	vmov s10  }
0x111: {  	v0 =	vmul.f32 $2.500000000e-01, v0;
	_ =	sdelay $0x1  }
0x112: {  	s16 =	simm.s32 $0x1B20;
	[tilespmem:$0x270] =	vst v0  }
0x113: {  	v0 =	vlaneseq.u32;
	v4 =	vld [tilespmem:s16+$0xFFFFFFE0]  }
0x114: {  	v10 =	vld.idx.msk [tilespmem:v3+s11+$0x0], $0xffff;
	v0 =	vmul.u32 $0x2, v0  }
0x115: {  	v12 =	vshll.u32 v3, $0x7  }
0x116: {  	v5 =	vor.u32 v0, v12;
	v3 =	vor.u32 $0x1, v0  }
0x117: {  	v6 =	vor.u32 v3, v12  }
0x118: {  	v7 =	vunpack.i.l.bf16.f32 v4  }
0x119: {  	v4 =	vunpack.i.u.bf16.f32 v4;
	v7 =	vmul.f32 v7, v10  }
0x11a: {  	v4 =	vmul.f32 v4, v10  }
0x11b: {  	[tilespmem:v5+s12+$0x0] =	vst.idx.msk $0xffff, v7  }
0x11c: {  	[tilespmem:v6+s12+$0x0] =	vst.idx.msk $0xffff, v4  }
0x11d: {  	v6 =	vld [tilespmem:s16+$0xFFFFFFF0];
	_ =	sdelay $0x1  }
0x11e: {  	v4 =	vor.u32 $0x20, v0  }
0x11f: {  	v5 =	vor.u32 $0x21, v0;
	v7 =	vor.u32 v4, v12  }
0x120: {  	v8 =	vor.u32 v5, v12  }
0x121: {  	v9 =	vunpack.i.l.bf16.f32 v6  }
0x122: {  	v6 =	vunpack.i.u.bf16.f32 v6;
	v9 =	vmul.f32 v9, v10  }
0x123: {  	v6 =	vmul.f32 v6, v10  }
0x124: {  	[tilespmem:v7+s12+$0x0] =	vst.idx.msk $0xffff, v9  }
0x125: {  	[tilespmem:v8+s12+$0x0] =	vst.idx.msk $0xffff, v6  }
0x126: {  	v8 =	vld [tilespmem:s16+$0x0];
	_ =	sdelay $0x1  }
0x127: {  	v6 =	vor.u32 $0x40, v0  }
0x128: {  	v7 =	vor.u32 $0x41, v0;
	v9 =	vor.u32 v6, v12  }
0x129: {  	v11 =	vor.u32 v7, v12  }
0x12a: {  	v13 =	vunpack.i.l.bf16.f32 v8  }
0x12b: {  	v8 =	vunpack.i.u.bf16.f32 v8;
	v13 =	vmul.f32 v13, v10  }
0x12c: {  	v8 =	vmul.f32 v8, v10  }
0x12d: {  	[tilespmem:v9+s12+$0x0] =	vst.idx.msk $0xffff, v13  }
0x12e: {  	[tilespmem:v11+s12+$0x0] =	vst.idx.msk $0xffff, v8  }
0x12f: {  	v11 =	vld [tilespmem:s16+$0x10];
	_ =	sdelay $0x3  }
0x130: {  	v8 =	vor.u32 $0x60, v0  }
0x131: {  	v13 =	vor.u32 v8, v12;
	v9 =	vunpack.i.l.bf16.f32 v11  }
0x132: {  	v14 =	vmul.f32 v9, v10;
	v9 =	vor.u32 $0x61, v0  }
0x133: {  	v12 =	vor.u32 v9, v12  }
0x134: {  	s21 =	simm.s32 $0x1  }
0x135: {  	v16 =	vmov v15;
	v15 =	vunpack.i.u.bf16.f32 v11;
	v11 =	vmov s21  }
0x136: {  	s19 =	simm.s32 $0x2;
	[tilespmem:v13+s12+$0x0] =	vst.idx.msk $0xffff, v14;
	v13 =	vmul.f32 v15, v10;
	v10 =	vshll.u32 v11, $0x7  }
.LBB2_3:
0x137: {  	p0 =	sne.s32 s19, $0x7F  }
0x138: {  	[tilespmem:v12+s12+$0x0] =	vst.idx.msk $0xffff, v13;
	s16 =	sadd.s32 $0x40, s16;
	s20 =	smov.u32 s19;
	s19 =	sadd.s32 $0x1, s19  }
0x139: {  	v12 =	vld [tilespmem:s16+$0xFFFFFFE0]  }
0x13a: {  	v13 =	vld.idx.msk [tilespmem:v11+s11+$0x0], $0xffff;
	_ =	sdelay $0x2  }
0x13b: {  	v11 =	vor.u32 v0, v10  }
0x13c: {  	v14 =	vor.u32 v3, v10  }
0x13d: {  	v15 =	vunpack.i.l.bf16.f32 v12  }
0x13e: {  	v12 =	vunpack.i.u.bf16.f32 v12;
	v15 =	vmul.f32 v15, v13  }
0x13f: {  	v12 =	vmul.f32 v12, v13  }
0x140: {  	[tilespmem:v11+s12+$0x0] =	vst.idx.msk $0xffff, v15  }
0x141: {  	[tilespmem:v14+s12+$0x0] =	vst.idx.msk $0xffff, v12  }
0x142: {  	v11 =	vld [tilespmem:s16+$0xFFFFFFF0];
	_ =	sdelay $0x2  }
0x143: {  	v12 =	vor.u32 v4, v10  }
0x144: {  	v14 =	vor.u32 v5, v10  }
0x145: {  	v15 =	vunpack.i.u.bf16.f32 v11;
	v11 =	vunpack.i.l.bf16.f32 v11  }
0x146: {  	v11 =	vmul.f32 v11, v13;
	v15 =	vmul.f32 v15, v13;
	_ =	sdelay $0x1  }
0x147: {  	[tilespmem:v12+s12+$0x0] =	vst.idx.msk $0xffff, v11  }
0x148: {  	[tilespmem:v14+s12+$0x0] =	vst.idx.msk $0xffff, v15  }
0x149: {  	v11 =	vld [tilespmem:s16+$0x0];
	_ =	sdelay $0x2  }
0x14a: {  	v12 =	vor.u32 v6, v10  }
0x14b: {  	v14 =	vor.u32 v7, v10  }
0x14c: {  	v15 =	vunpack.i.u.bf16.f32 v11;
	v11 =	vunpack.i.l.bf16.f32 v11  }
0x14d: {  	v11 =	vmul.f32 v11, v13;
	v15 =	vmul.f32 v15, v13;
	_ =	sdelay $0x1  }
0x14e: {  	[tilespmem:v12+s12+$0x0] =	vst.idx.msk $0xffff, v11  }
0x14f: {  	[tilespmem:v14+s12+$0x0] =	vst.idx.msk $0xffff, v15  }
0x150: {  	v11 =	vld [tilespmem:s16+$0x10];
	_ =	sdelay $0x2  }
0x151: {  	v14 =	vor.u32 v8, v10  }
.Ltmp2:
0x152: {  	v12 =	vor.u32 v9, v10;
	(pc) =	sbr.rel @p0 .LBB2_3-.Ltmp2, $4  }
0x153: {  	v10 =	vunpack.i.u.bf16.f32 v11;
	v15 =	vunpack.i.l.bf16.f32 v11  }
0x154: {  	v11 =	vmov s20;
	v15 =	vmul.f32 v15, v13;
	v13 =	vmul.f32 v10, v13  }
0x155: {  	v10 =	vshll.u32 v11, $0x7  }
0x156: {  	[tilespmem:v14+s12+$0x0] =	vst.idx.msk $0xffff, v15  }
0x157: {  	_ =	sdelay $0x3  }
0x158: {  	[tilespmem:v12+s12+$0x0] =	vst.idx.msk $0xffff, v13;
	s10 =	sadd.s32 $0x40, s16  }
0x159: {  	v12 =	vld [tilespmem:s10+$0xFFFFFFE0]  }
0x15a: {  	v11 =	vld.idx.msk [tilespmem:v11+s11+$0x0], $0xffff;
	_ =	sdelay $0x1  }
0x15b: {  	v13 =	vor.u32 v0, v10  }
0x15c: {  	v14 =	vor.u32 v3, v10  }
0x15d: {  	v15 =	vunpack.i.l.bf16.f32 v12  }
0x15e: {  	v12 =	vunpack.i.u.bf16.f32 v12;
	v15 =	vmul.f32 v15, v11  }
0x15f: {  	v12 =	vmul.f32 v12, v11  }
0x160: {  	[tilespmem:v13+s12+$0x0] =	vst.idx.msk $0xffff, v15  }
0x161: {  	[tilespmem:v14+s12+$0x0] =	vst.idx.msk $0xffff, v12  }
0x162: {  	v12 =	vld [tilespmem:s10+$0xFFFFFFF0];
	_ =	sdelay $0x2  }
0x163: {  	v13 =	vor.u32 v4, v10  }
0x164: {  	v14 =	vor.u32 v5, v10  }
0x165: {  	v15 =	vunpack.i.l.bf16.f32 v12  }
0x166: {  	v12 =	vunpack.i.u.bf16.f32 v12;
	v15 =	vmul.f32 v15, v11  }
0x167: {  	v12 =	vmul.f32 v12, v11  }
0x168: {  	[tilespmem:v13+s12+$0x0] =	vst.idx.msk $0xffff, v15  }
0x169: {  	[tilespmem:v14+s12+$0x0] =	vst.idx.msk $0xffff, v12  }
0x16a: {  	v12 =	vld [tilespmem:s10+$0x0];
	_ =	sdelay $0x2  }
0x16b: {  	v13 =	vor.u32 v6, v10  }
0x16c: {  	v14 =	vor.u32 v7, v10  }
0x16d: {  	v15 =	vunpack.i.l.bf16.f32 v12  }
0x16e: {  	v12 =	vunpack.i.u.bf16.f32 v12;
	v15 =	vmul.f32 v15, v11  }
0x16f: {  	v12 =	vmul.f32 v12, v11  }
0x170: {  	[tilespmem:v13+s12+$0x0] =	vst.idx.msk $0xffff, v15  }
0x171: {  	[tilespmem:v14+s12+$0x0] =	vst.idx.msk $0xffff, v12  }
0x172: {  	v12 =	vld [tilespmem:s10+$0x10];
	_ =	sdelay $0x2  }
0x173: {  	v13 =	vor.u32 v8, v10  }
0x174: {  	v10 =	vor.u32 v9, v10  }
0x175: {  	v14 =	vunpack.i.l.bf16.f32 v12  }
0x176: {  	v12 =	vunpack.i.u.bf16.f32 v12;
	v14 =	vmul.f32 v14, v11  }
0x177: {  	v11 =	vmul.f32 v12, v11  }
0x178: {  	[tilespmem:v13+s12+$0x0] =	vst.idx.msk $0xffff, v14  }
0x179: {  	s16 =	sshll.u32 s23, $0x8;
	p0 =	seq.s32 s23, $0x27;
	[tilespmem:v10+s12+$0x0] =	vst.idx.msk $0xffff, v11  }
0x17a: {  	[spmem:s2] =	stream.indirect.scatter.add.f32 [tilespmem:s12], [sflag:$0x5], $0x80, s4, s26, $0xb8;
	[tilespmem:$0x1DB00] =	vst v63  }
0x17b: {  	s10 =	sadd.s32 @!p0 s16, s17;
	_ =	swait.ge [sflag:s22], $0x4000  }
0x17c: {  	s19 =	sshrl.u32 @!p0 s10, $0x3;
	[sflag:s22] =	ssyncset.done $0x0  }
0x17d: {  	s21 =	simm.s32 @!p0 $0x0;
	s20 =	sadd.s32 @!p0 s5, s19;
	[sflag:s22] =	ssyncadd.s32 $0xFFFFC000  }
0x17e: {  	[tilespmem:s21], [sflag:$0x3] =	stream.linear.gather @!p0 [hbm4b:s20+s21], $0x80, $0x38;
	[tilespmem:$0x1DB00] =	vst v63  }
0x17f: {  	s19 =	sadd.s32 @!p0 s6, s19;
	s20 =	simm.s32 @!p0 $0x100  }
0x180: {  	[tilespmem:s20], [sflag:$0x3] =	stream.linear.gather @!p0 [hbm4b:s19+s21], $0x80, $0x38;
	[tilespmem:$0x1DB00] =	vst v63  }
0x181: {  	s10 =	sadd.s32 @!p0 s7, s10;
	s19 =	simm.s32 @!p0 $0x300  }
0x182: {  	[tilespmem:s19], [sflag:$0x3] =	stream.linear.gather @!p0 [hbm4b:s10+s21], $0x400, $0x38;
	[tilespmem:$0x1DB00] =	vst v63  }
0x183: {  	s10 =	simm.s32 @!p0 $0x3  }
0x184: {  	_ =	swait.ge @!p0 [sflag:s10], $0x80  }
0x185: {  	[sflag:s10] =	ssyncset.done @!p0 $0x0  }
0x186: {  	[sflag:s10] =	ssyncadd.s32 @!p0 $0xFFFFFF80  }
0x187: {  	_ =	swait.ge @!p0 [sflag:s10], $0x80  }
0x188: {  	[sflag:s10] =	ssyncset.done @!p0 $0x0  }
0x189: {  	[sflag:s10] =	ssyncadd.s32 @!p0 $0xFFFFFF80  }
0x18a: {  	_ =	swait.ge @!p0 [sflag:s10], $0x400  }
0x18b: {  	[sflag:s10] =	ssyncset.done @!p0 $0x0  }
0x18c: {  	s19 =	simm.s32 @!p0 $0x1B00;
	[sflag:s10] =	ssyncadd.s32 @!p0 $0xFFFFFC00;
	s10 =	simm.s32 @!p0 $0x80  }
0x18d: {  	[tilespmem:s19], [sflag:$0x1] =	stream.indirect.gather @!p0 [hbm4b:s1+s10], $0x40, s20, s10, $0xb8;
	[tilespmem:$0x1DB00] =	vst v63  }
0x18e: {  	s19 =	simm.s32 @!p0 $0xB00  }
0x18f: {  	[tilespmem:s19], [sflag:$0x1] =	stream.indirect.gather @!p0 [hbm4b:s8+s10], $0x10, s21, s10, $0xb8;
	[tilespmem:$0x1DB00] =	vst v63  }
0x190: {  	_ =	swait.ge [sflag:s13], $0x2000  }
0x191: {  	[sflag:s13] =	ssyncset.done $0x0  }
0x192: {  	[sflag:s13] =	ssyncadd.s32 $0xFFFFE000  }
0x193: {  	_ =	swait.ge [sflag:s13], $0x800  }
0x194: {  	v11 =	vld [tilespmem:$0x1FF30];
	_ =	sdelay $0x1  }
0x195: {  	v12 =	vld [tilespmem:$0x1FF50];
	_ =	sdelay $0x1  }
0x196: {  	[sflag:s13] =	ssyncset.done $0x0;
	v13 =	vld [tilespmem:$0x1FF70]  }
0x197: {  	[sflag:s13] =	ssyncadd.s32 $0xFFFFF800  }
0x198: {  	v10 =	vld.idx.msk [tilespmem:v2+s28+$0x0], $0xffff;
	_ =	sdelay $0x1  }
0x199: {  	v11 =	vld.idx.msk [tilespmem:v11+s28+$0x0], $0xffff;
	_ =	sdelay $0x1  }
0x19a: {  	v12 =	vld.idx.msk [tilespmem:v12+s28+$0x0], $0xffff  }
0x19b: {  	v10 =	vadd.f32 $1.000000010e-10, v10  }
0x19c: {  	v13 =	vld.idx.msk [tilespmem:v13+s28+$0x0], $0xffff  }
0x19d: {  	(erf) = vrcp.f32 v10;
	v10 =	vadd.f32 $1.000000010e-10, v11;
	_ =	sdelay $0x1  }
0x19e: {  	(erf) = vrcp.f32 v10;
	v10 =	vadd.f32 $1.000000010e-10, v12;
	_ =	sdelay $0x1  }
0x19f: {  	(erf) = vrcp.f32 v10;
	v10 =	vadd.f32 $1.000000010e-10, v13;
	_ =	sdelay $0x1  }
0x1a0: {  	(erf) = vrcp.f32 v10;
	v10 =	vld [tilespmem:$0x1FF20];
	_ =	sdelay $0x1  }
0x1a1: {  	v13 =	vld [tilespmem:$0x1FF40];
	_ =	sdelay $0x1  }
0x1a2: {  	v14 =	vld [tilespmem:$0x1FF60];
	_ =	sdelay $0x1  }
0x1a3: {  	v11 =	vld.idx.msk [tilespmem:v16+s31+$0x0], $0xffff;
	_ =	sdelay $0x1  }
0x1a4: {  	v10 =	vld.idx.msk [tilespmem:v10+s31+$0x0], $0xffff;
	_ =	sdelay $0x1  }
0x1a5: {  	v12 =	vpop (erf);
	v13 =	vld.idx.msk [tilespmem:v13+s31+$0x0], $0xffff  }
0x1a6: {  	v11 =	vmul.f32 v12, v11  }
0x1a7: {  	v14 =	vld.idx.msk [tilespmem:v14+s31+$0x0], $0xffff;
	v12 =	vpop (erf)  }
0x1a8: {  	v11 =	vadd.f32 $0.0e+00, v11;
	v10 =	vmul.f32 v12, v10  }
0x1a9: {  	v12 =	vpop (erf)  }
0x1aa: {  	v10 =	vadd.f32 v10, v11;
	v11 =	vmul.f32 v12, v13  }
0x1ab: {  	v12 =	vpop (erf)  }
0x1ac: {  	v10 =	vadd.f32 v11, v10;
	v11 =	vmul.f32 v12, v14;
	_ =	sdelay $0x1  }
0x1ad: {  	v10 =	vadd.f32 v11, v10;
	_ =	sdelay $0x1  }
0x1ae: {  	v10 =	vmul.f32 $2.500000000e-01, v10;
	_ =	sdelay $0x1  }
0x1af: {  	[tilespmem:$0x280] =	vst v10;
	v10 =	vld [tilespmem:$0x1FF90];
	_ =	sdelay $0x1  }
0x1b0: {  	v11 =	vld [tilespmem:$0x1FFB0];
	_ =	sdelay $0x1  }
0x1b1: {  	v12 =	vld [tilespmem:$0x1FFD0];
	_ =	sdelay $0x1  }
0x1b2: {  	v13 =	vld [tilespmem:$0x1FFF0];
	_ =	sdelay $0x1  }
0x1b3: {  	v10 =	vld.idx.msk [tilespmem:v10+s28+$0x0], $0xffff;
	_ =	sdelay $0x1  }
0x1b4: {  	v11 =	vld.idx.msk [tilespmem:v11+s28+$0x0], $0xffff;
	_ =	sdelay $0x1  }
0x1b5: {  	v12 =	vld.idx.msk [tilespmem:v12+s28+$0x0], $0xffff  }
0x1b6: {  	v10 =	vadd.f32 $1.000000010e-10, v10  }
0x1b7: {  	v13 =	vld.idx.msk [tilespmem:v13+s28+$0x0], $0xffff  }
0x1b8: {  	(erf) = vrcp.f32 v10;
	v10 =	vadd.f32 $1.000000010e-10, v11;
	_ =	sdelay $0x1  }
0x1b9: {  	(erf) = vrcp.f32 v10;
	v10 =	vadd.f32 $1.000000010e-10, v12;
	_ =	sdelay $0x1  }
0x1ba: {  	v11 =	vld [tilespmem:$0x1FF80];
	(erf) = vrcp.f32 v10;
	v10 =	vadd.f32 $1.000000010e-10, v13;
	_ =	sdelay $0x1  }
0x1bb: {  	(erf) = vrcp.f32 v10;
	v10 =	vld [tilespmem:$0x1FFA0];
	_ =	sdelay $0x1  }
0x1bc: {  	v13 =	vld [tilespmem:$0x1FFC0];
	_ =	sdelay $0x1  }
0x1bd: {  	v14 =	vld [tilespmem:$0x1FFE0];
	_ =	sdelay $0x1  }
0x1be: {  	v11 =	vld.idx.msk [tilespmem:v11+s31+$0x0], $0xffff;
	_ =	sdelay $0x1  }
0x1bf: {  	v10 =	vld.idx.msk [tilespmem:v10+s31+$0x0], $0xffff;
	_ =	sdelay $0x1  }
0x1c0: {  	v12 =	vpop (erf);
	v13 =	vld.idx.msk [tilespmem:v13+s31+$0x0], $0xffff  }
0x1c1: {  	v11 =	vmul.f32 v12, v11  }
0x1c2: {  	v14 =	vld.idx.msk [tilespmem:v14+s31+$0x0], $0xffff;
	v12 =	vpop (erf)  }
0x1c3: {  	v11 =	vadd.f32 $0.0e+00, v11;
	v10 =	vmul.f32 v12, v10  }
0x1c4: {  	v12 =	vpop (erf)  }
0x1c5: {  	v10 =	vadd.f32 v10, v11;
	v11 =	vmul.f32 v12, v13  }
0x1c6: {  	v12 =	vpop (erf)  }
0x1c7: {  	v10 =	vadd.f32 v11, v10;
	v11 =	vmul.f32 v12, v14;
	_ =	sdelay $0x1  }
0x1c8: {  	v10 =	vadd.f32 v11, v10;
	_ =	sdelay $0x1  }
0x1c9: {  	v10 =	vmul.f32 $2.500000000e-01, v10;
	_ =	sdelay $0x1  }
0x1ca: {  	[tilespmem:$0x290] =	vst v10  }
0x1cb: {  	v10 =	vld.idx.msk [tilespmem:v18+s28+$0x0], $0xffff;
	_ =	sdelay $0x1  }
0x1cc: {  	v11 =	vld.idx.msk [tilespmem:v20+s28+$0x0], $0xffff;
	_ =	sdelay $0x1  }
0x1cd: {  	v12 =	vld.idx.msk [tilespmem:v22+s28+$0x0], $0xffff  }
0x1ce: {  	v10 =	vadd.f32 $1.000000010e-10, v10  }
0x1cf: {  	v13 =	vld.idx.msk [tilespmem:v24+s28+$0x0], $0xffff  }
0x1d0: {  	(erf) = vrcp.f32 v10;
	v10 =	vadd.f32 $1.000000010e-10, v11;
	_ =	sdelay $0x1  }
0x1d1: {  	(erf) = vrcp.f32 v10;
	v10 =	vadd.f32 $1.000000010e-10, v12;
	_ =	sdelay $0x1  }
0x1d2: {  	(erf) = vrcp.f32 v10;
	v10 =	vadd.f32 $1.000000010e-10, v13  }
0x1d3: {  	v11 =	vld.idx.msk [tilespmem:v17+s31+$0x0], $0xffff  }
0x1d4: {  	(erf) = vrcp.f32 v10  }
0x1d5: {  	v10 =	vld.idx.msk [tilespmem:v19+s31+$0x0], $0xffff;
	_ =	sdelay $0x1  }
0x1d6: {  	v13 =	vld.idx.msk [tilespmem:v21+s31+$0x0], $0xffff;
	v12 =	vpop (erf)  }
0x1d7: {  	v11 =	vmul.f32 v12, v11  }
0x1d8: {  	v14 =	vld.idx.msk [tilespmem:v23+s31+$0x0], $0xffff;
	v12 =	vpop (erf)  }
0x1d9: {  	v11 =	vadd.f32 $0.0e+00, v11;
	v10 =	vmul.f32 v12, v10  }
0x1da: {  	v12 =	vpop (erf)  }
0x1db: {  	v10 =	vadd.f32 v10, v11;
	v11 =	vmul.f32 v12, v13  }
0x1dc: {  	v12 =	vpop (erf)  }
0x1dd: {  	v10 =	vadd.f32 v11, v10;
	v11 =	vmul.f32 v12, v14;
	_ =	sdelay $0x1  }
0x1de: {  	v10 =	vadd.f32 v11, v10;
	_ =	sdelay $0x1  }
0x1df: {  	v10 =	vmul.f32 $2.500000000e-01, v10;
	_ =	sdelay $0x1  }
0x1e0: {  	[tilespmem:$0x2A0] =	vst v10  }
0x1e1: {  	v10 =	vld.idx.msk [tilespmem:v26+s28+$0x0], $0xffff;
	_ =	sdelay $0x1  }
0x1e2: {  	v11 =	vld.idx.msk [tilespmem:v28+s28+$0x0], $0xffff;
	_ =	sdelay $0x1  }
0x1e3: {  	v12 =	vld.idx.msk [tilespmem:v30+s28+$0x0], $0xffff  }
0x1e4: {  	v10 =	vadd.f32 $1.000000010e-10, v10  }
0x1e5: {  	v13 =	vld.idx.msk [tilespmem:v32+s28+$0x0], $0xffff  }
0x1e6: {  	(erf) = vrcp.f32 v10;
	v10 =	vadd.f32 $1.000000010e-10, v11;
	_ =	sdelay $0x1  }
0x1e7: {  	(erf) = vrcp.f32 v10;
	v10 =	vadd.f32 $1.000000010e-10, v12;
	_ =	sdelay $0x1  }
0x1e8: {  	(erf) = vrcp.f32 v10;
	v10 =	vadd.f32 $1.000000010e-10, v13  }
0x1e9: {  	v11 =	vld.idx.msk [tilespmem:v25+s31+$0x0], $0xffff  }
0x1ea: {  	(erf) = vrcp.f32 v10  }
0x1eb: {  	v10 =	vld.idx.msk [tilespmem:v27+s31+$0x0], $0xffff;
	_ =	sdelay $0x1  }
0x1ec: {  	v13 =	vld.idx.msk [tilespmem:v29+s31+$0x0], $0xffff;
	v12 =	vpop (erf)  }
0x1ed: {  	v11 =	vmul.f32 v12, v11  }
0x1ee: {  	v14 =	vld.idx.msk [tilespmem:v31+s31+$0x0], $0xffff;
	v12 =	vpop (erf)  }
0x1ef: {  	v11 =	vadd.f32 $0.0e+00, v11;
	v10 =	vmul.f32 v12, v10  }
0x1f0: {  	v12 =	vpop (erf)  }
0x1f1: {  	v10 =	vadd.f32 v10, v11;
	v11 =	vmul.f32 v12, v13  }
0x1f2: {  	v12 =	vpop (erf)  }
0x1f3: {  	v10 =	vadd.f32 v11, v10;
	v11 =	vmul.f32 v12, v14;
	_ =	sdelay $0x1  }
0x1f4: {  	v10 =	vadd.f32 v11, v10;
	_ =	sdelay $0x1  }
0x1f5: {  	v10 =	vmul.f32 $2.500000000e-01, v10;
	_ =	sdelay $0x1  }
0x1f6: {  	[tilespmem:$0x2B0] =	vst v10  }
0x1f7: {  	v10 =	vld.idx.msk [tilespmem:v34+s28+$0x0], $0xffff;
	_ =	sdelay $0x1  }
0x1f8: {  	v11 =	vld.idx.msk [tilespmem:v36+s28+$0x0], $0xffff;
	_ =	sdelay $0x1  }
0x1f9: {  	v12 =	vld.idx.msk [tilespmem:v38+s28+$0x0], $0xffff  }
0x1fa: {  	v10 =	vadd.f32 $1.000000010e-10, v10  }
0x1fb: {  	v13 =	vld.idx.msk [tilespmem:v40+s28+$0x0], $0xffff  }
0x1fc: {  	(erf) = vrcp.f32 v10;
	v10 =	vadd.f32 $1.000000010e-10, v11;
	_ =	sdelay $0x1  }
0x1fd: {  	(erf) = vrcp.f32 v10;
	v10 =	vadd.f32 $1.000000010e-10, v12;
	_ =	sdelay $0x1  }
0x1fe: {  	(erf) = vrcp.f32 v10;
	v10 =	vadd.f32 $1.000000010e-10, v13  }
0x1ff: {  	v11 =	vld.idx.msk [tilespmem:v33+s31+$0x0], $0xffff  }
0x200: {  	(erf) = vrcp.f32 v10  }
0x201: {  	v10 =	vld.idx.msk [tilespmem:v35+s31+$0x0], $0xffff;
	_ =	sdelay $0x1  }
0x202: {  	v13 =	vld.idx.msk [tilespmem:v37+s31+$0x0], $0xffff;
	v12 =	vpop (erf)  }
0x203: {  	v11 =	vmul.f32 v12, v11  }
0x204: {  	v14 =	vld.idx.msk [tilespmem:v39+s31+$0x0], $0xffff;
	v12 =	vpop (erf)  }
0x205: {  	v11 =	vadd.f32 $0.0e+00, v11;
	v10 =	vmul.f32 v12, v10  }
0x206: {  	v12 =	vpop (erf)  }
0x207: {  	v10 =	vadd.f32 v10, v11;
	v11 =	vmul.f32 v12, v13  }
0x208: {  	v12 =	vpop (erf)  }
0x209: {  	v10 =	vadd.f32 v11, v10;
	v11 =	vmul.f32 v12, v14;
	_ =	sdelay $0x1  }
0x20a: {  	v10 =	vadd.f32 v11, v10;
	_ =	sdelay $0x1  }
0x20b: {  	v10 =	vmul.f32 $2.500000000e-01, v10;
	_ =	sdelay $0x1  }
0x20c: {  	[tilespmem:$0x2C0] =	vst v10  }
0x20d: {  	v10 =	vld.idx.msk [tilespmem:v42+s28+$0x0], $0xffff;
	_ =	sdelay $0x1  }
0x20e: {  	v11 =	vld.idx.msk [tilespmem:v44+s28+$0x0], $0xffff;
	_ =	sdelay $0x1  }
0x20f: {  	v12 =	vld.idx.msk [tilespmem:v46+s28+$0x0], $0xffff  }
0x210: {  	v10 =	vadd.f32 $1.000000010e-10, v10  }
0x211: {  	v13 =	vld.idx.msk [tilespmem:v48+s28+$0x0], $0xffff  }
0x212: {  	(erf) = vrcp.f32 v10;
	v10 =	vadd.f32 $1.000000010e-10, v11;
	_ =	sdelay $0x1  }
0x213: {  	(erf) = vrcp.f32 v10;
	v10 =	vadd.f32 $1.000000010e-10, v12;
	_ =	sdelay $0x1  }
0x214: {  	(erf) = vrcp.f32 v10;
	v10 =	vadd.f32 $1.000000010e-10, v13  }
0x215: {  	v11 =	vld.idx.msk [tilespmem:v41+s31+$0x0], $0xffff  }
0x216: {  	(erf) = vrcp.f32 v10  }
0x217: {  	v10 =	vld.idx.msk [tilespmem:v43+s31+$0x0], $0xffff;
	_ =	sdelay $0x1  }
0x218: {  	v13 =	vld.idx.msk [tilespmem:v45+s31+$0x0], $0xffff;
	v12 =	vpop (erf)  }
0x219: {  	v11 =	vmul.f32 v12, v11  }
0x21a: {  	v14 =	vld.idx.msk [tilespmem:v47+s31+$0x0], $0xffff;
	v12 =	vpop (erf)  }
0x21b: {  	v11 =	vadd.f32 $0.0e+00, v11;
	v10 =	vmul.f32 v12, v10  }
0x21c: {  	v12 =	vpop (erf)  }
0x21d: {  	v10 =	vadd.f32 v10, v11;
	v11 =	vmul.f32 v12, v13  }
0x21e: {  	v12 =	vpop (erf)  }
0x21f: {  	v10 =	vadd.f32 v11, v10;
	v11 =	vmul.f32 v12, v14;
	_ =	sdelay $0x1  }
0x220: {  	v10 =	vadd.f32 v11, v10;
	_ =	sdelay $0x1  }
0x221: {  	v10 =	vmul.f32 $2.500000000e-01, v10;
	_ =	sdelay $0x1  }
0x222: {  	[tilespmem:$0x2D0] =	vst v10  }
0x223: {  	v10 =	vld.idx.msk [tilespmem:v50+s28+$0x0], $0xffff;
	_ =	sdelay $0x1  }
0x224: {  	v11 =	vld.idx.msk [tilespmem:v52+s28+$0x0], $0xffff;
	_ =	sdelay $0x1  }
0x225: {  	v12 =	vld.idx.msk [tilespmem:v54+s28+$0x0], $0xffff  }
0x226: {  	v10 =	vadd.f32 $1.000000010e-10, v10  }
0x227: {  	v13 =	vld.idx.msk [tilespmem:v56+s28+$0x0], $0xffff  }
0x228: {  	(erf) = vrcp.f32 v10;
	v10 =	vadd.f32 $1.000000010e-10, v11;
	_ =	sdelay $0x1  }
0x229: {  	(erf) = vrcp.f32 v10;
	v10 =	vadd.f32 $1.000000010e-10, v12;
	_ =	sdelay $0x1  }
0x22a: {  	(erf) = vrcp.f32 v10;
	v10 =	vadd.f32 $1.000000010e-10, v13  }
0x22b: {  	v11 =	vld.idx.msk [tilespmem:v49+s31+$0x0], $0xffff  }
0x22c: {  	(erf) = vrcp.f32 v10  }
0x22d: {  	v10 =	vld.idx.msk [tilespmem:v51+s31+$0x0], $0xffff;
	_ =	sdelay $0x1  }
0x22e: {  	v13 =	vld.idx.msk [tilespmem:v53+s31+$0x0], $0xffff;
	v12 =	vpop (erf)  }
0x22f: {  	v11 =	vmul.f32 v12, v11  }
0x230: {  	v14 =	vld.idx.msk [tilespmem:v55+s31+$0x0], $0xffff;
	v12 =	vpop (erf)  }
0x231: {  	v11 =	vadd.f32 $0.0e+00, v11;
	v10 =	vmul.f32 v12, v10  }
0x232: {  	v12 =	vpop (erf)  }
0x233: {  	v10 =	vadd.f32 v10, v11;
	v11 =	vmul.f32 v12, v13  }
0x234: {  	v12 =	vpop (erf)  }
0x235: {  	v10 =	vadd.f32 v11, v10;
	v11 =	vmul.f32 v12, v14;
	_ =	sdelay $0x1  }
0x236: {  	v10 =	vadd.f32 v11, v10;
	_ =	sdelay $0x1  }
0x237: {  	v10 =	vmul.f32 $2.500000000e-01, v10;
	_ =	sdelay $0x1  }
0x238: {  	[tilespmem:$0x2E0] =	vst v10  }
0x239: {  	v10 =	vld.idx.msk [tilespmem:v58+s28+$0x0], $0xffff;
	_ =	sdelay $0x1  }
0x23a: {  	v11 =	vld.idx.msk [tilespmem:v60+s28+$0x0], $0xffff;
	_ =	sdelay $0x1  }
0x23b: {  	v12 =	vld.idx.msk [tilespmem:v62+s28+$0x0], $0xffff  }
0x23c: {  	v10 =	vadd.f32 $1.000000010e-10, v10  }
0x23d: {  	v1 =	vld.idx.msk [tilespmem:v1+s28+$0x0], $0xffff  }
0x23e: {  	(erf) = vrcp.f32 v10;
	v10 =	vadd.f32 $1.000000010e-10, v11;
	_ =	sdelay $0x1  }
0x23f: {  	(erf) = vrcp.f32 v10;
	v10 =	vadd.f32 $1.000000010e-10, v12;
	_ =	sdelay $0x1  }
0x240: {  	v1 =	vadd.f32 $1.000000010e-10, v1;
	(erf) = vrcp.f32 v10  }
0x241: {  	v10 =	vld.idx.msk [tilespmem:v57+s31+$0x0], $0xffff  }
0x242: {  	(erf) = vrcp.f32 v1  }
0x243: {  	v1 =	vld.idx.msk [tilespmem:v59+s31+$0x0], $0xffff;
	_ =	sdelay $0x1  }
0x244: {  	v12 =	vld.idx.msk [tilespmem:v61+s31+$0x0], $0xffff;
	v11 =	vpop (erf)  }
0x245: {  	v10 =	vmul.f32 v11, v10  }
0x246: {  	v13 =	vld.idx.msk [tilespmem:v63+s31+$0x0], $0xffff;
	v11 =	vpop (erf)  }
0x247: {  	v10 =	vadd.f32 $0.0e+00, v10;
	v1 =	vmul.f32 v11, v1  }
0x248: {  	v11 =	vpop (erf)  }
0x249: {  	v1 =	vadd.f32 v1, v10;
	v10 =	vmul.f32 v11, v12  }
0x24a: {  	v11 =	vpop (erf)  }
0x24b: {  	v1 =	vadd.f32 v10, v1;
	v10 =	vmul.f32 v11, v13;
	_ =	sdelay $0x1  }
0x24c: {  	s20 =	simm.s32 $0x0;
	v1 =	vadd.f32 v10, v1  }
0x24d: {  	v10 =	vmov s20  }
0x24e: {  	v1 =	vmul.f32 $2.500000000e-01, v1;
	_ =	sdelay $0x1  }
0x24f: {  	s19 =	simm.s32 $0x3B20;
	[tilespmem:$0x2F0] =	vst v1  }
0x250: {  	v1 =	vld [tilespmem:s19+$0xFFFFFFE0]  }
0x251: {  	v12 =	vld.idx.msk [tilespmem:v10+s14+$0x0], $0xffff  }
0x252: {  	v11 =	vshll.u32 v10, $0x7  }
0x253: {  	v10 =	vor.u32 v0, v11  }
0x254: {  	v13 =	vor.u32 v3, v11  }
0x255: {  	v14 =	vunpack.i.l.bf16.f32 v1  }
0x256: {  	v1 =	vunpack.i.u.bf16.f32 v1;
	v14 =	vmul.f32 v14, v12  }
0x257: {  	v1 =	vmul.f32 v1, v12  }
0x258: {  	[tilespmem:v10+s12+$0x0] =	vst.idx.msk $0xffff, v14  }
0x259: {  	[tilespmem:v13+s12+$0x0] =	vst.idx.msk $0xffff, v1  }
0x25a: {  	v1 =	vld [tilespmem:s19+$0xFFFFFFF0];
	_ =	sdelay $0x2  }
0x25b: {  	v10 =	vor.u32 v4, v11  }
0x25c: {  	v13 =	vor.u32 v5, v11  }
0x25d: {  	v14 =	vunpack.i.l.bf16.f32 v1  }
0x25e: {  	v1 =	vunpack.i.u.bf16.f32 v1;
	v14 =	vmul.f32 v14, v12  }
0x25f: {  	v1 =	vmul.f32 v1, v12  }
0x260: {  	[tilespmem:v10+s12+$0x0] =	vst.idx.msk $0xffff, v14  }
0x261: {  	[tilespmem:v13+s12+$0x0] =	vst.idx.msk $0xffff, v1  }
0x262: {  	v1 =	vld [tilespmem:s19+$0x0];
	_ =	sdelay $0x2  }
0x263: {  	v10 =	vor.u32 v6, v11  }
0x264: {  	v13 =	vor.u32 v7, v11  }
0x265: {  	v14 =	vunpack.i.l.bf16.f32 v1  }
0x266: {  	v1 =	vunpack.i.u.bf16.f32 v1;
	v14 =	vmul.f32 v14, v12  }
0x267: {  	v1 =	vmul.f32 v1, v12  }
0x268: {  	[tilespmem:v10+s12+$0x0] =	vst.idx.msk $0xffff, v14  }
0x269: {  	[tilespmem:v13+s12+$0x0] =	vst.idx.msk $0xffff, v1  }
0x26a: {  	v1 =	vld [tilespmem:s19+$0x10];
	_ =	sdelay $0x2  }
0x26b: {  	v13 =	vor.u32 v8, v11;
	_ =	sdelay $0x1  }
0x26c: {  	v11 =	vor.u32 v9, v11;
	v10 =	vunpack.i.l.bf16.f32 v1  }
0x26d: {  	s21 =	simm.s32 $0x1;
	v14 =	vmul.f32 v10, v12  }
0x26e: {  	v1 =	vunpack.i.u.bf16.f32 v1;
	v10 =	vmov s21  }
0x26f: {  	v15 =	vmov v16;
	s20 =	simm.s32 $0x2;
	v12 =	vmul.f32 v1, v12;
	v1 =	vshll.u32 v10, $0x7;
	[tilespmem:v13+s12+$0x0] =	vst.idx.msk $0xffff, v14  }
.LBB2_5:
0x270: {  	p1 =	sne.s32 s20, $0x7F  }
0x271: {  	[tilespmem:v11+s12+$0x0] =	vst.idx.msk $0xffff, v12;
	s19 =	sadd.s32 $0x40, s19;
	s10 =	smov.u32 s20;
	s20 =	sadd.s32 $0x1, s20  }
0x272: {  	v11 =	vld [tilespmem:s19+$0xFFFFFFE0]  }
0x273: {  	v12 =	vld.idx.msk [tilespmem:v10+s14+$0x0], $0xffff;
	_ =	sdelay $0x2  }
0x274: {  	v10 =	vor.u32 v0, v1  }
0x275: {  	v13 =	vor.u32 v3, v1  }
0x276: {  	v14 =	vunpack.i.l.bf16.f32 v11  }
0x277: {  	v11 =	vunpack.i.u.bf16.f32 v11;
	v14 =	vmul.f32 v14, v12  }
0x278: {  	v11 =	vmul.f32 v11, v12  }
0x279: {  	[tilespmem:v10+s12+$0x0] =	vst.idx.msk $0xffff, v14  }
0x27a: {  	[tilespmem:v13+s12+$0x0] =	vst.idx.msk $0xffff, v11  }
0x27b: {  	v10 =	vld [tilespmem:s19+$0xFFFFFFF0];
	_ =	sdelay $0x2  }
0x27c: {  	v11 =	vor.u32 v4, v1  }
0x27d: {  	v13 =	vor.u32 v5, v1  }
0x27e: {  	v14 =	vunpack.i.u.bf16.f32 v10;
	v10 =	vunpack.i.l.bf16.f32 v10  }
0x27f: {  	v10 =	vmul.f32 v10, v12;
	v14 =	vmul.f32 v14, v12;
	_ =	sdelay $0x1  }
0x280: {  	[tilespmem:v11+s12+$0x0] =	vst.idx.msk $0xffff, v10  }
0x281: {  	[tilespmem:v13+s12+$0x0] =	vst.idx.msk $0xffff, v14  }
0x282: {  	v10 =	vld [tilespmem:s19+$0x0];
	_ =	sdelay $0x2  }
0x283: {  	v11 =	vor.u32 v6, v1  }
0x284: {  	v13 =	vor.u32 v7, v1  }
0x285: {  	v14 =	vunpack.i.u.bf16.f32 v10;
	v10 =	vunpack.i.l.bf16.f32 v10  }
0x286: {  	v10 =	vmul.f32 v10, v12;
	v14 =	vmul.f32 v14, v12;
	_ =	sdelay $0x1  }
0x287: {  	[tilespmem:v11+s12+$0x0] =	vst.idx.msk $0xffff, v10  }
0x288: {  	[tilespmem:v13+s12+$0x0] =	vst.idx.msk $0xffff, v14  }
0x289: {  	v10 =	vld [tilespmem:s19+$0x10];
	_ =	sdelay $0x2  }
0x28a: {  	v13 =	vor.u32 v8, v1  }
.Ltmp3:
0x28b: {  	v11 =	vor.u32 v9, v1;
	(pc) =	sbr.rel @p1 .LBB2_5-.Ltmp3, $4  }
0x28c: {  	v1 =	vunpack.i.u.bf16.f32 v10;
	v14 =	vunpack.i.l.bf16.f32 v10  }
0x28d: {  	v10 =	vmov s10;
	v14 =	vmul.f32 v14, v12;
	v12 =	vmul.f32 v1, v12  }
0x28e: {  	v1 =	vshll.u32 v10, $0x7  }
0x28f: {  	[tilespmem:v13+s12+$0x0] =	vst.idx.msk $0xffff, v14  }
0x290: {  	_ =	sdelay $0x3  }
0x291: {  	[tilespmem:v11+s12+$0x0] =	vst.idx.msk $0xffff, v12;
	s10 =	sadd.s32 $0x40, s19  }
0x292: {  	v11 =	vld [tilespmem:s10+$0xFFFFFFE0]  }
0x293: {  	v10 =	vld.idx.msk [tilespmem:v10+s14+$0x0], $0xffff;
	_ =	sdelay $0x1  }
0x294: {  	v0 =	vor.u32 v0, v1  }
0x295: {  	v3 =	vor.u32 v3, v1  }
0x296: {  	v12 =	vunpack.i.l.bf16.f32 v11  }
0x297: {  	v11 =	vunpack.i.u.bf16.f32 v11;
	v12 =	vmul.f32 v12, v10  }
0x298: {  	v11 =	vmul.f32 v11, v10  }
0x299: {  	[tilespmem:v0+s12+$0x0] =	vst.idx.msk $0xffff, v12  }
0x29a: {  	[tilespmem:v3+s12+$0x0] =	vst.idx.msk $0xffff, v11  }
0x29b: {  	v0 =	vld [tilespmem:s10+$0xFFFFFFF0];
	_ =	sdelay $0x2  }
0x29c: {  	v3 =	vor.u32 v4, v1  }
0x29d: {  	v4 =	vor.u32 v5, v1  }
0x29e: {  	v11 =	vunpack.i.l.bf16.f32 v0  }
0x29f: {  	v0 =	vunpack.i.u.bf16.f32 v0;
	v5 =	vmul.f32 v11, v10  }
0x2a0: {  	v0 =	vmul.f32 v0, v10  }
0x2a1: {  	[tilespmem:v3+s12+$0x0] =	vst.idx.msk $0xffff, v5  }
0x2a2: {  	[tilespmem:v4+s12+$0x0] =	vst.idx.msk $0xffff, v0  }
0x2a3: {  	v0 =	vld [tilespmem:s10+$0x0];
	_ =	sdelay $0x2  }
0x2a4: {  	v3 =	vor.u32 v6, v1  }
0x2a5: {  	v4 =	vor.u32 v7, v1  }
0x2a6: {  	v11 =	vunpack.i.l.bf16.f32 v0  }
0x2a7: {  	v0 =	vunpack.i.u.bf16.f32 v0;
	v5 =	vmul.f32 v11, v10  }
0x2a8: {  	v0 =	vmul.f32 v0, v10  }
0x2a9: {  	[tilespmem:v3+s12+$0x0] =	vst.idx.msk $0xffff, v5  }
0x2aa: {  	[tilespmem:v4+s12+$0x0] =	vst.idx.msk $0xffff, v0  }
0x2ab: {  	v0 =	vld [tilespmem:s10+$0x10];
	_ =	sdelay $0x2  }
0x2ac: {  	v3 =	vor.u32 v8, v1  }
0x2ad: {  	v1 =	vor.u32 v9, v1  }
0x2ae: {  	v11 =	vunpack.i.l.bf16.f32 v0  }
0x2af: {  	v0 =	vunpack.i.u.bf16.f32 v0;
	v4 =	vmul.f32 v11, v10  }
0x2b0: {  	v0 =	vmul.f32 v0, v10  }
0x2b1: {  	[tilespmem:v3+s12+$0x0] =	vst.idx.msk $0xffff, v4  }
.Ltmp4:
0x2b2: {  	[tilespmem:v1+s12+$0x0] =	vst.idx.msk $0xffff, v0;
	(pc) =	sbr.rel @p0 .LBB2_8-.Ltmp4, $4  }
0x2b3: {  	[spmem:s2] =	stream.indirect.scatter.add.f32 [tilespmem:s12], [sflag:$0x5], $0x80, s26, s26, $0xb8;
	[tilespmem:$0x1DB00] =	vst v63  }
0x2b4: {  	_ =	swait.ge [sflag:s22], $0x4000  }
0x2b5: {  	[sflag:s22] =	ssyncset.done $0x0  }
0x2b6: {  	[sflag:s22] =	ssyncadd.s32 $0xFFFFC000  }
0x2b7: {  	s10 =	sadd.s32 s16, s18  }
0x2b8: {  	s16 =	sshrl.u32 s10, $0x3  }
0x2b9: {  	s19 =	sadd.s32 s5, s16  }
0x2ba: {  	[tilespmem:s26], [sflag:$0x4] =	stream.linear.gather [hbm4b:s19+s4], $0x80, $0x38;
	[tilespmem:$0x1DB00] =	vst v63  }
.Ltmp5:
0x2bb: {  	_ = 	snop;
	(pc) =	sbr.rel .LBB2_2-.Ltmp5, $4  }
0x2bc: {  	s16 =	sadd.s32 s6, s16  }
0x2bd: {  	[tilespmem:s30], [sflag:$0x4] =	stream.linear.gather [hbm4b:s16+s4], $0x80, $0x38;
	[tilespmem:$0x1DB00] =	vst v63  }
0x2be: {  	s23 =	sadd.s32 $0x1, s23;
	s10 =	sadd.s32 s7, s10  }
0x2bf: {  	[tilespmem:s31], [sflag:$0x4] =	stream.linear.gather [hbm4b:s10+s4], $0x400, $0x38;
	[tilespmem:$0x1DB00] =	vst v63  }
.LBB2_9:
0x2c0: {  	_ =	sfence.sel $0x180000  }
0x2c1: {  	[bflag:$0x0] =	sbarrier.arrive $0xFFFF  }
0x2c2: {  	_ =	strace $0x9000004A  }
0x2c3: {  	s0 =	stileid.u32;
	[bflag:$0x2] =	sbarrier.arrive $0xFFFF  }
0x2c4: {  	p0 =	sne.s32 s0, $0x0;
	s0 =	rddreg [dreg:$0x3]  }
0x2c5: {  	s0 =	sadd.s32 @!p0 $0x100000, s0  }
0x2c6: {  	[sflag:s0] =	ssyncadd.tile.s32 @!p0 $0x1;
	_ =	shalt  }
.Lfunc_end2:
_tile_overlayer_lowered:
.L_overlay_start_2:
0x2c7: {  	(tag) =	ssettag $0x2  }
0x2c8: {  	s0 =	rddreg [dreg:$0x0];
	s2 =	stileid.u32  }
0x2c9: {  	s1 =	rddreg [dreg:$0x1];
	p0 =	sne.s32 s2, $0x0  }
0x2ca: {  	s3 =	rddreg [dreg:$0x2];
	[bflag:$0x3] =	sbarrier.arrive $0xFFFF;
	s2 =	simm.s32 @!p0 $0x1C05  }
0x2cb: {  	[timem:s3], [sflag:s2] =	dma.local @!p0 [hbm:s0], s1  }
0x2cc: {  	s0 =	simm.s32 @!p0 $0x5  }
0x2cd: {  	_ =	swait.ge @!p0 [sflag:s0], s1  }
0x2ce: {  	s1 =	ssub.s32 @!p0 $0x0, s1;
	[sflag:s0] =	ssyncset.done @!p0 $0x0  }
0x2cf: {  	[sflag:s0] =	ssyncadd.s32 @!p0 s1  }
0x2d0: {  	[bflag:$0x3] =	sbarrier.arrive $0xFFFF  }
0x2d1: {  	_ =	shalt  }

// kernel: kernel.7.cloned.1.call-start
scs
__scs_entry_jumppad:
0x0: {  	(pc) =	sbr.rel $0x88, $3  }
0x1: {  	(tag) =	ssettag $0x0;
	lr =	simm.s32 $0x1  }
0x2: {  	[smem:$0x3F9B] =	sst lr;
	_ =	strace $0xD0000000  }
0x3: {  	_ = 	snop  }
0x4: {  	_ = 	snop  }
0x5: {  	_ = 	snop  }
0x6: {  	_ = 	snop  }
0x7: {  	_ = 	snop  }
__scs_overlays_trampoline_lowered:
0x8: {  	[smem:$0x3FAA] =	sst s0  }
0x9: {  	[smem:$0x3FAB] =	sst s1  }
0xa: {  	[smem:$0x3FAC] =	sst s2  }
0xb: {  	[smem:$0x3FAD] =	sst s3  }
0xc: {  	[smem:$0x3FAE] =	sst s4  }
0xd: {  	[smem:$0x3FAF] =	sst s5  }
0xe: {  	[smem:$0x3FB0] =	sst s6  }
0xf: {  	[smem:$0x3FB1] =	sst s7  }
0x10: {  	[smem:$0x3FB2] =	sst s8  }
0x11: {  	[smem:$0x3FB3] =	sst s9;
	s0 =	simm.s32 @!p0 $0x0  }
0x12: {  	s1 =	sld [smem:$0x3F99];
	s0 =	simm.s32 @p0 $0x1  }
0x13: {  	[smem:$0x3FB4] =	sst s0;
	s0 =	simm.s32 @!p1 $0x0  }
0x14: {  	s2 =	sld [smem:$0x3F98];
	s0 =	simm.s32 @p1 $0x1  }
0x15: {  	[smem:$0x3FB5] =	sst s0;
	s0 =	simm.s32 @!p2 $0x0  }
0x16: {  	s3 =	sld [smem:$0x3FDB];
	s0 =	simm.s32 @p2 $0x1  }
0x17: {  	s4 =	simm.s32 $0x1BF5;
	[smem:$0x3FB7] =	sst s0  }
0x18: {  	s0 =	sld [smem:$0x3F9A];
	_ =	swait.ge [sflag:s4], $0x0  }
0x19: {  	s7 =	sld [smem:$0x3F9B]  }
0x1a: {  	s8 =	sadd.s32 $0xFFFFE003, lr  }
0x1b: {  	s9 =	sadd.s32 $0xFFFFFEF7, lr;
	s5 =	simm.s32 $0xFFFFFFFF;
	p2 =	slt.u32 s8, $0xFFFFF086  }
0x1c: {  	p1 =	slt.u32 s9, $0xF7A;
	s5 =	simm.s32 @!p2 $0x0  }
0x1d: {  	s5 =	simm.s32 @p1 $0x1;
	p0 =	seq.s32 s7, s2  }
0x1e: {  	s7 =	smul.u32 @!p0 $0xF7A, s2;
	p2 =	seq.s32 @!p0 s5, $0x0  }
0x1f: {  	s9 =	smul.u32 $0xF7A, s1;
	s8 =	simm.s32 @!p0 $0x1BF5;
	p2 =	por !p2, p0  }
0x20: {  	[sflag:s8] =	ssyncset.s32 @!p0 $0xFFFFF086;
	s6 =	sadd.s32 @!p0 s3, s7;
	s7 =	simm.s32 @!p0 $0x108  }
0x21: {  	s3 =	sadd.s32 s3, s9;
	s6 =	sadd.s32 @!p0 $0x88, s6;
	s7 =	simm.s32 @p2 $0x1082  }
0x22: {  	[simem:s7], [sflag:s8] =	dma.local @!p0 [hbm:s6], $0xF7A  }
0x23: {  	s9 =	sor.u32 $0xD0000000, s2;
	s6 =	simm.s32 $0x108;
	_ =	swait.ge @!p0 [sflag:s8], $0x0  }
0x24: {  	s3 =	sadd.s32 $0x88, s3;
	s6 =	simm.s32 @!p1 $0x1082;
	[sflag:s4] =	ssyncset.s32 $0xFFFFF086  }
0x25: {  	[simem:s6], [sflag:s4] =	dma.local [hbm:s3], $0xF7A  }
0x26: {  	[smem:$0x3F9B] =	sst s1;
	(tag) =	ssettag s2;
	_ =	strace s9  }
0x27: {  	s1 =	sld [smem:$0x3FAB]  }
0x28: {  	s2 =	sld [smem:$0x3FAC]  }
0x29: {  	s4 =	sld [smem:$0x3FAE]  }
0x2a: {  	p0 =	seq.s32 s5, $0x0;
	s5 =	sld [smem:$0x3FAF]  }
0x2b: {  	s6 =	sld [smem:$0x3FB0]  }
0x2c: {  	s7 =	sld [smem:$0x3FB1]  }
0x2d: {  	s3 =	simm.s32 $0x108;
	s8 =	sld [smem:$0x3FB2]  }
0x2e: {  	s3 =	simm.s32 @!p0 $0x1082;
	s9 =	sld [smem:$0x3FB3]  }
0x2f: {  	lr =	sadd.s32 s0, s3;
	s0 =	sld [smem:$0x3FAA]  }
0x30: {  	s3 =	sld [smem:$0x3FAD]  }
0x31: {  	[smem:$0x3FB6] =	sst s10  }
0x32: {  	s10 =	sld [smem:$0x3FB4];
	_ =	sdelay $0x3  }
0x33: {  	p0 =	seq.s32 s10, $0x1;
	s10 =	sld [smem:$0x3FB6];
	_ =	sdelay $0x3  }
0x34: {  	[smem:$0x3FB6] =	sst s10  }
0x35: {  	s10 =	sld [smem:$0x3FB5];
	_ =	sdelay $0x3  }
0x36: {  	p1 =	seq.s32 s10, $0x1;
	s10 =	sld [smem:$0x3FB6];
	_ =	sdelay $0x3  }
0x37: {  	[smem:$0x3FB6] =	sst s10  }
0x38: {  	s10 =	sld [smem:$0x3FB7]  }
0x39: {  	_ = 	snop;
	(pc) =	sbr.ind lr, $3  }
0x3a: {  	_ = 	snop  }
0x3b: {  	_ = 	snop  }
0x3c: {  	p2 =	seq.s32 s10, $0x1;
	s10 =	sld [smem:$0x3FB6]  }
0x3d: {  	_ =	shalt  }
0x3e: {  	_ =	shalt  }
0x3f: {  	_ =	shalt  }
0x40: {  	_ =	shalt  }
0x41: {  	_ =	shalt  }
0x42: {  	_ =	shalt  }
0x43: {  	_ =	shalt  }
0x44: {  	_ =	shalt  }
0x45: {  	_ =	shalt  }
0x46: {  	_ =	shalt  }
0x47: {  	_ =	shalt  }
0x48: {  	_ =	shalt  }
0x49: {  	_ =	shalt  }
0x4a: {  	_ =	shalt  }
0x4b: {  	_ =	shalt  }
0x4c: {  	_ =	shalt  }
0x4d: {  	_ =	shalt  }
0x4e: {  	_ =	shalt  }
0x4f: {  	_ =	shalt  }
0x50: {  	_ =	shalt  }
0x51: {  	_ =	shalt  }
0x52: {  	_ =	shalt  }
0x53: {  	_ =	shalt  }
0x54: {  	_ =	shalt  }
0x55: {  	_ =	shalt  }
0x56: {  	_ =	shalt  }
0x57: {  	_ =	shalt  }
0x58: {  	_ =	shalt  }
0x59: {  	_ =	shalt  }
0x5a: {  	_ =	shalt  }
0x5b: {  	_ =	shalt  }
0x5c: {  	_ =	shalt  }
0x5d: {  	_ =	shalt  }
0x5e: {  	_ =	shalt  }
0x5f: {  	_ =	shalt  }
0x60: {  	_ =	shalt  }
0x61: {  	_ =	shalt  }
0x62: {  	_ =	shalt  }
0x63: {  	_ =	shalt  }
0x64: {  	_ =	shalt  }
0x65: {  	_ =	shalt  }
0x66: {  	_ =	shalt  }
0x67: {  	_ =	shalt  }
0x68: {  	_ =	shalt  }
0x69: {  	_ =	shalt  }
0x6a: {  	_ =	shalt  }
0x6b: {  	_ =	shalt  }
0x6c: {  	_ =	shalt  }
0x6d: {  	_ =	shalt  }
0x6e: {  	_ =	shalt  }
0x6f: {  	_ =	shalt  }
0x70: {  	_ =	shalt  }
0x71: {  	_ =	shalt  }
0x72: {  	_ =	shalt  }
0x73: {  	_ =	shalt  }
0x74: {  	_ =	shalt  }
0x75: {  	_ =	shalt  }
0x76: {  	_ =	shalt  }
0x77: {  	_ =	shalt  }
0x78: {  	_ =	shalt  }
0x79: {  	_ =	shalt  }
0x7a: {  	_ =	shalt  }
0x7b: {  	_ =	shalt  }
0x7c: {  	_ =	shalt  }
0x7d: {  	_ =	shalt  }
0x7e: {  	_ =	shalt  }
0x7f: {  	_ =	shalt  }
0x80: {  	_ =	shalt  }
0x81: {  	_ =	shalt  }
0x82: {  	_ =	shalt  }
0x83: {  	_ =	shalt  }
0x84: {  	_ =	shalt  }
0x85: {  	_ =	shalt  }
0x86: {  	_ =	shalt  }
0x87: {  	_ =	shalt  }
.Lfunc_end0:
.L_simem_size_0:
called_computation_lowered:
.L_overlay_start_0:
0x88: {  	s2 =	sld [smem:$0x3FD9]  }
0x89: {  	s3 =	sld [smem:$0x3FFE];
	_ =	sdelay $0x1  }
0x8a: {  	s1 =	srdreg.scid  }
0x8b: {  	s0 =	sand.u32 $0x1, s1  }
0x8c: {  	s16 =	sshll.u32 s0, $0xA;
	s2 =	sadd.s32 s3, s2  }
0x8d: {  	s2 =	sadd.s32 s2, s16  }
0x8e: {  	[smem:$0x3FC2] =	sst s2  }
0x8f: {  	_ = 	snop  }
0x90: {  	(tm) =	ssettm $0x1  }
0x91: {  	s17 =	sld [smem:$0x3FFB];
	_ =	sdelay $0x3  }
0x92: {  	_ =	strace s17  }
0x93: {  	s2 =	sld [smem:$0x3FFC];
	_ =	sdelay $0x3  }
0x94: {  	_ =	strace s2  }
0x95: {  	s2 =	sld [smem:$0x3FFD];
	_ =	sdelay $0x3  }
0x96: {  	_ =	strace s2  }
0x97: {  	_ =	strace $0x8FFFFFFF  }
0x98: {  	s18 =	sld [smem:$0x3FDB];
	_ =	sdelay $0x1  }
0x99: {  	s19 =	simm.s32 $_scs_section_size  }
0x9a: {  	s4 =	simm.s32 $_size__tile_overlayer_lowered;
	s5 =	simm.s32 $_tile_overlayer_lowered  }
0x9b: {  	s22 =	simm.s32 $0x1BFF;
	s21 =	sshll.u32 s5, $0x1;
	s2 =	sadd.s32 s19, s18  }
0x9c: {  	s6 =	simm.s32 $0x0;
	s20 =	sshll.u32 s4, $0x1;
	s4 =	sadd.s32 s21, s2  }
0x9d: {  	[timem:s6], [sflag:s22] =	dma.local [hbm:s4], s20  }
0x9e: {  	_ =	swait.ge [sflag:s22], s20  }
0x9f: {  	s3 =	ssub.s32 $0x0, s20;
	[sflag:s22] =	ssyncset.done $0x0  }
0xa0: {  	[sflag:s22] =	ssyncadd.s32 s3;
	_ =	sdelay $0x1  }
0xa1: {  	s23 =	simm.s32 $0x1B8B  }
0xa2: {  	_ =	swait.ge [sflag:s23], $0x1  }
0xa3: {  	[sflag:s23] =	ssyncset.done $0x0  }
0xa4: {  	s25 =	simm.s32 $0x1B8E;
	s24 =	sld [smem:$0x3FFE];
	[sflag:s23] =	ssyncadd.s32 $0xFFFFFFFF  }
0xa5: {  	s26 =	simm.s32 $execute0_lowered;
	[smem:$0x3FD2] =	sst s25  }
0xa6: {  	s4 =	sshll.u32 s26, $0x1;
	_ =	strace $0x80000046;
	[dreg:$0x1] =	wrdreg $0xFFFFFFFF  }
0xa7: {  	s28 =	simm.s32 $_size_execute0_lowered;
	s2 =	sadd.s32 s2, s4;
	[dreg:$0x0] =	wrdreg $0x0  }
0xa8: {  	s4 =	sshll.u32 s28, $0x1;
	[dreg:$0x2] =	wrdreg s2  }
0xa9: {  	[dreg:$0x3] =	wrdreg s4  }
0xaa: {  	[dreg:$0x4] =	wrdreg $0xC0  }
0xab: {  	_ =	task [dreg:s6], $0x5FFFF  }
0xac: {  	[dreg:$0x1] =	wrdreg $0xFFFFFFFF  }
0xad: {  	[dreg:$0x0] =	wrdreg $0x60  }
0xae: {  	[dreg:$0x2] =	wrdreg s24  }
0xaf: {  	[dreg:$0x3] =	wrdreg $0x9  }
0xb0: {  	_ =	task.clear_ibuf [dreg:s6], $0x4FFFF;
	_ =	strace $0x90000046  }
0xb1: {  	s29 =	simm.s32 $0x9;
	_ =	strace $0x80000048  }
0xb2: {  	_ =	swait.ge [sflag:s29], $0x1  }
0xb3: {  	[sflag:s29] =	ssyncadd.s32 $0xFFFFFFFF  }
0xb4: {  	_ =	strace $0x90000048  }
0xb5: {  	_ =	sfence  }
0xb6: {  	s30 =	sld [smem:$0x0];
	_ =	sdelay $0x2  }
0xb7: {  	s31 =	sshll.u32 s1, $0xD;
	s1 =	sshrl.u32 s1, $0x2  }
0xb8: {  	s3 =	sand.u32 $0x4000, s31;
	s1 =	sadd.s32 s1, s30  }
0xb9: {  	s0 =	sor.u32 s3, s0;
	s1 =	sshll.u32 s1, $0x11  }
0xba: {  	s0 =	sor.u32 s1, s0  }
0xbb: {  	s0 =	sadd.s32 $0x8F2B, s0  }
0xbc: {  	[sflag:s0] =	ssyncadd.remote.s32 $0x1  }
0xbd: {  	_ =	sfence.sel $0xFFFF  }
0xbe: {  	[dreg:$0x0] =	wrdreg $0xFFFFFFFF;
	(pc) =	sbr.abs _section_cstart, $3  }
0xbf: {  	[dreg:$0x1] =	wrdreg $0xFFFFFFFF  }
0xc0: {  	_ =	task.clear_ibuf [dreg:s6], $0x2FFFF;
	_ =	strace $0x9FFFFFFF  }
0xc1: {  	(tm) =	ssettm $0x7FFFFFFF  }
tec
execute0_lowered:
.L_overlay_start_1:
0x0: {  	(tag) =	ssettag $0x1  }
0x1: {  	s0 =	rddreg [dreg:$0x0]  }
0x2: {  	s1 =	simm.s32 $0x0;
	s2 =	srdreg.scid;
	s7 =	stileid.u32  }
0x3: {  	s28 =	simm.s32 $0x1E180;
	s29 =	simm.s32 $0x1E280;
	s30 =	simm.s32 $0x1  }
0x4: {  	s31 =	simm.s32 $0x1E300;
	[smem:$0x7FF] =	sst s1;
	s2 =	sand.u32 $0x1, s2  }
0x5: {  	s3 =	sadd.s32 $0x1FC00, s0;
	s4 =	sadd.s32 $0xBC00, s0;
	s13 =	sadd.s32 $0x1C00, s0  }
0x6: {  	s10 =	smul.u32 $0x2800, s7;
	_ =	strace $0x80000047;
	s11 =	sshll.u32 s2, $0x4  }
0x7: {  	[dreg:$0x2] =	wrdreg s3;
	s3 =	sor.u32 s7, s11;
	s11 =	smul.u32 $0x140000, s2  }
0x8: {  	s17 =	sadd.s32 $0x15C00, s0;
	s6 =	ssub.s32 $0x2, s2;
	s2 =	smul.u32 $0x28000, s2  }
0x9: {  	s5 =	sadd.s32 $0x22400, s0;
	s16 =	sadd.s32 $0x4B800, s0;
	s12 =	smul.u32 $0x1400, s3  }
0xa: {  	[dreg:$0x3] =	wrdreg s5;
	s14 =	sshrl.u32 s6, $0x1;
	s3 =	smul.u32 $0x2800, s3  }
0xb: {  	v0 =	vlaneseq.u32;
	s5 =	ssub.s32 s6, s14;
	s2 =	sadd.s32 s10, s2;
	s0 =	sadd.s32 s12, s0  }
0xc: {  	v0 =	vmul.u32 $0x8, v0;
	s3 =	sshrl.u32 s3, $0x3;
	s12 =	smul.u32 $0x14000, s7;
	s22 =	sor.u32 $0x180, s2  }
0xd: {  	s25 =	sadd.s32 s16, s2;
	s2 =	sor.u32 $0x100, s2;
	s15 =	sadd.s32 s4, s3  }
0xe: {  	v1 =	vor.u32 $0x1, v0;
	s18 =	sadd.s32 s13, s3;
	s19 =	sadd.s32 s17, s3;
	s3 =	sor.u32 $0x10, s3  }
0xf: {  	v2 =	vor.u32 $0x2, v0;
	v3 =	vor.u32 $0x3, v0;
	v4 =	vor.u32 $0x80, v0;
	s24 =	sshrl.u32 s22, $0x3;
	s26 =	sshrl.u32 s2, $0x3;
	[dreg:$0x4] =	wrdreg s15  }
0x10: {  	v5 =	vor.u32 $0x81, v0;
	v6 =	vor.u32 $0x82, v0;
	v7 =	vor.u32 $0x83, v0;
	s22 =	simm.s32 $0x14000;
	s2 =	simm.s32 $0x1E700;
	[dreg:$0x5] =	wrdreg s18  }
0x11: {  	v8 =	vor.u32 $0x100, v0;
	v9 =	vor.u32 $0x101, v0;
	v10 =	vor.u32 $0x102, v0;
	[dreg:$0x6] =	wrdreg s19;
	s20 =	sadd.s32 s4, s3;
	s9 =	sadd.s32 s13, s3  }
0x12: {  	v11 =	vor.u32 $0x103, v0;
	v12 =	vor.u32 $0x180, v0;
	v13 =	vor.u32 $0x181, v0;
	s10 =	sadd.s32 s17, s3;
	s21 =	sadd.s32 s12, s11;
	s11 =	sadd.s32 $0x23800, s0  }
0x13: {  	v14 =	vor.u32 $0x182, v0;
	v15 =	vor.u32 $0x183, v0;
	v16 =	vor.u32 $0x200, v0;
	s12 =	smax.u32 s5, $0x1;
	s14 =	sadd.s32 s24, s17;
	s15 =	sadd.s32 s24, s13  }
.Ltmp0:
0x14: {  	v17 =	vor.u32 $0x201, v0;
	v18 =	vor.u32 $0x202, v0;
	v19 =	vor.u32 $0x203, v0;
	s3 =	sadd.s32 $0x80, s25;
	s18 =	sadd.s32 s26, s17;
	(pc) =	sbr.rel .LBB2_1-.Ltmp0, $4  }
0x15: {  	v20 =	vor.u32 $0x280, v0;
	v21 =	vor.u32 $0x281, v0;
	v22 =	vor.u32 $0x282, v0;
	s19 =	sadd.s32 s26, s13;
	s0 =	simm.s32 $0x2;
	s25 =	simm.s32 $0x0  }
0x16: {  	v23 =	vor.u32 $0x283, v0;
	v24 =	vor.u32 $0x300, v0;
	v25 =	vor.u32 $0x301, v0;
	[dreg:$0x7] =	wrdreg s20;
	s23 =	sshrl.u32 s21, $0x3;
	s20 =	sadd.s32 s26, s4  }
0x17: {  	v26 =	vor.u32 $0x302, v0;
	v27 =	vor.u32 $0x303, v0;
	v28 =	vor.u32 $0x380, v0;
	s21 =	simm.s32 $0x5;
	s26 =	simm.s32 $0x1E080;
	s5 =	sadd.s32 s23, s16  }
0x18: {  	v29 =	vor.u32 $0x381, v0;
	v30 =	vor.u32 $0x382, v0;
	v31 =	vor.u32 $0x383, v0;
	s16 =	sadd.s32 s24, s4;
	s23 =	simm.s32 $0x3;
	s24 =	simm.s32 $0x4  }
.LBB2_4:
0x19: {  	_ =	swait.ge [sflag:s23], $0x400  }
0x1a: {  	[sflag:s23] =	ssyncset.done $0x0  }
0x1b: {  	[sflag:s23] =	ssyncadd.s32 $0xFFFFFC00  }
0x1c: {  	s25 =	sadd.s32 $0x1, s25;
	_ =	swait.ge [sflag:s24], $0x400  }
0x1d: {  	p0 =	sne.s32 s25, s12;
	[sflag:s24] =	ssyncset.done $0x0  }
.Ltmp1:
0x1e: {  	[sflag:s24] =	ssyncadd.s32 $0xFFFFFC00;
	(pc) =	sbr.rel @!p0 .LBB2_5-.Ltmp1, $4  }
0x1f: {  	[hbm4b:s11+s1] =	stream.linear.scatter [tilespmem:s22], [sflag:$0x5], $0xA000, $0x38;
	[tilespmem:$0x1EB00] =	vst v63  }
0x20: {  	_ =	swait.ge [sflag:s21], $0xA000  }
0x21: {  	[sflag:s21] =	ssyncset.done $0x0  }
0x22: {  	[sflag:s21] =	ssyncadd.s32 $0xFFFF6000  }
.LBB2_1:
0x23: {  	s4 =	rddreg [dreg:$0x2]  }
0x24: {  	[tilespmem:s1], [sflag:$0x5] =	stream.linear.gather [hbm4b:s4+s1], $0x14000, $0x38;
	[tilespmem:$0x1EB00] =	vst v63  }
0x25: {  	_ =	swait.ge [sflag:s21], $0x14000  }
0x26: {  	[sflag:s21] =	ssyncset.done $0x0  }
0x27: {  	s13 =	rddreg [dreg:$0x3];
	[sflag:s21] =	ssyncadd.s32 $0xFFFEC000  }
0x28: {  	[tilespmem:s22], [sflag:$0x5] =	stream.linear.gather [hbm4b:s13+s1], $0xA000, $0x38;
	[tilespmem:$0x1EB00] =	vst v63  }
0x29: {  	_ =	swait.ge [sflag:s21], $0xA000  }
0x2a: {  	[sflag:s21] =	ssyncset.done $0x0  }
0x2b: {  	s6 =	simm.s32 $0x1E000;
	s17 =	rddreg [dreg:$0x4];
	[sflag:s21] =	ssyncadd.s32 $0xFFFF6000  }
0x2c: {  	[tilespmem:s6], [sflag:$0x1] =	stream.linear.gather [hbm4b:s17+s1], $0x80, $0x38;
	[tilespmem:$0x1EB00] =	vst v63  }
0x2d: {  	s7 =	simm.s32 $0x1E100;
	s6 =	rddreg [dreg:$0x5]  }
0x2e: {  	[tilespmem:s7], [sflag:$0x1] =	stream.linear.gather [hbm4b:s6+s1], $0x80, $0x38;
	[tilespmem:$0x1EB00] =	vst v63  }
0x2f: {  	s13 =	simm.s32 $0x1E200;
	s8 =	rddreg [dreg:$0x6]  }
0x30: {  	[tilespmem:s13], [sflag:$0x1] =	stream.linear.gather [hbm4b:s8+s1], $0x80, $0x38;
	[tilespmem:$0x1EB00] =	vst v63  }
0x31: {  	s17 =	rddreg [dreg:$0x7]  }
0x32: {  	[tilespmem:s26], [sflag:$0x2] =	stream.linear.gather [hbm4b:s17+s1], $0x80, $0x38;
	[tilespmem:$0x1EB00] =	vst v63  }
0x33: {  	_ = 	snop  }
0x34: {  	[tilespmem:s28], [sflag:$0x2] =	stream.linear.gather [hbm4b:s9+s1], $0x80, $0x38;
	[tilespmem:$0x1EB00] =	vst v63  }
0x35: {  	s4 =	simm.s32 $0x0;
	s13 =	smov.u32 s5;
	s17 =	smov.u32 s3  }
0x36: {  	[tilespmem:s29], [sflag:$0x2] =	stream.linear.gather [hbm4b:s10+s1], $0x80, $0x38;
	[tilespmem:$0x1EB00] =	vst v63  }
.LBB2_2:
0x37: {  	p0 =	seq.s32 s4, $0x0  }
0x38: {  	s6 =	simm.s32 @!p0 $0x3  }
0x39: {  	_ =	swait.ge @!p0 [sflag:s6], $0x400  }
0x3a: {  	[sflag:s6] =	ssyncset.done @!p0 $0x0  }
0x3b: {  	[sflag:s6] =	ssyncadd.s32 @!p0 $0xFFFFFC00  }
0x3c: {  	_ =	swait.ge [sflag:s30], $0x80  }
0x3d: {  	[sflag:s30] =	ssyncset.done $0x0  }
0x3e: {  	[sflag:s30] =	ssyncadd.s32 $0xFFFFFF80  }
0x3f: {  	_ =	swait.ge [sflag:s30], $0x80  }
0x40: {  	[sflag:s30] =	ssyncset.done $0x0  }
0x41: {  	[sflag:s30] =	ssyncadd.s32 $0xFFFFFF80  }
0x42: {  	_ =	swait.ge [sflag:s30], $0x80  }
0x43: {  	[sflag:s30] =	ssyncset.done $0x0  }
0x44: {  	[sflag:s30] =	ssyncadd.s32 $0xFFFFFF80  }
0x45: {  	v32 =	vld [tilespmem:$0x1E100]  }
0x46: {  	v33 =	vld [tilespmem:$0x1E000];
	_ =	sdelay $0x3  }
0x47: {  	v34 =	vadd.s32 $0xA000, v32;
	_ =	sdelay $0x3  }
0x48: {  	v35 =	vld.idx.msk [tilespmem:v33+s1+$0x0], $0xffff  }
0x49: {  	v34 =	vld.idx.msk [tilespmem:v34+s1+$0x0], $0xffff;
	_ =	sdelay $0x4  }
0x4a: {  	v34 =	vadd.f32 v34, v35;
	_ =	sdelay $0x1  }
0x4b: {  	v35 =	vmul.f32 $2.000000030e-01, v34  }
0x4c: {  	vm0 =	vgt.f32 v34, $0.0e+00  }
0x4d: {  	v34 =	vsel vm0, v34, v35  }
0x4e: {  	v34 =	vsub.f32 $0.0e+00, v34;
	_ =	sdelay $0x1  }
0x4f: {  	v34 =	vmul.f32 $1.442695020e+00, v34;
	_ =	sdelay $0x1  }
0x50: {  	(erf) = vpow2.f32 v34;
	_ =	sdelay $0x4  }
0x51: {  	v48 =	vld [tilespmem:$0x1E200];
	_ =	sdelay $0x2  }
0x52: {  	v49 =	vshll.u32 v33, $0x2  }
0x53: {  	v37 =	vadd.s32 $0x2800, v33;
	v36 =	vpop (erf)  }
0x54: {  	v38 =	vadd.s32 $0xC800, v32;
	v36 =	vmul.f32 v36, v48;
	_ =	sdelay $0x1  }
0x55: {  	[tilespmem:v0+s31+$0x0] =	vst.idx.msk $0xffff, v36  }
0x56: {  	[tilespmem:v49+s22+$0x0] =	vst.idx.add.f32.msk $0xffff, v36  }
0x57: {  	v36 =	vld.idx.msk [tilespmem:v37+s1+$0x0], $0xffff  }
0x58: {  	v50 =	vld.idx.msk [tilespmem:v38+s1+$0x0], $0xffff;
	_ =	sdelay $0x4  }
0x59: {  	v36 =	vadd.f32 v50, v36;
	_ =	sdelay $0x1  }
0x5a: {  	v37 =	vmul.f32 $2.000000030e-01, v36  }
0x5b: {  	vm13 =	vgt.f32 v36, $0.0e+00  }
0x5c: {  	v36 =	vsel vm13, v36, v37  }
0x5d: {  	v36 =	vsub.f32 $0.0e+00, v36;
	_ =	sdelay $0x1  }
0x5e: {  	v36 =	vmul.f32 $1.442695020e+00, v36;
	_ =	sdelay $0x1  }
0x5f: {  	(erf) = vpow2.f32 v36;
	_ =	sdelay $0x7  }
0x60: {  	v51 =	vor.u32 $0x1, v49  }
0x61: {  	v53 =	vadd.s32 $0x5000, v33;
	v52 =	vpop (erf)  }
0x62: {  	v39 =	vadd.s32 $0xF000, v32;
	v37 =	vmul.f32 v52, v48;
	_ =	sdelay $0x1  }
0x63: {  	[tilespmem:v1+s31+$0x0] =	vst.idx.msk $0xffff, v37  }
0x64: {  	[tilespmem:v51+s22+$0x0] =	vst.idx.add.f32.msk $0xffff, v37  }
0x65: {  	v36 =	vld.idx.msk [tilespmem:v53+s1+$0x0], $0xffff  }
0x66: {  	v37 =	vld.idx.msk [tilespmem:v39+s1+$0x0], $0xffff;
	_ =	sdelay $0x4  }
0x67: {  	v36 =	vadd.f32 v37, v36;
	_ =	sdelay $0x1  }
0x68: {  	v37 =	vmul.f32 $2.000000030e-01, v36  }
0x69: {  	vm14 =	vgt.f32 v36, $0.0e+00  }
0x6a: {  	v36 =	vsel vm14, v36, v37  }
0x6b: {  	v36 =	vsub.f32 $0.0e+00, v36;
	_ =	sdelay $0x1  }
0x6c: {  	v36 =	vmul.f32 $1.442695020e+00, v36;
	_ =	sdelay $0x1  }
0x6d: {  	(erf) = vpow2.f32 v36;
	_ =	sdelay $0x7  }
0x6e: {  	v54 =	vor.u32 $0x2, v49  }
0x6f: {  	v33 =	vadd.s32 $0x7800, v33;
	v55 =	vpop (erf)  }
0x70: {  	v32 =	vadd.s32 $0x11800, v32;
	v37 =	vmul.f32 v55, v48;
	_ =	sdelay $0x1  }
0x71: {  	[tilespmem:v2+s31+$0x0] =	vst.idx.msk $0xffff, v37  }
0x72: {  	[tilespmem:v54+s22+$0x0] =	vst.idx.add.f32.msk $0xffff, v37  }
0x73: {  	v33 =	vld.idx.msk [tilespmem:v33+s1+$0x0], $0xffff  }
0x74: {  	v32 =	vld.idx.msk [tilespmem:v32+s1+$0x0], $0xffff;
	_ =	sdelay $0x4  }
0x75: {  	v32 =	vadd.f32 v32, v33;
	_ =	sdelay $0x1  }
0x76: {  	v33 =	vmul.f32 $2.000000030e-01, v32  }
0x77: {  	vm15 =	vgt.f32 v32, $0.0e+00  }
0x78: {  	v32 =	vsel vm15, v32, v33  }
0x79: {  	v32 =	vsub.f32 $0.0e+00, v32;
	_ =	sdelay $0x1  }
0x7a: {  	v32 =	vmul.f32 $1.442695020e+00, v32;
	_ =	sdelay $0x1  }
0x7b: {  	(erf) = vpow2.f32 v32;
	_ =	sdelay $0x7  }
0x7c: {  	v56 =	vor.u32 $0x3, v49  }
0x7d: {  	v57 =	vpop (erf)  }
0x7e: {  	v33 =	vmul.f32 v57, v48;
	_ =	sdelay $0x1  }
0x7f: {  	[tilespmem:v3+s31+$0x0] =	vst.idx.msk $0xffff, v33  }
0x80: {  	[tilespmem:v56+s22+$0x0] =	vst.idx.add.f32.msk $0xffff, v33  }
0x81: {  	v32 =	vld [tilespmem:$0x1E110]  }
0x82: {  	v33 =	vld [tilespmem:$0x1E010];
	_ =	sdelay $0x3  }
0x83: {  	v58 =	vadd.s32 $0xA000, v32;
	_ =	sdelay $0x3  }
0x84: {  	v59 =	vld.idx.msk [tilespmem:v33+s1+$0x0], $0xffff  }
0x85: {  	v34 =	vld.idx.msk [tilespmem:v58+s1+$0x0], $0xffff;
	_ =	sdelay $0x4  }
0x86: {  	v34 =	vadd.f32 v34, v59;
	_ =	sdelay $0x1  }
0x87: {  	v35 =	vmul.f32 $2.000000030e-01, v34  }
0x88: {  	vm4 =	vgt.f32 v34, $0.0e+00  }
0x89: {  	v34 =	vsel vm4, v34, v35  }
0x8a: {  	v34 =	vsub.f32 $0.0e+00, v34;
	_ =	sdelay $0x1  }
0x8b: {  	v34 =	vmul.f32 $1.442695020e+00, v34;
	_ =	sdelay $0x1  }
0x8c: {  	(erf) = vpow2.f32 v34;
	_ =	sdelay $0x4  }
0x8d: {  	v60 =	vld [tilespmem:$0x1E210];
	_ =	sdelay $0x2  }
0x8e: {  	v61 =	vshll.u32 v33, $0x2  }
0x8f: {  	v63 =	vadd.s32 $0x2800, v33;
	v62 =	vpop (erf)  }
0x90: {  	v40 =	vadd.s32 $0xC800, v32;
	v36 =	vmul.f32 v62, v60;
	_ =	sdelay $0x1  }
0x91: {  	[tilespmem:v4+s31+$0x0] =	vst.idx.msk $0xffff, v36  }
0x92: {  	[tilespmem:v61+s22+$0x0] =	vst.idx.add.f32.msk $0xffff, v36  }
0x93: {  	v36 =	vld.idx.msk [tilespmem:v63+s1+$0x0], $0xffff  }
0x94: {  	v41 =	vld.idx.msk [tilespmem:v40+s1+$0x0], $0xffff;
	_ =	sdelay $0x4  }
0x95: {  	v36 =	vadd.f32 v41, v36;
	_ =	sdelay $0x1  }
0x96: {  	v37 =	vmul.f32 $2.000000030e-01, v36  }
0x97: {  	vm5 =	vgt.f32 v36, $0.0e+00  }
0x98: {  	v36 =	vsel vm5, v36, v37  }
0x99: {  	v36 =	vsub.f32 $0.0e+00, v36;
	_ =	sdelay $0x1  }
0x9a: {  	v36 =	vmul.f32 $1.442695020e+00, v36;
	_ =	sdelay $0x1  }
0x9b: {  	(erf) = vpow2.f32 v36;
	_ =	sdelay $0x7  }
0x9c: {  	v42 =	vor.u32 $0x1, v61  }
0x9d: {  	v44 =	vadd.s32 $0x5000, v33;
	v43 =	vpop (erf)  }
0x9e: {  	v45 =	vadd.s32 $0xF000, v32;
	v37 =	vmul.f32 v43, v60;
	_ =	sdelay $0x1  }
0x9f: {  	[tilespmem:v5+s31+$0x0] =	vst.idx.msk $0xffff, v37  }
0xa0: {  	[tilespmem:v42+s22+$0x0] =	vst.idx.add.f32.msk $0xffff, v37  }
0xa1: {  	v36 =	vld.idx.msk [tilespmem:v44+s1+$0x0], $0xffff  }
0xa2: {  	v37 =	vld.idx.msk [tilespmem:v45+s1+$0x0], $0xffff;
	_ =	sdelay $0x4  }
0xa3: {  	v36 =	vadd.f32 v37, v36;
	_ =	sdelay $0x1  }
0xa4: {  	v37 =	vmul.f32 $2.000000030e-01, v36  }
0xa5: {  	vm6 =	vgt.f32 v36, $0.0e+00  }
0xa6: {  	v36 =	vsel vm6, v36, v37  }
0xa7: {  	v36 =	vsub.f32 $0.0e+00, v36;
	_ =	sdelay $0x1  }
0xa8: {  	v36 =	vmul.f32 $1.442695020e+00, v36;
	_ =	sdelay $0x1  }
0xa9: {  	(erf) = vpow2.f32 v36;
	_ =	sdelay $0x7  }
0xaa: {  	v46 =	vor.u32 $0x2, v61  }
0xab: {  	v33 =	vadd.s32 $0x7800, v33;
	v47 =	vpop (erf)  }
0xac: {  	v32 =	vadd.s32 $0x11800, v32;
	v37 =	vmul.f32 v47, v60;
	_ =	sdelay $0x1  }
0xad: {  	[tilespmem:v6+s31+$0x0] =	vst.idx.msk $0xffff, v37  }
0xae: {  	[tilespmem:v46+s22+$0x0] =	vst.idx.add.f32.msk $0xffff, v37  }
0xaf: {  	v33 =	vld.idx.msk [tilespmem:v33+s1+$0x0], $0xffff  }
0xb0: {  	v32 =	vld.idx.msk [tilespmem:v32+s1+$0x0], $0xffff;
	_ =	sdelay $0x4  }
0xb1: {  	v32 =	vadd.f32 v32, v33;
	_ =	sdelay $0x1  }
0xb2: {  	v33 =	vmul.f32 $2.000000030e-01, v32  }
0xb3: {  	vm7 =	vgt.f32 v32, $0.0e+00  }
0xb4: {  	v32 =	vsel vm7, v32, v33  }
0xb5: {  	v32 =	vsub.f32 $0.0e+00, v32;
	_ =	sdelay $0x1  }
0xb6: {  	v32 =	vmul.f32 $1.442695020e+00, v32;
	_ =	sdelay $0x1  }
0xb7: {  	(erf) = vpow2.f32 v32;
	_ =	sdelay $0x7  }
0xb8: {  	v48 =	vor.u32 $0x3, v61  }
0xb9: {  	v49 =	vpop (erf)  }
0xba: {  	v33 =	vmul.f32 v49, v60;
	_ =	sdelay $0x1  }
0xbb: {  	[tilespmem:v7+s31+$0x0] =	vst.idx.msk $0xffff, v33  }
0xbc: {  	[tilespmem:v48+s22+$0x0] =	vst.idx.add.f32.msk $0xffff, v33  }
0xbd: {  	v32 =	vld [tilespmem:$0x1E120]  }
0xbe: {  	v33 =	vld [tilespmem:$0x1E020];
	_ =	sdelay $0x3  }
0xbf: {  	v50 =	vadd.s32 $0xA000, v32;
	_ =	sdelay $0x3  }
0xc0: {  	v51 =	vld.idx.msk [tilespmem:v33+s1+$0x0], $0xffff  }
0xc1: {  	v34 =	vld.idx.msk [tilespmem:v50+s1+$0x0], $0xffff;
	_ =	sdelay $0x4  }
0xc2: {  	v34 =	vadd.f32 v34, v51;
	_ =	sdelay $0x1  }
0xc3: {  	v35 =	vmul.f32 $2.000000030e-01, v34  }
0xc4: {  	vm8 =	vgt.f32 v34, $0.0e+00  }
0xc5: {  	v34 =	vsel vm8, v34, v35  }
0xc6: {  	v34 =	vsub.f32 $0.0e+00, v34;
	_ =	sdelay $0x1  }
0xc7: {  	v34 =	vmul.f32 $1.442695020e+00, v34;
	_ =	sdelay $0x1  }
0xc8: {  	(erf) = vpow2.f32 v34;
	_ =	sdelay $0x4  }
0xc9: {  	v52 =	vld [tilespmem:$0x1E220];
	_ =	sdelay $0x2  }
0xca: {  	v53 =	vshll.u32 v33, $0x2  }
0xcb: {  	v55 =	vadd.s32 $0x2800, v33;
	v54 =	vpop (erf)  }
0xcc: {  	v56 =	vadd.s32 $0xC800, v32;
	v36 =	vmul.f32 v54, v52;
	_ =	sdelay $0x1  }
0xcd: {  	[tilespmem:v8+s31+$0x0] =	vst.idx.msk $0xffff, v36  }
0xce: {  	[tilespmem:v53+s22+$0x0] =	vst.idx.add.f32.msk $0xffff, v36  }
0xcf: {  	v36 =	vld.idx.msk [tilespmem:v55+s1+$0x0], $0xffff  }
0xd0: {  	v57 =	vld.idx.msk [tilespmem:v56+s1+$0x0], $0xffff;
	_ =	sdelay $0x4  }
0xd1: {  	v36 =	vadd.f32 v57, v36;
	_ =	sdelay $0x1  }
0xd2: {  	v37 =	vmul.f32 $2.000000030e-01, v36  }
0xd3: {  	vm9 =	vgt.f32 v36, $0.0e+00  }
0xd4: {  	v36 =	vsel vm9, v36, v37  }
0xd5: {  	v36 =	vsub.f32 $0.0e+00, v36;
	_ =	sdelay $0x1  }
0xd6: {  	v36 =	vmul.f32 $1.442695020e+00, v36;
	_ =	sdelay $0x1  }
0xd7: {  	(erf) = vpow2.f32 v36;
	_ =	sdelay $0x7  }
0xd8: {  	v58 =	vor.u32 $0x1, v53  }
0xd9: {  	v60 =	vadd.s32 $0x5000, v33;
	v59 =	vpop (erf)  }
0xda: {  	v61 =	vadd.s32 $0xF000, v32;
	v37 =	vmul.f32 v59, v52;
	_ =	sdelay $0x1  }
0xdb: {  	[tilespmem:v9+s31+$0x0] =	vst.idx.msk $0xffff, v37  }
0xdc: {  	[tilespmem:v58+s22+$0x0] =	vst.idx.add.f32.msk $0xffff, v37  }
0xdd: {  	v36 =	vld.idx.msk [tilespmem:v60+s1+$0x0], $0xffff  }
0xde: {  	v37 =	vld.idx.msk [tilespmem:v61+s1+$0x0], $0xffff;
	_ =	sdelay $0x4  }
0xdf: {  	v36 =	vadd.f32 v37, v36;
	_ =	sdelay $0x1  }
0xe0: {  	v37 =	vmul.f32 $2.000000030e-01, v36  }
0xe1: {  	vm10 =	vgt.f32 v36, $0.0e+00  }
0xe2: {  	v36 =	vsel vm10, v36, v37  }
0xe3: {  	v36 =	vsub.f32 $0.0e+00, v36;
	_ =	sdelay $0x1  }
0xe4: {  	v36 =	vmul.f32 $1.442695020e+00, v36;
	_ =	sdelay $0x1  }
0xe5: {  	(erf) = vpow2.f32 v36;
	_ =	sdelay $0x7  }
0xe6: {  	v62 =	vor.u32 $0x2, v53  }
0xe7: {  	v33 =	vadd.s32 $0x7800, v33;
	v63 =	vpop (erf)  }
0xe8: {  	v32 =	vadd.s32 $0x11800, v32;
	v37 =	vmul.f32 v63, v52;
	_ =	sdelay $0x1  }
0xe9: {  	[tilespmem:v10+s31+$0x0] =	vst.idx.msk $0xffff, v37  }
0xea: {  	[tilespmem:v62+s22+$0x0] =	vst.idx.add.f32.msk $0xffff, v37  }
0xeb: {  	v33 =	vld.idx.msk [tilespmem:v33+s1+$0x0], $0xffff  }
0xec: {  	v32 =	vld.idx.msk [tilespmem:v32+s1+$0x0], $0xffff;
	_ =	sdelay $0x4  }
0xed: {  	v32 =	vadd.f32 v32, v33;
	_ =	sdelay $0x1  }
0xee: {  	v33 =	vmul.f32 $2.000000030e-01, v32  }
0xef: {  	vm11 =	vgt.f32 v32, $0.0e+00  }
0xf0: {  	v32 =	vsel vm11, v32, v33  }
0xf1: {  	v32 =	vsub.f32 $0.0e+00, v32;
	_ =	sdelay $0x1  }
0xf2: {  	v32 =	vmul.f32 $1.442695020e+00, v32;
	_ =	sdelay $0x1  }
0xf3: {  	(erf) = vpow2.f32 v32;
	_ =	sdelay $0x7  }
0xf4: {  	v40 =	vor.u32 $0x3, v53  }
0xf5: {  	v41 =	vpop (erf)  }
0xf6: {  	v33 =	vmul.f32 v41, v52;
	_ =	sdelay $0x1  }
0xf7: {  	[tilespmem:v11+s31+$0x0] =	vst.idx.msk $0xffff, v33  }
0xf8: {  	[tilespmem:v40+s22+$0x0] =	vst.idx.add.f32.msk $0xffff, v33  }
0xf9: {  	v32 =	vld [tilespmem:$0x1E130]  }
0xfa: {  	v33 =	vld [tilespmem:$0x1E030];
	_ =	sdelay $0x3  }
0xfb: {  	v42 =	vadd.s32 $0xA000, v32;
	_ =	sdelay $0x3  }
0xfc: {  	v43 =	vld.idx.msk [tilespmem:v33+s1+$0x0], $0xffff  }
0xfd: {  	v34 =	vld.idx.msk [tilespmem:v42+s1+$0x0], $0xffff;
	_ =	sdelay $0x4  }
0xfe: {  	v34 =	vadd.f32 v34, v43;
	_ =	sdelay $0x1  }
0xff: {  	v35 =	vmul.f32 $2.000000030e-01, v34  }
0x100: {  	vm12 =	vgt.f32 v34, $0.0e+00  }
0x101: {  	v34 =	vsel vm12, v34, v35  }
0x102: {  	v34 =	vsub.f32 $0.0e+00, v34;
	_ =	sdelay $0x1  }
0x103: {  	v34 =	vmul.f32 $1.442695020e+00, v34;
	_ =	sdelay $0x1  }
0x104: {  	(erf) = vpow2.f32 v34;
	_ =	sdelay $0x4  }
0x105: {  	v44 =	vld [tilespmem:$0x1E230];
	_ =	sdelay $0x2  }
0x106: {  	v45 =	vshll.u32 v33, $0x2  }
0x107: {  	v47 =	vadd.s32 $0x2800, v33;
	v46 =	vpop (erf)  }
0x108: {  	v48 =	vadd.s32 $0xC800, v32;
	v36 =	vmul.f32 v46, v44;
	_ =	sdelay $0x1  }
0x109: {  	[tilespmem:v12+s31+$0x0] =	vst.idx.msk $0xffff, v36  }
0x10a: {  	[tilespmem:v45+s22+$0x0] =	vst.idx.add.f32.msk $0xffff, v36  }
0x10b: {  	v36 =	vld.idx.msk [tilespmem:v47+s1+$0x0], $0xffff  }
0x10c: {  	v49 =	vld.idx.msk [tilespmem:v48+s1+$0x0], $0xffff;
	_ =	sdelay $0x4  }
0x10d: {  	v36 =	vadd.f32 v49, v36;
	_ =	sdelay $0x1  }
0x10e: {  	v37 =	vmul.f32 $2.000000030e-01, v36  }
0x10f: {  	vm13 =	vgt.f32 v36, $0.0e+00  }
0x110: {  	v36 =	vsel vm13, v36, v37  }
0x111: {  	v36 =	vsub.f32 $0.0e+00, v36;
	_ =	sdelay $0x1  }
0x112: {  	v36 =	vmul.f32 $1.442695020e+00, v36;
	_ =	sdelay $0x1  }
0x113: {  	(erf) = vpow2.f32 v36;
	_ =	sdelay $0x7  }
0x114: {  	v50 =	vor.u32 $0x1, v45  }
0x115: {  	v52 =	vadd.s32 $0x5000, v33;
	v51 =	vpop (erf)  }
0x116: {  	v53 =	vadd.s32 $0xF000, v32;
	v37 =	vmul.f32 v51, v44;
	_ =	sdelay $0x1  }
0x117: {  	[tilespmem:v13+s31+$0x0] =	vst.idx.msk $0xffff, v37  }
0x118: {  	[tilespmem:v50+s22+$0x0] =	vst.idx.add.f32.msk $0xffff, v37  }
0x119: {  	v36 =	vld.idx.msk [tilespmem:v52+s1+$0x0], $0xffff  }
0x11a: {  	v37 =	vld.idx.msk [tilespmem:v53+s1+$0x0], $0xffff;
	_ =	sdelay $0x4  }
0x11b: {  	v36 =	vadd.f32 v37, v36;
	_ =	sdelay $0x1  }
0x11c: {  	v37 =	vmul.f32 $2.000000030e-01, v36  }
0x11d: {  	vm14 =	vgt.f32 v36, $0.0e+00  }
0x11e: {  	v36 =	vsel vm14, v36, v37  }
0x11f: {  	v36 =	vsub.f32 $0.0e+00, v36;
	_ =	sdelay $0x1  }
0x120: {  	v36 =	vmul.f32 $1.442695020e+00, v36;
	_ =	sdelay $0x1  }
0x121: {  	(erf) = vpow2.f32 v36;
	_ =	sdelay $0x7  }
0x122: {  	v54 =	vor.u32 $0x2, v45  }
0x123: {  	v33 =	vadd.s32 $0x7800, v33;
	v55 =	vpop (erf)  }
0x124: {  	v32 =	vadd.s32 $0x11800, v32;
	v37 =	vmul.f32 v55, v44;
	_ =	sdelay $0x1  }
0x125: {  	[tilespmem:v14+s31+$0x0] =	vst.idx.msk $0xffff, v37  }
0x126: {  	[tilespmem:v54+s22+$0x0] =	vst.idx.add.f32.msk $0xffff, v37  }
0x127: {  	v33 =	vld.idx.msk [tilespmem:v33+s1+$0x0], $0xffff  }
0x128: {  	v32 =	vld.idx.msk [tilespmem:v32+s1+$0x0], $0xffff;
	_ =	sdelay $0x4  }
0x129: {  	v32 =	vadd.f32 v32, v33;
	_ =	sdelay $0x1  }
0x12a: {  	v33 =	vmul.f32 $2.000000030e-01, v32  }
0x12b: {  	vm15 =	vgt.f32 v32, $0.0e+00  }
0x12c: {  	v32 =	vsel vm15, v32, v33  }
0x12d: {  	v32 =	vsub.f32 $0.0e+00, v32;
	_ =	sdelay $0x1  }
0x12e: {  	v32 =	vmul.f32 $1.442695020e+00, v32;
	_ =	sdelay $0x1  }
0x12f: {  	(erf) = vpow2.f32 v32;
	_ =	sdelay $0x7  }
0x130: {  	v56 =	vor.u32 $0x3, v45  }
0x131: {  	v57 =	vpop (erf)  }
0x132: {  	v33 =	vmul.f32 v57, v44;
	_ =	sdelay $0x1  }
0x133: {  	[tilespmem:v15+s31+$0x0] =	vst.idx.msk $0xffff, v33  }
0x134: {  	[tilespmem:v56+s22+$0x0] =	vst.idx.add.f32.msk $0xffff, v33  }
0x135: {  	v32 =	vld [tilespmem:$0x1E140]  }
0x136: {  	v33 =	vld [tilespmem:$0x1E040];
	_ =	sdelay $0x3  }
0x137: {  	v58 =	vadd.s32 $0xA000, v32;
	_ =	sdelay $0x3  }
0x138: {  	v59 =	vld.idx.msk [tilespmem:v33+s1+$0x0], $0xffff  }
0x139: {  	v34 =	vld.idx.msk [tilespmem:v58+s1+$0x0], $0xffff;
	_ =	sdelay $0x4  }
0x13a: {  	v34 =	vadd.f32 v34, v59;
	_ =	sdelay $0x1  }
0x13b: {  	v35 =	vmul.f32 $2.000000030e-01, v34  }
0x13c: {  	vm4 =	vgt.f32 v34, $0.0e+00  }
0x13d: {  	v34 =	vsel vm4, v34, v35  }
0x13e: {  	v34 =	vsub.f32 $0.0e+00, v34;
	_ =	sdelay $0x1  }
0x13f: {  	v34 =	vmul.f32 $1.442695020e+00, v34;
	_ =	sdelay $0x1  }
0x140: {  	(erf) = vpow2.f32 v34;
	_ =	sdelay $0x4  }
0x141: {  	v60 =	vld [tilespmem:$0x1E240];
	_ =	sdelay $0x2  }
0x142: {  	v61 =	vshll.u32 v33, $0x2  }
0x143: {  	v63 =	vadd.s32 $0x2800, v33;
	v62 =	vpop (erf)  }
0x144: {  	v40 =	vadd.s32 $0xC800, v32;
	v36 =	vmul.f32 v62, v60;
	_ =	sdelay $0x1  }
0x145: {  	[tilespmem:v16+s31+$0x0] =	vst.idx.msk $0xffff, v36  }
0x146: {  	[tilespmem:v61+s22+$0x0] =	vst.idx.add.f32.msk $0xffff, v36  }
0x147: {  	v36 =	vld.idx.msk [tilespmem:v63+s1+$0x0], $0xffff  }
0x148: {  	v41 =	vld.idx.msk [tilespmem:v40+s1+$0x0], $0xffff;
	_ =	sdelay $0x4  }
0x149: {  	v36 =	vadd.f32 v41, v36;
	_ =	sdelay $0x1  }
0x14a: {  	v37 =	vmul.f32 $2.000000030e-01, v36  }
0x14b: {  	vm5 =	vgt.f32 v36, $0.0e+00  }
0x14c: {  	v36 =	vsel vm5, v36, v37  }
0x14d: {  	v36 =	vsub.f32 $0.0e+00, v36;
	_ =	sdelay $0x1  }
0x14e: {  	v36 =	vmul.f32 $1.442695020e+00, v36;
	_ =	sdelay $0x1  }
0x14f: {  	(erf) = vpow2.f32 v36;
	_ =	sdelay $0x7  }
0x150: {  	v42 =	vor.u32 $0x1, v61  }
0x151: {  	v44 =	vadd.s32 $0x5000, v33;
	v43 =	vpop (erf)  }
0x152: {  	v45 =	vadd.s32 $0xF000, v32;
	v37 =	vmul.f32 v43, v60;
	_ =	sdelay $0x1  }
0x153: {  	[tilespmem:v17+s31+$0x0] =	vst.idx.msk $0xffff, v37  }
0x154: {  	[tilespmem:v42+s22+$0x0] =	vst.idx.add.f32.msk $0xffff, v37  }
0x155: {  	v36 =	vld.idx.msk [tilespmem:v44+s1+$0x0], $0xffff  }
0x156: {  	v37 =	vld.idx.msk [tilespmem:v45+s1+$0x0], $0xffff;
	_ =	sdelay $0x4  }
0x157: {  	v36 =	vadd.f32 v37, v36;
	_ =	sdelay $0x1  }
0x158: {  	v37 =	vmul.f32 $2.000000030e-01, v36  }
0x159: {  	vm6 =	vgt.f32 v36, $0.0e+00  }
0x15a: {  	v36 =	vsel vm6, v36, v37  }
0x15b: {  	v36 =	vsub.f32 $0.0e+00, v36;
	_ =	sdelay $0x1  }
0x15c: {  	v36 =	vmul.f32 $1.442695020e+00, v36;
	_ =	sdelay $0x1  }
0x15d: {  	(erf) = vpow2.f32 v36;
	_ =	sdelay $0x7  }
0x15e: {  	v46 =	vor.u32 $0x2, v61  }
0x15f: {  	v33 =	vadd.s32 $0x7800, v33;
	v47 =	vpop (erf)  }
0x160: {  	v32 =	vadd.s32 $0x11800, v32;
	v37 =	vmul.f32 v47, v60;
	_ =	sdelay $0x1  }
0x161: {  	[tilespmem:v18+s31+$0x0] =	vst.idx.msk $0xffff, v37  }
0x162: {  	[tilespmem:v46+s22+$0x0] =	vst.idx.add.f32.msk $0xffff, v37  }
0x163: {  	v33 =	vld.idx.msk [tilespmem:v33+s1+$0x0], $0xffff  }
0x164: {  	v32 =	vld.idx.msk [tilespmem:v32+s1+$0x0], $0xffff;
	_ =	sdelay $0x4  }
0x165: {  	v32 =	vadd.f32 v32, v33;
	_ =	sdelay $0x1  }
0x166: {  	v33 =	vmul.f32 $2.000000030e-01, v32  }
0x167: {  	vm7 =	vgt.f32 v32, $0.0e+00  }
0x168: {  	v32 =	vsel vm7, v32, v33  }
0x169: {  	v32 =	vsub.f32 $0.0e+00, v32;
	_ =	sdelay $0x1  }
0x16a: {  	v32 =	vmul.f32 $1.442695020e+00, v32;
	_ =	sdelay $0x1  }
0x16b: {  	(erf) = vpow2.f32 v32;
	_ =	sdelay $0x7  }
0x16c: {  	v48 =	vor.u32 $0x3, v61  }
0x16d: {  	v49 =	vpop (erf)  }
0x16e: {  	v33 =	vmul.f32 v49, v60;
	_ =	sdelay $0x1  }
0x16f: {  	[tilespmem:v19+s31+$0x0] =	vst.idx.msk $0xffff, v33  }
0x170: {  	[tilespmem:v48+s22+$0x0] =	vst.idx.add.f32.msk $0xffff, v33  }
0x171: {  	v32 =	vld [tilespmem:$0x1E150]  }
0x172: {  	v33 =	vld [tilespmem:$0x1E050];
	_ =	sdelay $0x3  }
0x173: {  	v50 =	vadd.s32 $0xA000, v32;
	_ =	sdelay $0x3  }
0x174: {  	v51 =	vld.idx.msk [tilespmem:v33+s1+$0x0], $0xffff  }
0x175: {  	v34 =	vld.idx.msk [tilespmem:v50+s1+$0x0], $0xffff;
	_ =	sdelay $0x4  }
0x176: {  	v34 =	vadd.f32 v34, v51;
	_ =	sdelay $0x1  }
0x177: {  	v35 =	vmul.f32 $2.000000030e-01, v34  }
0x178: {  	vm8 =	vgt.f32 v34, $0.0e+00  }
0x179: {  	v34 =	vsel vm8, v34, v35  }
0x17a: {  	v34 =	vsub.f32 $0.0e+00, v34;
	_ =	sdelay $0x1  }
0x17b: {  	v34 =	vmul.f32 $1.442695020e+00, v34;
	_ =	sdelay $0x1  }
0x17c: {  	(erf) = vpow2.f32 v34;
	_ =	sdelay $0x4  }
0x17d: {  	v52 =	vld [tilespmem:$0x1E250];
	_ =	sdelay $0x2  }
0x17e: {  	v53 =	vshll.u32 v33, $0x2  }
0x17f: {  	v55 =	vadd.s32 $0x2800, v33;
	v54 =	vpop (erf)  }
0x180: {  	v56 =	vadd.s32 $0xC800, v32;
	v36 =	vmul.f32 v54, v52;
	_ =	sdelay $0x1  }
0x181: {  	[tilespmem:v20+s31+$0x0] =	vst.idx.msk $0xffff, v36  }
0x182: {  	[tilespmem:v53+s22+$0x0] =	vst.idx.add.f32.msk $0xffff, v36  }
0x183: {  	v36 =	vld.idx.msk [tilespmem:v55+s1+$0x0], $0xffff  }
0x184: {  	v57 =	vld.idx.msk [tilespmem:v56+s1+$0x0], $0xffff;
	_ =	sdelay $0x4  }
0x185: {  	v36 =	vadd.f32 v57, v36;
	_ =	sdelay $0x1  }
0x186: {  	v37 =	vmul.f32 $2.000000030e-01, v36  }
0x187: {  	vm9 =	vgt.f32 v36, $0.0e+00  }
0x188: {  	v36 =	vsel vm9, v36, v37  }
0x189: {  	v36 =	vsub.f32 $0.0e+00, v36;
	_ =	sdelay $0x1  }
0x18a: {  	v36 =	vmul.f32 $1.442695020e+00, v36;
	_ =	sdelay $0x1  }
0x18b: {  	(erf) = vpow2.f32 v36;
	_ =	sdelay $0x7  }
0x18c: {  	v58 =	vor.u32 $0x1, v53  }
0x18d: {  	v60 =	vadd.s32 $0x5000, v33;
	v59 =	vpop (erf)  }
0x18e: {  	v61 =	vadd.s32 $0xF000, v32;
	v37 =	vmul.f32 v59, v52;
	_ =	sdelay $0x1  }
0x18f: {  	[tilespmem:v21+s31+$0x0] =	vst.idx.msk $0xffff, v37  }
0x190: {  	[tilespmem:v58+s22+$0x0] =	vst.idx.add.f32.msk $0xffff, v37  }
0x191: {  	v36 =	vld.idx.msk [tilespmem:v60+s1+$0x0], $0xffff  }
0x192: {  	v37 =	vld.idx.msk [tilespmem:v61+s1+$0x0], $0xffff;
	_ =	sdelay $0x4  }
0x193: {  	v36 =	vadd.f32 v37, v36;
	_ =	sdelay $0x1  }
0x194: {  	v37 =	vmul.f32 $2.000000030e-01, v36  }
0x195: {  	vm10 =	vgt.f32 v36, $0.0e+00  }
0x196: {  	v36 =	vsel vm10, v36, v37  }
0x197: {  	v36 =	vsub.f32 $0.0e+00, v36;
	_ =	sdelay $0x1  }
0x198: {  	v36 =	vmul.f32 $1.442695020e+00, v36;
	_ =	sdelay $0x1  }
0x199: {  	(erf) = vpow2.f32 v36;
	_ =	sdelay $0x7  }
0x19a: {  	v62 =	vor.u32 $0x2, v53  }
0x19b: {  	v33 =	vadd.s32 $0x7800, v33;
	v63 =	vpop (erf)  }
0x19c: {  	v32 =	vadd.s32 $0x11800, v32;
	v37 =	vmul.f32 v63, v52;
	_ =	sdelay $0x1  }
0x19d: {  	[tilespmem:v22+s31+$0x0] =	vst.idx.msk $0xffff, v37  }
0x19e: {  	[tilespmem:v62+s22+$0x0] =	vst.idx.add.f32.msk $0xffff, v37  }
0x19f: {  	v33 =	vld.idx.msk [tilespmem:v33+s1+$0x0], $0xffff  }
0x1a0: {  	v32 =	vld.idx.msk [tilespmem:v32+s1+$0x0], $0xffff;
	_ =	sdelay $0x4  }
0x1a1: {  	v32 =	vadd.f32 v32, v33;
	_ =	sdelay $0x1  }
0x1a2: {  	v33 =	vmul.f32 $2.000000030e-01, v32  }
0x1a3: {  	vm11 =	vgt.f32 v32, $0.0e+00  }
0x1a4: {  	v32 =	vsel vm11, v32, v33  }
0x1a5: {  	v32 =	vsub.f32 $0.0e+00, v32;
	_ =	sdelay $0x1  }
0x1a6: {  	v32 =	vmul.f32 $1.442695020e+00, v32;
	_ =	sdelay $0x1  }
0x1a7: {  	(erf) = vpow2.f32 v32;
	_ =	sdelay $0x7  }
0x1a8: {  	v40 =	vor.u32 $0x3, v53  }
0x1a9: {  	v41 =	vpop (erf)  }
0x1aa: {  	v33 =	vmul.f32 v41, v52;
	_ =	sdelay $0x1  }
0x1ab: {  	[tilespmem:v23+s31+$0x0] =	vst.idx.msk $0xffff, v33  }
0x1ac: {  	[tilespmem:v40+s22+$0x0] =	vst.idx.add.f32.msk $0xffff, v33  }
0x1ad: {  	v32 =	vld [tilespmem:$0x1E160]  }
0x1ae: {  	v33 =	vld [tilespmem:$0x1E060];
	_ =	sdelay $0x3  }
0x1af: {  	v42 =	vadd.s32 $0xA000, v32;
	_ =	sdelay $0x3  }
0x1b0: {  	v43 =	vld.idx.msk [tilespmem:v33+s1+$0x0], $0xffff  }
0x1b1: {  	v34 =	vld.idx.msk [tilespmem:v42+s1+$0x0], $0xffff;
	_ =	sdelay $0x4  }
0x1b2: {  	v34 =	vadd.f32 v34, v43;
	_ =	sdelay $0x1  }
0x1b3: {  	v35 =	vmul.f32 $2.000000030e-01, v34  }
0x1b4: {  	vm12 =	vgt.f32 v34, $0.0e+00  }
0x1b5: {  	v34 =	vsel vm12, v34, v35  }
0x1b6: {  	v34 =	vsub.f32 $0.0e+00, v34;
	_ =	sdelay $0x1  }
0x1b7: {  	v34 =	vmul.f32 $1.442695020e+00, v34;
	_ =	sdelay $0x1  }
0x1b8: {  	(erf) = vpow2.f32 v34;
	_ =	sdelay $0x4  }
0x1b9: {  	v44 =	vld [tilespmem:$0x1E260];
	_ =	sdelay $0x2  }
0x1ba: {  	v45 =	vshll.u32 v33, $0x2  }
0x1bb: {  	v47 =	vadd.s32 $0x2800, v33;
	v46 =	vpop (erf)  }
0x1bc: {  	v48 =	vadd.s32 $0xC800, v32;
	v36 =	vmul.f32 v46, v44;
	_ =	sdelay $0x1  }
0x1bd: {  	[tilespmem:v24+s31+$0x0] =	vst.idx.msk $0xffff, v36  }
0x1be: {  	[tilespmem:v45+s22+$0x0] =	vst.idx.add.f32.msk $0xffff, v36  }
0x1bf: {  	v36 =	vld.idx.msk [tilespmem:v47+s1+$0x0], $0xffff  }
0x1c0: {  	v49 =	vld.idx.msk [tilespmem:v48+s1+$0x0], $0xffff;
	_ =	sdelay $0x4  }
0x1c1: {  	v36 =	vadd.f32 v49, v36;
	_ =	sdelay $0x1  }
0x1c2: {  	v37 =	vmul.f32 $2.000000030e-01, v36  }
0x1c3: {  	vm13 =	vgt.f32 v36, $0.0e+00  }
0x1c4: {  	v36 =	vsel vm13, v36, v37  }
0x1c5: {  	v36 =	vsub.f32 $0.0e+00, v36;
	_ =	sdelay $0x1  }
0x1c6: {  	v36 =	vmul.f32 $1.442695020e+00, v36;
	_ =	sdelay $0x1  }
0x1c7: {  	(erf) = vpow2.f32 v36;
	_ =	sdelay $0x7  }
0x1c8: {  	v50 =	vor.u32 $0x1, v45  }
0x1c9: {  	v52 =	vadd.s32 $0x5000, v33;
	v51 =	vpop (erf)  }
0x1ca: {  	v53 =	vadd.s32 $0xF000, v32;
	v37 =	vmul.f32 v51, v44;
	_ =	sdelay $0x1  }
0x1cb: {  	[tilespmem:v25+s31+$0x0] =	vst.idx.msk $0xffff, v37  }
0x1cc: {  	[tilespmem:v50+s22+$0x0] =	vst.idx.add.f32.msk $0xffff, v37  }
0x1cd: {  	v36 =	vld.idx.msk [tilespmem:v52+s1+$0x0], $0xffff  }
0x1ce: {  	v37 =	vld.idx.msk [tilespmem:v53+s1+$0x0], $0xffff;
	_ =	sdelay $0x4  }
0x1cf: {  	v36 =	vadd.f32 v37, v36;
	_ =	sdelay $0x1  }
0x1d0: {  	v37 =	vmul.f32 $2.000000030e-01, v36  }
0x1d1: {  	vm14 =	vgt.f32 v36, $0.0e+00  }
0x1d2: {  	v36 =	vsel vm14, v36, v37  }
0x1d3: {  	v36 =	vsub.f32 $0.0e+00, v36;
	_ =	sdelay $0x1  }
0x1d4: {  	v36 =	vmul.f32 $1.442695020e+00, v36;
	_ =	sdelay $0x1  }
0x1d5: {  	(erf) = vpow2.f32 v36;
	_ =	sdelay $0x7  }
0x1d6: {  	v54 =	vor.u32 $0x2, v45  }
0x1d7: {  	v33 =	vadd.s32 $0x7800, v33;
	v55 =	vpop (erf)  }
0x1d8: {  	v32 =	vadd.s32 $0x11800, v32;
	v37 =	vmul.f32 v55, v44;
	_ =	sdelay $0x1  }
0x1d9: {  	[tilespmem:v26+s31+$0x0] =	vst.idx.msk $0xffff, v37  }
0x1da: {  	[tilespmem:v54+s22+$0x0] =	vst.idx.add.f32.msk $0xffff, v37  }
0x1db: {  	v33 =	vld.idx.msk [tilespmem:v33+s1+$0x0], $0xffff  }
0x1dc: {  	v32 =	vld.idx.msk [tilespmem:v32+s1+$0x0], $0xffff;
	_ =	sdelay $0x4  }
0x1dd: {  	v32 =	vadd.f32 v32, v33;
	_ =	sdelay $0x1  }
0x1de: {  	v33 =	vmul.f32 $2.000000030e-01, v32  }
0x1df: {  	vm15 =	vgt.f32 v32, $0.0e+00  }
0x1e0: {  	v32 =	vsel vm15, v32, v33  }
0x1e1: {  	v32 =	vsub.f32 $0.0e+00, v32;
	_ =	sdelay $0x1  }
0x1e2: {  	v32 =	vmul.f32 $1.442695020e+00, v32;
	_ =	sdelay $0x1  }
0x1e3: {  	(erf) = vpow2.f32 v32;
	_ =	sdelay $0x7  }
0x1e4: {  	v56 =	vor.u32 $0x3, v45  }
0x1e5: {  	v57 =	vpop (erf)  }
0x1e6: {  	v33 =	vmul.f32 v57, v44;
	_ =	sdelay $0x1  }
0x1e7: {  	[tilespmem:v27+s31+$0x0] =	vst.idx.msk $0xffff, v33  }
0x1e8: {  	[tilespmem:v56+s22+$0x0] =	vst.idx.add.f32.msk $0xffff, v33  }
0x1e9: {  	v32 =	vld [tilespmem:$0x1E170]  }
0x1ea: {  	v33 =	vld [tilespmem:$0x1E070];
	_ =	sdelay $0x3  }
0x1eb: {  	v58 =	vadd.s32 $0xA000, v32;
	_ =	sdelay $0x3  }
0x1ec: {  	v59 =	vld.idx.msk [tilespmem:v33+s1+$0x0], $0xffff  }
0x1ed: {  	v34 =	vld.idx.msk [tilespmem:v58+s1+$0x0], $0xffff;
	_ =	sdelay $0x4  }
0x1ee: {  	v34 =	vadd.f32 v34, v59;
	_ =	sdelay $0x1  }
0x1ef: {  	v35 =	vmul.f32 $2.000000030e-01, v34  }
0x1f0: {  	vm4 =	vgt.f32 v34, $0.0e+00  }
0x1f1: {  	v34 =	vsel vm4, v34, v35  }
0x1f2: {  	v34 =	vsub.f32 $0.0e+00, v34;
	_ =	sdelay $0x1  }
0x1f3: {  	v34 =	vmul.f32 $1.442695020e+00, v34;
	_ =	sdelay $0x1  }
0x1f4: {  	(erf) = vpow2.f32 v34;
	_ =	sdelay $0x4  }
0x1f5: {  	v60 =	vld [tilespmem:$0x1E270];
	_ =	sdelay $0x2  }
0x1f6: {  	v61 =	vshll.u32 v33, $0x2  }
0x1f7: {  	v63 =	vadd.s32 $0x2800, v33;
	v62 =	vpop (erf)  }
0x1f8: {  	v40 =	vadd.s32 $0xC800, v32;
	v36 =	vmul.f32 v62, v60;
	_ =	sdelay $0x1  }
0x1f9: {  	[tilespmem:v28+s31+$0x0] =	vst.idx.msk $0xffff, v36  }
0x1fa: {  	[tilespmem:v61+s22+$0x0] =	vst.idx.add.f32.msk $0xffff, v36  }
0x1fb: {  	v36 =	vld.idx.msk [tilespmem:v63+s1+$0x0], $0xffff  }
0x1fc: {  	v41 =	vld.idx.msk [tilespmem:v40+s1+$0x0], $0xffff;
	_ =	sdelay $0x4  }
0x1fd: {  	v36 =	vadd.f32 v41, v36;
	_ =	sdelay $0x1  }
0x1fe: {  	v37 =	vmul.f32 $2.000000030e-01, v36  }
0x1ff: {  	vm5 =	vgt.f32 v36, $0.0e+00  }
0x200: {  	v36 =	vsel vm5, v36, v37  }
0x201: {  	v36 =	vsub.f32 $0.0e+00, v36;
	_ =	sdelay $0x1  }
0x202: {  	v36 =	vmul.f32 $1.442695020e+00, v36;
	_ =	sdelay $0x1  }
0x203: {  	(erf) = vpow2.f32 v36;
	_ =	sdelay $0x7  }
0x204: {  	v42 =	vor.u32 $0x1, v61  }
0x205: {  	v44 =	vadd.s32 $0x5000, v33;
	v43 =	vpop (erf)  }
0x206: {  	v45 =	vadd.s32 $0xF000, v32;
	v37 =	vmul.f32 v43, v60;
	_ =	sdelay $0x1  }
0x207: {  	[tilespmem:v29+s31+$0x0] =	vst.idx.msk $0xffff, v37  }
0x208: {  	[tilespmem:v42+s22+$0x0] =	vst.idx.add.f32.msk $0xffff, v37  }
0x209: {  	v36 =	vld.idx.msk [tilespmem:v44+s1+$0x0], $0xffff  }
0x20a: {  	v37 =	vld.idx.msk [tilespmem:v45+s1+$0x0], $0xffff;
	_ =	sdelay $0x4  }
0x20b: {  	v36 =	vadd.f32 v37, v36;
	_ =	sdelay $0x1  }
0x20c: {  	v37 =	vmul.f32 $2.000000030e-01, v36  }
0x20d: {  	vm6 =	vgt.f32 v36, $0.0e+00  }
0x20e: {  	v36 =	vsel vm6, v36, v37  }
0x20f: {  	v36 =	vsub.f32 $0.0e+00, v36;
	_ =	sdelay $0x1  }
0x210: {  	v36 =	vmul.f32 $1.442695020e+00, v36;
	_ =	sdelay $0x1  }
0x211: {  	(erf) = vpow2.f32 v36;
	_ =	sdelay $0x7  }
0x212: {  	v46 =	vor.u32 $0x2, v61  }
0x213: {  	v33 =	vadd.s32 $0x7800, v33;
	v47 =	vpop (erf)  }
0x214: {  	v32 =	vadd.s32 $0x11800, v32;
	v37 =	vmul.f32 v47, v60;
	_ =	sdelay $0x1  }
0x215: {  	[tilespmem:v30+s31+$0x0] =	vst.idx.msk $0xffff, v37  }
0x216: {  	[tilespmem:v46+s22+$0x0] =	vst.idx.add.f32.msk $0xffff, v37  }
0x217: {  	v33 =	vld.idx.msk [tilespmem:v33+s1+$0x0], $0xffff  }
0x218: {  	v32 =	vld.idx.msk [tilespmem:v32+s1+$0x0], $0xffff;
	_ =	sdelay $0x4  }
0x219: {  	v32 =	vadd.f32 v32, v33;
	_ =	sdelay $0x1  }
0x21a: {  	v33 =	vmul.f32 $2.000000030e-01, v32  }
0x21b: {  	vm7 =	vgt.f32 v32, $0.0e+00  }
0x21c: {  	v32 =	vsel vm7, v32, v33  }
0x21d: {  	v32 =	vsub.f32 $0.0e+00, v32;
	_ =	sdelay $0x1  }
0x21e: {  	v32 =	vmul.f32 $1.442695020e+00, v32;
	_ =	sdelay $0x1  }
0x21f: {  	(erf) = vpow2.f32 v32;
	_ =	sdelay $0x7  }
0x220: {  	v48 =	vor.u32 $0x3, v61  }
0x221: {  	v49 =	vpop (erf)  }
0x222: {  	v33 =	vmul.f32 v49, v60;
	_ =	sdelay $0x1  }
0x223: {  	[tilespmem:v31+s31+$0x0] =	vst.idx.msk $0xffff, v33  }
0x224: {  	p0 =	seq.s32 s4, $0x4E0;
	[tilespmem:v48+s22+$0x0] =	vst.idx.add.f32.msk $0xffff, v33  }
0x225: {  	[hbm4b:s13+s1] =	stream.linear.scatter [tilespmem:s31], [sflag:$0x3], $0x400, $0x38;
	[tilespmem:$0x1EB00] =	vst v63  }
0x226: {  	s6 =	sadd.s32 @!p0 s4, s20;
	s7 =	simm.s32 @!p0 $0x0;
	s8 =	simm.s32 @!p0 $0x1E000  }
0x227: {  	[tilespmem:s8], [sflag:$0x1] =	stream.linear.gather @!p0 [hbm4b:s6+s7], $0x80, $0x38;
	[tilespmem:$0x1EB00] =	vst v63  }
0x228: {  	p1 =	seq.s32 @!p0 s4, $0x0;
	s6 =	sadd.s32 @!p0 s4, s19;
	s8 =	simm.s32 @!p0 $0x1E100  }
0x229: {  	[tilespmem:s8], [sflag:$0x1] =	stream.linear.gather @!p0 [hbm4b:s6+s7], $0x80, $0x38;
	[tilespmem:$0x1EB00] =	vst v63  }
0x22a: {  	p1 =	por p0, !p1;
	s6 =	sadd.s32 @!p0 s4, s18;
	s8 =	simm.s32 @!p0 $0x1E200  }
0x22b: {  	[tilespmem:s8], [sflag:$0x1] =	stream.linear.gather @!p0 [hbm4b:s6+s7], $0x80, $0x38;
	[tilespmem:$0x1EB00] =	vst v63  }
0x22c: {  	_ =	swait.ge @p1 [sflag:s24], $0x400  }
0x22d: {  	[sflag:s24] =	ssyncset.done @p1 $0x0  }
0x22e: {  	[sflag:s24] =	ssyncadd.s32 @p1 $0xFFFFFC00  }
0x22f: {  	_ =	swait.ge [sflag:s0], $0x80  }
0x230: {  	[sflag:s0] =	ssyncset.done $0x0  }
0x231: {  	[sflag:s0] =	ssyncadd.s32 $0xFFFFFF80  }
0x232: {  	_ =	swait.ge [sflag:s0], $0x80  }
0x233: {  	[sflag:s0] =	ssyncset.done $0x0  }
0x234: {  	[sflag:s0] =	ssyncadd.s32 $0xFFFFFF80  }
0x235: {  	_ =	swait.ge [sflag:s0], $0x80  }
0x236: {  	[sflag:s0] =	ssyncset.done $0x0  }
0x237: {  	[sflag:s0] =	ssyncadd.s32 $0xFFFFFF80  }
0x238: {  	v50 =	vld [tilespmem:$0x1E180]  }
0x239: {  	v51 =	vld [tilespmem:$0x1E080];
	_ =	sdelay $0x3  }
0x23a: {  	v52 =	vadd.s32 $0xA000, v50;
	_ =	sdelay $0x3  }
0x23b: {  	v53 =	vld.idx.msk [tilespmem:v51+s1+$0x0], $0xffff  }
0x23c: {  	v34 =	vld.idx.msk [tilespmem:v52+s1+$0x0], $0xffff;
	_ =	sdelay $0x4  }
0x23d: {  	v34 =	vadd.f32 v34, v53;
	_ =	sdelay $0x1  }
0x23e: {  	v35 =	vmul.f32 $2.000000030e-01, v34  }
0x23f: {  	vm8 =	vgt.f32 v34, $0.0e+00  }
0x240: {  	v34 =	vsel vm8, v34, v35  }
0x241: {  	v34 =	vsub.f32 $0.0e+00, v34;
	_ =	sdelay $0x1  }
0x242: {  	v34 =	vmul.f32 $1.442695020e+00, v34;
	_ =	sdelay $0x1  }
0x243: {  	(erf) = vpow2.f32 v34;
	_ =	sdelay $0x4  }
0x244: {  	v54 =	vld [tilespmem:$0x1E280];
	_ =	sdelay $0x2  }
0x245: {  	v55 =	vshll.u32 v51, $0x2  }
0x246: {  	v57 =	vadd.s32 $0x2800, v51;
	v56 =	vpop (erf)  }
0x247: {  	v58 =	vadd.s32 $0xC800, v50;
	v36 =	vmul.f32 v56, v54;
	_ =	sdelay $0x1  }
0x248: {  	[tilespmem:v0+s2+$0x0] =	vst.idx.msk $0xffff, v36  }
0x249: {  	[tilespmem:v55+s22+$0x0] =	vst.idx.add.f32.msk $0xffff, v36  }
0x24a: {  	v36 =	vld.idx.msk [tilespmem:v57+s1+$0x0], $0xffff  }
0x24b: {  	v59 =	vld.idx.msk [tilespmem:v58+s1+$0x0], $0xffff;
	_ =	sdelay $0x4  }
0x24c: {  	v36 =	vadd.f32 v59, v36;
	_ =	sdelay $0x1  }
0x24d: {  	v37 =	vmul.f32 $2.000000030e-01, v36  }
0x24e: {  	vm9 =	vgt.f32 v36, $0.0e+00  }
0x24f: {  	v36 =	vsel vm9, v36, v37  }
0x250: {  	v36 =	vsub.f32 $0.0e+00, v36;
	_ =	sdelay $0x1  }
0x251: {  	v36 =	vmul.f32 $1.442695020e+00, v36;
	_ =	sdelay $0x1  }
0x252: {  	(erf) = vpow2.f32 v36;
	_ =	sdelay $0x7  }
0x253: {  	v60 =	vor.u32 $0x1, v55  }
0x254: {  	v62 =	vadd.s32 $0x5000, v51;
	v61 =	vpop (erf)  }
0x255: {  	v63 =	vadd.s32 $0xF000, v50;
	v37 =	vmul.f32 v61, v54;
	_ =	sdelay $0x1  }
0x256: {  	[tilespmem:v1+s2+$0x0] =	vst.idx.msk $0xffff, v37  }
0x257: {  	[tilespmem:v60+s22+$0x0] =	vst.idx.add.f32.msk $0xffff, v37  }
0x258: {  	v36 =	vld.idx.msk [tilespmem:v62+s1+$0x0], $0xffff  }
0x259: {  	v37 =	vld.idx.msk [tilespmem:v63+s1+$0x0], $0xffff;
	_ =	sdelay $0x4  }
0x25a: {  	v36 =	vadd.f32 v37, v36;
	_ =	sdelay $0x1  }
0x25b: {  	v37 =	vmul.f32 $2.000000030e-01, v36  }
0x25c: {  	vm10 =	vgt.f32 v36, $0.0e+00  }
0x25d: {  	v36 =	vsel vm10, v36, v37  }
0x25e: {  	v36 =	vsub.f32 $0.0e+00, v36;
	_ =	sdelay $0x1  }
0x25f: {  	v36 =	vmul.f32 $1.442695020e+00, v36;
	_ =	sdelay $0x1  }
0x260: {  	(erf) = vpow2.f32 v36;
	_ =	sdelay $0x7  }
0x261: {  	v40 =	vor.u32 $0x2, v55  }
0x262: {  	v33 =	vadd.s32 $0x7800, v51;
	v41 =	vpop (erf)  }
0x263: {  	v32 =	vadd.s32 $0x11800, v50;
	v37 =	vmul.f32 v41, v54;
	_ =	sdelay $0x1  }
0x264: {  	[tilespmem:v2+s2+$0x0] =	vst.idx.msk $0xffff, v37  }
0x265: {  	[tilespmem:v40+s22+$0x0] =	vst.idx.add.f32.msk $0xffff, v37  }
0x266: {  	v33 =	vld.idx.msk [tilespmem:v33+s1+$0x0], $0xffff  }
0x267: {  	v32 =	vld.idx.msk [tilespmem:v32+s1+$0x0], $0xffff;
	_ =	sdelay $0x4  }
0x268: {  	v32 =	vadd.f32 v32, v33;
	_ =	sdelay $0x1  }
0x269: {  	v33 =	vmul.f32 $2.000000030e-01, v32  }
0x26a: {  	vm11 =	vgt.f32 v32, $0.0e+00  }
0x26b: {  	v32 =	vsel vm11, v32, v33  }
0x26c: {  	v32 =	vsub.f32 $0.0e+00, v32;
	_ =	sdelay $0x1  }
0x26d: {  	v32 =	vmul.f32 $1.442695020e+00, v32;
	_ =	sdelay $0x1  }
0x26e: {  	(erf) = vpow2.f32 v32;
	_ =	sdelay $0x7  }
0x26f: {  	v42 =	vor.u32 $0x3, v55  }
0x270: {  	v43 =	vpop (erf)  }
0x271: {  	v33 =	vmul.f32 v43, v54;
	_ =	sdelay $0x1  }
0x272: {  	[tilespmem:v3+s2+$0x0] =	vst.idx.msk $0xffff, v33  }
0x273: {  	[tilespmem:v42+s22+$0x0] =	vst.idx.add.f32.msk $0xffff, v33  }
0x274: {  	v32 =	vld [tilespmem:$0x1E190]  }
0x275: {  	v33 =	vld [tilespmem:$0x1E090];
	_ =	sdelay $0x3  }
0x276: {  	v44 =	vadd.s32 $0xA000, v32;
	_ =	sdelay $0x3  }
0x277: {  	v45 =	vld.idx.msk [tilespmem:v33+s1+$0x0], $0xffff  }
0x278: {  	v34 =	vld.idx.msk [tilespmem:v44+s1+$0x0], $0xffff;
	_ =	sdelay $0x4  }
0x279: {  	v34 =	vadd.f32 v34, v45;
	_ =	sdelay $0x1  }
0x27a: {  	v35 =	vmul.f32 $2.000000030e-01, v34  }
0x27b: {  	vm12 =	vgt.f32 v34, $0.0e+00  }
0x27c: {  	v34 =	vsel vm12, v34, v35  }
0x27d: {  	v34 =	vsub.f32 $0.0e+00, v34;
	_ =	sdelay $0x1  }
0x27e: {  	v34 =	vmul.f32 $1.442695020e+00, v34;
	_ =	sdelay $0x1  }
0x27f: {  	(erf) = vpow2.f32 v34;
	_ =	sdelay $0x4  }
0x280: {  	v46 =	vld [tilespmem:$0x1E290];
	_ =	sdelay $0x2  }
0x281: {  	v47 =	vshll.u32 v33, $0x2  }
0x282: {  	v49 =	vadd.s32 $0x2800, v33;
	v48 =	vpop (erf)  }
0x283: {  	v50 =	vadd.s32 $0xC800, v32;
	v36 =	vmul.f32 v48, v46;
	_ =	sdelay $0x1  }
0x284: {  	[tilespmem:v4+s2+$0x0] =	vst.idx.msk $0xffff, v36  }
0x285: {  	[tilespmem:v47+s22+$0x0] =	vst.idx.add.f32.msk $0xffff, v36  }
0x286: {  	v36 =	vld.idx.msk [tilespmem:v49+s1+$0x0], $0xffff  }
0x287: {  	v51 =	vld.idx.msk [tilespmem:v50+s1+$0x0], $0xffff;
	_ =	sdelay $0x4  }
0x288: {  	v36 =	vadd.f32 v51, v36;
	_ =	sdelay $0x1  }
0x289: {  	v37 =	vmul.f32 $2.000000030e-01, v36  }
0x28a: {  	vm13 =	vgt.f32 v36, $0.0e+00  }
0x28b: {  	v36 =	vsel vm13, v36, v37  }
0x28c: {  	v36 =	vsub.f32 $0.0e+00, v36;
	_ =	sdelay $0x1  }
0x28d: {  	v36 =	vmul.f32 $1.442695020e+00, v36;
	_ =	sdelay $0x1  }
0x28e: {  	(erf) = vpow2.f32 v36;
	_ =	sdelay $0x7  }
0x28f: {  	v52 =	vor.u32 $0x1, v47  }
0x290: {  	v54 =	vadd.s32 $0x5000, v33;
	v53 =	vpop (erf)  }
0x291: {  	v55 =	vadd.s32 $0xF000, v32;
	v37 =	vmul.f32 v53, v46;
	_ =	sdelay $0x1  }
0x292: {  	[tilespmem:v5+s2+$0x0] =	vst.idx.msk $0xffff, v37  }
0x293: {  	[tilespmem:v52+s22+$0x0] =	vst.idx.add.f32.msk $0xffff, v37  }
0x294: {  	v36 =	vld.idx.msk [tilespmem:v54+s1+$0x0], $0xffff  }
0x295: {  	v37 =	vld.idx.msk [tilespmem:v55+s1+$0x0], $0xffff;
	_ =	sdelay $0x4  }
0x296: {  	v36 =	vadd.f32 v37, v36;
	_ =	sdelay $0x1  }
0x297: {  	v37 =	vmul.f32 $2.000000030e-01, v36  }
0x298: {  	vm14 =	vgt.f32 v36, $0.0e+00  }
0x299: {  	v36 =	vsel vm14, v36, v37  }
0x29a: {  	v36 =	vsub.f32 $0.0e+00, v36;
	_ =	sdelay $0x1  }
0x29b: {  	v36 =	vmul.f32 $1.442695020e+00, v36;
	_ =	sdelay $0x1  }
0x29c: {  	(erf) = vpow2.f32 v36;
	_ =	sdelay $0x7  }
0x29d: {  	v56 =	vor.u32 $0x2, v47  }
0x29e: {  	v33 =	vadd.s32 $0x7800, v33;
	v57 =	vpop (erf)  }
0x29f: {  	v32 =	vadd.s32 $0x11800, v32;
	v37 =	vmul.f32 v57, v46;
	_ =	sdelay $0x1  }
0x2a0: {  	[tilespmem:v6+s2+$0x0] =	vst.idx.msk $0xffff, v37  }
0x2a1: {  	[tilespmem:v56+s22+$0x0] =	vst.idx.add.f32.msk $0xffff, v37  }
0x2a2: {  	v33 =	vld.idx.msk [tilespmem:v33+s1+$0x0], $0xffff  }
0x2a3: {  	v32 =	vld.idx.msk [tilespmem:v32+s1+$0x0], $0xffff;
	_ =	sdelay $0x4  }
0x2a4: {  	v32 =	vadd.f32 v32, v33;
	_ =	sdelay $0x1  }
0x2a5: {  	v33 =	vmul.f32 $2.000000030e-01, v32  }
0x2a6: {  	vm15 =	vgt.f32 v32, $0.0e+00  }
0x2a7: {  	v32 =	vsel vm15, v32, v33  }
0x2a8: {  	v32 =	vsub.f32 $0.0e+00, v32;
	_ =	sdelay $0x1  }
0x2a9: {  	v32 =	vmul.f32 $1.442695020e+00, v32;
	_ =	sdelay $0x1  }
0x2aa: {  	(erf) = vpow2.f32 v32;
	_ =	sdelay $0x7  }
0x2ab: {  	v58 =	vor.u32 $0x3, v47  }
0x2ac: {  	v59 =	vpop (erf)  }
0x2ad: {  	v33 =	vmul.f32 v59, v46;
	_ =	sdelay $0x1  }
0x2ae: {  	[tilespmem:v7+s2+$0x0] =	vst.idx.msk $0xffff, v33  }
0x2af: {  	[tilespmem:v58+s22+$0x0] =	vst.idx.add.f32.msk $0xffff, v33  }
0x2b0: {  	v32 =	vld [tilespmem:$0x1E1A0]  }
0x2b1: {  	v33 =	vld [tilespmem:$0x1E0A0];
	_ =	sdelay $0x3  }
0x2b2: {  	v60 =	vadd.s32 $0xA000, v32;
	_ =	sdelay $0x3  }
0x2b3: {  	v61 =	vld.idx.msk [tilespmem:v33+s1+$0x0], $0xffff  }
0x2b4: {  	v34 =	vld.idx.msk [tilespmem:v60+s1+$0x0], $0xffff;
	_ =	sdelay $0x4  }
0x2b5: {  	v34 =	vadd.f32 v34, v61;
	_ =	sdelay $0x1  }
0x2b6: {  	v35 =	vmul.f32 $2.000000030e-01, v34  }
0x2b7: {  	vm4 =	vgt.f32 v34, $0.0e+00  }
0x2b8: {  	v34 =	vsel vm4, v34, v35  }
0x2b9: {  	v34 =	vsub.f32 $0.0e+00, v34;
	_ =	sdelay $0x1  }
0x2ba: {  	v34 =	vmul.f32 $1.442695020e+00, v34;
	_ =	sdelay $0x1  }
0x2bb: {  	(erf) = vpow2.f32 v34;
	_ =	sdelay $0x4  }
0x2bc: {  	v62 =	vld [tilespmem:$0x1E2A0];
	_ =	sdelay $0x2  }
0x2bd: {  	v63 =	vshll.u32 v33, $0x2  }
0x2be: {  	v41 =	vadd.s32 $0x2800, v33;
	v40 =	vpop (erf)  }
0x2bf: {  	v42 =	vadd.s32 $0xC800, v32;
	v36 =	vmul.f32 v40, v62;
	_ =	sdelay $0x1  }
0x2c0: {  	[tilespmem:v8+s2+$0x0] =	vst.idx.msk $0xffff, v36  }
0x2c1: {  	[tilespmem:v63+s22+$0x0] =	vst.idx.add.f32.msk $0xffff, v36  }
0x2c2: {  	v36 =	vld.idx.msk [tilespmem:v41+s1+$0x0], $0xffff  }
0x2c3: {  	v43 =	vld.idx.msk [tilespmem:v42+s1+$0x0], $0xffff;
	_ =	sdelay $0x4  }
0x2c4: {  	v36 =	vadd.f32 v43, v36;
	_ =	sdelay $0x1  }
0x2c5: {  	v37 =	vmul.f32 $2.000000030e-01, v36  }
0x2c6: {  	vm5 =	vgt.f32 v36, $0.0e+00  }
0x2c7: {  	v36 =	vsel vm5, v36, v37  }
0x2c8: {  	v36 =	vsub.f32 $0.0e+00, v36;
	_ =	sdelay $0x1  }
0x2c9: {  	v36 =	vmul.f32 $1.442695020e+00, v36;
	_ =	sdelay $0x1  }
0x2ca: {  	(erf) = vpow2.f32 v36;
	_ =	sdelay $0x7  }
0x2cb: {  	v44 =	vor.u32 $0x1, v63  }
0x2cc: {  	v46 =	vadd.s32 $0x5000, v33;
	v45 =	vpop (erf)  }
0x2cd: {  	v47 =	vadd.s32 $0xF000, v32;
	v37 =	vmul.f32 v45, v62;
	_ =	sdelay $0x1  }
0x2ce: {  	[tilespmem:v9+s2+$0x0] =	vst.idx.msk $0xffff, v37  }
0x2cf: {  	[tilespmem:v44+s22+$0x0] =	vst.idx.add.f32.msk $0xffff, v37  }
0x2d0: {  	v36 =	vld.idx.msk [tilespmem:v46+s1+$0x0], $0xffff  }
0x2d1: {  	v37 =	vld.idx.msk [tilespmem:v47+s1+$0x0], $0xffff;
	_ =	sdelay $0x4  }
0x2d2: {  	v36 =	vadd.f32 v37, v36;
	_ =	sdelay $0x1  }
0x2d3: {  	v37 =	vmul.f32 $2.000000030e-01, v36  }
0x2d4: {  	vm6 =	vgt.f32 v36, $0.0e+00  }
0x2d5: {  	v36 =	vsel vm6, v36, v37  }
0x2d6: {  	v36 =	vsub.f32 $0.0e+00, v36;
	_ =	sdelay $0x1  }
0x2d7: {  	v36 =	vmul.f32 $1.442695020e+00, v36;
	_ =	sdelay $0x1  }
0x2d8: {  	(erf) = vpow2.f32 v36;
	_ =	sdelay $0x7  }
0x2d9: {  	v48 =	vor.u32 $0x2, v63  }
0x2da: {  	v33 =	vadd.s32 $0x7800, v33;
	v49 =	vpop (erf)  }
0x2db: {  	v32 =	vadd.s32 $0x11800, v32;
	v37 =	vmul.f32 v49, v62;
	_ =	sdelay $0x1  }
0x2dc: {  	[tilespmem:v10+s2+$0x0] =	vst.idx.msk $0xffff, v37  }
0x2dd: {  	[tilespmem:v48+s22+$0x0] =	vst.idx.add.f32.msk $0xffff, v37  }
0x2de: {  	v33 =	vld.idx.msk [tilespmem:v33+s1+$0x0], $0xffff  }
0x2df: {  	v32 =	vld.idx.msk [tilespmem:v32+s1+$0x0], $0xffff;
	_ =	sdelay $0x4  }
0x2e0: {  	v32 =	vadd.f32 v32, v33;
	_ =	sdelay $0x1  }
0x2e1: {  	v33 =	vmul.f32 $2.000000030e-01, v32  }
0x2e2: {  	vm7 =	vgt.f32 v32, $0.0e+00  }
0x2e3: {  	v32 =	vsel vm7, v32, v33  }
0x2e4: {  	v32 =	vsub.f32 $0.0e+00, v32;
	_ =	sdelay $0x1  }
0x2e5: {  	v32 =	vmul.f32 $1.442695020e+00, v32;
	_ =	sdelay $0x1  }
0x2e6: {  	(erf) = vpow2.f32 v32;
	_ =	sdelay $0x7  }
0x2e7: {  	v50 =	vor.u32 $0x3, v63  }
0x2e8: {  	v51 =	vpop (erf)  }
0x2e9: {  	v33 =	vmul.f32 v51, v62;
	_ =	sdelay $0x1  }
0x2ea: {  	[tilespmem:v11+s2+$0x0] =	vst.idx.msk $0xffff, v33  }
0x2eb: {  	[tilespmem:v50+s22+$0x0] =	vst.idx.add.f32.msk $0xffff, v33  }
0x2ec: {  	v32 =	vld [tilespmem:$0x1E1B0]  }
0x2ed: {  	v33 =	vld [tilespmem:$0x1E0B0];
	_ =	sdelay $0x3  }
0x2ee: {  	v52 =	vadd.s32 $0xA000, v32;
	_ =	sdelay $0x3  }
0x2ef: {  	v53 =	vld.idx.msk [tilespmem:v33+s1+$0x0], $0xffff  }
0x2f0: {  	v34 =	vld.idx.msk [tilespmem:v52+s1+$0x0], $0xffff;
	_ =	sdelay $0x4  }
0x2f1: {  	v34 =	vadd.f32 v34, v53;
	_ =	sdelay $0x1  }
0x2f2: {  	v35 =	vmul.f32 $2.000000030e-01, v34  }
0x2f3: {  	vm8 =	vgt.f32 v34, $0.0e+00  }
0x2f4: {  	v34 =	vsel vm8, v34, v35  }
0x2f5: {  	v34 =	vsub.f32 $0.0e+00, v34;
	_ =	sdelay $0x1  }
0x2f6: {  	v34 =	vmul.f32 $1.442695020e+00, v34;
	_ =	sdelay $0x1  }
0x2f7: {  	(erf) = vpow2.f32 v34;
	_ =	sdelay $0x4  }
0x2f8: {  	v54 =	vld [tilespmem:$0x1E2B0];
	_ =	sdelay $0x2  }
0x2f9: {  	v55 =	vshll.u32 v33, $0x2  }
0x2fa: {  	v57 =	vadd.s32 $0x2800, v33;
	v56 =	vpop (erf)  }
0x2fb: {  	v58 =	vadd.s32 $0xC800, v32;
	v36 =	vmul.f32 v56, v54;
	_ =	sdelay $0x1  }
0x2fc: {  	[tilespmem:v12+s2+$0x0] =	vst.idx.msk $0xffff, v36  }
0x2fd: {  	[tilespmem:v55+s22+$0x0] =	vst.idx.add.f32.msk $0xffff, v36  }
0x2fe: {  	v36 =	vld.idx.msk [tilespmem:v57+s1+$0x0], $0xffff  }
0x2ff: {  	v59 =	vld.idx.msk [tilespmem:v58+s1+$0x0], $0xffff;
	_ =	sdelay $0x4  }
0x300: {  	v36 =	vadd.f32 v59, v36;
	_ =	sdelay $0x1  }
0x301: {  	v37 =	vmul.f32 $2.000000030e-01, v36  }
0x302: {  	vm9 =	vgt.f32 v36, $0.0e+00  }
0x303: {  	v36 =	vsel vm9, v36, v37  }
0x304: {  	v36 =	vsub.f32 $0.0e+00, v36;
	_ =	sdelay $0x1  }
0x305: {  	v36 =	vmul.f32 $1.442695020e+00, v36;
	_ =	sdelay $0x1  }
0x306: {  	(erf) = vpow2.f32 v36;
	_ =	sdelay $0x7  }
0x307: {  	v60 =	vor.u32 $0x1, v55  }
0x308: {  	v62 =	vadd.s32 $0x5000, v33;
	v61 =	vpop (erf)  }
0x309: {  	v63 =	vadd.s32 $0xF000, v32;
	v37 =	vmul.f32 v61, v54;
	_ =	sdelay $0x1  }
0x30a: {  	[tilespmem:v13+s2+$0x0] =	vst.idx.msk $0xffff, v37  }
0x30b: {  	[tilespmem:v60+s22+$0x0] =	vst.idx.add.f32.msk $0xffff, v37  }
0x30c: {  	v36 =	vld.idx.msk [tilespmem:v62+s1+$0x0], $0xffff  }
0x30d: {  	v37 =	vld.idx.msk [tilespmem:v63+s1+$0x0], $0xffff;
	_ =	sdelay $0x4  }
0x30e: {  	v36 =	vadd.f32 v37, v36;
	_ =	sdelay $0x1  }
0x30f: {  	v37 =	vmul.f32 $2.000000030e-01, v36  }
0x310: {  	vm10 =	vgt.f32 v36, $0.0e+00  }
0x311: {  	v36 =	vsel vm10, v36, v37  }
0x312: {  	v36 =	vsub.f32 $0.0e+00, v36;
	_ =	sdelay $0x1  }
0x313: {  	v36 =	vmul.f32 $1.442695020e+00, v36;
	_ =	sdelay $0x1  }
0x314: {  	(erf) = vpow2.f32 v36;
	_ =	sdelay $0x7  }
0x315: {  	v41 =	vor.u32 $0x2, v55  }
0x316: {  	v33 =	vadd.s32 $0x7800, v33;
	v42 =	vpop (erf)  }
0x317: {  	v32 =	vadd.s32 $0x11800, v32;
	v37 =	vmul.f32 v42, v54;
	_ =	sdelay $0x1  }
0x318: {  	[tilespmem:v14+s2+$0x0] =	vst.idx.msk $0xffff, v37  }
0x319: {  	[tilespmem:v41+s22+$0x0] =	vst.idx.add.f32.msk $0xffff, v37  }
0x31a: {  	v33 =	vld.idx.msk [tilespmem:v33+s1+$0x0], $0xffff  }
0x31b: {  	v32 =	vld.idx.msk [tilespmem:v32+s1+$0x0], $0xffff;
	_ =	sdelay $0x4  }
0x31c: {  	v32 =	vadd.f32 v32, v33;
	_ =	sdelay $0x1  }
0x31d: {  	v33 =	vmul.f32 $2.000000030e-01, v32  }
0x31e: {  	vm11 =	vgt.f32 v32, $0.0e+00  }
0x31f: {  	v32 =	vsel vm11, v32, v33  }
0x320: {  	v32 =	vsub.f32 $0.0e+00, v32;
	_ =	sdelay $0x1  }
0x321: {  	v32 =	vmul.f32 $1.442695020e+00, v32;
	_ =	sdelay $0x1  }
0x322: {  	(erf) = vpow2.f32 v32;
	_ =	sdelay $0x7  }
0x323: {  	v43 =	vor.u32 $0x3, v55  }
0x324: {  	v44 =	vpop (erf)  }
0x325: {  	v33 =	vmul.f32 v44, v54;
	_ =	sdelay $0x1  }
0x326: {  	[tilespmem:v15+s2+$0x0] =	vst.idx.msk $0xffff, v33  }
0x327: {  	[tilespmem:v43+s22+$0x0] =	vst.idx.add.f32.msk $0xffff, v33  }
0x328: {  	v32 =	vld [tilespmem:$0x1E1C0]  }
0x329: {  	v33 =	vld [tilespmem:$0x1E0C0];
	_ =	sdelay $0x3  }
0x32a: {  	v45 =	vadd.s32 $0xA000, v32;
	_ =	sdelay $0x3  }
0x32b: {  	v46 =	vld.idx.msk [tilespmem:v33+s1+$0x0], $0xffff  }
0x32c: {  	v34 =	vld.idx.msk [tilespmem:v45+s1+$0x0], $0xffff;
	_ =	sdelay $0x4  }
0x32d: {  	v34 =	vadd.f32 v34, v46;
	_ =	sdelay $0x1  }
0x32e: {  	v35 =	vmul.f32 $2.000000030e-01, v34  }
0x32f: {  	vm12 =	vgt.f32 v34, $0.0e+00  }
0x330: {  	v34 =	vsel vm12, v34, v35  }
0x331: {  	v34 =	vsub.f32 $0.0e+00, v34;
	_ =	sdelay $0x1  }
0x332: {  	v34 =	vmul.f32 $1.442695020e+00, v34;
	_ =	sdelay $0x1  }
0x333: {  	(erf) = vpow2.f32 v34;
	_ =	sdelay $0x4  }
0x334: {  	v47 =	vld [tilespmem:$0x1E2C0];
	_ =	sdelay $0x2  }
0x335: {  	v48 =	vshll.u32 v33, $0x2  }
0x336: {  	v50 =	vadd.s32 $0x2800, v33;
	v49 =	vpop (erf)  }
0x337: {  	v51 =	vadd.s32 $0xC800, v32;
	v36 =	vmul.f32 v49, v47;
	_ =	sdelay $0x1  }
0x338: {  	[tilespmem:v16+s2+$0x0] =	vst.idx.msk $0xffff, v36  }
0x339: {  	[tilespmem:v48+s22+$0x0] =	vst.idx.add.f32.msk $0xffff, v36  }
0x33a: {  	v36 =	vld.idx.msk [tilespmem:v50+s1+$0x0], $0xffff  }
0x33b: {  	v52 =	vld.idx.msk [tilespmem:v51+s1+$0x0], $0xffff;
	_ =	sdelay $0x4  }
0x33c: {  	v36 =	vadd.f32 v52, v36;
	_ =	sdelay $0x1  }
0x33d: {  	v37 =	vmul.f32 $2.000000030e-01, v36  }
0x33e: {  	vm13 =	vgt.f32 v36, $0.0e+00  }
0x33f: {  	v36 =	vsel vm13, v36, v37  }
0x340: {  	v36 =	vsub.f32 $0.0e+00, v36;
	_ =	sdelay $0x1  }
0x341: {  	v36 =	vmul.f32 $1.442695020e+00, v36;
	_ =	sdelay $0x1  }
0x342: {  	(erf) = vpow2.f32 v36;
	_ =	sdelay $0x7  }
0x343: {  	v53 =	vor.u32 $0x1, v48  }
0x344: {  	v55 =	vadd.s32 $0x5000, v33;
	v54 =	vpop (erf)  }
0x345: {  	v56 =	vadd.s32 $0xF000, v32;
	v37 =	vmul.f32 v54, v47;
	_ =	sdelay $0x1  }
0x346: {  	[tilespmem:v17+s2+$0x0] =	vst.idx.msk $0xffff, v37  }
0x347: {  	[tilespmem:v53+s22+$0x0] =	vst.idx.add.f32.msk $0xffff, v37  }
0x348: {  	v36 =	vld.idx.msk [tilespmem:v55+s1+$0x0], $0xffff  }
0x349: {  	v37 =	vld.idx.msk [tilespmem:v56+s1+$0x0], $0xffff;
	_ =	sdelay $0x4  }
0x34a: {  	v36 =	vadd.f32 v37, v36;
	_ =	sdelay $0x1  }
0x34b: {  	v37 =	vmul.f32 $2.000000030e-01, v36  }
0x34c: {  	vm14 =	vgt.f32 v36, $0.0e+00  }
0x34d: {  	v36 =	vsel vm14, v36, v37  }
0x34e: {  	v36 =	vsub.f32 $0.0e+00, v36;
	_ =	sdelay $0x1  }
0x34f: {  	v36 =	vmul.f32 $1.442695020e+00, v36;
	_ =	sdelay $0x1  }
0x350: {  	(erf) = vpow2.f32 v36;
	_ =	sdelay $0x7  }
0x351: {  	v57 =	vor.u32 $0x2, v48  }
0x352: {  	v33 =	vadd.s32 $0x7800, v33;
	v58 =	vpop (erf)  }
0x353: {  	v32 =	vadd.s32 $0x11800, v32;
	v37 =	vmul.f32 v58, v47;
	_ =	sdelay $0x1  }
0x354: {  	[tilespmem:v18+s2+$0x0] =	vst.idx.msk $0xffff, v37  }
0x355: {  	[tilespmem:v57+s22+$0x0] =	vst.idx.add.f32.msk $0xffff, v37  }
0x356: {  	v33 =	vld.idx.msk [tilespmem:v33+s1+$0x0], $0xffff  }
0x357: {  	v32 =	vld.idx.msk [tilespmem:v32+s1+$0x0], $0xffff;
	_ =	sdelay $0x4  }
0x358: {  	v32 =	vadd.f32 v32, v33;
	_ =	sdelay $0x1  }
0x359: {  	v33 =	vmul.f32 $2.000000030e-01, v32  }
0x35a: {  	vm15 =	vgt.f32 v32, $0.0e+00  }
0x35b: {  	v32 =	vsel vm15, v32, v33  }
0x35c: {  	v32 =	vsub.f32 $0.0e+00, v32;
	_ =	sdelay $0x1  }
0x35d: {  	v32 =	vmul.f32 $1.442695020e+00, v32;
	_ =	sdelay $0x1  }
0x35e: {  	(erf) = vpow2.f32 v32;
	_ =	sdelay $0x7  }
0x35f: {  	v59 =	vor.u32 $0x3, v48  }
0x360: {  	v60 =	vpop (erf)  }
0x361: {  	v33 =	vmul.f32 v60, v47;
	_ =	sdelay $0x1  }
0x362: {  	[tilespmem:v19+s2+$0x0] =	vst.idx.msk $0xffff, v33  }
0x363: {  	[tilespmem:v59+s22+$0x0] =	vst.idx.add.f32.msk $0xffff, v33  }
0x364: {  	v32 =	vld [tilespmem:$0x1E1D0]  }
0x365: {  	v33 =	vld [tilespmem:$0x1E0D0];
	_ =	sdelay $0x3  }
0x366: {  	v61 =	vadd.s32 $0xA000, v32;
	_ =	sdelay $0x3  }
0x367: {  	v62 =	vld.idx.msk [tilespmem:v33+s1+$0x0], $0xffff  }
0x368: {  	v34 =	vld.idx.msk [tilespmem:v61+s1+$0x0], $0xffff;
	_ =	sdelay $0x4  }
0x369: {  	v34 =	vadd.f32 v34, v62;
	_ =	sdelay $0x1  }
0x36a: {  	v35 =	vmul.f32 $2.000000030e-01, v34  }
0x36b: {  	vm4 =	vgt.f32 v34, $0.0e+00  }
0x36c: {  	v34 =	vsel vm4, v34, v35  }
0x36d: {  	v34 =	vsub.f32 $0.0e+00, v34;
	_ =	sdelay $0x1  }
0x36e: {  	v34 =	vmul.f32 $1.442695020e+00, v34;
	_ =	sdelay $0x1  }
0x36f: {  	(erf) = vpow2.f32 v34;
	_ =	sdelay $0x4  }
0x370: {  	v63 =	vld [tilespmem:$0x1E2D0];
	_ =	sdelay $0x2  }
0x371: {  	v42 =	vshll.u32 v33, $0x2  }
0x372: {  	v44 =	vadd.s32 $0x2800, v33;
	v43 =	vpop (erf)  }
0x373: {  	v45 =	vadd.s32 $0xC800, v32;
	v36 =	vmul.f32 v43, v63;
	_ =	sdelay $0x1  }
0x374: {  	[tilespmem:v20+s2+$0x0] =	vst.idx.msk $0xffff, v36  }
0x375: {  	[tilespmem:v42+s22+$0x0] =	vst.idx.add.f32.msk $0xffff, v36  }
0x376: {  	v36 =	vld.idx.msk [tilespmem:v44+s1+$0x0], $0xffff  }
0x377: {  	v46 =	vld.idx.msk [tilespmem:v45+s1+$0x0], $0xffff;
	_ =	sdelay $0x4  }
0x378: {  	v36 =	vadd.f32 v46, v36;
	_ =	sdelay $0x1  }
0x379: {  	v37 =	vmul.f32 $2.000000030e-01, v36  }
0x37a: {  	vm5 =	vgt.f32 v36, $0.0e+00  }
0x37b: {  	v36 =	vsel vm5, v36, v37  }
0x37c: {  	v36 =	vsub.f32 $0.0e+00, v36;
	_ =	sdelay $0x1  }
0x37d: {  	v36 =	vmul.f32 $1.442695020e+00, v36;
	_ =	sdelay $0x1  }
0x37e: {  	(erf) = vpow2.f32 v36;
	_ =	sdelay $0x7  }
0x37f: {  	v47 =	vor.u32 $0x1, v42  }
0x380: {  	v49 =	vadd.s32 $0x5000, v33;
	v48 =	vpop (erf)  }
0x381: {  	v50 =	vadd.s32 $0xF000, v32;
	v37 =	vmul.f32 v48, v63;
	_ =	sdelay $0x1  }
0x382: {  	[tilespmem:v21+s2+$0x0] =	vst.idx.msk $0xffff, v37  }
0x383: {  	[tilespmem:v47+s22+$0x0] =	vst.idx.add.f32.msk $0xffff, v37  }
0x384: {  	v36 =	vld.idx.msk [tilespmem:v49+s1+$0x0], $0xffff  }
0x385: {  	v37 =	vld.idx.msk [tilespmem:v50+s1+$0x0], $0xffff;
	_ =	sdelay $0x4  }
0x386: {  	v36 =	vadd.f32 v37, v36;
	_ =	sdelay $0x1  }
0x387: {  	v37 =	vmul.f32 $2.000000030e-01, v36  }
0x388: {  	vm6 =	vgt.f32 v36, $0.0e+00  }
0x389: {  	v36 =	vsel vm6, v36, v37  }
0x38a: {  	v36 =	vsub.f32 $0.0e+00, v36;
	_ =	sdelay $0x1  }
0x38b: {  	v36 =	vmul.f32 $1.442695020e+00, v36;
	_ =	sdelay $0x1  }
0x38c: {  	(erf) = vpow2.f32 v36;
	_ =	sdelay $0x7  }
0x38d: {  	v51 =	vor.u32 $0x2, v42  }
0x38e: {  	v33 =	vadd.s32 $0x7800, v33;
	v52 =	vpop (erf)  }
0x38f: {  	v32 =	vadd.s32 $0x11800, v32;
	v37 =	vmul.f32 v52, v63;
	_ =	sdelay $0x1  }
0x390: {  	[tilespmem:v22+s2+$0x0] =	vst.idx.msk $0xffff, v37  }
0x391: {  	[tilespmem:v51+s22+$0x0] =	vst.idx.add.f32.msk $0xffff, v37  }
0x392: {  	v33 =	vld.idx.msk [tilespmem:v33+s1+$0x0], $0xffff  }
0x393: {  	v32 =	vld.idx.msk [tilespmem:v32+s1+$0x0], $0xffff;
	_ =	sdelay $0x4  }
0x394: {  	v32 =	vadd.f32 v32, v33;
	_ =	sdelay $0x1  }
0x395: {  	v33 =	vmul.f32 $2.000000030e-01, v32  }
0x396: {  	vm7 =	vgt.f32 v32, $0.0e+00  }
0x397: {  	v32 =	vsel vm7, v32, v33  }
0x398: {  	v32 =	vsub.f32 $0.0e+00, v32;
	_ =	sdelay $0x1  }
0x399: {  	v32 =	vmul.f32 $1.442695020e+00, v32;
	_ =	sdelay $0x1  }
0x39a: {  	(erf) = vpow2.f32 v32;
	_ =	sdelay $0x7  }
0x39b: {  	v53 =	vor.u32 $0x3, v42  }
0x39c: {  	v54 =	vpop (erf)  }
0x39d: {  	v33 =	vmul.f32 v54, v63;
	_ =	sdelay $0x1  }
0x39e: {  	[tilespmem:v23+s2+$0x0] =	vst.idx.msk $0xffff, v33  }
0x39f: {  	[tilespmem:v53+s22+$0x0] =	vst.idx.add.f32.msk $0xffff, v33  }
0x3a0: {  	v32 =	vld [tilespmem:$0x1E1E0]  }
0x3a1: {  	v33 =	vld [tilespmem:$0x1E0E0];
	_ =	sdelay $0x3  }
0x3a2: {  	v55 =	vadd.s32 $0xA000, v32;
	_ =	sdelay $0x3  }
0x3a3: {  	v56 =	vld.idx.msk [tilespmem:v33+s1+$0x0], $0xffff  }
0x3a4: {  	v34 =	vld.idx.msk [tilespmem:v55+s1+$0x0], $0xffff;
	_ =	sdelay $0x4  }
0x3a5: {  	v34 =	vadd.f32 v34, v56;
	_ =	sdelay $0x1  }
0x3a6: {  	v35 =	vmul.f32 $2.000000030e-01, v34  }
0x3a7: {  	vm8 =	vgt.f32 v34, $0.0e+00  }
0x3a8: {  	v34 =	vsel vm8, v34, v35  }
0x3a9: {  	v34 =	vsub.f32 $0.0e+00, v34;
	_ =	sdelay $0x1  }
0x3aa: {  	v34 =	vmul.f32 $1.442695020e+00, v34;
	_ =	sdelay $0x1  }
0x3ab: {  	(erf) = vpow2.f32 v34;
	_ =	sdelay $0x4  }
0x3ac: {  	v57 =	vld [tilespmem:$0x1E2E0];
	_ =	sdelay $0x2  }
0x3ad: {  	v58 =	vshll.u32 v33, $0x2  }
0x3ae: {  	v60 =	vadd.s32 $0x2800, v33;
	v59 =	vpop (erf)  }
0x3af: {  	v61 =	vadd.s32 $0xC800, v32;
	v36 =	vmul.f32 v59, v57;
	_ =	sdelay $0x1  }
0x3b0: {  	[tilespmem:v24+s2+$0x0] =	vst.idx.msk $0xffff, v36  }
0x3b1: {  	[tilespmem:v58+s22+$0x0] =	vst.idx.add.f32.msk $0xffff, v36  }
0x3b2: {  	v36 =	vld.idx.msk [tilespmem:v60+s1+$0x0], $0xffff  }
0x3b3: {  	v62 =	vld.idx.msk [tilespmem:v61+s1+$0x0], $0xffff;
	_ =	sdelay $0x4  }
0x3b4: {  	v36 =	vadd.f32 v62, v36;
	_ =	sdelay $0x1  }
0x3b5: {  	v37 =	vmul.f32 $2.000000030e-01, v36  }
0x3b6: {  	vm9 =	vgt.f32 v36, $0.0e+00  }
0x3b7: {  	v36 =	vsel vm9, v36, v37  }
0x3b8: {  	v36 =	vsub.f32 $0.0e+00, v36;
	_ =	sdelay $0x1  }
0x3b9: {  	v36 =	vmul.f32 $1.442695020e+00, v36;
	_ =	sdelay $0x1  }
0x3ba: {  	(erf) = vpow2.f32 v36;
	_ =	sdelay $0x7  }
0x3bb: {  	v63 =	vor.u32 $0x1, v58  }
0x3bc: {  	v42 =	vadd.s32 $0x5000, v33;
	v41 =	vpop (erf)  }
0x3bd: {  	v43 =	vadd.s32 $0xF000, v32;
	v37 =	vmul.f32 v41, v57;
	_ =	sdelay $0x1  }
0x3be: {  	[tilespmem:v25+s2+$0x0] =	vst.idx.msk $0xffff, v37  }
0x3bf: {  	[tilespmem:v63+s22+$0x0] =	vst.idx.add.f32.msk $0xffff, v37  }
0x3c0: {  	v36 =	vld.idx.msk [tilespmem:v42+s1+$0x0], $0xffff  }
0x3c1: {  	v37 =	vld.idx.msk [tilespmem:v43+s1+$0x0], $0xffff;
	_ =	sdelay $0x4  }
0x3c2: {  	v36 =	vadd.f32 v37, v36;
	_ =	sdelay $0x1  }
0x3c3: {  	v37 =	vmul.f32 $2.000000030e-01, v36  }
0x3c4: {  	vm10 =	vgt.f32 v36, $0.0e+00  }
0x3c5: {  	v36 =	vsel vm10, v36, v37  }
0x3c6: {  	v36 =	vsub.f32 $0.0e+00, v36;
	_ =	sdelay $0x1  }
0x3c7: {  	v36 =	vmul.f32 $1.442695020e+00, v36;
	_ =	sdelay $0x1  }
0x3c8: {  	(erf) = vpow2.f32 v36;
	_ =	sdelay $0x7  }
0x3c9: {  	v44 =	vor.u32 $0x2, v58  }
0x3ca: {  	v33 =	vadd.s32 $0x7800, v33;
	v45 =	vpop (erf)  }
0x3cb: {  	v32 =	vadd.s32 $0x11800, v32;
	v37 =	vmul.f32 v45, v57;
	_ =	sdelay $0x1  }
0x3cc: {  	[tilespmem:v26+s2+$0x0] =	vst.idx.msk $0xffff, v37  }
0x3cd: {  	[tilespmem:v44+s22+$0x0] =	vst.idx.add.f32.msk $0xffff, v37  }
0x3ce: {  	v33 =	vld.idx.msk [tilespmem:v33+s1+$0x0], $0xffff  }
0x3cf: {  	v32 =	vld.idx.msk [tilespmem:v32+s1+$0x0], $0xffff;
	_ =	sdelay $0x4  }
0x3d0: {  	v32 =	vadd.f32 v32, v33;
	_ =	sdelay $0x1  }
0x3d1: {  	v33 =	vmul.f32 $2.000000030e-01, v32  }
0x3d2: {  	vm11 =	vgt.f32 v32, $0.0e+00  }
0x3d3: {  	v32 =	vsel vm11, v32, v33  }
0x3d4: {  	v32 =	vsub.f32 $0.0e+00, v32;
	_ =	sdelay $0x1  }
0x3d5: {  	v32 =	vmul.f32 $1.442695020e+00, v32;
	_ =	sdelay $0x1  }
0x3d6: {  	(erf) = vpow2.f32 v32;
	_ =	sdelay $0x7  }
0x3d7: {  	v46 =	vor.u32 $0x3, v58  }
0x3d8: {  	v47 =	vpop (erf)  }
0x3d9: {  	v33 =	vmul.f32 v47, v57;
	_ =	sdelay $0x1  }
0x3da: {  	[tilespmem:v27+s2+$0x0] =	vst.idx.msk $0xffff, v33  }
0x3db: {  	[tilespmem:v46+s22+$0x0] =	vst.idx.add.f32.msk $0xffff, v33  }
0x3dc: {  	v32 =	vld [tilespmem:$0x1E1F0]  }
0x3dd: {  	v33 =	vld [tilespmem:$0x1E0F0];
	_ =	sdelay $0x3  }
0x3de: {  	v48 =	vadd.s32 $0xA000, v32;
	_ =	sdelay $0x3  }
0x3df: {  	v49 =	vld.idx.msk [tilespmem:v33+s1+$0x0], $0xffff  }
0x3e0: {  	v34 =	vld.idx.msk [tilespmem:v48+s1+$0x0], $0xffff;
	_ =	sdelay $0x4  }
0x3e1: {  	v34 =	vadd.f32 v34, v49;
	_ =	sdelay $0x1  }
0x3e2: {  	v35 =	vmul.f32 $2.000000030e-01, v34  }
0x3e3: {  	vm12 =	vgt.f32 v34, $0.0e+00  }
0x3e4: {  	v34 =	vsel vm12, v34, v35  }
0x3e5: {  	v34 =	vsub.f32 $0.0e+00, v34;
	_ =	sdelay $0x1  }
0x3e6: {  	v34 =	vmul.f32 $1.442695020e+00, v34;
	_ =	sdelay $0x1  }
0x3e7: {  	(erf) = vpow2.f32 v34;
	_ =	sdelay $0x4  }
0x3e8: {  	v50 =	vld [tilespmem:$0x1E2F0];
	_ =	sdelay $0x2  }
0x3e9: {  	v51 =	vshll.u32 v33, $0x2  }
0x3ea: {  	v53 =	vadd.s32 $0x2800, v33;
	v52 =	vpop (erf)  }
0x3eb: {  	v54 =	vadd.s32 $0xC800, v32;
	v36 =	vmul.f32 v52, v50;
	_ =	sdelay $0x1  }
0x3ec: {  	[tilespmem:v28+s2+$0x0] =	vst.idx.msk $0xffff, v36  }
0x3ed: {  	[tilespmem:v51+s22+$0x0] =	vst.idx.add.f32.msk $0xffff, v36  }
0x3ee: {  	v36 =	vld.idx.msk [tilespmem:v53+s1+$0x0], $0xffff  }
0x3ef: {  	v55 =	vld.idx.msk [tilespmem:v54+s1+$0x0], $0xffff;
	_ =	sdelay $0x4  }
0x3f0: {  	v36 =	vadd.f32 v55, v36;
	_ =	sdelay $0x1  }
0x3f1: {  	v37 =	vmul.f32 $2.000000030e-01, v36  }
0x3f2: {  	vm13 =	vgt.f32 v36, $0.0e+00  }
0x3f3: {  	v36 =	vsel vm13, v36, v37  }
0x3f4: {  	v36 =	vsub.f32 $0.0e+00, v36;
	_ =	sdelay $0x1  }
0x3f5: {  	v36 =	vmul.f32 $1.442695020e+00, v36;
	_ =	sdelay $0x1  }
0x3f6: {  	(erf) = vpow2.f32 v36;
	_ =	sdelay $0x7  }
0x3f7: {  	v56 =	vor.u32 $0x1, v51  }
0x3f8: {  	v58 =	vadd.s32 $0x5000, v33;
	v57 =	vpop (erf)  }
0x3f9: {  	v59 =	vadd.s32 $0xF000, v32;
	v37 =	vmul.f32 v57, v50;
	_ =	sdelay $0x1  }
0x3fa: {  	[tilespmem:v29+s2+$0x0] =	vst.idx.msk $0xffff, v37  }
0x3fb: {  	[tilespmem:v56+s22+$0x0] =	vst.idx.add.f32.msk $0xffff, v37  }
0x3fc: {  	v36 =	vld.idx.msk [tilespmem:v58+s1+$0x0], $0xffff  }
0x3fd: {  	v37 =	vld.idx.msk [tilespmem:v59+s1+$0x0], $0xffff;
	_ =	sdelay $0x4  }
0x3fe: {  	v36 =	vadd.f32 v37, v36;
	_ =	sdelay $0x1  }
0x3ff: {  	v37 =	vmul.f32 $2.000000030e-01, v36  }
0x400: {  	vm14 =	vgt.f32 v36, $0.0e+00  }
0x401: {  	v36 =	vsel vm14, v36, v37  }
0x402: {  	v36 =	vsub.f32 $0.0e+00, v36;
	_ =	sdelay $0x1  }
0x403: {  	v36 =	vmul.f32 $1.442695020e+00, v36;
	_ =	sdelay $0x1  }
0x404: {  	(erf) = vpow2.f32 v36;
	_ =	sdelay $0x7  }
0x405: {  	v60 =	vor.u32 $0x2, v51  }
0x406: {  	v33 =	vadd.s32 $0x7800, v33;
	v61 =	vpop (erf)  }
0x407: {  	v32 =	vadd.s32 $0x11800, v32;
	v37 =	vmul.f32 v61, v50;
	_ =	sdelay $0x1  }
0x408: {  	[tilespmem:v30+s2+$0x0] =	vst.idx.msk $0xffff, v37  }
0x409: {  	[tilespmem:v60+s22+$0x0] =	vst.idx.add.f32.msk $0xffff, v37  }
0x40a: {  	v33 =	vld.idx.msk [tilespmem:v33+s1+$0x0], $0xffff  }
0x40b: {  	v32 =	vld.idx.msk [tilespmem:v32+s1+$0x0], $0xffff;
	_ =	sdelay $0x4  }
0x40c: {  	v32 =	vadd.f32 v32, v33;
	_ =	sdelay $0x1  }
0x40d: {  	v33 =	vmul.f32 $2.000000030e-01, v32  }
0x40e: {  	vm15 =	vgt.f32 v32, $0.0e+00  }
0x40f: {  	v32 =	vsel vm15, v32, v33  }
0x410: {  	v32 =	vsub.f32 $0.0e+00, v32;
	_ =	sdelay $0x1  }
0x411: {  	v32 =	vmul.f32 $1.442695020e+00, v32;
	_ =	sdelay $0x1  }
0x412: {  	(erf) = vpow2.f32 v32;
	_ =	sdelay $0x7  }
0x413: {  	v62 =	vor.u32 $0x3, v51  }
0x414: {  	v63 =	vpop (erf)  }
.Ltmp2:
0x415: {  	v33 =	vmul.f32 v63, v50;
	(pc) =	sbr.rel @p0 .LBB2_4-.Ltmp2, $4  }
0x416: {  	_ = 	snop  }
0x417: {  	[tilespmem:v31+s2+$0x0] =	vst.idx.msk $0xffff, v33  }
0x418: {  	[tilespmem:v62+s22+$0x0] =	vst.idx.add.f32.msk $0xffff, v33  }
0x419: {  	[hbm4b:s17+s1] =	stream.linear.scatter [tilespmem:s2], [sflag:$0x4], $0x400, $0x38;
	[tilespmem:$0x1EB00] =	vst v63  }
0x41a: {  	s6 =	sadd.s32 s4, s16  }
0x41b: {  	[tilespmem:s26], [sflag:$0x2] =	stream.linear.gather [hbm4b:s6+s1], $0x80, $0x38;
	[tilespmem:$0x1EB00] =	vst v63  }
.Ltmp3:
0x41c: {  	_ = 	snop;
	(pc) =	sbr.rel .LBB2_2-.Ltmp3, $4  }
0x41d: {  	s7 =	sadd.s32 s4, s15;
	s8 =	sadd.s32 s4, s14  }
0x41e: {  	[tilespmem:s28], [sflag:$0x2] =	stream.linear.gather [hbm4b:s7+s1], $0x80, $0x38;
	[tilespmem:$0x1EB00] =	vst v63  }
0x41f: {  	s13 =	sadd.s32 $0x100, s13;
	s4 =	sadd.s32 $0x20, s4;
	s17 =	sadd.s32 $0x100, s17  }
0x420: {  	[tilespmem:s29], [sflag:$0x2] =	stream.linear.gather [hbm4b:s8+s1], $0x80, $0x38;
	[tilespmem:$0x1EB00] =	vst v63  }
.LBB2_5:
0x421: {  	_ =	sfence.sel $0x180000  }
0x422: {  	[bflag:$0x0] =	sbarrier.arrive $0xFFFF  }
0x423: {  	_ =	strace $0x90000047  }
0x424: {  	s0 =	stileid.u32;
	[bflag:$0x2] =	sbarrier.arrive $0xFFFF  }
0x425: {  	p0 =	sne.s32 s0, $0x0;
	s0 =	rddreg [dreg:$0x1]  }
0x426: {  	s0 =	sadd.s32 @!p0 $0x100000, s0  }
0x427: {  	[sflag:s0] =	ssyncadd.tile.s32 @!p0 $0x1;
	_ =	shalt  }
.Lfunc_end2:
_tile_overlayer_lowered:
.L_overlay_start_2:
0x428: {  	(tag) =	ssettag $0x2  }
0x429: {  	s0 =	rddreg [dreg:$0x0];
	s2 =	stileid.u32  }
0x42a: {  	s1 =	rddreg [dreg:$0x1];
	p0 =	sne.s32 s2, $0x0  }
0x42b: {  	s3 =	rddreg [dreg:$0x2];
	[bflag:$0x3] =	sbarrier.arrive $0xFFFF;
	s2 =	simm.s32 @!p0 $0x1C05  }
0x42c: {  	[timem:s3], [sflag:s2] =	dma.local @!p0 [hbm:s0], s1  }
0x42d: {  	s0 =	simm.s32 @!p0 $0x5  }
0x42e: {  	_ =	swait.ge @!p0 [sflag:s0], s1  }
0x42f: {  	s1 =	ssub.s32 @!p0 $0x0, s1;
	[sflag:s0] =	ssyncset.done @!p0 $0x0  }
0x430: {  	[sflag:s0] =	ssyncadd.s32 @!p0 s1  }
0x431: {  	[bflag:$0x3] =	sbarrier.arrive $0xFFFF  }
0x432: {  	_ =	shalt  }

</sc_bundles>
